<compile_context>
chip_gen: v7x
topology: tpu7x:2x2x1
jax: 0.10.2.dev20260603
libtpu: 0.0.44.dev20260713+nightly
codegen_flags: <defaults>
</compile_context>

<pallas_src>
import functools

import jax
import jax.numpy as jnp
from jax import lax
from jax.experimental import pallas as pl
from jax.experimental.pallas import tpu as pltpu
from jax.experimental.pallas import tpu_sc as plsc

_LANES = 16
_NW = 32
_CB = 32
_NCHUNK = 16

_LOG1P_C = (2.211703119980868e-05, 0.9990104466294621, -0.48915684720231134,
            0.2833043245174014, -0.13011941539123476, 0.030102625011657738)


def _log1p_poly(t):
    c = [jnp.float32(v) for v in _LOG1P_C]
    t2 = t * t
    t4 = t2 * t2
    p01 = c[0] + c[1] * t
    p23 = c[2] + c[3] * t
    p45 = c[4] + c[5] * t
    return p01 + t2 * p23 + t4 * p45


def _tile_view(x):
    B, N = x.shape
    return x.T.reshape(N // 8, 8, B // 128, 128).transpose(0, 2, 1, 3)


def _sc_bpr_body(LH, y4, p4, n4, m4, part_hbm,
                 ys0, ys1, ps0, ps1, ns0, ns1, ms0, ms1, out_c, sem):
    wid = lax.axis_index("s") * 2 + lax.axis_index("c")
    lane = lax.broadcasted_iota(jnp.int32, (_LANES,), 0)
    bufs = ((ys0, ps0, ns0, ms0), (ys1, ps1, ns1, ms1))

    def issue(chunk, bset):
        bh = wid * 4 + chunk // 4
        bl0 = (chunk % 4) * _CB
        for src, dst in zip((y4, p4, n4, m4), bset):
            pltpu.async_copy(src.at[:, bh, :, pl.ds(bl0, _CB)], dst, sem)

    def wait_all(bset):
        for src, dst in zip((y4, p4, n4, m4), bset):
            pltpu.make_async_copy(src.at[:, 0, :, pl.ds(0, _CB)], dst,
                                  sem).wait()

    def compute(bset, accs):
        ys, ps, ns, ms = bset
        a_b, a_m = accs
        for g in range(_CB // _LANES):
            cvec = lane + jnp.int32(g * _LANES)

            def lh_body(lh, accs, _g=g):
                ab, am = accs
                for ll in range(8):
                    sl = pl.ds(_g * _LANES, _LANES)
                    pv = ps[lh, ll, sl]
                    nv = ns[lh, ll, sl]
                    m = ms[lh, ll, sl]
                    g1 = plsc.load_gather(
                        ys, [jnp.right_shift(pv, 3), jnp.bitwise_and(pv, 7),
                             cvec])
                    g2 = plsc.load_gather(
                        ys, [jnp.right_shift(nv, 3), jnp.bitwise_and(nv, 7),
                             cvec])
                    d = g1 - g2
                    t = jnp.exp(-jnp.abs(d))
                    ls = jnp.minimum(d, jnp.float32(0.0)) - _log1p_poly(t)
                    ab = ab + ls * m
                    am = am + m
                return ab, am

            a_b, a_m = lax.fori_loop(0, LH, lh_body, (a_b, a_m))
        return a_b, a_m

    issue(jnp.int32(0), bufs[0])
    acc0 = (jnp.zeros((_LANES,), jnp.float32), jnp.zeros((_LANES,), jnp.float32))

    def super_body(s, accs):
        issue(2 * s + 1, bufs[1])
        wait_all(bufs[0])
        accs = compute(bufs[0], accs)

        @pl.when(2 * s + 2 < _NCHUNK)
        def _():
            issue(2 * s + 2, bufs[0])

        wait_all(bufs[1])
        return compute(bufs[1], accs)

    acc_b, acc_m = lax.fori_loop(0, _NCHUNK // 2, super_body, acc0)
    out_c[pl.ds(0, _LANES)] = acc_b
    out_c[pl.ds(_LANES, _LANES)] = acc_m
    pltpu.sync_copy(out_c, part_hbm.at[pl.ds(wid * 2 * _LANES, 2 * _LANES)])


def _sc_bpr_partials(y, pos, neg, mask):
    B, V = y.shape
    L = pos.shape[1]
    assert B % (128 * _NW) == 0 and V % 8 == 0 and L % 8 == 0
    VH, LH = V // 8, L // 8

    mesh = plsc.VectorSubcoreMesh(core_axis_name="c", subcore_axis_name="s",
                                  num_cores=2, num_subcores=16)
    fn = pl.kernel(
        functools.partial(_sc_bpr_body, LH),
        out_type=jax.ShapeDtypeStruct((_NW * 2 * _LANES,), jnp.float32),
        mesh=mesh,
        scratch_types=[
            pltpu.VMEM((VH, 8, _CB), jnp.float32),
            pltpu.VMEM((VH, 8, _CB), jnp.float32),
            pltpu.VMEM((LH, 8, _CB), jnp.int32),
            pltpu.VMEM((LH, 8, _CB), jnp.int32),
            pltpu.VMEM((LH, 8, _CB), jnp.int32),
            pltpu.VMEM((LH, 8, _CB), jnp.int32),
            pltpu.VMEM((LH, 8, _CB), jnp.float32),
            pltpu.VMEM((LH, 8, _CB), jnp.float32),
            pltpu.VMEM((2 * _LANES,), jnp.float32),
            pltpu.SemaphoreType.DMA,
        ],
        compiler_params=pltpu.CompilerParams(use_tc_tiling_on_sc=False,
                                             needs_layout_passes=False),
    )
    return fn(_tile_view(y), _tile_view(pos), _tile_view(neg),
              _tile_view(mask))


def _tc_kld_body(mu_b, lv_b, out_sm, acc):
    i = pl.program_id(0)

    @pl.when(i == 0)
    def _():
        acc[0] = 0.0

    lv = lv_b[...]
    acc[0] += jnp.sum(1.0 + lv - jnp.square(mu_b[...]) - jnp.exp(lv))

    @pl.when(i == pl.num_programs(0) - 1)
    def _():
        out_sm[0, 0] = acc[0]


def _tc_kld_sum(mu, logvar):
    B, D = mu.shape
    BS = 1024
    return pl.pallas_call(
        _tc_kld_body,
        grid=(B // BS,),
        in_specs=[
            pl.BlockSpec((BS, D), lambda i: (i, 0)),
            pl.BlockSpec((BS, D), lambda i: (i, 0)),
        ],
        out_specs=pl.BlockSpec(memory_space=pltpu.SMEM),
        out_shape=jax.ShapeDtypeStruct((1, 1), jnp.float32),
        scratch_shapes=[pltpu.SMEM((1,), jnp.float32)],
    )(mu, logvar)


def _tc_combine_body(B, anneal_sm, kld_sm, part_v, out_sm):
    p = part_v[...]
    col = lax.broadcasted_iota(jnp.int32, p.shape, 1)
    is_bpr = (col % 32) < 16
    s_bpr = jnp.sum(jnp.where(is_bpr, p, 0.0))
    s_mask = jnp.sum(jnp.where(is_bpr, 0.0, p))
    n_llk = -s_bpr / s_mask
    kld = -0.5 * kld_sm[0, 0] / B
    out_sm[0, 0] = n_llk + anneal_sm[0, 0] * kld


def _tc_combine(B, anneal, kld_sum, partials):
    return pl.pallas_call(
        functools.partial(_tc_combine_body, B),
        in_specs=[
            pl.BlockSpec(memory_space=pltpu.SMEM),
            pl.BlockSpec(memory_space=pltpu.SMEM),
            pl.BlockSpec(memory_space=pltpu.VMEM),
        ],
        out_specs=pl.BlockSpec(memory_space=pltpu.SMEM),
        out_shape=jax.ShapeDtypeStruct((1, 1), jnp.float32),
    )(anneal, kld_sum, partials)


def kernel(x, y, mu, logvar, anneal, pos_items, neg_items, mask, model_type):
    pos = pos_items.astype(jnp.int32)
    neg = neg_items.astype(jnp.int32)
    B = y.shape[0]
    partials = _sc_bpr_partials(y, pos, neg, mask)
    kld_sum = _tc_kld_sum(mu, logvar)
    anneal2 = jnp.asarray(anneal, jnp.float32).reshape(1, 1)
    out = _tc_combine(B, anneal2, kld_sum, partials.reshape(8, 128))
    return out[0, 0]

# --- scband reference (transcript-rebuilt; emitter-appended) ---
"""Pipeline reference for scband-rvae-rank-pair-loss-55155970015802 (READ-ONLY COPY).

The authoritative reference and input builder live on the scoring server;
editing this copy changes nothing except your own understanding.
"""

import jax, jax.numpy as jnp
import numpy as np


def setup_inputs(seed: int = 0) -> dict:
    key = jax.random.key(seed)
    ks = jax.random.split(key, 8)
    B, V, L, D = 16384, 1000, 200, 512
    x = jax.random.normal(ks[0], (B, V), dtype=jnp.float32)
    y = jax.random.normal(ks[1], (B, V), dtype=jnp.float32)
    mu = jax.random.normal(ks[2], (B, D), dtype=jnp.float32)
    logvar = jax.random.normal(ks[3], (B, D), dtype=jnp.float32)
    anneal = jnp.ones((), dtype=jnp.float32)
    pos_items = jax.random.randint(ks[4], (B, L), 0, V, dtype=jnp.int64) if jax.config.read('jax_enable_x64') else jax.random.randint(ks[4], (B, L), 0, V).astype(jnp.int32)
    neg_items = jax.random.randint(ks[5], (B, L), 0, V, dtype=jnp.int64) if jax.config.read('jax_enable_x64') else jax.random.randint(ks[5], (B, L), 0, V).astype(jnp.int32)
    mask = jax.random.uniform(ks[6], (B, L), dtype=jnp.float32)
    model_type = 0  # BASELINE branch
    return {"x": x, "y": y, "mu": mu, "logvar": logvar, "anneal": anneal,
            "pos_items": pos_items, "neg_items": neg_items, "mask": mask,
            "model_type": model_type}


def reference(x, y, mu, logvar, anneal, pos_items, neg_items, mask, model_type):
    # rvae_rank_pair_loss.forward with model_type == BASELINE:
    #   log_p: gather positive/negative item scores, pairwise BPR-style log-sigmoid loss
    y1 = jnp.take_along_axis(y, pos_items, axis=1) * mask
    y2 = jnp.take_along_axis(y, neg_items, axis=1) * mask
    weight = mask  # baseline: weight == mask
    neg_ll = -(jax.nn.log_sigmoid(y1 - y2) * weight) / jnp.sum(mask)
    n_llk = jnp.sum(neg_ll)
    kld = -0.5 * jnp.mean(jnp.sum(1.0 + logvar - jnp.square(mu) - jnp.exp(logvar), axis=1))
    loss = n_llk + anneal * kld
    return loss

if __name__ == "__main__":
    import jax
    _d = setup_inputs()
    print(jax.jit(kernel)(*tuple(_d.values())))

</pallas_src>

<mosaic_0001>
#map = affine_map<(d0, d1) -> (0, 0, 0, 0)>
#map1 = affine_map<(d0, d1) -> (0)>
module attributes {stable_mosaic.version = 14 : i64} {
  func.func @_sc_bpr_body(%arg0: i32, %arg1: i32, %arg2: memref<125x128x8x128xf32, #tpu.memory_space<hbm>>, %arg3: memref<25x128x8x128xi32, #tpu.memory_space<hbm>>, %arg4: memref<25x128x8x128xi32, #tpu.memory_space<hbm>>, %arg5: memref<25x128x8x128xf32, #tpu.memory_space<hbm>>, %arg6: memref<1024xf32, #tpu.memory_space<hbm>>, %arg7: memref<125x8x32xf32, #tpu.memory_space<vmem>>, %arg8: memref<125x8x32xf32, #tpu.memory_space<vmem>>, %arg9: memref<25x8x32xi32, #tpu.memory_space<vmem>>, %arg10: memref<25x8x32xi32, #tpu.memory_space<vmem>>, %arg11: memref<25x8x32xi32, #tpu.memory_space<vmem>>, %arg12: memref<25x8x32xi32, #tpu.memory_space<vmem>>, %arg13: memref<25x8x32xf32, #tpu.memory_space<vmem>>, %arg14: memref<25x8x32xf32, #tpu.memory_space<vmem>>, %arg15: memref<32xf32, #tpu.memory_space<vmem>>, %arg16: memref<!tpu.dma_semaphore, #tpu.memory_space<semaphore_mem>>) attributes {dimension_semantics = [#tpu.dimension_semantics<core_parallel>, #tpu.dimension_semantics<subcore_parallel>], iteration_bounds = array<i64: 2, 16>, scalar_prefetch = 0 : i64, scratch_operands = 10 : i64, tpu.core_type = #tpu.core_type<sc_vector_subcore>, window_params = [{transform_indices = #map}, {transform_indices = #map}, {transform_indices = #map}, {transform_indices = #map}, {transform_indices = #map1}]} {
    %mul3A = arith.constant 2 : i32
    %mul3A_0 = arith.muli %arg1, %mul3A : i32
    %add3A = arith.addi %mul3A_0, %arg0 : i32
    %iota3A = tpu.iota {dimensions = array<i32: 0>} : vector<16xi32>
    %mul3A_1 = arith.constant 4 : i32
    %mul3A_2 = arith.muli %add3A, %mul3A_1 : i32
    %jit3A = arith.constant 0 : i32
    %jit3A_3 = arith.constant 4 : i32
    %div3A = arith.divsi %jit3A, %jit3A_3 : i32
    %sign3A = arith.constant 0 : i32
    %sign3A_4 = arith.cmpi sgt, %jit3A, %sign3A : i32
    %sign3A_5 = arith.extui %sign3A_4 : i1 to i32
    %sign3A_6 = arith.constant 0 : i32
    %sign3A_7 = arith.cmpi slt, %jit3A, %sign3A_6 : i32
    %sign3A_8 = arith.extui %sign3A_7 : i1 to i32
    %sign3A_9 = arith.subi %sign3A_5, %sign3A_8 : i32
    %sign3A_10 = arith.constant 0 : i32
    %sign3A_11 = arith.cmpi sgt, %jit3A_3, %sign3A_10 : i32
    %sign3A_12 = arith.extui %sign3A_11 : i1 to i32
    %sign3A_13 = arith.constant 0 : i32
    %sign3A_14 = arith.cmpi slt, %jit3A_3, %sign3A_13 : i32
    %sign3A_15 = arith.extui %sign3A_14 : i1 to i32
    %sign3A_16 = arith.subi %sign3A_12, %sign3A_15 : i32
    %ne3A = arith.cmpi ne, %sign3A_9, %sign3A_16 : i32
    %rem3A = arith.remsi %jit3A, %jit3A_3 : i32
    %ne3A_17 = arith.constant 0 : i32
    %ne3A_18 = arith.cmpi ne, %rem3A, %ne3A_17 : i32
    %and3A = arith.andi %ne3A, %ne3A_18 : i1
    %sub3A = arith.constant 1 : i32
    %sub3A_19 = arith.subi %div3A, %sub3A : i32
    %select_n3A = arith.select %and3A, %sub3A_19, %div3A : i32
    %add3A_20 = arith.addi %mul3A_2, %select_n3A : i32
    %jit3A_21 = arith.constant 0 : i32
    %jit3A_22 = arith.constant 4 : i32
    %eq3A = arith.constant 0 : i32
    %eq3A_23 = arith.cmpi eq, %jit3A_22, %eq3A : i32
    %jit3A_24 = arith.constant 1 : i32
    %select_n3A_25 = arith.select %eq3A_23, %jit3A_24, %jit3A_22 : i32
    %rem3A_26 = arith.remsi %jit3A_21, %select_n3A_25 : i32
    %ne3A_27 = arith.constant 0 : i32
    %ne3A_28 = arith.cmpi ne, %rem3A_26, %ne3A_27 : i32
    %lt3A = arith.constant 0 : i32
    %lt3A_29 = arith.cmpi slt, %rem3A_26, %lt3A : i32
    %lt3A_30 = arith.constant 0 : i32
    %lt3A_31 = arith.cmpi slt, %select_n3A_25, %lt3A_30 : i32
    %ne3A_32 = arith.xori %lt3A_29, %lt3A_31 : i1
    %and3A_33 = arith.andi %ne3A_32, %ne3A_28 : i1
    %add3A_34 = arith.addi %rem3A_26, %select_n3A_25 : i32
    %select_n3A_35 = arith.select %and3A_33, %add3A_34, %rem3A_26 : i32
    %mul3A_36 = arith.constant 32 : i32
    %mul3A_37 = arith.muli %select_n3A_35, %mul3A_36 : i32
    %dma_start3A = arith.constant 0 : i32
    %dma_start3A_38 = arith.constant 0 : i32
    %dma_start3A_39 = tpu.memref_slice %arg2[%dma_start3A, %add3A_20, %dma_start3A_38, %mul3A_37] : memref<125x128x8x128xf32, #tpu.memory_space<hbm>> -> memref<125x1x8x32xf32, #tpu.memory_space<hbm>>
    %dma_start3A_40 = tpu.memref_squeeze %dma_start3A_39 : memref<125x1x8x32xf32, #tpu.memory_space<hbm>> -> memref<125x8x32xf32, #tpu.memory_space<hbm>>
    %dma_start3A_41 = arith.constant 0 : i32
    %dma_start3A_42 = arith.constant 0 : i32
    %dma_start3A_43 = tpu.memref_slice %arg2[%dma_start3A_41, %add3A_20, %dma_start3A_42, %mul3A_37] : memref<125x128x8x128xf32, #tpu.memory_space<hbm>> -> memref<125x1x8x32xf32, #tpu.memory_space<hbm>>
    %dma_start3A_44 = tpu.memref_squeeze %dma_start3A_43 : memref<125x1x8x32xf32, #tpu.memory_space<hbm>> -> memref<125x8x32xf32, #tpu.memory_space<hbm>>
    tpu.enqueue_dma source(%dma_start3A_44 : memref<125x8x32xf32, #tpu.memory_space<hbm>>) target(%arg7 : memref<125x8x32xf32, #tpu.memory_space<vmem>>) target_semaphore(%arg16 : memref<!tpu.dma_semaphore, #tpu.memory_space<semaphore_mem>>)
    %dma_start3A_45 = arith.constant 0 : i32
    %dma_start3A_46 = arith.constant 0 : i32
    %dma_start3A_47 = tpu.memref_slice %arg3[%dma_start3A_45, %add3A_20, %dma_start3A_46, %mul3A_37] : memref<25x128x8x128xi32, #tpu.memory_space<hbm>> -> memref<25x1x8x32xi32, #tpu.memory_space<hbm>>
    %dma_start3A_48 = tpu.memref_squeeze %dma_start3A_47 : memref<25x1x8x32xi32, #tpu.memory_space<hbm>> -> memref<25x8x32xi32, #tpu.memory_space<hbm>>
    %dma_start3A_49 = arith.constant 0 : i32
    %dma_start3A_50 = arith.constant 0 : i32
    %dma_start3A_51 = tpu.memref_slice %arg3[%dma_start3A_49, %add3A_20, %dma_start3A_50, %mul3A_37] : memref<25x128x8x128xi32, #tpu.memory_space<hbm>> -> memref<25x1x8x32xi32, #tpu.memory_space<hbm>>
    %dma_start3A_52 = tpu.memref_squeeze %dma_start3A_51 : memref<25x1x8x32xi32, #tpu.memory_space<hbm>> -> memref<25x8x32xi32, #tpu.memory_space<hbm>>
    tpu.enqueue_dma source(%dma_start3A_52 : memref<25x8x32xi32, #tpu.memory_space<hbm>>) target(%arg9 : memref<25x8x32xi32, #tpu.memory_space<vmem>>) target_semaphore(%arg16 : memref<!tpu.dma_semaphore, #tpu.memory_space<semaphore_mem>>)
    %dma_start3A_53 = arith.constant 0 : i32
    %dma_start3A_54 = arith.constant 0 : i32
    %dma_start3A_55 = tpu.memref_slice %arg4[%dma_start3A_53, %add3A_20, %dma_start3A_54, %mul3A_37] : memref<25x128x8x128xi32, #tpu.memory_space<hbm>> -> memref<25x1x8x32xi32, #tpu.memory_space<hbm>>
    %dma_start3A_56 = tpu.memref_squeeze %dma_start3A_55 : memref<25x1x8x32xi32, #tpu.memory_space<hbm>> -> memref<25x8x32xi32, #tpu.memory_space<hbm>>
    %dma_start3A_57 = arith.constant 0 : i32
    %dma_start3A_58 = arith.constant 0 : i32
    %dma_start3A_59 = tpu.memref_slice %arg4[%dma_start3A_57, %add3A_20, %dma_start3A_58, %mul3A_37] : memref<25x128x8x128xi32, #tpu.memory_space<hbm>> -> memref<25x1x8x32xi32, #tpu.memory_space<hbm>>
    %dma_start3A_60 = tpu.memref_squeeze %dma_start3A_59 : memref<25x1x8x32xi32, #tpu.memory_space<hbm>> -> memref<25x8x32xi32, #tpu.memory_space<hbm>>
    tpu.enqueue_dma source(%dma_start3A_60 : memref<25x8x32xi32, #tpu.memory_space<hbm>>) target(%arg11 : memref<25x8x32xi32, #tpu.memory_space<vmem>>) target_semaphore(%arg16 : memref<!tpu.dma_semaphore, #tpu.memory_space<semaphore_mem>>)
    %dma_start3A_61 = arith.constant 0 : i32
    %dma_start3A_62 = arith.constant 0 : i32
    %dma_start3A_63 = tpu.memref_slice %arg5[%dma_start3A_61, %add3A_20, %dma_start3A_62, %mul3A_37] : memref<25x128x8x128xf32, #tpu.memory_space<hbm>> -> memref<25x1x8x32xf32, #tpu.memory_space<hbm>>
    %dma_start3A_64 = tpu.memref_squeeze %dma_start3A_63 : memref<25x1x8x32xf32, #tpu.memory_space<hbm>> -> memref<25x8x32xf32, #tpu.memory_space<hbm>>
    %dma_start3A_65 = arith.constant 0 : i32
    %dma_start3A_66 = arith.constant 0 : i32
    %dma_start3A_67 = tpu.memref_slice %arg5[%dma_start3A_65, %add3A_20, %dma_start3A_66, %mul3A_37] : memref<25x128x8x128xf32, #tpu.memory_space<hbm>> -> memref<25x1x8x32xf32, #tpu.memory_space<hbm>>
    %dma_start3A_68 = tpu.memref_squeeze %dma_start3A_67 : memref<25x1x8x32xf32, #tpu.memory_space<hbm>> -> memref<25x8x32xf32, #tpu.memory_space<hbm>>
    tpu.enqueue_dma source(%dma_start3A_68 : memref<25x8x32xf32, #tpu.memory_space<hbm>>) target(%arg13 : memref<25x8x32xf32, #tpu.memory_space<vmem>>) target_semaphore(%arg16 : memref<!tpu.dma_semaphore, #tpu.memory_space<semaphore_mem>>)
    %broadcast_in_dim3A = arith.constant 0.000000e+00 : f32
    %broadcast_in_dim3A_69 = vector.broadcast %broadcast_in_dim3A : f32 to vector<16xf32>
    %broadcast_in_dim3A_70 = arith.constant 0.000000e+00 : f32
    %broadcast_in_dim3A_71 = vector.broadcast %broadcast_in_dim3A_70 : f32 to vector<16xf32>
    %scan3A = arith.constant 0 : i32
    %scan3A_72 = arith.constant 8 : i32
    %scan3A_73 = arith.addi %scan3A, %scan3A_72 : i32
    %scan3A_74 = arith.constant 1 : i32
    %scan3A_75:2 = scf.for %scan3A_84 = %scan3A to %scan3A_73 step %scan3A_74 iter_args(%scan3A_85 = %broadcast_in_dim3A_69, %scan3A_86 = %broadcast_in_dim3A_71) -> (vector<16xf32>, vector<16xf32>)  : i32 {
      %mul3A_87 = arith.constant 2 : i32
      %mul3A_88 = arith.muli %mul3A_87, %scan3A_84 : i32
      %add3A_89 = arith.constant 1 : i32
      %add3A_90 = arith.addi %mul3A_88, %add3A_89 : i32
      %mul3A_91 = arith.constant 4 : i32
      %mul3A_92 = arith.muli %add3A, %mul3A_91 : i32
      %jit3A_93 = arith.constant 4 : i32
      %div3A_94 = arith.divsi %add3A_90, %jit3A_93 : i32
      %sign3A_95 = arith.constant 0 : i32
      %sign3A_96 = arith.cmpi sgt, %add3A_90, %sign3A_95 : i32
      %sign3A_97 = arith.extui %sign3A_96 : i1 to i32
      %sign3A_98 = arith.constant 0 : i32
      %sign3A_99 = arith.cmpi slt, %add3A_90, %sign3A_98 : i32
      %sign3A_100 = arith.extui %sign3A_99 : i1 to i32
      %sign3A_101 = arith.subi %sign3A_97, %sign3A_100 : i32
      %sign3A_102 = arith.constant 0 : i32
      %sign3A_103 = arith.cmpi sgt, %jit3A_93, %sign3A_102 : i32
      %sign3A_104 = arith.extui %sign3A_103 : i1 to i32
      %sign3A_105 = arith.constant 0 : i32
      %sign3A_106 = arith.cmpi slt, %jit3A_93, %sign3A_105 : i32
      %sign3A_107 = arith.extui %sign3A_106 : i1 to i32
      %sign3A_108 = arith.subi %sign3A_104, %sign3A_107 : i32
      %ne3A_109 = arith.cmpi ne, %sign3A_101, %sign3A_108 : i32
      %rem3A_110 = arith.remsi %add3A_90, %jit3A_93 : i32
      %ne3A_111 = arith.constant 0 : i32
      %ne3A_112 = arith.cmpi ne, %rem3A_110, %ne3A_111 : i32
      %and3A_113 = arith.andi %ne3A_109, %ne3A_112 : i1
      %sub3A_114 = arith.constant 1 : i32
      %sub3A_115 = arith.subi %div3A_94, %sub3A_114 : i32
      %select_n3A_116 = arith.select %and3A_113, %sub3A_115, %div3A_94 : i32
      %add3A_117 = arith.addi %mul3A_92, %select_n3A_116 : i32
      %jit3A_118 = arith.constant 4 : i32
      %eq3A_119 = arith.constant 0 : i32
      %eq3A_120 = arith.cmpi eq, %jit3A_118, %eq3A_119 : i32
      %jit3A_121 = arith.constant 1 : i32
      %select_n3A_122 = arith.select %eq3A_120, %jit3A_121, %jit3A_118 : i32
      %rem3A_123 = arith.remsi %add3A_90, %select_n3A_122 : i32
      %ne3A_124 = arith.constant 0 : i32
      %ne3A_125 = arith.cmpi ne, %rem3A_123, %ne3A_124 : i32
      %lt3A_126 = arith.constant 0 : i32
      %lt3A_127 = arith.cmpi slt, %rem3A_123, %lt3A_126 : i32
      %lt3A_128 = arith.constant 0 : i32
      %lt3A_129 = arith.cmpi slt, %select_n3A_122, %lt3A_128 : i32
      %ne3A_130 = arith.xori %lt3A_127, %lt3A_129 : i1
      %and3A_131 = arith.andi %ne3A_130, %ne3A_125 : i1
      %add3A_132 = arith.addi %rem3A_123, %select_n3A_122 : i32
      %select_n3A_133 = arith.select %and3A_131, %add3A_132, %rem3A_123 : i32
      %mul3A_134 = arith.constant 32 : i32
      %mul3A_135 = arith.muli %select_n3A_133, %mul3A_134 : i32
      %dma_start3A_136 = arith.constant 0 : i32
      %dma_start3A_137 = arith.constant 0 : i32
      %dma_start3A_138 = tpu.memref_slice %arg2[%dma_start3A_136, %add3A_117, %dma_start3A_137, %mul3A_135] : memref<125x128x8x128xf32, #tpu.memory_space<hbm>> -> memref<125x1x8x32xf32, #tpu.memory_space<hbm>>
      %dma_start3A_139 = tpu.memref_squeeze %dma_start3A_138 : memref<125x1x8x32xf32, #tpu.memory_space<hbm>> -> memref<125x8x32xf32, #tpu.memory_space<hbm>>
      %dma_start3A_140 = arith.constant 0 : i32
      %dma_start3A_141 = arith.constant 0 : i32
      %dma_start3A_142 = tpu.memref_slice %arg2[%dma_start3A_140, %add3A_117, %dma_start3A_141, %mul3A_135] : memref<125x128x8x128xf32, #tpu.memory_space<hbm>> -> memref<125x1x8x32xf32, #tpu.memory_space<hbm>>
      %dma_start3A_143 = tpu.memref_squeeze %dma_start3A_142 : memref<125x1x8x32xf32, #tpu.memory_space<hbm>> -> memref<125x8x32xf32, #tpu.memory_space<hbm>>
      tpu.enqueue_dma source(%dma_start3A_143 : memref<125x8x32xf32, #tpu.memory_space<hbm>>) target(%arg8 : memref<125x8x32xf32, #tpu.memory_space<vmem>>) target_semaphore(%arg16 : memref<!tpu.dma_semaphore, #tpu.memory_space<semaphore_mem>>)
      %dma_start3A_144 = arith.constant 0 : i32
      %dma_start3A_145 = arith.constant 0 : i32
      %dma_start3A_146 = tpu.memref_slice %arg3[%dma_start3A_144, %add3A_117, %dma_start3A_145, %mul3A_135] : memref<25x128x8x128xi32, #tpu.memory_space<hbm>> -> memref<25x1x8x32xi32, #tpu.memory_space<hbm>>
      %dma_start3A_147 = tpu.memref_squeeze %dma_start3A_146 : memref<25x1x8x32xi32, #tpu.memory_space<hbm>> -> memref<25x8x32xi32, #tpu.memory_space<hbm>>
      %dma_start3A_148 = arith.constant 0 : i32
      %dma_start3A_149 = arith.constant 0 : i32
      %dma_start3A_150 = tpu.memref_slice %arg3[%dma_start3A_148, %add3A_117, %dma_start3A_149, %mul3A_135] : memref<25x128x8x128xi32, #tpu.memory_space<hbm>> -> memref<25x1x8x32xi32, #tpu.memory_space<hbm>>
      %dma_start3A_151 = tpu.memref_squeeze %dma_start3A_150 : memref<25x1x8x32xi32, #tpu.memory_space<hbm>> -> memref<25x8x32xi32, #tpu.memory_space<hbm>>
      tpu.enqueue_dma source(%dma_start3A_151 : memref<25x8x32xi32, #tpu.memory_space<hbm>>) target(%arg10 : memref<25x8x32xi32, #tpu.memory_space<vmem>>) target_semaphore(%arg16 : memref<!tpu.dma_semaphore, #tpu.memory_space<semaphore_mem>>)
      %dma_start3A_152 = arith.constant 0 : i32
      %dma_start3A_153 = arith.constant 0 : i32
      %dma_start3A_154 = tpu.memref_slice %arg4[%dma_start3A_152, %add3A_117, %dma_start3A_153, %mul3A_135] : memref<25x128x8x128xi32, #tpu.memory_space<hbm>> -> memref<25x1x8x32xi32, #tpu.memory_space<hbm>>
      %dma_start3A_155 = tpu.memref_squeeze %dma_start3A_154 : memref<25x1x8x32xi32, #tpu.memory_space<hbm>> -> memref<25x8x32xi32, #tpu.memory_space<hbm>>
      %dma_start3A_156 = arith.constant 0 : i32
      %dma_start3A_157 = arith.constant 0 : i32
      %dma_start3A_158 = tpu.memref_slice %arg4[%dma_start3A_156, %add3A_117, %dma_start3A_157, %mul3A_135] : memref<25x128x8x128xi32, #tpu.memory_space<hbm>> -> memref<25x1x8x32xi32, #tpu.memory_space<hbm>>
      %dma_start3A_159 = tpu.memref_squeeze %dma_start3A_158 : memref<25x1x8x32xi32, #tpu.memory_space<hbm>> -> memref<25x8x32xi32, #tpu.memory_space<hbm>>
      tpu.enqueue_dma source(%dma_start3A_159 : memref<25x8x32xi32, #tpu.memory_space<hbm>>) target(%arg12 : memref<25x8x32xi32, #tpu.memory_space<vmem>>) target_semaphore(%arg16 : memref<!tpu.dma_semaphore, #tpu.memory_space<semaphore_mem>>)
      %dma_start3A_160 = arith.constant 0 : i32
      %dma_start3A_161 = arith.constant 0 : i32
      %dma_start3A_162 = tpu.memref_slice %arg5[%dma_start3A_160, %add3A_117, %dma_start3A_161, %mul3A_135] : memref<25x128x8x128xf32, #tpu.memory_space<hbm>> -> memref<25x1x8x32xf32, #tpu.memory_space<hbm>>
      %dma_start3A_163 = tpu.memref_squeeze %dma_start3A_162 : memref<25x1x8x32xf32, #tpu.memory_space<hbm>> -> memref<25x8x32xf32, #tpu.memory_space<hbm>>
      %dma_start3A_164 = arith.constant 0 : i32
      %dma_start3A_165 = arith.constant 0 : i32
      %dma_start3A_166 = tpu.memref_slice %arg5[%dma_start3A_164, %add3A_117, %dma_start3A_165, %mul3A_135] : memref<25x128x8x128xf32, #tpu.memory_space<hbm>> -> memref<25x1x8x32xf32, #tpu.memory_space<hbm>>
      %dma_start3A_167 = tpu.memref_squeeze %dma_start3A_166 : memref<25x1x8x32xf32, #tpu.memory_space<hbm>> -> memref<25x8x32xf32, #tpu.memory_space<hbm>>
      tpu.enqueue_dma source(%dma_start3A_167 : memref<25x8x32xf32, #tpu.memory_space<hbm>>) target(%arg14 : memref<25x8x32xf32, #tpu.memory_space<vmem>>) target_semaphore(%arg16 : memref<!tpu.dma_semaphore, #tpu.memory_space<semaphore_mem>>)
      %dma_wait3A = arith.constant 0 : i32
      %dma_wait3A_168 = arith.constant 0 : i32
      %dma_wait3A_169 = arith.constant 0 : i32
      %dma_wait3A_170 = arith.constant 0 : i32
      %dma_wait3A_171 = tpu.memref_slice %arg2[%dma_wait3A_168, %dma_wait3A, %dma_wait3A_169, %dma_wait3A_170] : memref<125x128x8x128xf32, #tpu.memory_space<hbm>> -> memref<125x1x8x32xf32, #tpu.memory_space<hbm>>
      %dma_wait3A_172 = tpu.memref_squeeze %dma_wait3A_171 : memref<125x1x8x32xf32, #tpu.memory_space<hbm>> -> memref<125x8x32xf32, #tpu.memory_space<hbm>>
      %dma_wait3A_173 = arith.constant 0 : i32
      %dma_wait3A_174 = arith.constant 0 : i32
      %dma_wait3A_175 = arith.constant 0 : i32
      %dma_wait3A_176 = tpu.memref_slice %arg2[%dma_wait3A_173, %dma_wait3A, %dma_wait3A_174, %dma_wait3A_175] : memref<125x128x8x128xf32, #tpu.memory_space<hbm>> -> memref<125x1x8x32xf32, #tpu.memory_space<hbm>>
      %dma_wait3A_177 = tpu.memref_squeeze %dma_wait3A_176 : memref<125x1x8x32xf32, #tpu.memory_space<hbm>> -> memref<125x8x32xf32, #tpu.memory_space<hbm>>
      tpu.wait_dma2 semaphore(%arg16 : memref<!tpu.dma_semaphore, #tpu.memory_space<semaphore_mem>>) src(%dma_wait3A_177 : memref<125x8x32xf32, #tpu.memory_space<hbm>>) dst(%arg7 : memref<125x8x32xf32, #tpu.memory_space<vmem>>)
      %dma_wait3A_178 = arith.constant 0 : i32
      %dma_wait3A_179 = arith.constant 0 : i32
      %dma_wait3A_180 = arith.constant 0 : i32
      %dma_wait3A_181 = arith.constant 0 : i32
      %dma_wait3A_182 = tpu.memref_slice %arg3[%dma_wait3A_179, %dma_wait3A_178, %dma_wait3A_180, %dma_wait3A_181] : memref<25x128x8x128xi32, #tpu.memory_space<hbm>> -> memref<25x1x8x32xi32, #tpu.memory_space<hbm>>
      %dma_wait3A_183 = tpu.memref_squeeze %dma_wait3A_182 : memref<25x1x8x32xi32, #tpu.memory_space<hbm>> -> memref<25x8x32xi32, #tpu.memory_space<hbm>>
      %dma_wait3A_184 = arith.constant 0 : i32
      %dma_wait3A_185 = arith.constant 0 : i32
      %dma_wait3A_186 = arith.constant 0 : i32
      %dma_wait3A_187 = tpu.memref_slice %arg3[%dma_wait3A_184, %dma_wait3A_178, %dma_wait3A_185, %dma_wait3A_186] : memref<25x128x8x128xi32, #tpu.memory_space<hbm>> -> memref<25x1x8x32xi32, #tpu.memory_space<hbm>>
      %dma_wait3A_188 = tpu.memref_squeeze %dma_wait3A_187 : memref<25x1x8x32xi32, #tpu.memory_space<hbm>> -> memref<25x8x32xi32, #tpu.memory_space<hbm>>
      tpu.wait_dma2 semaphore(%arg16 : memref<!tpu.dma_semaphore, #tpu.memory_space<semaphore_mem>>) src(%dma_wait3A_188 : memref<25x8x32xi32, #tpu.memory_space<hbm>>) dst(%arg9 : memref<25x8x32xi32, #tpu.memory_space<vmem>>)
      %dma_wait3A_189 = arith.constant 0 : i32
      %dma_wait3A_190 = arith.constant 0 : i32
      %dma_wait3A_191 = arith.constant 0 : i32
      %dma_wait3A_192 = arith.constant 0 : i32
      %dma_wait3A_193 = tpu.memref_slice %arg4[%dma_wait3A_190, %dma_wait3A_189, %dma_wait3A_191, %dma_wait3A_192] : memref<25x128x8x128xi32, #tpu.memory_space<hbm>> -> memref<25x1x8x32xi32, #tpu.memory_space<hbm>>
      %dma_wait3A_194 = tpu.memref_squeeze %dma_wait3A_193 : memref<25x1x8x32xi32, #tpu.memory_space<hbm>> -> memref<25x8x32xi32, #tpu.memory_space<hbm>>
      %dma_wait3A_195 = arith.constant 0 : i32
      %dma_wait3A_196 = arith.constant 0 : i32
      %dma_wait3A_197 = arith.constant 0 : i32
      %dma_wait3A_198 = tpu.memref_slice %arg4[%dma_wait3A_195, %dma_wait3A_189, %dma_wait3A_196, %dma_wait3A_197] : memref<25x128x8x128xi32, #tpu.memory_space<hbm>> -> memref<25x1x8x32xi32, #tpu.memory_space<hbm>>
      %dma_wait3A_199 = tpu.memref_squeeze %dma_wait3A_198 : memref<25x1x8x32xi32, #tpu.memory_space<hbm>> -> memref<25x8x32xi32, #tpu.memory_space<hbm>>
      tpu.wait_dma2 semaphore(%arg16 : memref<!tpu.dma_semaphore, #tpu.memory_space<semaphore_mem>>) src(%dma_wait3A_199 : memref<25x8x32xi32, #tpu.memory_space<hbm>>) dst(%arg11 : memref<25x8x32xi32, #tpu.memory_space<vmem>>)
      %dma_wait3A_200 = arith.constant 0 : i32
      %dma_wait3A_201 = arith.constant 0 : i32
      %dma_wait3A_202 = arith.constant 0 : i32
      %dma_wait3A_203 = arith.constant 0 : i32
      %dma_wait3A_204 = tpu.memref_slice %arg5[%dma_wait3A_201, %dma_wait3A_200, %dma_wait3A_202, %dma_wait3A_203] : memref<25x128x8x128xf32, #tpu.memory_space<hbm>> -> memref<25x1x8x32xf32, #tpu.memory_space<hbm>>
      %dma_wait3A_205 = tpu.memref_squeeze %dma_wait3A_204 : memref<25x1x8x32xf32, #tpu.memory_space<hbm>> -> memref<25x8x32xf32, #tpu.memory_space<hbm>>
      %dma_wait3A_206 = arith.constant 0 : i32
      %dma_wait3A_207 = arith.constant 0 : i32
      %dma_wait3A_208 = arith.constant 0 : i32
      %dma_wait3A_209 = tpu.memref_slice %arg5[%dma_wait3A_206, %dma_wait3A_200, %dma_wait3A_207, %dma_wait3A_208] : memref<25x128x8x128xf32, #tpu.memory_space<hbm>> -> memref<25x1x8x32xf32, #tpu.memory_space<hbm>>
      %dma_wait3A_210 = tpu.memref_squeeze %dma_wait3A_209 : memref<25x1x8x32xf32, #tpu.memory_space<hbm>> -> memref<25x8x32xf32, #tpu.memory_space<hbm>>
      tpu.wait_dma2 semaphore(%arg16 : memref<!tpu.dma_semaphore, #tpu.memory_space<semaphore_mem>>) src(%dma_wait3A_210 : memref<25x8x32xf32, #tpu.memory_space<hbm>>) dst(%arg13 : memref<25x8x32xf32, #tpu.memory_space<vmem>>)
      %add3A_211 = arith.constant 0 : i32
      %add3A_212 = vector.broadcast %add3A_211 : i32 to vector<16xi32>
      %add3A_213 = arith.addi %iota3A, %add3A_212 : vector<16xi32>
      %scan3A_214 = arith.constant 0 : i32
      %scan3A_215 = arith.constant 25 : i32
      %scan3A_216 = arith.addi %scan3A_214, %scan3A_215 : i32
      %scan3A_217 = arith.constant 1 : i32
      %scan3A_218:2 = scf.for %scan3A_298 = %scan3A_214 to %scan3A_216 step %scan3A_217 iter_args(%scan3A_299 = %scan3A_85, %scan3A_300 = %scan3A_86) -> (vector<16xf32>, vector<16xf32>)  : i32 {
        %get3A = arith.constant 0 : i32
        %get3A_301 = arith.index_cast %scan3A_298 : i32 to index
        %get3A_302 = arith.index_cast %get3A : i32 to index
        %get3A_303 = arith.constant 0 : index
        %get3A_304 = tpu.vector_load %arg9[%get3A_301, %get3A_302, %get3A_303] {strides = array<i32>} : memref<25x8x32xi32, #tpu.memory_space<vmem>>, vector<16xi32>,
        %get3A_305 = arith.constant 0 : i32
        %get3A_306 = arith.index_cast %scan3A_298 : i32 to index
        %get3A_307 = arith.index_cast %get3A_305 : i32 to index
        %get3A_308 = arith.constant 0 : index
        %get3A_309 = tpu.vector_load %arg11[%get3A_306, %get3A_307, %get3A_308] {strides = array<i32>} : memref<25x8x32xi32, #tpu.memory_space<vmem>>, vector<16xi32>,
        %get3A_310 = arith.constant 0 : i32
        %get3A_311 = arith.index_cast %scan3A_298 : i32 to index
        %get3A_312 = arith.index_cast %get3A_310 : i32 to index
        %get3A_313 = arith.constant 0 : index
        %get3A_314 = tpu.vector_load %arg13[%get3A_311, %get3A_312, %get3A_313] {strides = array<i32>} : memref<25x8x32xf32, #tpu.memory_space<vmem>>, vector<16xf32>,
        %shift_right_arithmetic3A = arith.constant 3 : i32
        %shift_right_arithmetic3A_315 = vector.broadcast %shift_right_arithmetic3A : i32 to vector<16xi32>
        %shift_right_arithmetic3A_316 = arith.shrsi %get3A_304, %shift_right_arithmetic3A_315 : vector<16xi32>
        %and3A_317 = arith.constant 7 : i32
        %and3A_318 = vector.broadcast %and3A_317 : i32 to vector<16xi32>
        %and3A_319 = arith.andi %get3A_304, %and3A_318 : vector<16xi32>
        %gather3A = tpu.vector_load_idx %arg7[%shift_right_arithmetic3A_316, %and3A_319, %add3A_213] : memref<125x8x32xf32, #tpu.memory_space<vmem>>[vector<16xi32>, vector<16xi32>, vector<16xi32>], vector<16xf32>,
        %shift_right_arithmetic3A_320 = arith.constant 3 : i32
        %shift_right_arithmetic3A_321 = vector.broadcast %shift_right_arithmetic3A_320 : i32 to vector<16xi32>
        %shift_right_arithmetic3A_322 = arith.shrsi %get3A_309, %shift_right_arithmetic3A_321 : vector<16xi32>
        %and3A_323 = arith.constant 7 : i32
        %and3A_324 = vector.broadcast %and3A_323 : i32 to vector<16xi32>
        %and3A_325 = arith.andi %get3A_309, %and3A_324 : vector<16xi32>
        %gather3A_326 = tpu.vector_load_idx %arg7[%shift_right_arithmetic3A_322, %and3A_325, %add3A_213] : memref<125x8x32xf32, #tpu.memory_space<vmem>>[vector<16xi32>, vector<16xi32>, vector<16xi32>], vector<16xf32>,
        %sub3A_327 = arith.subf %gather3A, %gather3A_326 : vector<16xf32>
        %abs3A = math.absf %sub3A_327 : vector<16xf32>
        %neg3A = arith.constant 0.000000e+00 : f32
        %neg3A_328 = vector.broadcast %neg3A : f32 to vector<16xf32>
        %neg3A_329 = arith.subf %neg3A_328, %abs3A : vector<16xf32>
        %exp3A = math.exp %neg3A_329 : vector<16xf32>
        %min3A = arith.constant 0.000000e+00 : f32
        %min3A_330 = vector.broadcast %min3A : f32 to vector<16xf32>
        %min3A_331 = arith.minimumf %sub3A_327, %min3A_330 : vector<16xf32>
        %mul3A_332 = arith.mulf %exp3A, %exp3A : vector<16xf32>
        %mul3A_333 = arith.mulf %mul3A_332, %mul3A_332 : vector<16xf32>
        %mul3A_334 = arith.constant 0.999010443 : f32
        %mul3A_335 = vector.broadcast %mul3A_334 : f32 to vector<16xf32>
        %mul3A_336 = arith.mulf %mul3A_335, %exp3A : vector<16xf32>
        %add3A_337 = arith.constant 2.21170303E-5 : f32
        %add3A_338 = vector.broadcast %add3A_337 : f32 to vector<16xf32>
        %add3A_339 = arith.addf %add3A_338, %mul3A_336 : vector<16xf32>
        %mul3A_340 = arith.constant 0.283304334 : f32
        %mul3A_341 = vector.broadcast %mul3A_340 : f32 to vector<16xf32>
        %mul3A_342 = arith.mulf %mul3A_341, %exp3A : vector<16xf32>
        %add3A_343 = arith.constant -0.489156842 : f32
        %add3A_344 = vector.broadcast %add3A_343 : f32 to vector<16xf32>
        %add3A_345 = arith.addf %add3A_344, %mul3A_342 : vector<16xf32>
        %mul3A_346 = arith.constant 0.0301026255 : f32
        %mul3A_347 = vector.broadcast %mul3A_346 : f32 to vector<16xf32>
        %mul3A_348 = arith.mulf %mul3A_347, %exp3A : vector<16xf32>
        %add3A_349 = arith.constant -0.130119413 : f32
        %add3A_350 = vector.broadcast %add3A_349 : f32 to vector<16xf32>
        %add3A_351 = arith.addf %add3A_350, %mul3A_348 : vector<16xf32>
        %mul3A_352 = arith.mulf %mul3A_332, %add3A_345 : vector<16xf32>
        %add3A_353 = arith.addf %add3A_339, %mul3A_352 : vector<16xf32>
        %mul3A_354 = arith.mulf %mul3A_333, %add3A_351 : vector<16xf32>
        %add3A_355 = arith.addf %add3A_353, %mul3A_354 : vector<16xf32>
        %sub3A_356 = arith.subf %min3A_331, %add3A_355 : vector<16xf32>
        %mul3A_357 = arith.mulf %sub3A_356, %get3A_314 : vector<16xf32>
        %add3A_358 = arith.addf %scan3A_299, %mul3A_357 : vector<16xf32>
        %add3A_359 = arith.addf %scan3A_300, %get3A_314 : vector<16xf32>
        %get3A_360 = arith.constant 1 : i32
        %get3A_361 = arith.index_cast %scan3A_298 : i32 to index
        %get3A_362 = arith.index_cast %get3A_360 : i32 to index
        %get3A_363 = arith.constant 0 : index
        %get3A_364 = tpu.vector_load %arg9[%get3A_361, %get3A_362, %get3A_363] {strides = array<i32>} : memref<25x8x32xi32, #tpu.memory_space<vmem>>, vector<16xi32>,
        %get3A_365 = arith.constant 1 : i32
        %get3A_366 = arith.index_cast %scan3A_298 : i32 to index
        %get3A_367 = arith.index_cast %get3A_365 : i32 to index
        %get3A_368 = arith.constant 0 : index
        %get3A_369 = tpu.vector_load %arg11[%get3A_366, %get3A_367, %get3A_368] {strides = array<i32>} : memref<25x8x32xi32, #tpu.memory_space<vmem>>, vector<16xi32>,
        %get3A_370 = arith.constant 1 : i32
        %get3A_371 = arith.index_cast %scan3A_298 : i32 to index
        %get3A_372 = arith.index_cast %get3A_370 : i32 to index
        %get3A_373 = arith.constant 0 : index
        %get3A_374 = tpu.vector_load %arg13[%get3A_371, %get3A_372, %get3A_373] {strides = array<i32>} : memref<25x8x32xf32, #tpu.memory_space<vmem>>, vector<16xf32>,
        %shift_right_arithmetic3A_375 = arith.constant 3 : i32
        %shift_right_arithmetic3A_376 = vector.broadcast %shift_right_arithmetic3A_375 : i32 to vector<16xi32>
        %shift_right_arithmetic3A_377 = arith.shrsi %get3A_364, %shift_right_arithmetic3A_376 : vector<16xi32>
        %and3A_378 = arith.constant 7 : i32
        %and3A_379 = vector.broadcast %and3A_378 : i32 to vector<16xi32>
        %and3A_380 = arith.andi %get3A_364, %and3A_379 : vector<16xi32>
        %gather3A_381 = tpu.vector_load_idx %arg7[%shift_right_arithmetic3A_377, %and3A_380, %add3A_213] : memref<125x8x32xf32, #tpu.memory_space<vmem>>[vector<16xi32>, vector<16xi32>, vector<16xi32>], vector<16xf32>,
        %shift_right_arithmetic3A_382 = arith.constant 3 : i32
        %shift_right_arithmetic3A_383 = vector.broadcast %shift_right_arithmetic3A_382 : i32 to vector<16xi32>
        %shift_right_arithmetic3A_384 = arith.shrsi %get3A_369, %shift_right_arithmetic3A_383 : vector<16xi32>
        %and3A_385 = arith.constant 7 : i32
        %and3A_386 = vector.broadcast %and3A_385 : i32 to vector<16xi32>
        %and3A_387 = arith.andi %get3A_369, %and3A_386 : vector<16xi32>
        %gather3A_388 = tpu.vector_load_idx %arg7[%shift_right_arithmetic3A_384, %and3A_387, %add3A_213] : memref<125x8x32xf32, #tpu.memory_space<vmem>>[vector<16xi32>, vector<16xi32>, vector<16xi32>], vector<16xf32>,
        %sub3A_389 = arith.subf %gather3A_381, %gather3A_388 : vector<16xf32>
        %abs3A_390 = math.absf %sub3A_389 : vector<16xf32>
        %neg3A_391 = arith.constant 0.000000e+00 : f32
        %neg3A_392 = vector.broadcast %neg3A_391 : f32 to vector<16xf32>
        %neg3A_393 = arith.subf %neg3A_392, %abs3A_390 : vector<16xf32>
        %exp3A_394 = math.exp %neg3A_393 : vector<16xf32>
        %min3A_395 = arith.constant 0.000000e+00 : f32
        %min3A_396 = vector.broadcast %min3A_395 : f32 to vector<16xf32>
        %min3A_397 = arith.minimumf %sub3A_389, %min3A_396 : vector<16xf32>
        %mul3A_398 = arith.mulf %exp3A_394, %exp3A_394 : vector<16xf32>
        %mul3A_399 = arith.mulf %mul3A_398, %mul3A_398 : vector<16xf32>
        %mul3A_400 = arith.constant 0.999010443 : f32
        %mul3A_401 = vector.broadcast %mul3A_400 : f32 to vector<16xf32>
        %mul3A_402 = arith.mulf %mul3A_401, %exp3A_394 : vector<16xf32>
        %add3A_403 = arith.constant 2.21170303E-5 : f32
        %add3A_404 = vector.broadcast %add3A_403 : f32 to vector<16xf32>
        %add3A_405 = arith.addf %add3A_404, %mul3A_402 : vector<16xf32>
        %mul3A_406 = arith.constant 0.283304334 : f32
        %mul3A_407 = vector.broadcast %mul3A_406 : f32 to vector<16xf32>
        %mul3A_408 = arith.mulf %mul3A_407, %exp3A_394 : vector<16xf32>
        %add3A_409 = arith.constant -0.489156842 : f32
        %add3A_410 = vector.broadcast %add3A_409 : f32 to vector<16xf32>
        %add3A_411 = arith.addf %add3A_410, %mul3A_408 : vector<16xf32>
        %mul3A_412 = arith.constant 0.0301026255 : f32
        %mul3A_413 = vector.broadcast %mul3A_412 : f32 to vector<16xf32>
        %mul3A_414 = arith.mulf %mul3A_413, %exp3A_394 : vector<16xf32>
        %add3A_415 = arith.constant -0.130119413 : f32
        %add3A_416 = vector.broadcast %add3A_415 : f32 to vector<16xf32>
        %add3A_417 = arith.addf %add3A_416, %mul3A_414 : vector<16xf32>
        %mul3A_418 = arith.mulf %mul3A_398, %add3A_411 : vector<16xf32>
        %add3A_419 = arith.addf %add3A_405, %mul3A_418 : vector<16xf32>
        %mul3A_420 = arith.mulf %mul3A_399, %add3A_417 : vector<16xf32>
        %add3A_421 = arith.addf %add3A_419, %mul3A_420 : vector<16xf32>
        %sub3A_422 = arith.subf %min3A_397, %add3A_421 : vector<16xf32>
        %mul3A_423 = arith.mulf %sub3A_422, %get3A_374 : vector<16xf32>
        %add3A_424 = arith.addf %add3A_358, %mul3A_423 : vector<16xf32>
        %add3A_425 = arith.addf %add3A_359, %get3A_374 : vector<16xf32>
        %get3A_426 = arith.constant 2 : i32
        %get3A_427 = arith.index_cast %scan3A_298 : i32 to index
        %get3A_428 = arith.index_cast %get3A_426 : i32 to index
        %get3A_429 = arith.constant 0 : index
        %get3A_430 = tpu.vector_load %arg9[%get3A_427, %get3A_428, %get3A_429] {strides = array<i32>} : memref<25x8x32xi32, #tpu.memory_space<vmem>>, vector<16xi32>,
        %get3A_431 = arith.constant 2 : i32
        %get3A_432 = arith.index_cast %scan3A_298 : i32 to index
        %get3A_433 = arith.index_cast %get3A_431 : i32 to index
        %get3A_434 = arith.constant 0 : index
        %get3A_435 = tpu.vector_load %arg11[%get3A_432, %get3A_433, %get3A_434] {strides = array<i32>} : memref<25x8x32xi32, #tpu.memory_space<vmem>>, vector<16xi32>,
        %get3A_436 = arith.constant 2 : i32
        %get3A_437 = arith.index_cast %scan3A_298 : i32 to index
        %get3A_438 = arith.index_cast %get3A_436 : i32 to index
        %get3A_439 = arith.constant 0 : index
        %get3A_440 = tpu.vector_load %arg13[%get3A_437, %get3A_438, %get3A_439] {strides = array<i32>} : memref<25x8x32xf32, #tpu.memory_space<vmem>>, vector<16xf32>,
        %shift_right_arithmetic3A_441 = arith.constant 3 : i32
        %shift_right_arithmetic3A_442 = vector.broadcast %shift_right_arithmetic3A_441 : i32 to vector<16xi32>
        %shift_right_arithmetic3A_443 = arith.shrsi %get3A_430, %shift_right_arithmetic3A_442 : vector<16xi32>
        %and3A_444 = arith.constant 7 : i32
        %and3A_445 = vector.broadcast %and3A_444 : i32 to vector<16xi32>
        %and3A_446 = arith.andi %get3A_430, %and3A_445 : vector<16xi32>
        %gather3A_447 = tpu.vector_load_idx %arg7[%shift_right_arithmetic3A_443, %and3A_446, %add3A_213] : memref<125x8x32xf32, #tpu.memory_space<vmem>>[vector<16xi32>, vector<16xi32>, vector<16xi32>], vector<16xf32>,
        %shift_right_arithmetic3A_448 = arith.constant 3 : i32
        %shift_right_arithmetic3A_449 = vector.broadcast %shift_right_arithmetic3A_448 : i32 to vector<16xi32>
        %shift_right_arithmetic3A_450 = arith.shrsi %get3A_435, %shift_right_arithmetic3A_449 : vector<16xi32>
        %and3A_451 = arith.constant 7 : i32
        %and3A_452 = vector.broadcast %and3A_451 : i32 to vector<16xi32>
        %and3A_453 = arith.andi %get3A_435, %and3A_452 : vector<16xi32>
        %gather3A_454 = tpu.vector_load_idx %arg7[%shift_right_arithmetic3A_450, %and3A_453, %add3A_213] : memref<125x8x32xf32, #tpu.memory_space<vmem>>[vector<16xi32>, vector<16xi32>, vector<16xi32>], vector<16xf32>,
        %sub3A_455 = arith.subf %gather3A_447, %gather3A_454 : vector<16xf32>
        %abs3A_456 = math.absf %sub3A_455 : vector<16xf32>
        %neg3A_457 = arith.constant 0.000000e+00 : f32
        %neg3A_458 = vector.broadcast %neg3A_457 : f32 to vector<16xf32>
        %neg3A_459 = arith.subf %neg3A_458, %abs3A_456 : vector<16xf32>
        %exp3A_460 = math.exp %neg3A_459 : vector<16xf32>
        %min3A_461 = arith.constant 0.000000e+00 : f32
        %min3A_462 = vector.broadcast %min3A_461 : f32 to vector<16xf32>
        %min3A_463 = arith.minimumf %sub3A_455, %min3A_462 : vector<16xf32>
        %mul3A_464 = arith.mulf %exp3A_460, %exp3A_460 : vector<16xf32>
        %mul3A_465 = arith.mulf %mul3A_464, %mul3A_464 : vector<16xf32>
        %mul3A_466 = arith.constant 0.999010443 : f32
        %mul3A_467 = vector.broadcast %mul3A_466 : f32 to vector<16xf32>
        %mul3A_468 = arith.mulf %mul3A_467, %exp3A_460 : vector<16xf32>
        %add3A_469 = arith.constant 2.21170303E-5 : f32
        %add3A_470 = vector.broadcast %add3A_469 : f32 to vector<16xf32>
        %add3A_471 = arith.addf %add3A_470, %mul3A_468 : vector<16xf32>
        %mul3A_472 = arith.constant 0.283304334 : f32
        %mul3A_473 = vector.broadcast %mul3A_472 : f32 to vector<16xf32>
        %mul3A_474 = arith.mulf %mul3A_473, %exp3A_460 : vector<16xf32>
        %add3A_475 = arith.constant -0.489156842 : f32
        %add3A_476 = vector.broadcast %add3A_475 : f32 to vector<16xf32>
        %add3A_477 = arith.addf %add3A_476, %mul3A_474 : vector<16xf32>
        %mul3A_478 = arith.constant 0.0301026255 : f32
        %mul3A_479 = vector.broadcast %mul3A_478 : f32 to vector<16xf32>
        %mul3A_480 = arith.mulf %mul3A_479, %exp3A_460 : vector<16xf32>
        %add3A_481 = arith.constant -0.130119413 : f32
        %add3A_482 = vector.broadcast %add3A_481 : f32 to vector<16xf32>
        %add3A_483 = arith.addf %add3A_482, %mul3A_480 : vector<16xf32>
        %mul3A_484 = arith.mulf %mul3A_464, %add3A_477 : vector<16xf32>
        %add3A_485 = arith.addf %add3A_471, %mul3A_484 : vector<16xf32>
        %mul3A_486 = arith.mulf %mul3A_465, %add3A_483 : vector<16xf32>
        %add3A_487 = arith.addf %add3A_485, %mul3A_486 : vector<16xf32>
        %sub3A_488 = arith.subf %min3A_463, %add3A_487 : vector<16xf32>
        %mul3A_489 = arith.mulf %sub3A_488, %get3A_440 : vector<16xf32>
        %add3A_490 = arith.addf %add3A_424, %mul3A_489 : vector<16xf32>
        %add3A_491 = arith.addf %add3A_425, %get3A_440 : vector<16xf32>
        %get3A_492 = arith.constant 3 : i32
        %get3A_493 = arith.index_cast %scan3A_298 : i32 to index
        %get3A_494 = arith.index_cast %get3A_492 : i32 to index
        %get3A_495 = arith.constant 0 : index
        %get3A_496 = tpu.vector_load %arg9[%get3A_493, %get3A_494, %get3A_495] {strides = array<i32>} : memref<25x8x32xi32, #tpu.memory_space<vmem>>, vector<16xi32>,
        %get3A_497 = arith.constant 3 : i32
        %get3A_498 = arith.index_cast %scan3A_298 : i32 to index
        %get3A_499 = arith.index_cast %get3A_497 : i32 to index
        %get3A_500 = arith.constant 0 : index
        %get3A_501 = tpu.vector_load %arg11[%get3A_498, %get3A_499, %get3A_500] {strides = array<i32>} : memref<25x8x32xi32, #tpu.memory_space<vmem>>, vector<16xi32>,
        %get3A_502 = arith.constant 3 : i32
        %get3A_503 = arith.index_cast %scan3A_298 : i32 to index
        %get3A_504 = arith.index_cast %get3A_502 : i32 to index
        %get3A_505 = arith.constant 0 : index
        %get3A_506 = tpu.vector_load %arg13[%get3A_503, %get3A_504, %get3A_505] {strides = array<i32>} : memref<25x8x32xf32, #tpu.memory_space<vmem>>, vector<16xf32>,
        %shift_right_arithmetic3A_507 = arith.constant 3 : i32
        %shift_right_arithmetic3A_508 = vector.broadcast %shift_right_arithmetic3A_507 : i32 to vector<16xi32>
        %shift_right_arithmetic3A_509 = arith.shrsi %get3A_496, %shift_right_arithmetic3A_508 : vector<16xi32>
        %and3A_510 = arith.constant 7 : i32
        %and3A_511 = vector.broadcast %and3A_510 : i32 to vector<16xi32>
        %and3A_512 = arith.andi %get3A_496, %and3A_511 : vector<16xi32>
        %gather3A_513 = tpu.vector_load_idx %arg7[%shift_right_arithmetic3A_509, %and3A_512, %add3A_213] : memref<125x8x32xf32, #tpu.memory_space<vmem>>[vector<16xi32>, vector<16xi32>, vector<16xi32>], vector<16xf32>,
        %shift_right_arithmetic3A_514 = arith.constant 3 : i32
        %shift_right_arithmetic3A_515 = vector.broadcast %shift_right_arithmetic3A_514 : i32 to vector<16xi32>
        %shift_right_arithmetic3A_516 = arith.shrsi %get3A_501, %shift_right_arithmetic3A_515 : vector<16xi32>
        %and3A_517 = arith.constant 7 : i32
        %and3A_518 = vector.broadcast %and3A_517 : i32 to vector<16xi32>
        %and3A_519 = arith.andi %get3A_501, %and3A_518 : vector<16xi32>
        %gather3A_520 = tpu.vector_load_idx %arg7[%shift_right_arithmetic3A_516, %and3A_519, %add3A_213] : memref<125x8x32xf32, #tpu.memory_space<vmem>>[vector<16xi32>, vector<16xi32>, vector<16xi32>], vector<16xf32>,
        %sub3A_521 = arith.subf %gather3A_513, %gather3A_520 : vector<16xf32>
        %abs3A_522 = math.absf %sub3A_521 : vector<16xf32>
        %neg3A_523 = arith.constant 0.000000e+00 : f32
        %neg3A_524 = vector.broadcast %neg3A_523 : f32 to vector<16xf32>
        %neg3A_525 = arith.subf %neg3A_524, %abs3A_522 : vector<16xf32>
        %exp3A_526 = math.exp %neg3A_525 : vector<16xf32>
        %min3A_527 = arith.constant 0.000000e+00 : f32
        %min3A_528 = vector.broadcast %min3A_527 : f32 to vector<16xf32>
        %min3A_529 = arith.minimumf %sub3A_521, %min3A_528 : vector<16xf32>
        %mul3A_530 = arith.mulf %exp3A_526, %exp3A_526 : vector<16xf32>
        %mul3A_531 = arith.mulf %mul3A_530, %mul3A_530 : vector<16xf32>
        %mul3A_532 = arith.constant 0.999010443 : f32
        %mul3A_533 = vector.broadcast %mul3A_532 : f32 to vector<16xf32>
        %mul3A_534 = arith.mulf %mul3A_533, %exp3A_526 : vector<16xf32>
        %add3A_535 = arith.constant 2.21170303E-5 : f32
        %add3A_536 = vector.broadcast %add3A_535 : f32 to vector<16xf32>
        %add3A_537 = arith.addf %add3A_536, %mul3A_534 : vector<16xf32>
        %mul3A_538 = arith.constant 0.283304334 : f32
        %mul3A_539 = vector.broadcast %mul3A_538 : f32 to vector<16xf32>
        %mul3A_540 = arith.mulf %mul3A_539, %exp3A_526 : vector<16xf32>
        %add3A_541 = arith.constant -0.489156842 : f32
        %add3A_542 = vector.broadcast %add3A_541 : f32 to vector<16xf32>
        %add3A_543 = arith.addf %add3A_542, %mul3A_540 : vector<16xf32>
        %mul3A_544 = arith.constant 0.0301026255 : f32
        %mul3A_545 = vector.broadcast %mul3A_544 : f32 to vector<16xf32>
        %mul3A_546 = arith.mulf %mul3A_545, %exp3A_526 : vector<16xf32>
        %add3A_547 = arith.constant -0.130119413 : f32
        %add3A_548 = vector.broadcast %add3A_547 : f32 to vector<16xf32>
        %add3A_549 = arith.addf %add3A_548, %mul3A_546 : vector<16xf32>
        %mul3A_550 = arith.mulf %mul3A_530, %add3A_543 : vector<16xf32>
        %add3A_551 = arith.addf %add3A_537, %mul3A_550 : vector<16xf32>
        %mul3A_552 = arith.mulf %mul3A_531, %add3A_549 : vector<16xf32>
        %add3A_553 = arith.addf %add3A_551, %mul3A_552 : vector<16xf32>
        %sub3A_554 = arith.subf %min3A_529, %add3A_553 : vector<16xf32>
        %mul3A_555 = arith.mulf %sub3A_554, %get3A_506 : vector<16xf32>
        %add3A_556 = arith.addf %add3A_490, %mul3A_555 : vector<16xf32>
        %add3A_557 = arith.addf %add3A_491, %get3A_506 : vector<16xf32>
        %get3A_558 = arith.constant 4 : i32
        %get3A_559 = arith.index_cast %scan3A_298 : i32 to index
        %get3A_560 = arith.index_cast %get3A_558 : i32 to index
        %get3A_561 = arith.constant 0 : index
        %get3A_562 = tpu.vector_load %arg9[%get3A_559, %get3A_560, %get3A_561] {strides = array<i32>} : memref<25x8x32xi32, #tpu.memory_space<vmem>>, vector<16xi32>,
        %get3A_563 = arith.constant 4 : i32
        %get3A_564 = arith.index_cast %scan3A_298 : i32 to index
        %get3A_565 = arith.index_cast %get3A_563 : i32 to index
        %get3A_566 = arith.constant 0 : index
        %get3A_567 = tpu.vector_load %arg11[%get3A_564, %get3A_565, %get3A_566] {strides = array<i32>} : memref<25x8x32xi32, #tpu.memory_space<vmem>>, vector<16xi32>,
        %get3A_568 = arith.constant 4 : i32
        %get3A_569 = arith.index_cast %scan3A_298 : i32 to index
        %get3A_570 = arith.index_cast %get3A_568 : i32 to index
        %get3A_571 = arith.constant 0 : index
        %get3A_572 = tpu.vector_load %arg13[%get3A_569, %get3A_570, %get3A_571] {strides = array<i32>} : memref<25x8x32xf32, #tpu.memory_space<vmem>>, vector<16xf32>,
        %shift_right_arithmetic3A_573 = arith.constant 3 : i32
        %shift_right_arithmetic3A_574 = vector.broadcast %shift_right_arithmetic3A_573 : i32 to vector<16xi32>
        %shift_right_arithmetic3A_575 = arith.shrsi %get3A_562, %shift_right_arithmetic3A_574 : vector<16xi32>
        %and3A_576 = arith.constant 7 : i32
        %and3A_577 = vector.broadcast %and3A_576 : i32 to vector<16xi32>
        %and3A_578 = arith.andi %get3A_562, %and3A_577 : vector<16xi32>
        %gather3A_579 = tpu.vector_load_idx %arg7[%shift_right_arithmetic3A_575, %and3A_578, %add3A_213] : memref<125x8x32xf32, #tpu.memory_space<vmem>>[vector<16xi32>, vector<16xi32>, vector<16xi32>], vector<16xf32>,
        %shift_right_arithmetic3A_580 = arith.constant 3 : i32
        %shift_right_arithmetic3A_581 = vector.broadcast %shift_right_arithmetic3A_580 : i32 to vector<16xi32>
        %shift_right_arithmetic3A_582 = arith.shrsi %get3A_567, %shift_right_arithmetic3A_581 : vector<16xi32>
        %and3A_583 = arith.constant 7 : i32
        %and3A_584 = vector.broadcast %and3A_583 : i32 to vector<16xi32>
        %and3A_585 = arith.andi %get3A_567, %and3A_584 : vector<16xi32>
        %gather3A_586 = tpu.vector_load_idx %arg7[%shift_right_arithmetic3A_582, %and3A_585, %add3A_213] : memref<125x8x32xf32, #tpu.memory_space<vmem>>[vector<16xi32>, vector<16xi32>, vector<16xi32>], vector<16xf32>,
        %sub3A_587 = arith.subf %gather3A_579, %gather3A_586 : vector<16xf32>
        %abs3A_588 = math.absf %sub3A_587 : vector<16xf32>
        %neg3A_589 = arith.constant 0.000000e+00 : f32
        %neg3A_590 = vector.broadcast %neg3A_589 : f32 to vector<16xf32>
        %neg3A_591 = arith.subf %neg3A_590, %abs3A_588 : vector<16xf32>
        %exp3A_592 = math.exp %neg3A_591 : vector<16xf32>
        %min3A_593 = arith.constant 0.000000e+00 : f32
        %min3A_594 = vector.broadcast %min3A_593 : f32 to vector<16xf32>
        %min3A_595 = arith.minimumf %sub3A_587, %min3A_594 : vector<16xf32>
        %mul3A_596 = arith.mulf %exp3A_592, %exp3A_592 : vector<16xf32>
        %mul3A_597 = arith.mulf %mul3A_596, %mul3A_596 : vector<16xf32>
        %mul3A_598 = arith.constant 0.999010443 : f32
        %mul3A_599 = vector.broadcast %mul3A_598 : f32 to vector<16xf32>
        %mul3A_600 = arith.mulf %mul3A_599, %exp3A_592 : vector<16xf32>
        %add3A_601 = arith.constant 2.21170303E-5 : f32
        %add3A_602 = vector.broadcast %add3A_601 : f32 to vector<16xf32>
        %add3A_603 = arith.addf %add3A_602, %mul3A_600 : vector<16xf32>
        %mul3A_604 = arith.constant 0.283304334 : f32
        %mul3A_605 = vector.broadcast %mul3A_604 : f32 to vector<16xf32>
        %mul3A_606 = arith.mulf %mul3A_605, %exp3A_592 : vector<16xf32>
        %add3A_607 = arith.constant -0.489156842 : f32
        %add3A_608 = vector.broadcast %add3A_607 : f32 to vector<16xf32>
        %add3A_609 = arith.addf %add3A_608, %mul3A_606 : vector<16xf32>
        %mul3A_610 = arith.constant 0.0301026255 : f32
        %mul3A_611 = vector.broadcast %mul3A_610 : f32 to vector<16xf32>
        %mul3A_612 = arith.mulf %mul3A_611, %exp3A_592 : vector<16xf32>
        %add3A_613 = arith.constant -0.130119413 : f32
        %add3A_614 = vector.broadcast %add3A_613 : f32 to vector<16xf32>
        %add3A_615 = arith.addf %add3A_614, %mul3A_612 : vector<16xf32>
        %mul3A_616 = arith.mulf %mul3A_596, %add3A_609 : vector<16xf32>
        %add3A_617 = arith.addf %add3A_603, %mul3A_616 : vector<16xf32>
        %mul3A_618 = arith.mulf %mul3A_597, %add3A_615 : vector<16xf32>
        %add3A_619 = arith.addf %add3A_617, %mul3A_618 : vector<16xf32>
        %sub3A_620 = arith.subf %min3A_595, %add3A_619 : vector<16xf32>
        %mul3A_621 = arith.mulf %sub3A_620, %get3A_572 : vector<16xf32>
        %add3A_622 = arith.addf %add3A_556, %mul3A_621 : vector<16xf32>
        %add3A_623 = arith.addf %add3A_557, %get3A_572 : vector<16xf32>
        %get3A_624 = arith.constant 5 : i32
        %get3A_625 = arith.index_cast %scan3A_298 : i32 to index
        %get3A_626 = arith.index_cast %get3A_624 : i32 to index
        %get3A_627 = arith.constant 0 : index
        %get3A_628 = tpu.vector_load %arg9[%get3A_625, %get3A_626, %get3A_627] {strides = array<i32>} : memref<25x8x32xi32, #tpu.memory_space<vmem>>, vector<16xi32>,
        %get3A_629 = arith.constant 5 : i32
        %get3A_630 = arith.index_cast %scan3A_298 : i32 to index
        %get3A_631 = arith.index_cast %get3A_629 : i32 to index
        %get3A_632 = arith.constant 0 : index
        %get3A_633 = tpu.vector_load %arg11[%get3A_630, %get3A_631, %get3A_632] {strides = array<i32>} : memref<25x8x32xi32, #tpu.memory_space<vmem>>, vector<16xi32>,
        %get3A_634 = arith.constant 5 : i32
        %get3A_635 = arith.index_cast %scan3A_298 : i32 to index
        %get3A_636 = arith.index_cast %get3A_634 : i32 to index
        %get3A_637 = arith.constant 0 : index
        %get3A_638 = tpu.vector_load %arg13[%get3A_635, %get3A_636, %get3A_637] {strides = array<i32>} : memref<25x8x32xf32, #tpu.memory_space<vmem>>, vector<16xf32>,
        %shift_right_arithmetic3A_639 = arith.constant 3 : i32
        %shift_right_arithmetic3A_640 = vector.broadcast %shift_right_arithmetic3A_639 : i32 to vector<16xi32>
        %shift_right_arithmetic3A_641 = arith.shrsi %get3A_628, %shift_right_arithmetic3A_640 : vector<16xi32>
        %and3A_642 = arith.constant 7 : i32
        %and3A_643 = vector.broadcast %and3A_642 : i32 to vector<16xi32>
        %and3A_644 = arith.andi %get3A_628, %and3A_643 : vector<16xi32>
        %gather3A_645 = tpu.vector_load_idx %arg7[%shift_right_arithmetic3A_641, %and3A_644, %add3A_213] : memref<125x8x32xf32, #tpu.memory_space<vmem>>[vector<16xi32>, vector<16xi32>, vector<16xi32>], vector<16xf32>,
        %shift_right_arithmetic3A_646 = arith.constant 3 : i32
        %shift_right_arithmetic3A_647 = vector.broadcast %shift_right_arithmetic3A_646 : i32 to vector<16xi32>
        %shift_right_arithmetic3A_648 = arith.shrsi %get3A_633, %shift_right_arithmetic3A_647 : vector<16xi32>
        %and3A_649 = arith.constant 7 : i32
        %and3A_650 = vector.broadcast %and3A_649 : i32 to vector<16xi32>
        %and3A_651 = arith.andi %get3A_633, %and3A_650 : vector<16xi32>
        %gather3A_652 = tpu.vector_load_idx %arg7[%shift_right_arithmetic3A_648, %and3A_651, %add3A_213] : memref<125x8x32xf32, #tpu.memory_space<vmem>>[vector<16xi32>, vector<16xi32>, vector<16xi32>], vector<16xf32>,
        %sub3A_653 = arith.subf %gather3A_645, %gather3A_652 : vector<16xf32>
        %abs3A_654 = math.absf %sub3A_653 : vector<16xf32>
        %neg3A_655 = arith.constant 0.000000e+00 : f32
        %neg3A_656 = vector.broadcast %neg3A_655 : f32 to vector<16xf32>
        %neg3A_657 = arith.subf %neg3A_656, %abs3A_654 : vector<16xf32>
        %exp3A_658 = math.exp %neg3A_657 : vector<16xf32>
        %min3A_659 = arith.constant 0.000000e+00 : f32
        %min3A_660 = vector.broadcast %min3A_659 : f32 to vector<16xf32>
        %min3A_661 = arith.minimumf %sub3A_653, %min3A_660 : vector<16xf32>
        %mul3A_662 = arith.mulf %exp3A_658, %exp3A_658 : vector<16xf32>
        %mul3A_663 = arith.mulf %mul3A_662, %mul3A_662 : vector<16xf32>
        %mul3A_664 = arith.constant 0.999010443 : f32
        %mul3A_665 = vector.broadcast %mul3A_664 : f32 to vector<16xf32>
        %mul3A_666 = arith.mulf %mul3A_665, %exp3A_658 : vector<16xf32>
        %add3A_667 = arith.constant 2.21170303E-5 : f32
        %add3A_668 = vector.broadcast %add3A_667 : f32 to vector<16xf32>
        %add3A_669 = arith.addf %add3A_668, %mul3A_666 : vector<16xf32>
        %mul3A_670 = arith.constant 0.283304334 : f32
        %mul3A_671 = vector.broadcast %mul3A_670 : f32 to vector<16xf32>
        %mul3A_672 = arith.mulf %mul3A_671, %exp3A_658 : vector<16xf32>
        %add3A_673 = arith.constant -0.489156842 : f32
        %add3A_674 = vector.broadcast %add3A_673 : f32 to vector<16xf32>
        %add3A_675 = arith.addf %add3A_674, %mul3A_672 : vector<16xf32>
        %mul3A_676 = arith.constant 0.0301026255 : f32
        %mul3A_677 = vector.broadcast %mul3A_676 : f32 to vector<16xf32>
        %mul3A_678 = arith.mulf %mul3A_677, %exp3A_658 : vector<16xf32>
        %add3A_679 = arith.constant -0.130119413 : f32
        %add3A_680 = vector.broadcast %add3A_679 : f32 to vector<16xf32>
        %add3A_681 = arith.addf %add3A_680, %mul3A_678 : vector<16xf32>
        %mul3A_682 = arith.mulf %mul3A_662, %add3A_675 : vector<16xf32>
        %add3A_683 = arith.addf %add3A_669, %mul3A_682 : vector<16xf32>
        %mul3A_684 = arith.mulf %mul3A_663, %add3A_681 : vector<16xf32>
        %add3A_685 = arith.addf %add3A_683, %mul3A_684 : vector<16xf32>
        %sub3A_686 = arith.subf %min3A_661, %add3A_685 : vector<16xf32>
        %mul3A_687 = arith.mulf %sub3A_686, %get3A_638 : vector<16xf32>
        %add3A_688 = arith.addf %add3A_622, %mul3A_687 : vector<16xf32>
        %add3A_689 = arith.addf %add3A_623, %get3A_638 : vector<16xf32>
        %get3A_690 = arith.constant 6 : i32
        %get3A_691 = arith.index_cast %scan3A_298 : i32 to index
        %get3A_692 = arith.index_cast %get3A_690 : i32 to index
        %get3A_693 = arith.constant 0 : index
        %get3A_694 = tpu.vector_load %arg9[%get3A_691, %get3A_692, %get3A_693] {strides = array<i32>} : memref<25x8x32xi32, #tpu.memory_space<vmem>>, vector<16xi32>,
        %get3A_695 = arith.constant 6 : i32
        %get3A_696 = arith.index_cast %scan3A_298 : i32 to index
        %get3A_697 = arith.index_cast %get3A_695 : i32 to index
        %get3A_698 = arith.constant 0 : index
        %get3A_699 = tpu.vector_load %arg11[%get3A_696, %get3A_697, %get3A_698] {strides = array<i32>} : memref<25x8x32xi32, #tpu.memory_space<vmem>>, vector<16xi32>,
        %get3A_700 = arith.constant 6 : i32
        %get3A_701 = arith.index_cast %scan3A_298 : i32 to index
        %get3A_702 = arith.index_cast %get3A_700 : i32 to index
        %get3A_703 = arith.constant 0 : index
        %get3A_704 = tpu.vector_load %arg13[%get3A_701, %get3A_702, %get3A_703] {strides = array<i32>} : memref<25x8x32xf32, #tpu.memory_space<vmem>>, vector<16xf32>,
        %shift_right_arithmetic3A_705 = arith.constant 3 : i32
        %shift_right_arithmetic3A_706 = vector.broadcast %shift_right_arithmetic3A_705 : i32 to vector<16xi32>
        %shift_right_arithmetic3A_707 = arith.shrsi %get3A_694, %shift_right_arithmetic3A_706 : vector<16xi32>
        %and3A_708 = arith.constant 7 : i32
        %and3A_709 = vector.broadcast %and3A_708 : i32 to vector<16xi32>
        %and3A_710 = arith.andi %get3A_694, %and3A_709 : vector<16xi32>
        %gather3A_711 = tpu.vector_load_idx %arg7[%shift_right_arithmetic3A_707, %and3A_710, %add3A_213] : memref<125x8x32xf32, #tpu.memory_space<vmem>>[vector<16xi32>, vector<16xi32>, vector<16xi32>], vector<16xf32>,
        %shift_right_arithmetic3A_712 = arith.constant 3 : i32
        %shift_right_arithmetic3A_713 = vector.broadcast %shift_right_arithmetic3A_712 : i32 to vector<16xi32>
        %shift_right_arithmetic3A_714 = arith.shrsi %get3A_699, %shift_right_arithmetic3A_713 : vector<16xi32>
        %and3A_715 = arith.constant 7 : i32
        %and3A_716 = vector.broadcast %and3A_715 : i32 to vector<16xi32>
        %and3A_717 = arith.andi %get3A_699, %and3A_716 : vector<16xi32>
        %gather3A_718 = tpu.vector_load_idx %arg7[%shift_right_arithmetic3A_714, %and3A_717, %add3A_213] : memref<125x8x32xf32, #tpu.memory_space<vmem>>[vector<16xi32>, vector<16xi32>, vector<16xi32>], vector<16xf32>,
        %sub3A_719 = arith.subf %gather3A_711, %gather3A_718 : vector<16xf32>
        %abs3A_720 = math.absf %sub3A_719 : vector<16xf32>
        %neg3A_721 = arith.constant 0.000000e+00 : f32
        %neg3A_722 = vector.broadcast %neg3A_721 : f32 to vector<16xf32>
        %neg3A_723 = arith.subf %neg3A_722, %abs3A_720 : vector<16xf32>
        %exp3A_724 = math.exp %neg3A_723 : vector<16xf32>
        %min3A_725 = arith.constant 0.000000e+00 : f32
        %min3A_726 = vector.broadcast %min3A_725 : f32 to vector<16xf32>
        %min3A_727 = arith.minimumf %sub3A_719, %min3A_726 : vector<16xf32>
        %mul3A_728 = arith.mulf %exp3A_724, %exp3A_724 : vector<16xf32>
        %mul3A_729 = arith.mulf %mul3A_728, %mul3A_728 : vector<16xf32>
        %mul3A_730 = arith.constant 0.999010443 : f32
        %mul3A_731 = vector.broadcast %mul3A_730 : f32 to vector<16xf32>
        %mul3A_732 = arith.mulf %mul3A_731, %exp3A_724 : vector<16xf32>
        %add3A_733 = arith.constant 2.21170303E-5 : f32
        %add3A_734 = vector.broadcast %add3A_733 : f32 to vector<16xf32>
        %add3A_735 = arith.addf %add3A_734, %mul3A_732 : vector<16xf32>
        %mul3A_736 = arith.constant 0.283304334 : f32
        %mul3A_737 = vector.broadcast %mul3A_736 : f32 to vector<16xf32>
        %mul3A_738 = arith.mulf %mul3A_737, %exp3A_724 : vector<16xf32>
        %add3A_739 = arith.constant -0.489156842 : f32
        %add3A_740 = vector.broadcast %add3A_739 : f32 to vector<16xf32>
        %add3A_741 = arith.addf %add3A_740, %mul3A_738 : vector<16xf32>
        %mul3A_742 = arith.constant 0.0301026255 : f32
        %mul3A_743 = vector.broadcast %mul3A_742 : f32 to vector<16xf32>
        %mul3A_744 = arith.mulf %mul3A_743, %exp3A_724 : vector<16xf32>
        %add3A_745 = arith.constant -0.130119413 : f32
        %add3A_746 = vector.broadcast %add3A_745 : f32 to vector<16xf32>
        %add3A_747 = arith.addf %add3A_746, %mul3A_744 : vector<16xf32>
        %mul3A_748 = arith.mulf %mul3A_728, %add3A_741 : vector<16xf32>
        %add3A_749 = arith.addf %add3A_735, %mul3A_748 : vector<16xf32>
        %mul3A_750 = arith.mulf %mul3A_729, %add3A_747 : vector<16xf32>
        %add3A_751 = arith.addf %add3A_749, %mul3A_750 : vector<16xf32>
        %sub3A_752 = arith.subf %min3A_727, %add3A_751 : vector<16xf32>
        %mul3A_753 = arith.mulf %sub3A_752, %get3A_704 : vector<16xf32>
        %add3A_754 = arith.addf %add3A_688, %mul3A_753 : vector<16xf32>
        %add3A_755 = arith.addf %add3A_689, %get3A_704 : vector<16xf32>
        %get3A_756 = arith.constant 7 : i32
        %get3A_757 = arith.index_cast %scan3A_298 : i32 to index
        %get3A_758 = arith.index_cast %get3A_756 : i32 to index
        %get3A_759 = arith.constant 0 : index
        %get3A_760 = tpu.vector_load %arg9[%get3A_757, %get3A_758, %get3A_759] {strides = array<i32>} : memref<25x8x32xi32, #tpu.memory_space<vmem>>, vector<16xi32>,
        %get3A_761 = arith.constant 7 : i32
        %get3A_762 = arith.index_cast %scan3A_298 : i32 to index
        %get3A_763 = arith.index_cast %get3A_761 : i32 to index
        %get3A_764 = arith.constant 0 : index
        %get3A_765 = tpu.vector_load %arg11[%get3A_762, %get3A_763, %get3A_764] {strides = array<i32>} : memref<25x8x32xi32, #tpu.memory_space<vmem>>, vector<16xi32>,
        %get3A_766 = arith.constant 7 : i32
        %get3A_767 = arith.index_cast %scan3A_298 : i32 to index
        %get3A_768 = arith.index_cast %get3A_766 : i32 to index
        %get3A_769 = arith.constant 0 : index
        %get3A_770 = tpu.vector_load %arg13[%get3A_767, %get3A_768, %get3A_769] {strides = array<i32>} : memref<25x8x32xf32, #tpu.memory_space<vmem>>, vector<16xf32>,
        %shift_right_arithmetic3A_771 = arith.constant 3 : i32
        %shift_right_arithmetic3A_772 = vector.broadcast %shift_right_arithmetic3A_771 : i32 to vector<16xi32>
        %shift_right_arithmetic3A_773 = arith.shrsi %get3A_760, %shift_right_arithmetic3A_772 : vector<16xi32>
        %and3A_774 = arith.constant 7 : i32
        %and3A_775 = vector.broadcast %and3A_774 : i32 to vector<16xi32>
        %and3A_776 = arith.andi %get3A_760, %and3A_775 : vector<16xi32>
        %gather3A_777 = tpu.vector_load_idx %arg7[%shift_right_arithmetic3A_773, %and3A_776, %add3A_213] : memref<125x8x32xf32, #tpu.memory_space<vmem>>[vector<16xi32>, vector<16xi32>, vector<16xi32>], vector<16xf32>,
        %shift_right_arithmetic3A_778 = arith.constant 3 : i32
        %shift_right_arithmetic3A_779 = vector.broadcast %shift_right_arithmetic3A_778 : i32 to vector<16xi32>
        %shift_right_arithmetic3A_780 = arith.shrsi %get3A_765, %shift_right_arithmetic3A_779 : vector<16xi32>
        %and3A_781 = arith.constant 7 : i32
        %and3A_782 = vector.broadcast %and3A_781 : i32 to vector<16xi32>
        %and3A_783 = arith.andi %get3A_765, %and3A_782 : vector<16xi32>
        %gather3A_784 = tpu.vector_load_idx %arg7[%shift_right_arithmetic3A_780, %and3A_783, %add3A_213] : memref<125x8x32xf32, #tpu.memory_space<vmem>>[vector<16xi32>, vector<16xi32>, vector<16xi32>], vector<16xf32>,
        %sub3A_785 = arith.subf %gather3A_777, %gather3A_784 : vector<16xf32>
        %abs3A_786 = math.absf %sub3A_785 : vector<16xf32>
        %neg3A_787 = arith.constant 0.000000e+00 : f32
        %neg3A_788 = vector.broadcast %neg3A_787 : f32 to vector<16xf32>
        %neg3A_789 = arith.subf %neg3A_788, %abs3A_786 : vector<16xf32>
        %exp3A_790 = math.exp %neg3A_789 : vector<16xf32>
        %min3A_791 = arith.constant 0.000000e+00 : f32
        %min3A_792 = vector.broadcast %min3A_791 : f32 to vector<16xf32>
        %min3A_793 = arith.minimumf %sub3A_785, %min3A_792 : vector<16xf32>
        %mul3A_794 = arith.mulf %exp3A_790, %exp3A_790 : vector<16xf32>
        %mul3A_795 = arith.mulf %mul3A_794, %mul3A_794 : vector<16xf32>
        %mul3A_796 = arith.constant 0.999010443 : f32
        %mul3A_797 = vector.broadcast %mul3A_796 : f32 to vector<16xf32>
        %mul3A_798 = arith.mulf %mul3A_797, %exp3A_790 : vector<16xf32>
        %add3A_799 = arith.constant 2.21170303E-5 : f32
        %add3A_800 = vector.broadcast %add3A_799 : f32 to vector<16xf32>
        %add3A_801 = arith.addf %add3A_800, %mul3A_798 : vector<16xf32>
        %mul3A_802 = arith.constant 0.283304334 : f32
        %mul3A_803 = vector.broadcast %mul3A_802 : f32 to vector<16xf32>
        %mul3A_804 = arith.mulf %mul3A_803, %exp3A_790 : vector<16xf32>
        %add3A_805 = arith.constant -0.489156842 : f32
        %add3A_806 = vector.broadcast %add3A_805 : f32 to vector<16xf32>
        %add3A_807 = arith.addf %add3A_806, %mul3A_804 : vector<16xf32>
        %mul3A_808 = arith.constant 0.0301026255 : f32
        %mul3A_809 = vector.broadcast %mul3A_808 : f32 to vector<16xf32>
        %mul3A_810 = arith.mulf %mul3A_809, %exp3A_790 : vector<16xf32>
        %add3A_811 = arith.constant -0.130119413 : f32
        %add3A_812 = vector.broadcast %add3A_811 : f32 to vector<16xf32>
        %add3A_813 = arith.addf %add3A_812, %mul3A_810 : vector<16xf32>
        %mul3A_814 = arith.mulf %mul3A_794, %add3A_807 : vector<16xf32>
        %add3A_815 = arith.addf %add3A_801, %mul3A_814 : vector<16xf32>
        %mul3A_816 = arith.mulf %mul3A_795, %add3A_813 : vector<16xf32>
        %add3A_817 = arith.addf %add3A_815, %mul3A_816 : vector<16xf32>
        %sub3A_818 = arith.subf %min3A_793, %add3A_817 : vector<16xf32>
        %mul3A_819 = arith.mulf %sub3A_818, %get3A_770 : vector<16xf32>
        %add3A_820 = arith.addf %add3A_754, %mul3A_819 : vector<16xf32>
        %add3A_821 = arith.addf %add3A_755, %get3A_770 : vector<16xf32>
        scf.yield %add3A_820, %add3A_821 : vector<16xf32>, vector<16xf32>
      }
      %scan3A_219 = arith.constant 25 : i32
      %add3A_220 = arith.constant 16 : i32
      %add3A_221 = vector.broadcast %add3A_220 : i32 to vector<16xi32>
      %add3A_222 = arith.addi %iota3A, %add3A_221 : vector<16xi32>
      %scan3A_223 = arith.constant 0 : i32
      %scan3A_224 = arith.constant 25 : i32
      %scan3A_225 = arith.addi %scan3A_223, %scan3A_224 : i32
      %scan3A_226 = arith.constant 1 : i32
      %scan3A_227:2 = scf.for %scan3A_298 = %scan3A_223 to %scan3A_225 step %scan3A_226 iter_args(%scan3A_299 = %scan3A_218#0, %scan3A_300 = %scan3A_218#1) -> (vector<16xf32>, vector<16xf32>)  : i32 {
        %get3A = arith.constant 0 : i32
        %get3A_301 = arith.index_cast %scan3A_298 : i32 to index
        %get3A_302 = arith.index_cast %get3A : i32 to index
        %get3A_303 = arith.constant 16 : index
        %get3A_304 = tpu.vector_load %arg9[%get3A_301, %get3A_302, %get3A_303] {strides = array<i32>} : memref<25x8x32xi32, #tpu.memory_space<vmem>>, vector<16xi32>,
        %get3A_305 = arith.constant 0 : i32
        %get3A_306 = arith.index_cast %scan3A_298 : i32 to index
        %get3A_307 = arith.index_cast %get3A_305 : i32 to index
        %get3A_308 = arith.constant 16 : index
        %get3A_309 = tpu.vector_load %arg11[%get3A_306, %get3A_307, %get3A_308] {strides = array<i32>} : memref<25x8x32xi32, #tpu.memory_space<vmem>>, vector<16xi32>,
        %get3A_310 = arith.constant 0 : i32
        %get3A_311 = arith.index_cast %scan3A_298 : i32 to index
        %get3A_312 = arith.index_cast %get3A_310 : i32 to index
        %get3A_313 = arith.constant 16 : index
        %get3A_314 = tpu.vector_load %arg13[%get3A_311, %get3A_312, %get3A_313] {strides = array<i32>} : memref<25x8x32xf32, #tpu.memory_space<vmem>>, vector<16xf32>,
        %shift_right_arithmetic3A = arith.constant 3 : i32
        %shift_right_arithmetic3A_315 = vector.broadcast %shift_right_arithmetic3A : i32 to vector<16xi32>
        %shift_right_arithmetic3A_316 = arith.shrsi %get3A_304, %shift_right_arithmetic3A_315 : vector<16xi32>
        %and3A_317 = arith.constant 7 : i32
        %and3A_318 = vector.broadcast %and3A_317 : i32 to vector<16xi32>
        %and3A_319 = arith.andi %get3A_304, %and3A_318 : vector<16xi32>
        %gather3A = tpu.vector_load_idx %arg7[%shift_right_arithmetic3A_316, %and3A_319, %add3A_222] : memref<125x8x32xf32, #tpu.memory_space<vmem>>[vector<16xi32>, vector<16xi32>, vector<16xi32>], vector<16xf32>,
        %shift_right_arithmetic3A_320 = arith.constant 3 : i32
        %shift_right_arithmetic3A_321 = vector.broadcast %shift_right_arithmetic3A_320 : i32 to vector<16xi32>
        %shift_right_arithmetic3A_322 = arith.shrsi %get3A_309, %shift_right_arithmetic3A_321 : vector<16xi32>
        %and3A_323 = arith.constant 7 : i32
        %and3A_324 = vector.broadcast %and3A_323 : i32 to vector<16xi32>
        %and3A_325 = arith.andi %get3A_309, %and3A_324 : vector<16xi32>
        %gather3A_326 = tpu.vector_load_idx %arg7[%shift_right_arithmetic3A_322, %and3A_325, %add3A_222] : memref<125x8x32xf32, #tpu.memory_space<vmem>>[vector<16xi32>, vector<16xi32>, vector<16xi32>], vector<16xf32>,
        %sub3A_327 = arith.subf %gather3A, %gather3A_326 : vector<16xf32>
        %abs3A = math.absf %sub3A_327 : vector<16xf32>
        %neg3A = arith.constant 0.000000e+00 : f32
        %neg3A_328 = vector.broadcast %neg3A : f32 to vector<16xf32>
        %neg3A_329 = arith.subf %neg3A_328, %abs3A : vector<16xf32>
        %exp3A = math.exp %neg3A_329 : vector<16xf32>
        %min3A = arith.constant 0.000000e+00 : f32
        %min3A_330 = vector.broadcast %min3A : f32 to vector<16xf32>
        %min3A_331 = arith.minimumf %sub3A_327, %min3A_330 : vector<16xf32>
        %mul3A_332 = arith.mulf %exp3A, %exp3A : vector<16xf32>
        %mul3A_333 = arith.mulf %mul3A_332, %mul3A_332 : vector<16xf32>
        %mul3A_334 = arith.constant 0.999010443 : f32
        %mul3A_335 = vector.broadcast %mul3A_334 : f32 to vector<16xf32>
        %mul3A_336 = arith.mulf %mul3A_335, %exp3A : vector<16xf32>
        %add3A_337 = arith.constant 2.21170303E-5 : f32
        %add3A_338 = vector.broadcast %add3A_337 : f32 to vector<16xf32>
        %add3A_339 = arith.addf %add3A_338, %mul3A_336 : vector<16xf32>
        %mul3A_340 = arith.constant 0.283304334 : f32
        %mul3A_341 = vector.broadcast %mul3A_340 : f32 to vector<16xf32>
        %mul3A_342 = arith.mulf %mul3A_341, %exp3A : vector<16xf32>
        %add3A_343 = arith.constant -0.489156842 : f32
        %add3A_344 = vector.broadcast %add3A_343 : f32 to vector<16xf32>
        %add3A_345 = arith.addf %add3A_344, %mul3A_342 : vector<16xf32>
        %mul3A_346 = arith.constant 0.0301026255 : f32
        %mul3A_347 = vector.broadcast %mul3A_346 : f32 to vector<16xf32>
        %mul3A_348 = arith.mulf %mul3A_347, %exp3A : vector<16xf32>
        %add3A_349 = arith.constant -0.130119413 : f32
        %add3A_350 = vector.broadcast %add3A_349 : f32 to vector<16xf32>
        %add3A_351 = arith.addf %add3A_350, %mul3A_348 : vector<16xf32>
        %mul3A_352 = arith.mulf %mul3A_332, %add3A_345 : vector<16xf32>
        %add3A_353 = arith.addf %add3A_339, %mul3A_352 : vector<16xf32>
        %mul3A_354 = arith.mulf %mul3A_333, %add3A_351 : vector<16xf32>
        %add3A_355 = arith.addf %add3A_353, %mul3A_354 : vector<16xf32>
        %sub3A_356 = arith.subf %min3A_331, %add3A_355 : vector<16xf32>
        %mul3A_357 = arith.mulf %sub3A_356, %get3A_314 : vector<16xf32>
        %add3A_358 = arith.addf %scan3A_299, %mul3A_357 : vector<16xf32>
        %add3A_359 = arith.addf %scan3A_300, %get3A_314 : vector<16xf32>
        %get3A_360 = arith.constant 1 : i32
        %get3A_361 = arith.index_cast %scan3A_298 : i32 to index
        %get3A_362 = arith.index_cast %get3A_360 : i32 to index
        %get3A_363 = arith.constant 16 : index
        %get3A_364 = tpu.vector_load %arg9[%get3A_361, %get3A_362, %get3A_363] {strides = array<i32>} : memref<25x8x32xi32, #tpu.memory_space<vmem>>, vector<16xi32>,
        %get3A_365 = arith.constant 1 : i32
        %get3A_366 = arith.index_cast %scan3A_298 : i32 to index
        %get3A_367 = arith.index_cast %get3A_365 : i32 to index
        %get3A_368 = arith.constant 16 : index
        %get3A_369 = tpu.vector_load %arg11[%get3A_366, %get3A_367, %get3A_368] {strides = array<i32>} : memref<25x8x32xi32, #tpu.memory_space<vmem>>, vector<16xi32>,
        %get3A_370 = arith.constant 1 : i32
        %get3A_371 = arith.index_cast %scan3A_298 : i32 to index
        %get3A_372 = arith.index_cast %get3A_370 : i32 to index
        %get3A_373 = arith.constant 16 : index
        %get3A_374 = tpu.vector_load %arg13[%get3A_371, %get3A_372, %get3A_373] {strides = array<i32>} : memref<25x8x32xf32, #tpu.memory_space<vmem>>, vector<16xf32>,
        %shift_right_arithmetic3A_375 = arith.constant 3 : i32
        %shift_right_arithmetic3A_376 = vector.broadcast %shift_right_arithmetic3A_375 : i32 to vector<16xi32>
        %shift_right_arithmetic3A_377 = arith.shrsi %get3A_364, %shift_right_arithmetic3A_376 : vector<16xi32>
        %and3A_378 = arith.constant 7 : i32
        %and3A_379 = vector.broadcast %and3A_378 : i32 to vector<16xi32>
        %and3A_380 = arith.andi %get3A_364, %and3A_379 : vector<16xi32>
        %gather3A_381 = tpu.vector_load_idx %arg7[%shift_right_arithmetic3A_377, %and3A_380, %add3A_222] : memref<125x8x32xf32, #tpu.memory_space<vmem>>[vector<16xi32>, vector<16xi32>, vector<16xi32>], vector<16xf32>,
        %shift_right_arithmetic3A_382 = arith.constant 3 : i32
        %shift_right_arithmetic3A_383 = vector.broadcast %shift_right_arithmetic3A_382 : i32 to vector<16xi32>
        %shift_right_arithmetic3A_384 = arith.shrsi %get3A_369, %shift_right_arithmetic3A_383 : vector<16xi32>
        %and3A_385 = arith.constant 7 : i32
        %and3A_386 = vector.broadcast %and3A_385 : i32 to vector<16xi32>
        %and3A_387 = arith.andi %get3A_369, %and3A_386 : vector<16xi32>
        %gather3A_388 = tpu.vector_load_idx %arg7[%shift_right_arithmetic3A_384, %and3A_387, %add3A_222] : memref<125x8x32xf32, #tpu.memory_space<vmem>>[vector<16xi32>, vector<16xi32>, vector<16xi32>], vector<16xf32>,
        %sub3A_389 = arith.subf %gather3A_381, %gather3A_388 : vector<16xf32>
        %abs3A_390 = math.absf %sub3A_389 : vector<16xf32>
        %neg3A_391 = arith.constant 0.000000e+00 : f32
        %neg3A_392 = vector.broadcast %neg3A_391 : f32 to vector<16xf32>
        %neg3A_393 = arith.subf %neg3A_392, %abs3A_390 : vector<16xf32>
        %exp3A_394 = math.exp %neg3A_393 : vector<16xf32>
        %min3A_395 = arith.constant 0.000000e+00 : f32
        %min3A_396 = vector.broadcast %min3A_395 : f32 to vector<16xf32>
        %min3A_397 = arith.minimumf %sub3A_389, %min3A_396 : vector<16xf32>
        %mul3A_398 = arith.mulf %exp3A_394, %exp3A_394 : vector<16xf32>
        %mul3A_399 = arith.mulf %mul3A_398, %mul3A_398 : vector<16xf32>
        %mul3A_400 = arith.constant 0.999010443 : f32
        %mul3A_401 = vector.broadcast %mul3A_400 : f32 to vector<16xf32>
        %mul3A_402 = arith.mulf %mul3A_401, %exp3A_394 : vector<16xf32>
        %add3A_403 = arith.constant 2.21170303E-5 : f32
        %add3A_404 = vector.broadcast %add3A_403 : f32 to vector<16xf32>
        %add3A_405 = arith.addf %add3A_404, %mul3A_402 : vector<16xf32>
        %mul3A_406 = arith.constant 0.283304334 : f32
        %mul3A_407 = vector.broadcast %mul3A_406 : f32 to vector<16xf32>
        %mul3A_408 = arith.mulf %mul3A_407, %exp3A_394 : vector<16xf32>
        %add3A_409 = arith.constant -0.489156842 : f32
        %add3A_410 = vector.broadcast %add3A_409 : f32 to vector<16xf32>
        %add3A_411 = arith.addf %add3A_410, %mul3A_408 : vector<16xf32>
        %mul3A_412 = arith.constant 0.0301026255 : f32
        %mul3A_413 = vector.broadcast %mul3A_412 : f32 to vector<16xf32>
        %mul3A_414 = arith.mulf %mul3A_413, %exp3A_394 : vector<16xf32>
        %add3A_415 = arith.constant -0.130119413 : f32
        %add3A_416 = vector.broadcast %add3A_415 : f32 to vector<16xf32>
        %add3A_417 = arith.addf %add3A_416, %mul3A_414 : vector<16xf32>
        %mul3A_418 = arith.mulf %mul3A_398, %add3A_411 : vector<16xf32>
        %add3A_419 = arith.addf %add3A_405, %mul3A_418 : vector<16xf32>
        %mul3A_420 = arith.mulf %mul3A_399, %add3A_417 : vector<16xf32>
        %add3A_421 = arith.addf %add3A_419, %mul3A_420 : vector<16xf32>
        %sub3A_422 = arith.subf %min3A_397, %add3A_421 : vector<16xf32>
        %mul3A_423 = arith.mulf %sub3A_422, %get3A_374 : vector<16xf32>
        %add3A_424 = arith.addf %add3A_358, %mul3A_423 : vector<16xf32>
        %add3A_425 = arith.addf %add3A_359, %get3A_374 : vector<16xf32>
        %get3A_426 = arith.constant 2 : i32
        %get3A_427 = arith.index_cast %scan3A_298 : i32 to index
        %get3A_428 = arith.index_cast %get3A_426 : i32 to index
        %get3A_429 = arith.constant 16 : index
        %get3A_430 = tpu.vector_load %arg9[%get3A_427, %get3A_428, %get3A_429] {strides = array<i32>} : memref<25x8x32xi32, #tpu.memory_space<vmem>>, vector<16xi32>,
        %get3A_431 = arith.constant 2 : i32
        %get3A_432 = arith.index_cast %scan3A_298 : i32 to index
        %get3A_433 = arith.index_cast %get3A_431 : i32 to index
        %get3A_434 = arith.constant 16 : index
        %get3A_435 = tpu.vector_load %arg11[%get3A_432, %get3A_433, %get3A_434] {strides = array<i32>} : memref<25x8x32xi32, #tpu.memory_space<vmem>>, vector<16xi32>,
        %get3A_436 = arith.constant 2 : i32
        %get3A_437 = arith.index_cast %scan3A_298 : i32 to index
        %get3A_438 = arith.index_cast %get3A_436 : i32 to index
        %get3A_439 = arith.constant 16 : index
        %get3A_440 = tpu.vector_load %arg13[%get3A_437, %get3A_438, %get3A_439] {strides = array<i32>} : memref<25x8x32xf32, #tpu.memory_space<vmem>>, vector<16xf32>,
        %shift_right_arithmetic3A_441 = arith.constant 3 : i32
        %shift_right_arithmetic3A_442 = vector.broadcast %shift_right_arithmetic3A_441 : i32 to vector<16xi32>
        %shift_right_arithmetic3A_443 = arith.shrsi %get3A_430, %shift_right_arithmetic3A_442 : vector<16xi32>
        %and3A_444 = arith.constant 7 : i32
        %and3A_445 = vector.broadcast %and3A_444 : i32 to vector<16xi32>
        %and3A_446 = arith.andi %get3A_430, %and3A_445 : vector<16xi32>
        %gather3A_447 = tpu.vector_load_idx %arg7[%shift_right_arithmetic3A_443, %and3A_446, %add3A_222] : memref<125x8x32xf32, #tpu.memory_space<vmem>>[vector<16xi32>, vector<16xi32>, vector<16xi32>], vector<16xf32>,
        %shift_right_arithmetic3A_448 = arith.constant 3 : i32
        %shift_right_arithmetic3A_449 = vector.broadcast %shift_right_arithmetic3A_448 : i32 to vector<16xi32>
        %shift_right_arithmetic3A_450 = arith.shrsi %get3A_435, %shift_right_arithmetic3A_449 : vector<16xi32>
        %and3A_451 = arith.constant 7 : i32
        %and3A_452 = vector.broadcast %and3A_451 : i32 to vector<16xi32>
        %and3A_453 = arith.andi %get3A_435, %and3A_452 : vector<16xi32>
        %gather3A_454 = tpu.vector_load_idx %arg7[%shift_right_arithmetic3A_450, %and3A_453, %add3A_222] : memref<125x8x32xf32, #tpu.memory_space<vmem>>[vector<16xi32>, vector<16xi32>, vector<16xi32>], vector<16xf32>,
        %sub3A_455 = arith.subf %gather3A_447, %gather3A_454 : vector<16xf32>
        %abs3A_456 = math.absf %sub3A_455 : vector<16xf32>
        %neg3A_457 = arith.constant 0.000000e+00 : f32
        %neg3A_458 = vector.broadcast %neg3A_457 : f32 to vector<16xf32>
        %neg3A_459 = arith.subf %neg3A_458, %abs3A_456 : vector<16xf32>
        %exp3A_460 = math.exp %neg3A_459 : vector<16xf32>
        %min3A_461 = arith.constant 0.000000e+00 : f32
        %min3A_462 = vector.broadcast %min3A_461 : f32 to vector<16xf32>
        %min3A_463 = arith.minimumf %sub3A_455, %min3A_462 : vector<16xf32>
        %mul3A_464 = arith.mulf %exp3A_460, %exp3A_460 : vector<16xf32>
        %mul3A_465 = arith.mulf %mul3A_464, %mul3A_464 : vector<16xf32>
        %mul3A_466 = arith.constant 0.999010443 : f32
        %mul3A_467 = vector.broadcast %mul3A_466 : f32 to vector<16xf32>
        %mul3A_468 = arith.mulf %mul3A_467, %exp3A_460 : vector<16xf32>
        %add3A_469 = arith.constant 2.21170303E-5 : f32
        %add3A_470 = vector.broadcast %add3A_469 : f32 to vector<16xf32>
        %add3A_471 = arith.addf %add3A_470, %mul3A_468 : vector<16xf32>
        %mul3A_472 = arith.constant 0.283304334 : f32
        %mul3A_473 = vector.broadcast %mul3A_472 : f32 to vector<16xf32>
        %mul3A_474 = arith.mulf %mul3A_473, %exp3A_460 : vector<16xf32>
        %add3A_475 = arith.constant -0.489156842 : f32
        %add3A_476 = vector.broadcast %add3A_475 : f32 to vector<16xf32>
        %add3A_477 = arith.addf %add3A_476, %mul3A_474 : vector<16xf32>
        %mul3A_478 = arith.constant 0.0301026255 : f32
        %mul3A_479 = vector.broadcast %mul3A_478 : f32 to vector<16xf32>
        %mul3A_480 = arith.mulf %mul3A_479, %exp3A_460 : vector<16xf32>
        %add3A_481 = arith.constant -0.130119413 : f32
        %add3A_482 = vector.broadcast %add3A_481 : f32 to vector<16xf32>
        %add3A_483 = arith.addf %add3A_482, %mul3A_480 : vector<16xf32>
        %mul3A_484 = arith.mulf %mul3A_464, %add3A_477 : vector<16xf32>
        %add3A_485 = arith.addf %add3A_471, %mul3A_484 : vector<16xf32>
        %mul3A_486 = arith.mulf %mul3A_465, %add3A_483 : vector<16xf32>
        %add3A_487 = arith.addf %add3A_485, %mul3A_486 : vector<16xf32>
        %sub3A_488 = arith.subf %min3A_463, %add3A_487 : vector<16xf32>
        %mul3A_489 = arith.mulf %sub3A_488, %get3A_440 : vector<16xf32>
        %add3A_490 = arith.addf %add3A_424, %mul3A_489 : vector<16xf32>
        %add3A_491 = arith.addf %add3A_425, %get3A_440 : vector<16xf32>
        %get3A_492 = arith.constant 3 : i32
        %get3A_493 = arith.index_cast %scan3A_298 : i32 to index
        %get3A_494 = arith.index_cast %get3A_492 : i32 to index
        %get3A_495 = arith.constant 16 : index
        %get3A_496 = tpu.vector_load %arg9[%get3A_493, %get3A_494, %get3A_495] {strides = array<i32>} : memref<25x8x32xi32, #tpu.memory_space<vmem>>, vector<16xi32>,
        %get3A_497 = arith.constant 3 : i32
        %get3A_498 = arith.index_cast %scan3A_298 : i32 to index
        %get3A_499 = arith.index_cast %get3A_497 : i32 to index
        %get3A_500 = arith.constant 16 : index
        %get3A_501 = tpu.vector_load %arg11[%get3A_498, %get3A_499, %get3A_500] {strides = array<i32>} : memref<25x8x32xi32, #tpu.memory_space<vmem>>, vector<16xi32>,
        %get3A_502 = arith.constant 3 : i32
        %get3A_503 = arith.index_cast %scan3A_298 : i32 to index
        %get3A_504 = arith.index_cast %get3A_502 : i32 to index
        %get3A_505 = arith.constant 16 : index
        %get3A_506 = tpu.vector_load %arg13[%get3A_503, %get3A_504, %get3A_505] {strides = array<i32>} : memref<25x8x32xf32, #tpu.memory_space<vmem>>, vector<16xf32>,
        %shift_right_arithmetic3A_507 = arith.constant 3 : i32
        %shift_right_arithmetic3A_508 = vector.broadcast %shift_right_arithmetic3A_507 : i32 to vector<16xi32>
        %shift_right_arithmetic3A_509 = arith.shrsi %get3A_496, %shift_right_arithmetic3A_508 : vector<16xi32>
        %and3A_510 = arith.constant 7 : i32
        %and3A_511 = vector.broadcast %and3A_510 : i32 to vector<16xi32>
        %and3A_512 = arith.andi %get3A_496, %and3A_511 : vector<16xi32>
        %gather3A_513 = tpu.vector_load_idx %arg7[%shift_right_arithmetic3A_509, %and3A_512, %add3A_222] : memref<125x8x32xf32, #tpu.memory_space<vmem>>[vector<16xi32>, vector<16xi32>, vector<16xi32>], vector<16xf32>,
        %shift_right_arithmetic3A_514 = arith.constant 3 : i32
        %shift_right_arithmetic3A_515 = vector.broadcast %shift_right_arithmetic3A_514 : i32 to vector<16xi32>
        %shift_right_arithmetic3A_516 = arith.shrsi %get3A_501, %shift_right_arithmetic3A_515 : vector<16xi32>
        %and3A_517 = arith.constant 7 : i32
        %and3A_518 = vector.broadcast %and3A_517 : i32 to vector<16xi32>
        %and3A_519 = arith.andi %get3A_501, %and3A_518 : vector<16xi32>
        %gather3A_520 = tpu.vector_load_idx %arg7[%shift_right_arithmetic3A_516, %and3A_519, %add3A_222] : memref<125x8x32xf32, #tpu.memory_space<vmem>>[vector<16xi32>, vector<16xi32>, vector<16xi32>], vector<16xf32>,
        %sub3A_521 = arith.subf %gather3A_513, %gather3A_520 : vector<16xf32>
        %abs3A_522 = math.absf %sub3A_521 : vector<16xf32>
        %neg3A_523 = arith.constant 0.000000e+00 : f32
        %neg3A_524 = vector.broadcast %neg3A_523 : f32 to vector<16xf32>
        %neg3A_525 = arith.subf %neg3A_524, %abs3A_522 : vector<16xf32>
        %exp3A_526 = math.exp %neg3A_525 : vector<16xf32>
        %min3A_527 = arith.constant 0.000000e+00 : f32
        %min3A_528 = vector.broadcast %min3A_527 : f32 to vector<16xf32>
        %min3A_529 = arith.minimumf %sub3A_521, %min3A_528 : vector<16xf32>
        %mul3A_530 = arith.mulf %exp3A_526, %exp3A_526 : vector<16xf32>
        %mul3A_531 = arith.mulf %mul3A_530, %mul3A_530 : vector<16xf32>
        %mul3A_532 = arith.constant 0.999010443 : f32
        %mul3A_533 = vector.broadcast %mul3A_532 : f32 to vector<16xf32>
        %mul3A_534 = arith.mulf %mul3A_533, %exp3A_526 : vector<16xf32>
        %add3A_535 = arith.constant 2.21170303E-5 : f32
        %add3A_536 = vector.broadcast %add3A_535 : f32 to vector<16xf32>
        %add3A_537 = arith.addf %add3A_536, %mul3A_534 : vector<16xf32>
        %mul3A_538 = arith.constant 0.283304334 : f32
        %mul3A_539 = vector.broadcast %mul3A_538 : f32 to vector<16xf32>
        %mul3A_540 = arith.mulf %mul3A_539, %exp3A_526 : vector<16xf32>
        %add3A_541 = arith.constant -0.489156842 : f32
        %add3A_542 = vector.broadcast %add3A_541 : f32 to vector<16xf32>
        %add3A_543 = arith.addf %add3A_542, %mul3A_540 : vector<16xf32>
        %mul3A_544 = arith.constant 0.0301026255 : f32
        %mul3A_545 = vector.broadcast %mul3A_544 : f32 to vector<16xf32>
        %mul3A_546 = arith.mulf %mul3A_545, %exp3A_526 : vector<16xf32>
        %add3A_547 = arith.constant -0.130119413 : f32
        %add3A_548 = vector.broadcast %add3A_547 : f32 to vector<16xf32>
        %add3A_549 = arith.addf %add3A_548, %mul3A_546 : vector<16xf32>
        %mul3A_550 = arith.mulf %mul3A_530, %add3A_543 : vector<16xf32>
        %add3A_551 = arith.addf %add3A_537, %mul3A_550 : vector<16xf32>
        %mul3A_552 = arith.mulf %mul3A_531, %add3A_549 : vector<16xf32>
        %add3A_553 = arith.addf %add3A_551, %mul3A_552 : vector<16xf32>
        %sub3A_554 = arith.subf %min3A_529, %add3A_553 : vector<16xf32>
        %mul3A_555 = arith.mulf %sub3A_554, %get3A_506 : vector<16xf32>
        %add3A_556 = arith.addf %add3A_490, %mul3A_555 : vector<16xf32>
        %add3A_557 = arith.addf %add3A_491, %get3A_506 : vector<16xf32>
        %get3A_558 = arith.constant 4 : i32
        %get3A_559 = arith.index_cast %scan3A_298 : i32 to index
        %get3A_560 = arith.index_cast %get3A_558 : i32 to index
        %get3A_561 = arith.constant 16 : index
        %get3A_562 = tpu.vector_load %arg9[%get3A_559, %get3A_560, %get3A_561] {strides = array<i32>} : memref<25x8x32xi32, #tpu.memory_space<vmem>>, vector<16xi32>,
        %get3A_563 = arith.constant 4 : i32
        %get3A_564 = arith.index_cast %scan3A_298 : i32 to index
        %get3A_565 = arith.index_cast %get3A_563 : i32 to index
        %get3A_566 = arith.constant 16 : index
        %get3A_567 = tpu.vector_load %arg11[%get3A_564, %get3A_565, %get3A_566] {strides = array<i32>} : memref<25x8x32xi32, #tpu.memory_space<vmem>>, vector<16xi32>,
        %get3A_568 = arith.constant 4 : i32
        %get3A_569 = arith.index_cast %scan3A_298 : i32 to index
        %get3A_570 = arith.index_cast %get3A_568 : i32 to index
        %get3A_571 = arith.constant 16 : index
        %get3A_572 = tpu.vector_load %arg13[%get3A_569, %get3A_570, %get3A_571] {strides = array<i32>} : memref<25x8x32xf32, #tpu.memory_space<vmem>>, vector<16xf32>,
        %shift_right_arithmetic3A_573 = arith.constant 3 : i32
        %shift_right_arithmetic3A_574 = vector.broadcast %shift_right_arithmetic3A_573 : i32 to vector<16xi32>
        %shift_right_arithmetic3A_575 = arith.shrsi %get3A_562, %shift_right_arithmetic3A_574 : vector<16xi32>
        %and3A_576 = arith.constant 7 : i32
        %and3A_577 = vector.broadcast %and3A_576 : i32 to vector<16xi32>
        %and3A_578 = arith.andi %get3A_562, %and3A_577 : vector<16xi32>
        %gather3A_579 = tpu.vector_load_idx %arg7[%shift_right_arithmetic3A_575, %and3A_578, %add3A_222] : memref<125x8x32xf32, #tpu.memory_space<vmem>>[vector<16xi32>, vector<16xi32>, vector<16xi32>], vector<16xf32>,
        %shift_right_arithmetic3A_580 = arith.constant 3 : i32
        %shift_right_arithmetic3A_581 = vector.broadcast %shift_right_arithmetic3A_580 : i32 to vector<16xi32>
        %shift_right_arithmetic3A_582 = arith.shrsi %get3A_567, %shift_right_arithmetic3A_581 : vector<16xi32>
        %and3A_583 = arith.constant 7 : i32
        %and3A_584 = vector.broadcast %and3A_583 : i32 to vector<16xi32>
        %and3A_585 = arith.andi %get3A_567, %and3A_584 : vector<16xi32>
        %gather3A_586 = tpu.vector_load_idx %arg7[%shift_right_arithmetic3A_582, %and3A_585, %add3A_222] : memref<125x8x32xf32, #tpu.memory_space<vmem>>[vector<16xi32>, vector<16xi32>, vector<16xi32>], vector<16xf32>,
        %sub3A_587 = arith.subf %gather3A_579, %gather3A_586 : vector<16xf32>
        %abs3A_588 = math.absf %sub3A_587 : vector<16xf32>
        %neg3A_589 = arith.constant 0.000000e+00 : f32
        %neg3A_590 = vector.broadcast %neg3A_589 : f32 to vector<16xf32>
        %neg3A_591 = arith.subf %neg3A_590, %abs3A_588 : vector<16xf32>
        %exp3A_592 = math.exp %neg3A_591 : vector<16xf32>
        %min3A_593 = arith.constant 0.000000e+00 : f32
        %min3A_594 = vector.broadcast %min3A_593 : f32 to vector<16xf32>
        %min3A_595 = arith.minimumf %sub3A_587, %min3A_594 : vector<16xf32>
        %mul3A_596 = arith.mulf %exp3A_592, %exp3A_592 : vector<16xf32>
        %mul3A_597 = arith.mulf %mul3A_596, %mul3A_596 : vector<16xf32>
        %mul3A_598 = arith.constant 0.999010443 : f32
        %mul3A_599 = vector.broadcast %mul3A_598 : f32 to vector<16xf32>
        %mul3A_600 = arith.mulf %mul3A_599, %exp3A_592 : vector<16xf32>
        %add3A_601 = arith.constant 2.21170303E-5 : f32
        %add3A_602 = vector.broadcast %add3A_601 : f32 to vector<16xf32>
        %add3A_603 = arith.addf %add3A_602, %mul3A_600 : vector<16xf32>
        %mul3A_604 = arith.constant 0.283304334 : f32
        %mul3A_605 = vector.broadcast %mul3A_604 : f32 to vector<16xf32>
        %mul3A_606 = arith.mulf %mul3A_605, %exp3A_592 : vector<16xf32>
        %add3A_607 = arith.constant -0.489156842 : f32
        %add3A_608 = vector.broadcast %add3A_607 : f32 to vector<16xf32>
        %add3A_609 = arith.addf %add3A_608, %mul3A_606 : vector<16xf32>
        %mul3A_610 = arith.constant 0.0301026255 : f32
        %mul3A_611 = vector.broadcast %mul3A_610 : f32 to vector<16xf32>
        %mul3A_612 = arith.mulf %mul3A_611, %exp3A_592 : vector<16xf32>
        %add3A_613 = arith.constant -0.130119413 : f32
        %add3A_614 = vector.broadcast %add3A_613 : f32 to vector<16xf32>
        %add3A_615 = arith.addf %add3A_614, %mul3A_612 : vector<16xf32>
        %mul3A_616 = arith.mulf %mul3A_596, %add3A_609 : vector<16xf32>
        %add3A_617 = arith.addf %add3A_603, %mul3A_616 : vector<16xf32>
        %mul3A_618 = arith.mulf %mul3A_597, %add3A_615 : vector<16xf32>
        %add3A_619 = arith.addf %add3A_617, %mul3A_618 : vector<16xf32>
        %sub3A_620 = arith.subf %min3A_595, %add3A_619 : vector<16xf32>
        %mul3A_621 = arith.mulf %sub3A_620, %get3A_572 : vector<16xf32>
        %add3A_622 = arith.addf %add3A_556, %mul3A_621 : vector<16xf32>
        %add3A_623 = arith.addf %add3A_557, %get3A_572 : vector<16xf32>
        %get3A_624 = arith.constant 5 : i32
        %get3A_625 = arith.index_cast %scan3A_298 : i32 to index
        %get3A_626 = arith.index_cast %get3A_624 : i32 to index
        %get3A_627 = arith.constant 16 : index
        %get3A_628 = tpu.vector_load %arg9[%get3A_625, %get3A_626, %get3A_627] {strides = array<i32>} : memref<25x8x32xi32, #tpu.memory_space<vmem>>, vector<16xi32>,
        %get3A_629 = arith.constant 5 : i32
        %get3A_630 = arith.index_cast %scan3A_298 : i32 to index
        %get3A_631 = arith.index_cast %get3A_629 : i32 to index
        %get3A_632 = arith.constant 16 : index
        %get3A_633 = tpu.vector_load %arg11[%get3A_630, %get3A_631, %get3A_632] {strides = array<i32>} : memref<25x8x32xi32, #tpu.memory_space<vmem>>, vector<16xi32>,
        %get3A_634 = arith.constant 5 : i32
        %get3A_635 = arith.index_cast %scan3A_298 : i32 to index
        %get3A_636 = arith.index_cast %get3A_634 : i32 to index
        %get3A_637 = arith.constant 16 : index
        %get3A_638 = tpu.vector_load %arg13[%get3A_635, %get3A_636, %get3A_637] {strides = array<i32>} : memref<25x8x32xf32, #tpu.memory_space<vmem>>, vector<16xf32>,
        %shift_right_arithmetic3A_639 = arith.constant 3 : i32
        %shift_right_arithmetic3A_640 = vector.broadcast %shift_right_arithmetic3A_639 : i32 to vector<16xi32>
        %shift_right_arithmetic3A_641 = arith.shrsi %get3A_628, %shift_right_arithmetic3A_640 : vector<16xi32>
        %and3A_642 = arith.constant 7 : i32
        %and3A_643 = vector.broadcast %and3A_642 : i32 to vector<16xi32>
        %and3A_644 = arith.andi %get3A_628, %and3A_643 : vector<16xi32>
        %gather3A_645 = tpu.vector_load_idx %arg7[%shift_right_arithmetic3A_641, %and3A_644, %add3A_222] : memref<125x8x32xf32, #tpu.memory_space<vmem>>[vector<16xi32>, vector<16xi32>, vector<16xi32>], vector<16xf32>,
        %shift_right_arithmetic3A_646 = arith.constant 3 : i32
        %shift_right_arithmetic3A_647 = vector.broadcast %shift_right_arithmetic3A_646 : i32 to vector<16xi32>
        %shift_right_arithmetic3A_648 = arith.shrsi %get3A_633, %shift_right_arithmetic3A_647 : vector<16xi32>
        %and3A_649 = arith.constant 7 : i32
        %and3A_650 = vector.broadcast %and3A_649 : i32 to vector<16xi32>
        %and3A_651 = arith.andi %get3A_633, %and3A_650 : vector<16xi32>
        %gather3A_652 = tpu.vector_load_idx %arg7[%shift_right_arithmetic3A_648, %and3A_651, %add3A_222] : memref<125x8x32xf32, #tpu.memory_space<vmem>>[vector<16xi32>, vector<16xi32>, vector<16xi32>], vector<16xf32>,
        %sub3A_653 = arith.subf %gather3A_645, %gather3A_652 : vector<16xf32>
        %abs3A_654 = math.absf %sub3A_653 : vector<16xf32>
        %neg3A_655 = arith.constant 0.000000e+00 : f32
        %neg3A_656 = vector.broadcast %neg3A_655 : f32 to vector<16xf32>
        %neg3A_657 = arith.subf %neg3A_656, %abs3A_654 : vector<16xf32>
        %exp3A_658 = math.exp %neg3A_657 : vector<16xf32>
        %min3A_659 = arith.constant 0.000000e+00 : f32
        %min3A_660 = vector.broadcast %min3A_659 : f32 to vector<16xf32>
        %min3A_661 = arith.minimumf %sub3A_653, %min3A_660 : vector<16xf32>
        %mul3A_662 = arith.mulf %exp3A_658, %exp3A_658 : vector<16xf32>
        %mul3A_663 = arith.mulf %mul3A_662, %mul3A_662 : vector<16xf32>
        %mul3A_664 = arith.constant 0.999010443 : f32
        %mul3A_665 = vector.broadcast %mul3A_664 : f32 to vector<16xf32>
        %mul3A_666 = arith.mulf %mul3A_665, %exp3A_658 : vector<16xf32>
        %add3A_667 = arith.constant 2.21170303E-5 : f32
        %add3A_668 = vector.broadcast %add3A_667 : f32 to vector<16xf32>
        %add3A_669 = arith.addf %add3A_668, %mul3A_666 : vector<16xf32>
        %mul3A_670 = arith.constant 0.283304334 : f32
        %mul3A_671 = vector.broadcast %mul3A_670 : f32 to vector<16xf32>
        %mul3A_672 = arith.mulf %mul3A_671, %exp3A_658 : vector<16xf32>
        %add3A_673 = arith.constant -0.489156842 : f32
        %add3A_674 = vector.broadcast %add3A_673 : f32 to vector<16xf32>
        %add3A_675 = arith.addf %add3A_674, %mul3A_672 : vector<16xf32>
        %mul3A_676 = arith.constant 0.0301026255 : f32
        %mul3A_677 = vector.broadcast %mul3A_676 : f32 to vector<16xf32>
        %mul3A_678 = arith.mulf %mul3A_677, %exp3A_658 : vector<16xf32>
        %add3A_679 = arith.constant -0.130119413 : f32
        %add3A_680 = vector.broadcast %add3A_679 : f32 to vector<16xf32>
        %add3A_681 = arith.addf %add3A_680, %mul3A_678 : vector<16xf32>
        %mul3A_682 = arith.mulf %mul3A_662, %add3A_675 : vector<16xf32>
        %add3A_683 = arith.addf %add3A_669, %mul3A_682 : vector<16xf32>
        %mul3A_684 = arith.mulf %mul3A_663, %add3A_681 : vector<16xf32>
        %add3A_685 = arith.addf %add3A_683, %mul3A_684 : vector<16xf32>
        %sub3A_686 = arith.subf %min3A_661, %add3A_685 : vector<16xf32>
        %mul3A_687 = arith.mulf %sub3A_686, %get3A_638 : vector<16xf32>
        %add3A_688 = arith.addf %add3A_622, %mul3A_687 : vector<16xf32>
        %add3A_689 = arith.addf %add3A_623, %get3A_638 : vector<16xf32>
        %get3A_690 = arith.constant 6 : i32
        %get3A_691 = arith.index_cast %scan3A_298 : i32 to index
        %get3A_692 = arith.index_cast %get3A_690 : i32 to index
        %get3A_693 = arith.constant 16 : index
        %get3A_694 = tpu.vector_load %arg9[%get3A_691, %get3A_692, %get3A_693] {strides = array<i32>} : memref<25x8x32xi32, #tpu.memory_space<vmem>>, vector<16xi32>,
        %get3A_695 = arith.constant 6 : i32
        %get3A_696 = arith.index_cast %scan3A_298 : i32 to index
        %get3A_697 = arith.index_cast %get3A_695 : i32 to index
        %get3A_698 = arith.constant 16 : index
        %get3A_699 = tpu.vector_load %arg11[%get3A_696, %get3A_697, %get3A_698] {strides = array<i32>} : memref<25x8x32xi32, #tpu.memory_space<vmem>>, vector<16xi32>,
        %get3A_700 = arith.constant 6 : i32
        %get3A_701 = arith.index_cast %scan3A_298 : i32 to index
        %get3A_702 = arith.index_cast %get3A_700 : i32 to index
        %get3A_703 = arith.constant 16 : index
        %get3A_704 = tpu.vector_load %arg13[%get3A_701, %get3A_702, %get3A_703] {strides = array<i32>} : memref<25x8x32xf32, #tpu.memory_space<vmem>>, vector<16xf32>,
        %shift_right_arithmetic3A_705 = arith.constant 3 : i32
        %shift_right_arithmetic3A_706 = vector.broadcast %shift_right_arithmetic3A_705 : i32 to vector<16xi32>
        %shift_right_arithmetic3A_707 = arith.shrsi %get3A_694, %shift_right_arithmetic3A_706 : vector<16xi32>
        %and3A_708 = arith.constant 7 : i32
        %and3A_709 = vector.broadcast %and3A_708 : i32 to vector<16xi32>
        %and3A_710 = arith.andi %get3A_694, %and3A_709 : vector<16xi32>
        %gather3A_711 = tpu.vector_load_idx %arg7[%shift_right_arithmetic3A_707, %and3A_710, %add3A_222] : memref<125x8x32xf32, #tpu.memory_space<vmem>>[vector<16xi32>, vector<16xi32>, vector<16xi32>], vector<16xf32>,
        %shift_right_arithmetic3A_712 = arith.constant 3 : i32
        %shift_right_arithmetic3A_713 = vector.broadcast %shift_right_arithmetic3A_712 : i32 to vector<16xi32>
        %shift_right_arithmetic3A_714 = arith.shrsi %get3A_699, %shift_right_arithmetic3A_713 : vector<16xi32>
        %and3A_715 = arith.constant 7 : i32
        %and3A_716 = vector.broadcast %and3A_715 : i32 to vector<16xi32>
        %and3A_717 = arith.andi %get3A_699, %and3A_716 : vector<16xi32>
        %gather3A_718 = tpu.vector_load_idx %arg7[%shift_right_arithmetic3A_714, %and3A_717, %add3A_222] : memref<125x8x32xf32, #tpu.memory_space<vmem>>[vector<16xi32>, vector<16xi32>, vector<16xi32>], vector<16xf32>,
        %sub3A_719 = arith.subf %gather3A_711, %gather3A_718 : vector<16xf32>
        %abs3A_720 = math.absf %sub3A_719 : vector<16xf32>
        %neg3A_721 = arith.constant 0.000000e+00 : f32
        %neg3A_722 = vector.broadcast %neg3A_721 : f32 to vector<16xf32>
        %neg3A_723 = arith.subf %neg3A_722, %abs3A_720 : vector<16xf32>
        %exp3A_724 = math.exp %neg3A_723 : vector<16xf32>
        %min3A_725 = arith.constant 0.000000e+00 : f32
        %min3A_726 = vector.broadcast %min3A_725 : f32 to vector<16xf32>
        %min3A_727 = arith.minimumf %sub3A_719, %min3A_726 : vector<16xf32>
        %mul3A_728 = arith.mulf %exp3A_724, %exp3A_724 : vector<16xf32>
        %mul3A_729 = arith.mulf %mul3A_728, %mul3A_728 : vector<16xf32>
        %mul3A_730 = arith.constant 0.999010443 : f32
        %mul3A_731 = vector.broadcast %mul3A_730 : f32 to vector<16xf32>
        %mul3A_732 = arith.mulf %mul3A_731, %exp3A_724 : vector<16xf32>
        %add3A_733 = arith.constant 2.21170303E-5 : f32
        %add3A_734 = vector.broadcast %add3A_733 : f32 to vector<16xf32>
        %add3A_735 = arith.addf %add3A_734, %mul3A_732 : vector<16xf32>
        %mul3A_736 = arith.constant 0.283304334 : f32
        %mul3A_737 = vector.broadcast %mul3A_736 : f32 to vector<16xf32>
        %mul3A_738 = arith.mulf %mul3A_737, %exp3A_724 : vector<16xf32>
        %add3A_739 = arith.constant -0.489156842 : f32
        %add3A_740 = vector.broadcast %add3A_739 : f32 to vector<16xf32>
        %add3A_741 = arith.addf %add3A_740, %mul3A_738 : vector<16xf32>
        %mul3A_742 = arith.constant 0.0301026255 : f32
        %mul3A_743 = vector.broadcast %mul3A_742 : f32 to vector<16xf32>
        %mul3A_744 = arith.mulf %mul3A_743, %exp3A_724 : vector<16xf32>
        %add3A_745 = arith.constant -0.130119413 : f32
        %add3A_746 = vector.broadcast %add3A_745 : f32 to vector<16xf32>
        %add3A_747 = arith.addf %add3A_746, %mul3A_744 : vector<16xf32>
        %mul3A_748 = arith.mulf %mul3A_728, %add3A_741 : vector<16xf32>
        %add3A_749 = arith.addf %add3A_735, %mul3A_748 : vector<16xf32>
        %mul3A_750 = arith.mulf %mul3A_729, %add3A_747 : vector<16xf32>
        %add3A_751 = arith.addf %add3A_749, %mul3A_750 : vector<16xf32>
        %sub3A_752 = arith.subf %min3A_727, %add3A_751 : vector<16xf32>
        %mul3A_753 = arith.mulf %sub3A_752, %get3A_704 : vector<16xf32>
        %add3A_754 = arith.addf %add3A_688, %mul3A_753 : vector<16xf32>
        %add3A_755 = arith.addf %add3A_689, %get3A_704 : vector<16xf32>
        %get3A_756 = arith.constant 7 : i32
        %get3A_757 = arith.index_cast %scan3A_298 : i32 to index
        %get3A_758 = arith.index_cast %get3A_756 : i32 to index
        %get3A_759 = arith.constant 16 : index
        %get3A_760 = tpu.vector_load %arg9[%get3A_757, %get3A_758, %get3A_759] {strides = array<i32>} : memref<25x8x32xi32, #tpu.memory_space<vmem>>, vector<16xi32>,
        %get3A_761 = arith.constant 7 : i32
        %get3A_762 = arith.index_cast %scan3A_298 : i32 to index
        %get3A_763 = arith.index_cast %get3A_761 : i32 to index
        %get3A_764 = arith.constant 16 : index
        %get3A_765 = tpu.vector_load %arg11[%get3A_762, %get3A_763, %get3A_764] {strides = array<i32>} : memref<25x8x32xi32, #tpu.memory_space<vmem>>, vector<16xi32>,
        %get3A_766 = arith.constant 7 : i32
        %get3A_767 = arith.index_cast %scan3A_298 : i32 to index
        %get3A_768 = arith.index_cast %get3A_766 : i32 to index
        %get3A_769 = arith.constant 16 : index
        %get3A_770 = tpu.vector_load %arg13[%get3A_767, %get3A_768, %get3A_769] {strides = array<i32>} : memref<25x8x32xf32, #tpu.memory_space<vmem>>, vector<16xf32>,
        %shift_right_arithmetic3A_771 = arith.constant 3 : i32
        %shift_right_arithmetic3A_772 = vector.broadcast %shift_right_arithmetic3A_771 : i32 to vector<16xi32>
        %shift_right_arithmetic3A_773 = arith.shrsi %get3A_760, %shift_right_arithmetic3A_772 : vector<16xi32>
        %and3A_774 = arith.constant 7 : i32
        %and3A_775 = vector.broadcast %and3A_774 : i32 to vector<16xi32>
        %and3A_776 = arith.andi %get3A_760, %and3A_775 : vector<16xi32>
        %gather3A_777 = tpu.vector_load_idx %arg7[%shift_right_arithmetic3A_773, %and3A_776, %add3A_222] : memref<125x8x32xf32, #tpu.memory_space<vmem>>[vector<16xi32>, vector<16xi32>, vector<16xi32>], vector<16xf32>,
        %shift_right_arithmetic3A_778 = arith.constant 3 : i32
        %shift_right_arithmetic3A_779 = vector.broadcast %shift_right_arithmetic3A_778 : i32 to vector<16xi32>
        %shift_right_arithmetic3A_780 = arith.shrsi %get3A_765, %shift_right_arithmetic3A_779 : vector<16xi32>
        %and3A_781 = arith.constant 7 : i32
        %and3A_782 = vector.broadcast %and3A_781 : i32 to vector<16xi32>
        %and3A_783 = arith.andi %get3A_765, %and3A_782 : vector<16xi32>
        %gather3A_784 = tpu.vector_load_idx %arg7[%shift_right_arithmetic3A_780, %and3A_783, %add3A_222] : memref<125x8x32xf32, #tpu.memory_space<vmem>>[vector<16xi32>, vector<16xi32>, vector<16xi32>], vector<16xf32>,
        %sub3A_785 = arith.subf %gather3A_777, %gather3A_784 : vector<16xf32>
        %abs3A_786 = math.absf %sub3A_785 : vector<16xf32>
        %neg3A_787 = arith.constant 0.000000e+00 : f32
        %neg3A_788 = vector.broadcast %neg3A_787 : f32 to vector<16xf32>
        %neg3A_789 = arith.subf %neg3A_788, %abs3A_786 : vector<16xf32>
        %exp3A_790 = math.exp %neg3A_789 : vector<16xf32>
        %min3A_791 = arith.constant 0.000000e+00 : f32
        %min3A_792 = vector.broadcast %min3A_791 : f32 to vector<16xf32>
        %min3A_793 = arith.minimumf %sub3A_785, %min3A_792 : vector<16xf32>
        %mul3A_794 = arith.mulf %exp3A_790, %exp3A_790 : vector<16xf32>
        %mul3A_795 = arith.mulf %mul3A_794, %mul3A_794 : vector<16xf32>
        %mul3A_796 = arith.constant 0.999010443 : f32
        %mul3A_797 = vector.broadcast %mul3A_796 : f32 to vector<16xf32>
        %mul3A_798 = arith.mulf %mul3A_797, %exp3A_790 : vector<16xf32>
        %add3A_799 = arith.constant 2.21170303E-5 : f32
        %add3A_800 = vector.broadcast %add3A_799 : f32 to vector<16xf32>
        %add3A_801 = arith.addf %add3A_800, %mul3A_798 : vector<16xf32>
        %mul3A_802 = arith.constant 0.283304334 : f32
        %mul3A_803 = vector.broadcast %mul3A_802 : f32 to vector<16xf32>
        %mul3A_804 = arith.mulf %mul3A_803, %exp3A_790 : vector<16xf32>
        %add3A_805 = arith.constant -0.489156842 : f32
        %add3A_806 = vector.broadcast %add3A_805 : f32 to vector<16xf32>
        %add3A_807 = arith.addf %add3A_806, %mul3A_804 : vector<16xf32>
        %mul3A_808 = arith.constant 0.0301026255 : f32
        %mul3A_809 = vector.broadcast %mul3A_808 : f32 to vector<16xf32>
        %mul3A_810 = arith.mulf %mul3A_809, %exp3A_790 : vector<16xf32>
        %add3A_811 = arith.constant -0.130119413 : f32
        %add3A_812 = vector.broadcast %add3A_811 : f32 to vector<16xf32>
        %add3A_813 = arith.addf %add3A_812, %mul3A_810 : vector<16xf32>
        %mul3A_814 = arith.mulf %mul3A_794, %add3A_807 : vector<16xf32>
        %add3A_815 = arith.addf %add3A_801, %mul3A_814 : vector<16xf32>
        %mul3A_816 = arith.mulf %mul3A_795, %add3A_813 : vector<16xf32>
        %add3A_817 = arith.addf %add3A_815, %mul3A_816 : vector<16xf32>
        %sub3A_818 = arith.subf %min3A_793, %add3A_817 : vector<16xf32>
        %mul3A_819 = arith.mulf %sub3A_818, %get3A_770 : vector<16xf32>
        %add3A_820 = arith.addf %add3A_754, %mul3A_819 : vector<16xf32>
        %add3A_821 = arith.addf %add3A_755, %get3A_770 : vector<16xf32>
        scf.yield %add3A_820, %add3A_821 : vector<16xf32>, vector<16xf32>
      }
      %scan3A_228 = arith.constant 25 : i32
      %mul3A_229 = arith.constant 2 : i32
      %mul3A_230 = arith.muli %mul3A_229, %scan3A_84 : i32
      %add3A_231 = arith.constant 2 : i32
      %add3A_232 = arith.addi %mul3A_230, %add3A_231 : i32
      %lt3A_233 = arith.constant 16 : i32
      %lt3A_234 = arith.cmpi slt, %add3A_232, %lt3A_233 : i32
      %convert_element_type3A = arith.extui %lt3A_234 : i1 to i32
      %cond3A = arith.constant 0 : i32
      %cond3A_235 = arith.cmpi ne, %convert_element_type3A, %cond3A : i32
      scf.if %cond3A_235 {
        %mul3A_298 = arith.constant 2 : i32
        %mul3A_299 = arith.muli %mul3A_298, %scan3A_84 : i32
        %add3A_300 = arith.constant 2 : i32
        %add3A_301 = arith.addi %mul3A_299, %add3A_300 : i32
        %mul3A_302 = arith.constant 4 : i32
        %mul3A_303 = arith.muli %add3A, %mul3A_302 : i32
        %jit3A_304 = arith.constant 4 : i32
        %div3A_305 = arith.divsi %add3A_301, %jit3A_304 : i32
        %sign3A_306 = arith.constant 0 : i32
        %sign3A_307 = arith.cmpi sgt, %add3A_301, %sign3A_306 : i32
        %sign3A_308 = arith.extui %sign3A_307 : i1 to i32
        %sign3A_309 = arith.constant 0 : i32
        %sign3A_310 = arith.cmpi slt, %add3A_301, %sign3A_309 : i32
        %sign3A_311 = arith.extui %sign3A_310 : i1 to i32
        %sign3A_312 = arith.subi %sign3A_308, %sign3A_311 : i32
        %sign3A_313 = arith.constant 0 : i32
        %sign3A_314 = arith.cmpi sgt, %jit3A_304, %sign3A_313 : i32
        %sign3A_315 = arith.extui %sign3A_314 : i1 to i32
        %sign3A_316 = arith.constant 0 : i32
        %sign3A_317 = arith.cmpi slt, %jit3A_304, %sign3A_316 : i32
        %sign3A_318 = arith.extui %sign3A_317 : i1 to i32
        %sign3A_319 = arith.subi %sign3A_315, %sign3A_318 : i32
        %ne3A_320 = arith.cmpi ne, %sign3A_312, %sign3A_319 : i32
        %rem3A_321 = arith.remsi %add3A_301, %jit3A_304 : i32
        %ne3A_322 = arith.constant 0 : i32
        %ne3A_323 = arith.cmpi ne, %rem3A_321, %ne3A_322 : i32
        %and3A_324 = arith.andi %ne3A_320, %ne3A_323 : i1
        %sub3A_325 = arith.constant 1 : i32
        %sub3A_326 = arith.subi %div3A_305, %sub3A_325 : i32
        %select_n3A_327 = arith.select %and3A_324, %sub3A_326, %div3A_305 : i32
        %add3A_328 = arith.addi %mul3A_303, %select_n3A_327 : i32
        %jit3A_329 = arith.constant 4 : i32
        %eq3A_330 = arith.constant 0 : i32
        %eq3A_331 = arith.cmpi eq, %jit3A_329, %eq3A_330 : i32
        %jit3A_332 = arith.constant 1 : i32
        %select_n3A_333 = arith.select %eq3A_331, %jit3A_332, %jit3A_329 : i32
        %rem3A_334 = arith.remsi %add3A_301, %select_n3A_333 : i32
        %ne3A_335 = arith.constant 0 : i32
        %ne3A_336 = arith.cmpi ne, %rem3A_334, %ne3A_335 : i32
        %lt3A_337 = arith.constant 0 : i32
        %lt3A_338 = arith.cmpi slt, %rem3A_334, %lt3A_337 : i32
        %lt3A_339 = arith.constant 0 : i32
        %lt3A_340 = arith.cmpi slt, %select_n3A_333, %lt3A_339 : i32
        %ne3A_341 = arith.xori %lt3A_338, %lt3A_340 : i1
        %and3A_342 = arith.andi %ne3A_341, %ne3A_336 : i1
        %add3A_343 = arith.addi %rem3A_334, %select_n3A_333 : i32
        %select_n3A_344 = arith.select %and3A_342, %add3A_343, %rem3A_334 : i32
        %mul3A_345 = arith.constant 32 : i32
        %mul3A_346 = arith.muli %select_n3A_344, %mul3A_345 : i32
        %dma_start3A_347 = arith.constant 0 : i32
        %dma_start3A_348 = arith.constant 0 : i32
        %dma_start3A_349 = tpu.memref_slice %arg2[%dma_start3A_347, %add3A_328, %dma_start3A_348, %mul3A_346] : memref<125x128x8x128xf32, #tpu.memory_space<hbm>> -> memref<125x1x8x32xf32, #tpu.memory_space<hbm>>
        %dma_start3A_350 = tpu.memref_squeeze %dma_start3A_349 : memref<125x1x8x32xf32, #tpu.memory_space<hbm>> -> memref<125x8x32xf32, #tpu.memory_space<hbm>>
        %dma_start3A_351 = arith.constant 0 : i32
        %dma_start3A_352 = arith.constant 0 : i32
        %dma_start3A_353 = tpu.memref_slice %arg2[%dma_start3A_351, %add3A_328, %dma_start3A_352, %mul3A_346] : memref<125x128x8x128xf32, #tpu.memory_space<hbm>> -> memref<125x1x8x32xf32, #tpu.memory_space<hbm>>
        %dma_start3A_354 = tpu.memref_squeeze %dma_start3A_353 : memref<125x1x8x32xf32, #tpu.memory_space<hbm>> -> memref<125x8x32xf32, #tpu.memory_space<hbm>>
        tpu.enqueue_dma source(%dma_start3A_354 : memref<125x8x32xf32, #tpu.memory_space<hbm>>) target(%arg7 : memref<125x8x32xf32, #tpu.memory_space<vmem>>) target_semaphore(%arg16 : memref<!tpu.dma_semaphore, #tpu.memory_space<semaphore_mem>>)
        %dma_start3A_355 = arith.constant 0 : i32
        %dma_start3A_356 = arith.constant 0 : i32
        %dma_start3A_357 = tpu.memref_slice %arg3[%dma_start3A_355, %add3A_328, %dma_start3A_356, %mul3A_346] : memref<25x128x8x128xi32, #tpu.memory_space<hbm>> -> memref<25x1x8x32xi32, #tpu.memory_space<hbm>>
        %dma_start3A_358 = tpu.memref_squeeze %dma_start3A_357 : memref<25x1x8x32xi32, #tpu.memory_space<hbm>> -> memref<25x8x32xi32, #tpu.memory_space<hbm>>
        %dma_start3A_359 = arith.constant 0 : i32
        %dma_start3A_360 = arith.constant 0 : i32
        %dma_start3A_361 = tpu.memref_slice %arg3[%dma_start3A_359, %add3A_328, %dma_start3A_360, %mul3A_346] : memref<25x128x8x128xi32, #tpu.memory_space<hbm>> -> memref<25x1x8x32xi32, #tpu.memory_space<hbm>>
        %dma_start3A_362 = tpu.memref_squeeze %dma_start3A_361 : memref<25x1x8x32xi32, #tpu.memory_space<hbm>> -> memref<25x8x32xi32, #tpu.memory_space<hbm>>
        tpu.enqueue_dma source(%dma_start3A_362 : memref<25x8x32xi32, #tpu.memory_space<hbm>>) target(%arg9 : memref<25x8x32xi32, #tpu.memory_space<vmem>>) target_semaphore(%arg16 : memref<!tpu.dma_semaphore, #tpu.memory_space<semaphore_mem>>)
        %dma_start3A_363 = arith.constant 0 : i32
        %dma_start3A_364 = arith.constant 0 : i32
        %dma_start3A_365 = tpu.memref_slice %arg4[%dma_start3A_363, %add3A_328, %dma_start3A_364, %mul3A_346] : memref<25x128x8x128xi32, #tpu.memory_space<hbm>> -> memref<25x1x8x32xi32, #tpu.memory_space<hbm>>
        %dma_start3A_366 = tpu.memref_squeeze %dma_start3A_365 : memref<25x1x8x32xi32, #tpu.memory_space<hbm>> -> memref<25x8x32xi32, #tpu.memory_space<hbm>>
        %dma_start3A_367 = arith.constant 0 : i32
        %dma_start3A_368 = arith.constant 0 : i32
        %dma_start3A_369 = tpu.memref_slice %arg4[%dma_start3A_367, %add3A_328, %dma_start3A_368, %mul3A_346] : memref<25x128x8x128xi32, #tpu.memory_space<hbm>> -> memref<25x1x8x32xi32, #tpu.memory_space<hbm>>
        %dma_start3A_370 = tpu.memref_squeeze %dma_start3A_369 : memref<25x1x8x32xi32, #tpu.memory_space<hbm>> -> memref<25x8x32xi32, #tpu.memory_space<hbm>>
        tpu.enqueue_dma source(%dma_start3A_370 : memref<25x8x32xi32, #tpu.memory_space<hbm>>) target(%arg11 : memref<25x8x32xi32, #tpu.memory_space<vmem>>) target_semaphore(%arg16 : memref<!tpu.dma_semaphore, #tpu.memory_space<semaphore_mem>>)
        %dma_start3A_371 = arith.constant 0 : i32
        %dma_start3A_372 = arith.constant 0 : i32
        %dma_start3A_373 = tpu.memref_slice %arg5[%dma_start3A_371, %add3A_328, %dma_start3A_372, %mul3A_346] : memref<25x128x8x128xf32, #tpu.memory_space<hbm>> -> memref<25x1x8x32xf32, #tpu.memory_space<hbm>>
        %dma_start3A_374 = tpu.memref_squeeze %dma_start3A_373 : memref<25x1x8x32xf32, #tpu.memory_space<hbm>> -> memref<25x8x32xf32, #tpu.memory_space<hbm>>
        %dma_start3A_375 = arith.constant 0 : i32
        %dma_start3A_376 = arith.constant 0 : i32
        %dma_start3A_377 = tpu.memref_slice %arg5[%dma_start3A_375, %add3A_328, %dma_start3A_376, %mul3A_346] : memref<25x128x8x128xf32, #tpu.memory_space<hbm>> -> memref<25x1x8x32xf32, #tpu.memory_space<hbm>>
        %dma_start3A_378 = tpu.memref_squeeze %dma_start3A_377 : memref<25x1x8x32xf32, #tpu.memory_space<hbm>> -> memref<25x8x32xf32, #tpu.memory_space<hbm>>
        tpu.enqueue_dma source(%dma_start3A_378 : memref<25x8x32xf32, #tpu.memory_space<hbm>>) target(%arg13 : memref<25x8x32xf32, #tpu.memory_space<vmem>>) target_semaphore(%arg16 : memref<!tpu.dma_semaphore, #tpu.memory_space<semaphore_mem>>)
      } else {
      }
      %dma_wait3A_236 = arith.constant 0 : i32
      %dma_wait3A_237 = arith.constant 0 : i32
      %dma_wait3A_238 = arith.constant 0 : i32
      %dma_wait3A_239 = arith.constant 0 : i32
      %dma_wait3A_240 = tpu.memref_slice %arg2[%dma_wait3A_237, %dma_wait3A_236, %dma_wait3A_238, %dma_wait3A_239] : memref<125x128x8x128xf32, #tpu.memory_space<hbm>> -> memref<125x1x8x32xf32, #tpu.memory_space<hbm>>
      %dma_wait3A_241 = tpu.memref_squeeze %dma_wait3A_240 : memref<125x1x8x32xf32, #tpu.memory_space<hbm>> -> memref<125x8x32xf32, #tpu.memory_space<hbm>>
      %dma_wait3A_242 = arith.constant 0 : i32
      %dma_wait3A_243 = arith.constant 0 : i32
      %dma_wait3A_244 = arith.constant 0 : i32
      %dma_wait3A_245 = tpu.memref_slice %arg2[%dma_wait3A_242, %dma_wait3A_236, %dma_wait3A_243, %dma_wait3A_244] : memref<125x128x8x128xf32, #tpu.memory_space<hbm>> -> memref<125x1x8x32xf32, #tpu.memory_space<hbm>>
      %dma_wait3A_246 = tpu.memref_squeeze %dma_wait3A_245 : memref<125x1x8x32xf32, #tpu.memory_space<hbm>> -> memref<125x8x32xf32, #tpu.memory_space<hbm>>
      tpu.wait_dma2 semaphore(%arg16 : memref<!tpu.dma_semaphore, #tpu.memory_space<semaphore_mem>>) src(%dma_wait3A_246 : memref<125x8x32xf32, #tpu.memory_space<hbm>>) dst(%arg8 : memref<125x8x32xf32, #tpu.memory_space<vmem>>)
      %dma_wait3A_247 = arith.constant 0 : i32
      %dma_wait3A_248 = arith.constant 0 : i32
      %dma_wait3A_249 = arith.constant 0 : i32
      %dma_wait3A_250 = arith.constant 0 : i32
      %dma_wait3A_251 = tpu.memref_slice %arg3[%dma_wait3A_248, %dma_wait3A_247, %dma_wait3A_249, %dma_wait3A_250] : memref<25x128x8x128xi32, #tpu.memory_space<hbm>> -> memref<25x1x8x32xi32, #tpu.memory_space<hbm>>
      %dma_wait3A_252 = tpu.memref_squeeze %dma_wait3A_251 : memref<25x1x8x32xi32, #tpu.memory_space<hbm>> -> memref<25x8x32xi32, #tpu.memory_space<hbm>>
      %dma_wait3A_253 = arith.constant 0 : i32
      %dma_wait3A_254 = arith.constant 0 : i32
      %dma_wait3A_255 = arith.constant 0 : i32
      %dma_wait3A_256 = tpu.memref_slice %arg3[%dma_wait3A_253, %dma_wait3A_247, %dma_wait3A_254, %dma_wait3A_255] : memref<25x128x8x128xi32, #tpu.memory_space<hbm>> -> memref<25x1x8x32xi32, #tpu.memory_space<hbm>>
      %dma_wait3A_257 = tpu.memref_squeeze %dma_wait3A_256 : memref<25x1x8x32xi32, #tpu.memory_space<hbm>> -> memref<25x8x32xi32, #tpu.memory_space<hbm>>
      tpu.wait_dma2 semaphore(%arg16 : memref<!tpu.dma_semaphore, #tpu.memory_space<semaphore_mem>>) src(%dma_wait3A_257 : memref<25x8x32xi32, #tpu.memory_space<hbm>>) dst(%arg10 : memref<25x8x32xi32, #tpu.memory_space<vmem>>)
      %dma_wait3A_258 = arith.constant 0 : i32
      %dma_wait3A_259 = arith.constant 0 : i32
      %dma_wait3A_260 = arith.constant 0 : i32
      %dma_wait3A_261 = arith.constant 0 : i32
      %dma_wait3A_262 = tpu.memref_slice %arg4[%dma_wait3A_259, %dma_wait3A_258, %dma_wait3A_260, %dma_wait3A_261] : memref<25x128x8x128xi32, #tpu.memory_space<hbm>> -> memref<25x1x8x32xi32, #tpu.memory_space<hbm>>
      %dma_wait3A_263 = tpu.memref_squeeze %dma_wait3A_262 : memref<25x1x8x32xi32, #tpu.memory_space<hbm>> -> memref<25x8x32xi32, #tpu.memory_space<hbm>>
      %dma_wait3A_264 = arith.constant 0 : i32
      %dma_wait3A_265 = arith.constant 0 : i32
      %dma_wait3A_266 = arith.constant 0 : i32
      %dma_wait3A_267 = tpu.memref_slice %arg4[%dma_wait3A_264, %dma_wait3A_258, %dma_wait3A_265, %dma_wait3A_266] : memref<25x128x8x128xi32, #tpu.memory_space<hbm>> -> memref<25x1x8x32xi32, #tpu.memory_space<hbm>>
      %dma_wait3A_268 = tpu.memref_squeeze %dma_wait3A_267 : memref<25x1x8x32xi32, #tpu.memory_space<hbm>> -> memref<25x8x32xi32, #tpu.memory_space<hbm>>
      tpu.wait_dma2 semaphore(%arg16 : memref<!tpu.dma_semaphore, #tpu.memory_space<semaphore_mem>>) src(%dma_wait3A_268 : memref<25x8x32xi32, #tpu.memory_space<hbm>>) dst(%arg12 : memref<25x8x32xi32, #tpu.memory_space<vmem>>)
      %dma_wait3A_269 = arith.constant 0 : i32
      %dma_wait3A_270 = arith.constant 0 : i32
      %dma_wait3A_271 = arith.constant 0 : i32
      %dma_wait3A_272 = arith.constant 0 : i32
      %dma_wait3A_273 = tpu.memref_slice %arg5[%dma_wait3A_270, %dma_wait3A_269, %dma_wait3A_271, %dma_wait3A_272] : memref<25x128x8x128xf32, #tpu.memory_space<hbm>> -> memref<25x1x8x32xf32, #tpu.memory_space<hbm>>
      %dma_wait3A_274 = tpu.memref_squeeze %dma_wait3A_273 : memref<25x1x8x32xf32, #tpu.memory_space<hbm>> -> memref<25x8x32xf32, #tpu.memory_space<hbm>>
      %dma_wait3A_275 = arith.constant 0 : i32
      %dma_wait3A_276 = arith.constant 0 : i32
      %dma_wait3A_277 = arith.constant 0 : i32
      %dma_wait3A_278 = tpu.memref_slice %arg5[%dma_wait3A_275, %dma_wait3A_269, %dma_wait3A_276, %dma_wait3A_277] : memref<25x128x8x128xf32, #tpu.memory_space<hbm>> -> memref<25x1x8x32xf32, #tpu.memory_space<hbm>>
      %dma_wait3A_279 = tpu.memref_squeeze %dma_wait3A_278 : memref<25x1x8x32xf32, #tpu.memory_space<hbm>> -> memref<25x8x32xf32, #tpu.memory_space<hbm>>
      tpu.wait_dma2 semaphore(%arg16 : memref<!tpu.dma_semaphore, #tpu.memory_space<semaphore_mem>>) src(%dma_wait3A_279 : memref<25x8x32xf32, #tpu.memory_space<hbm>>) dst(%arg14 : memref<25x8x32xf32, #tpu.memory_space<vmem>>)
      %add3A_280 = arith.constant 0 : i32
      %add3A_281 = vector.broadcast %add3A_280 : i32 to vector<16xi32>
      %add3A_282 = arith.addi %iota3A, %add3A_281 : vector<16xi32>
      %scan3A_283 = arith.constant 0 : i32
      %scan3A_284 = arith.constant 25 : i32
      %scan3A_285 = arith.addi %scan3A_283, %scan3A_284 : i32
      %scan3A_286 = arith.constant 1 : i32
      %scan3A_287:2 = scf.for %scan3A_298 = %scan3A_283 to %scan3A_285 step %scan3A_286 iter_args(%scan3A_299 = %scan3A_227#0, %scan3A_300 = %scan3A_227#1) -> (vector<16xf32>, vector<16xf32>)  : i32 {
        %get3A = arith.constant 0 : i32
        %get3A_301 = arith.index_cast %scan3A_298 : i32 to index
        %get3A_302 = arith.index_cast %get3A : i32 to index
        %get3A_303 = arith.constant 0 : index
        %get3A_304 = tpu.vector_load %arg10[%get3A_301, %get3A_302, %get3A_303] {strides = array<i32>} : memref<25x8x32xi32, #tpu.memory_space<vmem>>, vector<16xi32>,
        %get3A_305 = arith.constant 0 : i32
        %get3A_306 = arith.index_cast %scan3A_298 : i32 to index
        %get3A_307 = arith.index_cast %get3A_305 : i32 to index
        %get3A_308 = arith.constant 0 : index
        %get3A_309 = tpu.vector_load %arg12[%get3A_306, %get3A_307, %get3A_308] {strides = array<i32>} : memref<25x8x32xi32, #tpu.memory_space<vmem>>, vector<16xi32>,
        %get3A_310 = arith.constant 0 : i32
        %get3A_311 = arith.index_cast %scan3A_298 : i32 to index
        %get3A_312 = arith.index_cast %get3A_310 : i32 to index
        %get3A_313 = arith.constant 0 : index
        %get3A_314 = tpu.vector_load %arg14[%get3A_311, %get3A_312, %get3A_313] {strides = array<i32>} : memref<25x8x32xf32, #tpu.memory_space<vmem>>, vector<16xf32>,
        %shift_right_arithmetic3A = arith.constant 3 : i32
        %shift_right_arithmetic3A_315 = vector.broadcast %shift_right_arithmetic3A : i32 to vector<16xi32>
        %shift_right_arithmetic3A_316 = arith.shrsi %get3A_304, %shift_right_arithmetic3A_315 : vector<16xi32>
        %and3A_317 = arith.constant 7 : i32
        %and3A_318 = vector.broadcast %and3A_317 : i32 to vector<16xi32>
        %and3A_319 = arith.andi %get3A_304, %and3A_318 : vector<16xi32>
        %gather3A = tpu.vector_load_idx %arg8[%shift_right_arithmetic3A_316, %and3A_319, %add3A_282] : memref<125x8x32xf32, #tpu.memory_space<vmem>>[vector<16xi32>, vector<16xi32>, vector<16xi32>], vector<16xf32>,
        %shift_right_arithmetic3A_320 = arith.constant 3 : i32
        %shift_right_arithmetic3A_321 = vector.broadcast %shift_right_arithmetic3A_320 : i32 to vector<16xi32>
        %shift_right_arithmetic3A_322 = arith.shrsi %get3A_309, %shift_right_arithmetic3A_321 : vector<16xi32>
        %and3A_323 = arith.constant 7 : i32
        %and3A_324 = vector.broadcast %and3A_323 : i32 to vector<16xi32>
        %and3A_325 = arith.andi %get3A_309, %and3A_324 : vector<16xi32>
        %gather3A_326 = tpu.vector_load_idx %arg8[%shift_right_arithmetic3A_322, %and3A_325, %add3A_282] : memref<125x8x32xf32, #tpu.memory_space<vmem>>[vector<16xi32>, vector<16xi32>, vector<16xi32>], vector<16xf32>,
        %sub3A_327 = arith.subf %gather3A, %gather3A_326 : vector<16xf32>
        %abs3A = math.absf %sub3A_327 : vector<16xf32>
        %neg3A = arith.constant 0.000000e+00 : f32
        %neg3A_328 = vector.broadcast %neg3A : f32 to vector<16xf32>
        %neg3A_329 = arith.subf %neg3A_328, %abs3A : vector<16xf32>
        %exp3A = math.exp %neg3A_329 : vector<16xf32>
        %min3A = arith.constant 0.000000e+00 : f32
        %min3A_330 = vector.broadcast %min3A : f32 to vector<16xf32>
        %min3A_331 = arith.minimumf %sub3A_327, %min3A_330 : vector<16xf32>
        %mul3A_332 = arith.mulf %exp3A, %exp3A : vector<16xf32>
        %mul3A_333 = arith.mulf %mul3A_332, %mul3A_332 : vector<16xf32>
        %mul3A_334 = arith.constant 0.999010443 : f32
        %mul3A_335 = vector.broadcast %mul3A_334 : f32 to vector<16xf32>
        %mul3A_336 = arith.mulf %mul3A_335, %exp3A : vector<16xf32>
        %add3A_337 = arith.constant 2.21170303E-5 : f32
        %add3A_338 = vector.broadcast %add3A_337 : f32 to vector<16xf32>
        %add3A_339 = arith.addf %add3A_338, %mul3A_336 : vector<16xf32>
        %mul3A_340 = arith.constant 0.283304334 : f32
        %mul3A_341 = vector.broadcast %mul3A_340 : f32 to vector<16xf32>
        %mul3A_342 = arith.mulf %mul3A_341, %exp3A : vector<16xf32>
        %add3A_343 = arith.constant -0.489156842 : f32
        %add3A_344 = vector.broadcast %add3A_343 : f32 to vector<16xf32>
        %add3A_345 = arith.addf %add3A_344, %mul3A_342 : vector<16xf32>
        %mul3A_346 = arith.constant 0.0301026255 : f32
        %mul3A_347 = vector.broadcast %mul3A_346 : f32 to vector<16xf32>
        %mul3A_348 = arith.mulf %mul3A_347, %exp3A : vector<16xf32>
        %add3A_349 = arith.constant -0.130119413 : f32
        %add3A_350 = vector.broadcast %add3A_349 : f32 to vector<16xf32>
        %add3A_351 = arith.addf %add3A_350, %mul3A_348 : vector<16xf32>
        %mul3A_352 = arith.mulf %mul3A_332, %add3A_345 : vector<16xf32>
        %add3A_353 = arith.addf %add3A_339, %mul3A_352 : vector<16xf32>
        %mul3A_354 = arith.mulf %mul3A_333, %add3A_351 : vector<16xf32>
        %add3A_355 = arith.addf %add3A_353, %mul3A_354 : vector<16xf32>
        %sub3A_356 = arith.subf %min3A_331, %add3A_355 : vector<16xf32>
        %mul3A_357 = arith.mulf %sub3A_356, %get3A_314 : vector<16xf32>
        %add3A_358 = arith.addf %scan3A_299, %mul3A_357 : vector<16xf32>
        %add3A_359 = arith.addf %scan3A_300, %get3A_314 : vector<16xf32>
        %get3A_360 = arith.constant 1 : i32
        %get3A_361 = arith.index_cast %scan3A_298 : i32 to index
        %get3A_362 = arith.index_cast %get3A_360 : i32 to index
        %get3A_363 = arith.constant 0 : index
        %get3A_364 = tpu.vector_load %arg10[%get3A_361, %get3A_362, %get3A_363] {strides = array<i32>} : memref<25x8x32xi32, #tpu.memory_space<vmem>>, vector<16xi32>,
        %get3A_365 = arith.constant 1 : i32
        %get3A_366 = arith.index_cast %scan3A_298 : i32 to index
        %get3A_367 = arith.index_cast %get3A_365 : i32 to index
        %get3A_368 = arith.constant 0 : index
        %get3A_369 = tpu.vector_load %arg12[%get3A_366, %get3A_367, %get3A_368] {strides = array<i32>} : memref<25x8x32xi32, #tpu.memory_space<vmem>>, vector<16xi32>,
        %get3A_370 = arith.constant 1 : i32
        %get3A_371 = arith.index_cast %scan3A_298 : i32 to index
        %get3A_372 = arith.index_cast %get3A_370 : i32 to index
        %get3A_373 = arith.constant 0 : index
        %get3A_374 = tpu.vector_load %arg14[%get3A_371, %get3A_372, %get3A_373] {strides = array<i32>} : memref<25x8x32xf32, #tpu.memory_space<vmem>>, vector<16xf32>,
        %shift_right_arithmetic3A_375 = arith.constant 3 : i32
        %shift_right_arithmetic3A_376 = vector.broadcast %shift_right_arithmetic3A_375 : i32 to vector<16xi32>
        %shift_right_arithmetic3A_377 = arith.shrsi %get3A_364, %shift_right_arithmetic3A_376 : vector<16xi32>
        %and3A_378 = arith.constant 7 : i32
        %and3A_379 = vector.broadcast %and3A_378 : i32 to vector<16xi32>
        %and3A_380 = arith.andi %get3A_364, %and3A_379 : vector<16xi32>
        %gather3A_381 = tpu.vector_load_idx %arg8[%shift_right_arithmetic3A_377, %and3A_380, %add3A_282] : memref<125x8x32xf32, #tpu.memory_space<vmem>>[vector<16xi32>, vector<16xi32>, vector<16xi32>], vector<16xf32>,
        %shift_right_arithmetic3A_382 = arith.constant 3 : i32
        %shift_right_arithmetic3A_383 = vector.broadcast %shift_right_arithmetic3A_382 : i32 to vector<16xi32>
        %shift_right_arithmetic3A_384 = arith.shrsi %get3A_369, %shift_right_arithmetic3A_383 : vector<16xi32>
        %and3A_385 = arith.constant 7 : i32
        %and3A_386 = vector.broadcast %and3A_385 : i32 to vector<16xi32>
        %and3A_387 = arith.andi %get3A_369, %and3A_386 : vector<16xi32>
        %gather3A_388 = tpu.vector_load_idx %arg8[%shift_right_arithmetic3A_384, %and3A_387, %add3A_282] : memref<125x8x32xf32, #tpu.memory_space<vmem>>[vector<16xi32>, vector<16xi32>, vector<16xi32>], vector<16xf32>,
        %sub3A_389 = arith.subf %gather3A_381, %gather3A_388 : vector<16xf32>
        %abs3A_390 = math.absf %sub3A_389 : vector<16xf32>
        %neg3A_391 = arith.constant 0.000000e+00 : f32
        %neg3A_392 = vector.broadcast %neg3A_391 : f32 to vector<16xf32>
        %neg3A_393 = arith.subf %neg3A_392, %abs3A_390 : vector<16xf32>
        %exp3A_394 = math.exp %neg3A_393 : vector<16xf32>
        %min3A_395 = arith.constant 0.000000e+00 : f32
        %min3A_396 = vector.broadcast %min3A_395 : f32 to vector<16xf32>
        %min3A_397 = arith.minimumf %sub3A_389, %min3A_396 : vector<16xf32>
        %mul3A_398 = arith.mulf %exp3A_394, %exp3A_394 : vector<16xf32>
        %mul3A_399 = arith.mulf %mul3A_398, %mul3A_398 : vector<16xf32>
        %mul3A_400 = arith.constant 0.999010443 : f32
        %mul3A_401 = vector.broadcast %mul3A_400 : f32 to vector<16xf32>
        %mul3A_402 = arith.mulf %mul3A_401, %exp3A_394 : vector<16xf32>
        %add3A_403 = arith.constant 2.21170303E-5 : f32
        %add3A_404 = vector.broadcast %add3A_403 : f32 to vector<16xf32>
        %add3A_405 = arith.addf %add3A_404, %mul3A_402 : vector<16xf32>
        %mul3A_406 = arith.constant 0.283304334 : f32
        %mul3A_407 = vector.broadcast %mul3A_406 : f32 to vector<16xf32>
        %mul3A_408 = arith.mulf %mul3A_407, %exp3A_394 : vector<16xf32>
        %add3A_409 = arith.constant -0.489156842 : f32
        %add3A_410 = vector.broadcast %add3A_409 : f32 to vector<16xf32>
        %add3A_411 = arith.addf %add3A_410, %mul3A_408 : vector<16xf32>
        %mul3A_412 = arith.constant 0.0301026255 : f32
        %mul3A_413 = vector.broadcast %mul3A_412 : f32 to vector<16xf32>
        %mul3A_414 = arith.mulf %mul3A_413, %exp3A_394 : vector<16xf32>
        %add3A_415 = arith.constant -0.130119413 : f32
        %add3A_416 = vector.broadcast %add3A_415 : f32 to vector<16xf32>
        %add3A_417 = arith.addf %add3A_416, %mul3A_414 : vector<16xf32>
        %mul3A_418 = arith.mulf %mul3A_398, %add3A_411 : vector<16xf32>
        %add3A_419 = arith.addf %add3A_405, %mul3A_418 : vector<16xf32>
        %mul3A_420 = arith.mulf %mul3A_399, %add3A_417 : vector<16xf32>
        %add3A_421 = arith.addf %add3A_419, %mul3A_420 : vector<16xf32>
        %sub3A_422 = arith.subf %min3A_397, %add3A_421 : vector<16xf32>
        %mul3A_423 = arith.mulf %sub3A_422, %get3A_374 : vector<16xf32>
        %add3A_424 = arith.addf %add3A_358, %mul3A_423 : vector<16xf32>
        %add3A_425 = arith.addf %add3A_359, %get3A_374 : vector<16xf32>
        %get3A_426 = arith.constant 2 : i32
        %get3A_427 = arith.index_cast %scan3A_298 : i32 to index
        %get3A_428 = arith.index_cast %get3A_426 : i32 to index
        %get3A_429 = arith.constant 0 : index
        %get3A_430 = tpu.vector_load %arg10[%get3A_427, %get3A_428, %get3A_429] {strides = array<i32>} : memref<25x8x32xi32, #tpu.memory_space<vmem>>, vector<16xi32>,
        %get3A_431 = arith.constant 2 : i32
        %get3A_432 = arith.index_cast %scan3A_298 : i32 to index
        %get3A_433 = arith.index_cast %get3A_431 : i32 to index
        %get3A_434 = arith.constant 0 : index
        %get3A_435 = tpu.vector_load %arg12[%get3A_432, %get3A_433, %get3A_434] {strides = array<i32>} : memref<25x8x32xi32, #tpu.memory_space<vmem>>, vector<16xi32>,
        %get3A_436 = arith.constant 2 : i32
        %get3A_437 = arith.index_cast %scan3A_298 : i32 to index
        %get3A_438 = arith.index_cast %get3A_436 : i32 to index
        %get3A_439 = arith.constant 0 : index
        %get3A_440 = tpu.vector_load %arg14[%get3A_437, %get3A_438, %get3A_439] {strides = array<i32>} : memref<25x8x32xf32, #tpu.memory_space<vmem>>, vector<16xf32>,
        %shift_right_arithmetic3A_441 = arith.constant 3 : i32
        %shift_right_arithmetic3A_442 = vector.broadcast %shift_right_arithmetic3A_441 : i32 to vector<16xi32>
        %shift_right_arithmetic3A_443 = arith.shrsi %get3A_430, %shift_right_arithmetic3A_442 : vector<16xi32>
        %and3A_444 = arith.constant 7 : i32
        %and3A_445 = vector.broadcast %and3A_444 : i32 to vector<16xi32>
        %and3A_446 = arith.andi %get3A_430, %and3A_445 : vector<16xi32>
        %gather3A_447 = tpu.vector_load_idx %arg8[%shift_right_arithmetic3A_443, %and3A_446, %add3A_282] : memref<125x8x32xf32, #tpu.memory_space<vmem>>[vector<16xi32>, vector<16xi32>, vector<16xi32>], vector<16xf32>,
        %shift_right_arithmetic3A_448 = arith.constant 3 : i32
        %shift_right_arithmetic3A_449 = vector.broadcast %shift_right_arithmetic3A_448 : i32 to vector<16xi32>
        %shift_right_arithmetic3A_450 = arith.shrsi %get3A_435, %shift_right_arithmetic3A_449 : vector<16xi32>
        %and3A_451 = arith.constant 7 : i32
        %and3A_452 = vector.broadcast %and3A_451 : i32 to vector<16xi32>
        %and3A_453 = arith.andi %get3A_435, %and3A_452 : vector<16xi32>
        %gather3A_454 = tpu.vector_load_idx %arg8[%shift_right_arithmetic3A_450, %and3A_453, %add3A_282] : memref<125x8x32xf32, #tpu.memory_space<vmem>>[vector<16xi32>, vector<16xi32>, vector<16xi32>], vector<16xf32>,
        %sub3A_455 = arith.subf %gather3A_447, %gather3A_454 : vector<16xf32>
        %abs3A_456 = math.absf %sub3A_455 : vector<16xf32>
        %neg3A_457 = arith.constant 0.000000e+00 : f32
        %neg3A_458 = vector.broadcast %neg3A_457 : f32 to vector<16xf32>
        %neg3A_459 = arith.subf %neg3A_458, %abs3A_456 : vector<16xf32>
        %exp3A_460 = math.exp %neg3A_459 : vector<16xf32>
        %min3A_461 = arith.constant 0.000000e+00 : f32
        %min3A_462 = vector.broadcast %min3A_461 : f32 to vector<16xf32>
        %min3A_463 = arith.minimumf %sub3A_455, %min3A_462 : vector<16xf32>
        %mul3A_464 = arith.mulf %exp3A_460, %exp3A_460 : vector<16xf32>
        %mul3A_465 = arith.mulf %mul3A_464, %mul3A_464 : vector<16xf32>
        %mul3A_466 = arith.constant 0.999010443 : f32
        %mul3A_467 = vector.broadcast %mul3A_466 : f32 to vector<16xf32>
        %mul3A_468 = arith.mulf %mul3A_467, %exp3A_460 : vector<16xf32>
        %add3A_469 = arith.constant 2.21170303E-5 : f32
        %add3A_470 = vector.broadcast %add3A_469 : f32 to vector<16xf32>
        %add3A_471 = arith.addf %add3A_470, %mul3A_468 : vector<16xf32>
        %mul3A_472 = arith.constant 0.283304334 : f32
        %mul3A_473 = vector.broadcast %mul3A_472 : f32 to vector<16xf32>
        %mul3A_474 = arith.mulf %mul3A_473, %exp3A_460 : vector<16xf32>
        %add3A_475 = arith.constant -0.489156842 : f32
        %add3A_476 = vector.broadcast %add3A_475 : f32 to vector<16xf32>
        %add3A_477 = arith.addf %add3A_476, %mul3A_474 : vector<16xf32>
        %mul3A_478 = arith.constant 0.0301026255 : f32
        %mul3A_479 = vector.broadcast %mul3A_478 : f32 to vector<16xf32>
        %mul3A_480 = arith.mulf %mul3A_479, %exp3A_460 : vector<16xf32>
        %add3A_481 = arith.constant -0.130119413 : f32
        %add3A_482 = vector.broadcast %add3A_481 : f32 to vector<16xf32>
        %add3A_483 = arith.addf %add3A_482, %mul3A_480 : vector<16xf32>
        %mul3A_484 = arith.mulf %mul3A_464, %add3A_477 : vector<16xf32>
        %add3A_485 = arith.addf %add3A_471, %mul3A_484 : vector<16xf32>
        %mul3A_486 = arith.mulf %mul3A_465, %add3A_483 : vector<16xf32>
        %add3A_487 = arith.addf %add3A_485, %mul3A_486 : vector<16xf32>
        %sub3A_488 = arith.subf %min3A_463, %add3A_487 : vector<16xf32>
        %mul3A_489 = arith.mulf %sub3A_488, %get3A_440 : vector<16xf32>
        %add3A_490 = arith.addf %add3A_424, %mul3A_489 : vector<16xf32>
        %add3A_491 = arith.addf %add3A_425, %get3A_440 : vector<16xf32>
        %get3A_492 = arith.constant 3 : i32
        %get3A_493 = arith.index_cast %scan3A_298 : i32 to index
        %get3A_494 = arith.index_cast %get3A_492 : i32 to index
        %get3A_495 = arith.constant 0 : index
        %get3A_496 = tpu.vector_load %arg10[%get3A_493, %get3A_494, %get3A_495] {strides = array<i32>} : memref<25x8x32xi32, #tpu.memory_space<vmem>>, vector<16xi32>,
        %get3A_497 = arith.constant 3 : i32
        %get3A_498 = arith.index_cast %scan3A_298 : i32 to index
        %get3A_499 = arith.index_cast %get3A_497 : i32 to index
        %get3A_500 = arith.constant 0 : index
        %get3A_501 = tpu.vector_load %arg12[%get3A_498, %get3A_499, %get3A_500] {strides = array<i32>} : memref<25x8x32xi32, #tpu.memory_space<vmem>>, vector<16xi32>,
        %get3A_502 = arith.constant 3 : i32
        %get3A_503 = arith.index_cast %scan3A_298 : i32 to index
        %get3A_504 = arith.index_cast %get3A_502 : i32 to index
        %get3A_505 = arith.constant 0 : index
        %get3A_506 = tpu.vector_load %arg14[%get3A_503, %get3A_504, %get3A_505] {strides = array<i32>} : memref<25x8x32xf32, #tpu.memory_space<vmem>>, vector<16xf32>,
        %shift_right_arithmetic3A_507 = arith.constant 3 : i32
        %shift_right_arithmetic3A_508 = vector.broadcast %shift_right_arithmetic3A_507 : i32 to vector<16xi32>
        %shift_right_arithmetic3A_509 = arith.shrsi %get3A_496, %shift_right_arithmetic3A_508 : vector<16xi32>
        %and3A_510 = arith.constant 7 : i32
        %and3A_511 = vector.broadcast %and3A_510 : i32 to vector<16xi32>
        %and3A_512 = arith.andi %get3A_496, %and3A_511 : vector<16xi32>
        %gather3A_513 = tpu.vector_load_idx %arg8[%shift_right_arithmetic3A_509, %and3A_512, %add3A_282] : memref<125x8x32xf32, #tpu.memory_space<vmem>>[vector<16xi32>, vector<16xi32>, vector<16xi32>], vector<16xf32>,
        %shift_right_arithmetic3A_514 = arith.constant 3 : i32
        %shift_right_arithmetic3A_515 = vector.broadcast %shift_right_arithmetic3A_514 : i32 to vector<16xi32>
        %shift_right_arithmetic3A_516 = arith.shrsi %get3A_501, %shift_right_arithmetic3A_515 : vector<16xi32>
        %and3A_517 = arith.constant 7 : i32
        %and3A_518 = vector.broadcast %and3A_517 : i32 to vector<16xi32>
        %and3A_519 = arith.andi %get3A_501, %and3A_518 : vector<16xi32>
        %gather3A_520 = tpu.vector_load_idx %arg8[%shift_right_arithmetic3A_516, %and3A_519, %add3A_282] : memref<125x8x32xf32, #tpu.memory_space<vmem>>[vector<16xi32>, vector<16xi32>, vector<16xi32>], vector<16xf32>,
        %sub3A_521 = arith.subf %gather3A_513, %gather3A_520 : vector<16xf32>
        %abs3A_522 = math.absf %sub3A_521 : vector<16xf32>
        %neg3A_523 = arith.constant 0.000000e+00 : f32
        %neg3A_524 = vector.broadcast %neg3A_523 : f32 to vector<16xf32>
        %neg3A_525 = arith.subf %neg3A_524, %abs3A_522 : vector<16xf32>
        %exp3A_526 = math.exp %neg3A_525 : vector<16xf32>
        %min3A_527 = arith.constant 0.000000e+00 : f32
        %min3A_528 = vector.broadcast %min3A_527 : f32 to vector<16xf32>
        %min3A_529 = arith.minimumf %sub3A_521, %min3A_528 : vector<16xf32>
        %mul3A_530 = arith.mulf %exp3A_526, %exp3A_526 : vector<16xf32>
        %mul3A_531 = arith.mulf %mul3A_530, %mul3A_530 : vector<16xf32>
        %mul3A_532 = arith.constant 0.999010443 : f32
        %mul3A_533 = vector.broadcast %mul3A_532 : f32 to vector<16xf32>
        %mul3A_534 = arith.mulf %mul3A_533, %exp3A_526 : vector<16xf32>
        %add3A_535 = arith.constant 2.21170303E-5 : f32
        %add3A_536 = vector.broadcast %add3A_535 : f32 to vector<16xf32>
        %add3A_537 = arith.addf %add3A_536, %mul3A_534 : vector<16xf32>
        %mul3A_538 = arith.constant 0.283304334 : f32
        %mul3A_539 = vector.broadcast %mul3A_538 : f32 to vector<16xf32>
        %mul3A_540 = arith.mulf %mul3A_539, %exp3A_526 : vector<16xf32>
        %add3A_541 = arith.constant -0.489156842 : f32
        %add3A_542 = vector.broadcast %add3A_541 : f32 to vector<16xf32>
        %add3A_543 = arith.addf %add3A_542, %mul3A_540 : vector<16xf32>
        %mul3A_544 = arith.constant 0.0301026255 : f32
        %mul3A_545 = vector.broadcast %mul3A_544 : f32 to vector<16xf32>
        %mul3A_546 = arith.mulf %mul3A_545, %exp3A_526 : vector<16xf32>
        %add3A_547 = arith.constant -0.130119413 : f32
        %add3A_548 = vector.broadcast %add3A_547 : f32 to vector<16xf32>
        %add3A_549 = arith.addf %add3A_548, %mul3A_546 : vector<16xf32>
        %mul3A_550 = arith.mulf %mul3A_530, %add3A_543 : vector<16xf32>
        %add3A_551 = arith.addf %add3A_537, %mul3A_550 : vector<16xf32>
        %mul3A_552 = arith.mulf %mul3A_531, %add3A_549 : vector<16xf32>
        %add3A_553 = arith.addf %add3A_551, %mul3A_552 : vector<16xf32>
        %sub3A_554 = arith.subf %min3A_529, %add3A_553 : vector<16xf32>
        %mul3A_555 = arith.mulf %sub3A_554, %get3A_506 : vector<16xf32>
        %add3A_556 = arith.addf %add3A_490, %mul3A_555 : vector<16xf32>
        %add3A_557 = arith.addf %add3A_491, %get3A_506 : vector<16xf32>
        %get3A_558 = arith.constant 4 : i32
        %get3A_559 = arith.index_cast %scan3A_298 : i32 to index
        %get3A_560 = arith.index_cast %get3A_558 : i32 to index
        %get3A_561 = arith.constant 0 : index
        %get3A_562 = tpu.vector_load %arg10[%get3A_559, %get3A_560, %get3A_561] {strides = array<i32>} : memref<25x8x32xi32, #tpu.memory_space<vmem>>, vector<16xi32>,
        %get3A_563 = arith.constant 4 : i32
        %get3A_564 = arith.index_cast %scan3A_298 : i32 to index
        %get3A_565 = arith.index_cast %get3A_563 : i32 to index
        %get3A_566 = arith.constant 0 : index
        %get3A_567 = tpu.vector_load %arg12[%get3A_564, %get3A_565, %get3A_566] {strides = array<i32>} : memref<25x8x32xi32, #tpu.memory_space<vmem>>, vector<16xi32>,
        %get3A_568 = arith.constant 4 : i32
        %get3A_569 = arith.index_cast %scan3A_298 : i32 to index
        %get3A_570 = arith.index_cast %get3A_568 : i32 to index
        %get3A_571 = arith.constant 0 : index
        %get3A_572 = tpu.vector_load %arg14[%get3A_569, %get3A_570, %get3A_571] {strides = array<i32>} : memref<25x8x32xf32, #tpu.memory_space<vmem>>, vector<16xf32>,
        %shift_right_arithmetic3A_573 = arith.constant 3 : i32
        %shift_right_arithmetic3A_574 = vector.broadcast %shift_right_arithmetic3A_573 : i32 to vector<16xi32>
        %shift_right_arithmetic3A_575 = arith.shrsi %get3A_562, %shift_right_arithmetic3A_574 : vector<16xi32>
        %and3A_576 = arith.constant 7 : i32
        %and3A_577 = vector.broadcast %and3A_576 : i32 to vector<16xi32>
        %and3A_578 = arith.andi %get3A_562, %and3A_577 : vector<16xi32>
        %gather3A_579 = tpu.vector_load_idx %arg8[%shift_right_arithmetic3A_575, %and3A_578, %add3A_282] : memref<125x8x32xf32, #tpu.memory_space<vmem>>[vector<16xi32>, vector<16xi32>, vector<16xi32>], vector<16xf32>,
        %shift_right_arithmetic3A_580 = arith.constant 3 : i32
        %shift_right_arithmetic3A_581 = vector.broadcast %shift_right_arithmetic3A_580 : i32 to vector<16xi32>
        %shift_right_arithmetic3A_582 = arith.shrsi %get3A_567, %shift_right_arithmetic3A_581 : vector<16xi32>
        %and3A_583 = arith.constant 7 : i32
        %and3A_584 = vector.broadcast %and3A_583 : i32 to vector<16xi32>
        %and3A_585 = arith.andi %get3A_567, %and3A_584 : vector<16xi32>
        %gather3A_586 = tpu.vector_load_idx %arg8[%shift_right_arithmetic3A_582, %and3A_585, %add3A_282] : memref<125x8x32xf32, #tpu.memory_space<vmem>>[vector<16xi32>, vector<16xi32>, vector<16xi32>], vector<16xf32>,
        %sub3A_587 = arith.subf %gather3A_579, %gather3A_586 : vector<16xf32>
        %abs3A_588 = math.absf %sub3A_587 : vector<16xf32>
        %neg3A_589 = arith.constant 0.000000e+00 : f32
        %neg3A_590 = vector.broadcast %neg3A_589 : f32 to vector<16xf32>
        %neg3A_591 = arith.subf %neg3A_590, %abs3A_588 : vector<16xf32>
        %exp3A_592 = math.exp %neg3A_591 : vector<16xf32>
        %min3A_593 = arith.constant 0.000000e+00 : f32
        %min3A_594 = vector.broadcast %min3A_593 : f32 to vector<16xf32>
        %min3A_595 = arith.minimumf %sub3A_587, %min3A_594 : vector<16xf32>
        %mul3A_596 = arith.mulf %exp3A_592, %exp3A_592 : vector<16xf32>
        %mul3A_597 = arith.mulf %mul3A_596, %mul3A_596 : vector<16xf32>
        %mul3A_598 = arith.constant 0.999010443 : f32
        %mul3A_599 = vector.broadcast %mul3A_598 : f32 to vector<16xf32>
        %mul3A_600 = arith.mulf %mul3A_599, %exp3A_592 : vector<16xf32>
        %add3A_601 = arith.constant 2.21170303E-5 : f32
        %add3A_602 = vector.broadcast %add3A_601 : f32 to vector<16xf32>
        %add3A_603 = arith.addf %add3A_602, %mul3A_600 : vector<16xf32>
        %mul3A_604 = arith.constant 0.283304334 : f32
        %mul3A_605 = vector.broadcast %mul3A_604 : f32 to vector<16xf32>
        %mul3A_606 = arith.mulf %mul3A_605, %exp3A_592 : vector<16xf32>
        %add3A_607 = arith.constant -0.489156842 : f32
        %add3A_608 = vector.broadcast %add3A_607 : f32 to vector<16xf32>
        %add3A_609 = arith.addf %add3A_608, %mul3A_606 : vector<16xf32>
        %mul3A_610 = arith.constant 0.0301026255 : f32
        %mul3A_611 = vector.broadcast %mul3A_610 : f32 to vector<16xf32>
        %mul3A_612 = arith.mulf %mul3A_611, %exp3A_592 : vector<16xf32>
        %add3A_613 = arith.constant -0.130119413 : f32
        %add3A_614 = vector.broadcast %add3A_613 : f32 to vector<16xf32>
        %add3A_615 = arith.addf %add3A_614, %mul3A_612 : vector<16xf32>
        %mul3A_616 = arith.mulf %mul3A_596, %add3A_609 : vector<16xf32>
        %add3A_617 = arith.addf %add3A_603, %mul3A_616 : vector<16xf32>
        %mul3A_618 = arith.mulf %mul3A_597, %add3A_615 : vector<16xf32>
        %add3A_619 = arith.addf %add3A_617, %mul3A_618 : vector<16xf32>
        %sub3A_620 = arith.subf %min3A_595, %add3A_619 : vector<16xf32>
        %mul3A_621 = arith.mulf %sub3A_620, %get3A_572 : vector<16xf32>
        %add3A_622 = arith.addf %add3A_556, %mul3A_621 : vector<16xf32>
        %add3A_623 = arith.addf %add3A_557, %get3A_572 : vector<16xf32>
        %get3A_624 = arith.constant 5 : i32
        %get3A_625 = arith.index_cast %scan3A_298 : i32 to index
        %get3A_626 = arith.index_cast %get3A_624 : i32 to index
        %get3A_627 = arith.constant 0 : index
        %get3A_628 = tpu.vector_load %arg10[%get3A_625, %get3A_626, %get3A_627] {strides = array<i32>} : memref<25x8x32xi32, #tpu.memory_space<vmem>>, vector<16xi32>,
        %get3A_629 = arith.constant 5 : i32
        %get3A_630 = arith.index_cast %scan3A_298 : i32 to index
        %get3A_631 = arith.index_cast %get3A_629 : i32 to index
        %get3A_632 = arith.constant 0 : index
        %get3A_633 = tpu.vector_load %arg12[%get3A_630, %get3A_631, %get3A_632] {strides = array<i32>} : memref<25x8x32xi32, #tpu.memory_space<vmem>>, vector<16xi32>,
        %get3A_634 = arith.constant 5 : i32
        %get3A_635 = arith.index_cast %scan3A_298 : i32 to index
        %get3A_636 = arith.index_cast %get3A_634 : i32 to index
        %get3A_637 = arith.constant 0 : index
        %get3A_638 = tpu.vector_load %arg14[%get3A_635, %get3A_636, %get3A_637] {strides = array<i32>} : memref<25x8x32xf32, #tpu.memory_space<vmem>>, vector<16xf32>,
        %shift_right_arithmetic3A_639 = arith.constant 3 : i32
        %shift_right_arithmetic3A_640 = vector.broadcast %shift_right_arithmetic3A_639 : i32 to vector<16xi32>
        %shift_right_arithmetic3A_641 = arith.shrsi %get3A_628, %shift_right_arithmetic3A_640 : vector<16xi32>
        %and3A_642 = arith.constant 7 : i32
        %and3A_643 = vector.broadcast %and3A_642 : i32 to vector<16xi32>
        %and3A_644 = arith.andi %get3A_628, %and3A_643 : vector<16xi32>
        %gather3A_645 = tpu.vector_load_idx %arg8[%shift_right_arithmetic3A_641, %and3A_644, %add3A_282] : memref<125x8x32xf32, #tpu.memory_space<vmem>>[vector<16xi32>, vector<16xi32>, vector<16xi32>], vector<16xf32>,
        %shift_right_arithmetic3A_646 = arith.constant 3 : i32
        %shift_right_arithmetic3A_647 = vector.broadcast %shift_right_arithmetic3A_646 : i32 to vector<16xi32>
        %shift_right_arithmetic3A_648 = arith.shrsi %get3A_633, %shift_right_arithmetic3A_647 : vector<16xi32>
        %and3A_649 = arith.constant 7 : i32
        %and3A_650 = vector.broadcast %and3A_649 : i32 to vector<16xi32>
        %and3A_651 = arith.andi %get3A_633, %and3A_650 : vector<16xi32>
        %gather3A_652 = tpu.vector_load_idx %arg8[%shift_right_arithmetic3A_648, %and3A_651, %add3A_282] : memref<125x8x32xf32, #tpu.memory_space<vmem>>[vector<16xi32>, vector<16xi32>, vector<16xi32>], vector<16xf32>,
        %sub3A_653 = arith.subf %gather3A_645, %gather3A_652 : vector<16xf32>
        %abs3A_654 = math.absf %sub3A_653 : vector<16xf32>
        %neg3A_655 = arith.constant 0.000000e+00 : f32
        %neg3A_656 = vector.broadcast %neg3A_655 : f32 to vector<16xf32>
        %neg3A_657 = arith.subf %neg3A_656, %abs3A_654 : vector<16xf32>
        %exp3A_658 = math.exp %neg3A_657 : vector<16xf32>
        %min3A_659 = arith.constant 0.000000e+00 : f32
        %min3A_660 = vector.broadcast %min3A_659 : f32 to vector<16xf32>
        %min3A_661 = arith.minimumf %sub3A_653, %min3A_660 : vector<16xf32>
        %mul3A_662 = arith.mulf %exp3A_658, %exp3A_658 : vector<16xf32>
        %mul3A_663 = arith.mulf %mul3A_662, %mul3A_662 : vector<16xf32>
        %mul3A_664 = arith.constant 0.999010443 : f32
        %mul3A_665 = vector.broadcast %mul3A_664 : f32 to vector<16xf32>
        %mul3A_666 = arith.mulf %mul3A_665, %exp3A_658 : vector<16xf32>
        %add3A_667 = arith.constant 2.21170303E-5 : f32
        %add3A_668 = vector.broadcast %add3A_667 : f32 to vector<16xf32>
        %add3A_669 = arith.addf %add3A_668, %mul3A_666 : vector<16xf32>
        %mul3A_670 = arith.constant 0.283304334 : f32
        %mul3A_671 = vector.broadcast %mul3A_670 : f32 to vector<16xf32>
        %mul3A_672 = arith.mulf %mul3A_671, %exp3A_658 : vector<16xf32>
        %add3A_673 = arith.constant -0.489156842 : f32
        %add3A_674 = vector.broadcast %add3A_673 : f32 to vector<16xf32>
        %add3A_675 = arith.addf %add3A_674, %mul3A_672 : vector<16xf32>
        %mul3A_676 = arith.constant 0.0301026255 : f32
        %mul3A_677 = vector.broadcast %mul3A_676 : f32 to vector<16xf32>
        %mul3A_678 = arith.mulf %mul3A_677, %exp3A_658 : vector<16xf32>
        %add3A_679 = arith.constant -0.130119413 : f32
        %add3A_680 = vector.broadcast %add3A_679 : f32 to vector<16xf32>
        %add3A_681 = arith.addf %add3A_680, %mul3A_678 : vector<16xf32>
        %mul3A_682 = arith.mulf %mul3A_662, %add3A_675 : vector<16xf32>
        %add3A_683 = arith.addf %add3A_669, %mul3A_682 : vector<16xf32>
        %mul3A_684 = arith.mulf %mul3A_663, %add3A_681 : vector<16xf32>
        %add3A_685 = arith.addf %add3A_683, %mul3A_684 : vector<16xf32>
        %sub3A_686 = arith.subf %min3A_661, %add3A_685 : vector<16xf32>
        %mul3A_687 = arith.mulf %sub3A_686, %get3A_638 : vector<16xf32>
        %add3A_688 = arith.addf %add3A_622, %mul3A_687 : vector<16xf32>
        %add3A_689 = arith.addf %add3A_623, %get3A_638 : vector<16xf32>
        %get3A_690 = arith.constant 6 : i32
        %get3A_691 = arith.index_cast %scan3A_298 : i32 to index
        %get3A_692 = arith.index_cast %get3A_690 : i32 to index
        %get3A_693 = arith.constant 0 : index
        %get3A_694 = tpu.vector_load %arg10[%get3A_691, %get3A_692, %get3A_693] {strides = array<i32>} : memref<25x8x32xi32, #tpu.memory_space<vmem>>, vector<16xi32>,
        %get3A_695 = arith.constant 6 : i32
        %get3A_696 = arith.index_cast %scan3A_298 : i32 to index
        %get3A_697 = arith.index_cast %get3A_695 : i32 to index
        %get3A_698 = arith.constant 0 : index
        %get3A_699 = tpu.vector_load %arg12[%get3A_696, %get3A_697, %get3A_698] {strides = array<i32>} : memref<25x8x32xi32, #tpu.memory_space<vmem>>, vector<16xi32>,
        %get3A_700 = arith.constant 6 : i32
        %get3A_701 = arith.index_cast %scan3A_298 : i32 to index
        %get3A_702 = arith.index_cast %get3A_700 : i32 to index
        %get3A_703 = arith.constant 0 : index
        %get3A_704 = tpu.vector_load %arg14[%get3A_701, %get3A_702, %get3A_703] {strides = array<i32>} : memref<25x8x32xf32, #tpu.memory_space<vmem>>, vector<16xf32>,
        %shift_right_arithmetic3A_705 = arith.constant 3 : i32
        %shift_right_arithmetic3A_706 = vector.broadcast %shift_right_arithmetic3A_705 : i32 to vector<16xi32>
        %shift_right_arithmetic3A_707 = arith.shrsi %get3A_694, %shift_right_arithmetic3A_706 : vector<16xi32>
        %and3A_708 = arith.constant 7 : i32
        %and3A_709 = vector.broadcast %and3A_708 : i32 to vector<16xi32>
        %and3A_710 = arith.andi %get3A_694, %and3A_709 : vector<16xi32>
        %gather3A_711 = tpu.vector_load_idx %arg8[%shift_right_arithmetic3A_707, %and3A_710, %add3A_282] : memref<125x8x32xf32, #tpu.memory_space<vmem>>[vector<16xi32>, vector<16xi32>, vector<16xi32>], vector<16xf32>,
        %shift_right_arithmetic3A_712 = arith.constant 3 : i32
        %shift_right_arithmetic3A_713 = vector.broadcast %shift_right_arithmetic3A_712 : i32 to vector<16xi32>
        %shift_right_arithmetic3A_714 = arith.shrsi %get3A_699, %shift_right_arithmetic3A_713 : vector<16xi32>
        %and3A_715 = arith.constant 7 : i32
        %and3A_716 = vector.broadcast %and3A_715 : i32 to vector<16xi32>
        %and3A_717 = arith.andi %get3A_699, %and3A_716 : vector<16xi32>
        %gather3A_718 = tpu.vector_load_idx %arg8[%shift_right_arithmetic3A_714, %and3A_717, %add3A_282] : memref<125x8x32xf32, #tpu.memory_space<vmem>>[vector<16xi32>, vector<16xi32>, vector<16xi32>], vector<16xf32>,
        %sub3A_719 = arith.subf %gather3A_711, %gather3A_718 : vector<16xf32>
        %abs3A_720 = math.absf %sub3A_719 : vector<16xf32>
        %neg3A_721 = arith.constant 0.000000e+00 : f32
        %neg3A_722 = vector.broadcast %neg3A_721 : f32 to vector<16xf32>
        %neg3A_723 = arith.subf %neg3A_722, %abs3A_720 : vector<16xf32>
        %exp3A_724 = math.exp %neg3A_723 : vector<16xf32>
        %min3A_725 = arith.constant 0.000000e+00 : f32
        %min3A_726 = vector.broadcast %min3A_725 : f32 to vector<16xf32>
        %min3A_727 = arith.minimumf %sub3A_719, %min3A_726 : vector<16xf32>
        %mul3A_728 = arith.mulf %exp3A_724, %exp3A_724 : vector<16xf32>
        %mul3A_729 = arith.mulf %mul3A_728, %mul3A_728 : vector<16xf32>
        %mul3A_730 = arith.constant 0.999010443 : f32
        %mul3A_731 = vector.broadcast %mul3A_730 : f32 to vector<16xf32>
        %mul3A_732 = arith.mulf %mul3A_731, %exp3A_724 : vector<16xf32>
        %add3A_733 = arith.constant 2.21170303E-5 : f32
        %add3A_734 = vector.broadcast %add3A_733 : f32 to vector<16xf32>
        %add3A_735 = arith.addf %add3A_734, %mul3A_732 : vector<16xf32>
        %mul3A_736 = arith.constant 0.283304334 : f32
        %mul3A_737 = vector.broadcast %mul3A_736 : f32 to vector<16xf32>
        %mul3A_738 = arith.mulf %mul3A_737, %exp3A_724 : vector<16xf32>
        %add3A_739 = arith.constant -0.489156842 : f32
        %add3A_740 = vector.broadcast %add3A_739 : f32 to vector<16xf32>
        %add3A_741 = arith.addf %add3A_740, %mul3A_738 : vector<16xf32>
        %mul3A_742 = arith.constant 0.0301026255 : f32
        %mul3A_743 = vector.broadcast %mul3A_742 : f32 to vector<16xf32>
        %mul3A_744 = arith.mulf %mul3A_743, %exp3A_724 : vector<16xf32>
        %add3A_745 = arith.constant -0.130119413 : f32
        %add3A_746 = vector.broadcast %add3A_745 : f32 to vector<16xf32>
        %add3A_747 = arith.addf %add3A_746, %mul3A_744 : vector<16xf32>
        %mul3A_748 = arith.mulf %mul3A_728, %add3A_741 : vector<16xf32>
        %add3A_749 = arith.addf %add3A_735, %mul3A_748 : vector<16xf32>
        %mul3A_750 = arith.mulf %mul3A_729, %add3A_747 : vector<16xf32>
        %add3A_751 = arith.addf %add3A_749, %mul3A_750 : vector<16xf32>
        %sub3A_752 = arith.subf %min3A_727, %add3A_751 : vector<16xf32>
        %mul3A_753 = arith.mulf %sub3A_752, %get3A_704 : vector<16xf32>
        %add3A_754 = arith.addf %add3A_688, %mul3A_753 : vector<16xf32>
        %add3A_755 = arith.addf %add3A_689, %get3A_704 : vector<16xf32>
        %get3A_756 = arith.constant 7 : i32
        %get3A_757 = arith.index_cast %scan3A_298 : i32 to index
        %get3A_758 = arith.index_cast %get3A_756 : i32 to index
        %get3A_759 = arith.constant 0 : index
        %get3A_760 = tpu.vector_load %arg10[%get3A_757, %get3A_758, %get3A_759] {strides = array<i32>} : memref<25x8x32xi32, #tpu.memory_space<vmem>>, vector<16xi32>,
        %get3A_761 = arith.constant 7 : i32
        %get3A_762 = arith.index_cast %scan3A_298 : i32 to index
        %get3A_763 = arith.index_cast %get3A_761 : i32 to index
        %get3A_764 = arith.constant 0 : index
        %get3A_765 = tpu.vector_load %arg12[%get3A_762, %get3A_763, %get3A_764] {strides = array<i32>} : memref<25x8x32xi32, #tpu.memory_space<vmem>>, vector<16xi32>,
        %get3A_766 = arith.constant 7 : i32
        %get3A_767 = arith.index_cast %scan3A_298 : i32 to index
        %get3A_768 = arith.index_cast %get3A_766 : i32 to index
        %get3A_769 = arith.constant 0 : index
        %get3A_770 = tpu.vector_load %arg14[%get3A_767, %get3A_768, %get3A_769] {strides = array<i32>} : memref<25x8x32xf32, #tpu.memory_space<vmem>>, vector<16xf32>,
        %shift_right_arithmetic3A_771 = arith.constant 3 : i32
        %shift_right_arithmetic3A_772 = vector.broadcast %shift_right_arithmetic3A_771 : i32 to vector<16xi32>
        %shift_right_arithmetic3A_773 = arith.shrsi %get3A_760, %shift_right_arithmetic3A_772 : vector<16xi32>
        %and3A_774 = arith.constant 7 : i32
        %and3A_775 = vector.broadcast %and3A_774 : i32 to vector<16xi32>
        %and3A_776 = arith.andi %get3A_760, %and3A_775 : vector<16xi32>
        %gather3A_777 = tpu.vector_load_idx %arg8[%shift_right_arithmetic3A_773, %and3A_776, %add3A_282] : memref<125x8x32xf32, #tpu.memory_space<vmem>>[vector<16xi32>, vector<16xi32>, vector<16xi32>], vector<16xf32>,
        %shift_right_arithmetic3A_778 = arith.constant 3 : i32
        %shift_right_arithmetic3A_779 = vector.broadcast %shift_right_arithmetic3A_778 : i32 to vector<16xi32>
        %shift_right_arithmetic3A_780 = arith.shrsi %get3A_765, %shift_right_arithmetic3A_779 : vector<16xi32>
        %and3A_781 = arith.constant 7 : i32
        %and3A_782 = vector.broadcast %and3A_781 : i32 to vector<16xi32>
        %and3A_783 = arith.andi %get3A_765, %and3A_782 : vector<16xi32>
        %gather3A_784 = tpu.vector_load_idx %arg8[%shift_right_arithmetic3A_780, %and3A_783, %add3A_282] : memref<125x8x32xf32, #tpu.memory_space<vmem>>[vector<16xi32>, vector<16xi32>, vector<16xi32>], vector<16xf32>,
        %sub3A_785 = arith.subf %gather3A_777, %gather3A_784 : vector<16xf32>
        %abs3A_786 = math.absf %sub3A_785 : vector<16xf32>
        %neg3A_787 = arith.constant 0.000000e+00 : f32
        %neg3A_788 = vector.broadcast %neg3A_787 : f32 to vector<16xf32>
        %neg3A_789 = arith.subf %neg3A_788, %abs3A_786 : vector<16xf32>
        %exp3A_790 = math.exp %neg3A_789 : vector<16xf32>
        %min3A_791 = arith.constant 0.000000e+00 : f32
        %min3A_792 = vector.broadcast %min3A_791 : f32 to vector<16xf32>
        %min3A_793 = arith.minimumf %sub3A_785, %min3A_792 : vector<16xf32>
        %mul3A_794 = arith.mulf %exp3A_790, %exp3A_790 : vector<16xf32>
        %mul3A_795 = arith.mulf %mul3A_794, %mul3A_794 : vector<16xf32>
        %mul3A_796 = arith.constant 0.999010443 : f32
        %mul3A_797 = vector.broadcast %mul3A_796 : f32 to vector<16xf32>
        %mul3A_798 = arith.mulf %mul3A_797, %exp3A_790 : vector<16xf32>
        %add3A_799 = arith.constant 2.21170303E-5 : f32
        %add3A_800 = vector.broadcast %add3A_799 : f32 to vector<16xf32>
        %add3A_801 = arith.addf %add3A_800, %mul3A_798 : vector<16xf32>
        %mul3A_802 = arith.constant 0.283304334 : f32
        %mul3A_803 = vector.broadcast %mul3A_802 : f32 to vector<16xf32>
        %mul3A_804 = arith.mulf %mul3A_803, %exp3A_790 : vector<16xf32>
        %add3A_805 = arith.constant -0.489156842 : f32
        %add3A_806 = vector.broadcast %add3A_805 : f32 to vector<16xf32>
        %add3A_807 = arith.addf %add3A_806, %mul3A_804 : vector<16xf32>
        %mul3A_808 = arith.constant 0.0301026255 : f32
        %mul3A_809 = vector.broadcast %mul3A_808 : f32 to vector<16xf32>
        %mul3A_810 = arith.mulf %mul3A_809, %exp3A_790 : vector<16xf32>
        %add3A_811 = arith.constant -0.130119413 : f32
        %add3A_812 = vector.broadcast %add3A_811 : f32 to vector<16xf32>
        %add3A_813 = arith.addf %add3A_812, %mul3A_810 : vector<16xf32>
        %mul3A_814 = arith.mulf %mul3A_794, %add3A_807 : vector<16xf32>
        %add3A_815 = arith.addf %add3A_801, %mul3A_814 : vector<16xf32>
        %mul3A_816 = arith.mulf %mul3A_795, %add3A_813 : vector<16xf32>
        %add3A_817 = arith.addf %add3A_815, %mul3A_816 : vector<16xf32>
        %sub3A_818 = arith.subf %min3A_793, %add3A_817 : vector<16xf32>
        %mul3A_819 = arith.mulf %sub3A_818, %get3A_770 : vector<16xf32>
        %add3A_820 = arith.addf %add3A_754, %mul3A_819 : vector<16xf32>
        %add3A_821 = arith.addf %add3A_755, %get3A_770 : vector<16xf32>
        scf.yield %add3A_820, %add3A_821 : vector<16xf32>, vector<16xf32>
      }
      %scan3A_288 = arith.constant 25 : i32
      %add3A_289 = arith.constant 16 : i32
      %add3A_290 = vector.broadcast %add3A_289 : i32 to vector<16xi32>
      %add3A_291 = arith.addi %iota3A, %add3A_290 : vector<16xi32>
      %scan3A_292 = arith.constant 0 : i32
      %scan3A_293 = arith.constant 25 : i32
      %scan3A_294 = arith.addi %scan3A_292, %scan3A_293 : i32
      %scan3A_295 = arith.constant 1 : i32
      %scan3A_296:2 = scf.for %scan3A_298 = %scan3A_292 to %scan3A_294 step %scan3A_295 iter_args(%scan3A_299 = %scan3A_287#0, %scan3A_300 = %scan3A_287#1) -> (vector<16xf32>, vector<16xf32>)  : i32 {
        %get3A = arith.constant 0 : i32
        %get3A_301 = arith.index_cast %scan3A_298 : i32 to index
        %get3A_302 = arith.index_cast %get3A : i32 to index
        %get3A_303 = arith.constant 16 : index
        %get3A_304 = tpu.vector_load %arg10[%get3A_301, %get3A_302, %get3A_303] {strides = array<i32>} : memref<25x8x32xi32, #tpu.memory_space<vmem>>, vector<16xi32>,
        %get3A_305 = arith.constant 0 : i32
        %get3A_306 = arith.index_cast %scan3A_298 : i32 to index
        %get3A_307 = arith.index_cast %get3A_305 : i32 to index
        %get3A_308 = arith.constant 16 : index
        %get3A_309 = tpu.vector_load %arg12[%get3A_306, %get3A_307, %get3A_308] {strides = array<i32>} : memref<25x8x32xi32, #tpu.memory_space<vmem>>, vector<16xi32>,
        %get3A_310 = arith.constant 0 : i32
        %get3A_311 = arith.index_cast %scan3A_298 : i32 to index
        %get3A_312 = arith.index_cast %get3A_310 : i32 to index
        %get3A_313 = arith.constant 16 : index
        %get3A_314 = tpu.vector_load %arg14[%get3A_311, %get3A_312, %get3A_313] {strides = array<i32>} : memref<25x8x32xf32, #tpu.memory_space<vmem>>, vector<16xf32>,
        %shift_right_arithmetic3A = arith.constant 3 : i32
        %shift_right_arithmetic3A_315 = vector.broadcast %shift_right_arithmetic3A : i32 to vector<16xi32>
        %shift_right_arithmetic3A_316 = arith.shrsi %get3A_304, %shift_right_arithmetic3A_315 : vector<16xi32>
        %and3A_317 = arith.constant 7 : i32
        %and3A_318 = vector.broadcast %and3A_317 : i32 to vector<16xi32>
        %and3A_319 = arith.andi %get3A_304, %and3A_318 : vector<16xi32>
        %gather3A = tpu.vector_load_idx %arg8[%shift_right_arithmetic3A_316, %and3A_319, %add3A_291] : memref<125x8x32xf32, #tpu.memory_space<vmem>>[vector<16xi32>, vector<16xi32>, vector<16xi32>], vector<16xf32>,
        %shift_right_arithmetic3A_320 = arith.constant 3 : i32
        %shift_right_arithmetic3A_321 = vector.broadcast %shift_right_arithmetic3A_320 : i32 to vector<16xi32>
        %shift_right_arithmetic3A_322 = arith.shrsi %get3A_309, %shift_right_arithmetic3A_321 : vector<16xi32>
        %and3A_323 = arith.constant 7 : i32
        %and3A_324 = vector.broadcast %and3A_323 : i32 to vector<16xi32>
        %and3A_325 = arith.andi %get3A_309, %and3A_324 : vector<16xi32>
        %gather3A_326 = tpu.vector_load_idx %arg8[%shift_right_arithmetic3A_322, %and3A_325, %add3A_291] : memref<125x8x32xf32, #tpu.memory_space<vmem>>[vector<16xi32>, vector<16xi32>, vector<16xi32>], vector<16xf32>,
        %sub3A_327 = arith.subf %gather3A, %gather3A_326 : vector<16xf32>
        %abs3A = math.absf %sub3A_327 : vector<16xf32>
        %neg3A = arith.constant 0.000000e+00 : f32
        %neg3A_328 = vector.broadcast %neg3A : f32 to vector<16xf32>
        %neg3A_329 = arith.subf %neg3A_328, %abs3A : vector<16xf32>
        %exp3A = math.exp %neg3A_329 : vector<16xf32>
        %min3A = arith.constant 0.000000e+00 : f32
        %min3A_330 = vector.broadcast %min3A : f32 to vector<16xf32>
        %min3A_331 = arith.minimumf %sub3A_327, %min3A_330 : vector<16xf32>
        %mul3A_332 = arith.mulf %exp3A, %exp3A : vector<16xf32>
        %mul3A_333 = arith.mulf %mul3A_332, %mul3A_332 : vector<16xf32>
        %mul3A_334 = arith.constant 0.999010443 : f32
        %mul3A_335 = vector.broadcast %mul3A_334 : f32 to vector<16xf32>
        %mul3A_336 = arith.mulf %mul3A_335, %exp3A : vector<16xf32>
        %add3A_337 = arith.constant 2.21170303E-5 : f32
        %add3A_338 = vector.broadcast %add3A_337 : f32 to vector<16xf32>
        %add3A_339 = arith.addf %add3A_338, %mul3A_336 : vector<16xf32>
        %mul3A_340 = arith.constant 0.283304334 : f32
        %mul3A_341 = vector.broadcast %mul3A_340 : f32 to vector<16xf32>
        %mul3A_342 = arith.mulf %mul3A_341, %exp3A : vector<16xf32>
        %add3A_343 = arith.constant -0.489156842 : f32
        %add3A_344 = vector.broadcast %add3A_343 : f32 to vector<16xf32>
        %add3A_345 = arith.addf %add3A_344, %mul3A_342 : vector<16xf32>
        %mul3A_346 = arith.constant 0.0301026255 : f32
        %mul3A_347 = vector.broadcast %mul3A_346 : f32 to vector<16xf32>
        %mul3A_348 = arith.mulf %mul3A_347, %exp3A : vector<16xf32>
        %add3A_349 = arith.constant -0.130119413 : f32
        %add3A_350 = vector.broadcast %add3A_349 : f32 to vector<16xf32>
        %add3A_351 = arith.addf %add3A_350, %mul3A_348 : vector<16xf32>
        %mul3A_352 = arith.mulf %mul3A_332, %add3A_345 : vector<16xf32>
        %add3A_353 = arith.addf %add3A_339, %mul3A_352 : vector<16xf32>
        %mul3A_354 = arith.mulf %mul3A_333, %add3A_351 : vector<16xf32>
        %add3A_355 = arith.addf %add3A_353, %mul3A_354 : vector<16xf32>
        %sub3A_356 = arith.subf %min3A_331, %add3A_355 : vector<16xf32>
        %mul3A_357 = arith.mulf %sub3A_356, %get3A_314 : vector<16xf32>
        %add3A_358 = arith.addf %scan3A_299, %mul3A_357 : vector<16xf32>
        %add3A_359 = arith.addf %scan3A_300, %get3A_314 : vector<16xf32>
        %get3A_360 = arith.constant 1 : i32
        %get3A_361 = arith.index_cast %scan3A_298 : i32 to index
        %get3A_362 = arith.index_cast %get3A_360 : i32 to index
        %get3A_363 = arith.constant 16 : index
        %get3A_364 = tpu.vector_load %arg10[%get3A_361, %get3A_362, %get3A_363] {strides = array<i32>} : memref<25x8x32xi32, #tpu.memory_space<vmem>>, vector<16xi32>,
        %get3A_365 = arith.constant 1 : i32
        %get3A_366 = arith.index_cast %scan3A_298 : i32 to index
        %get3A_367 = arith.index_cast %get3A_365 : i32 to index
        %get3A_368 = arith.constant 16 : index
        %get3A_369 = tpu.vector_load %arg12[%get3A_366, %get3A_367, %get3A_368] {strides = array<i32>} : memref<25x8x32xi32, #tpu.memory_space<vmem>>, vector<16xi32>,
        %get3A_370 = arith.constant 1 : i32
        %get3A_371 = arith.index_cast %scan3A_298 : i32 to index
        %get3A_372 = arith.index_cast %get3A_370 : i32 to index
        %get3A_373 = arith.constant 16 : index
        %get3A_374 = tpu.vector_load %arg14[%get3A_371, %get3A_372, %get3A_373] {strides = array<i32>} : memref<25x8x32xf32, #tpu.memory_space<vmem>>, vector<16xf32>,
        %shift_right_arithmetic3A_375 = arith.constant 3 : i32
        %shift_right_arithmetic3A_376 = vector.broadcast %shift_right_arithmetic3A_375 : i32 to vector<16xi32>
        %shift_right_arithmetic3A_377 = arith.shrsi %get3A_364, %shift_right_arithmetic3A_376 : vector<16xi32>
        %and3A_378 = arith.constant 7 : i32
        %and3A_379 = vector.broadcast %and3A_378 : i32 to vector<16xi32>
        %and3A_380 = arith.andi %get3A_364, %and3A_379 : vector<16xi32>
        %gather3A_381 = tpu.vector_load_idx %arg8[%shift_right_arithmetic3A_377, %and3A_380, %add3A_291] : memref<125x8x32xf32, #tpu.memory_space<vmem>>[vector<16xi32>, vector<16xi32>, vector<16xi32>], vector<16xf32>,
        %shift_right_arithmetic3A_382 = arith.constant 3 : i32
        %shift_right_arithmetic3A_383 = vector.broadcast %shift_right_arithmetic3A_382 : i32 to vector<16xi32>
        %shift_right_arithmetic3A_384 = arith.shrsi %get3A_369, %shift_right_arithmetic3A_383 : vector<16xi32>
        %and3A_385 = arith.constant 7 : i32
        %and3A_386 = vector.broadcast %and3A_385 : i32 to vector<16xi32>
        %and3A_387 = arith.andi %get3A_369, %and3A_386 : vector<16xi32>
        %gather3A_388 = tpu.vector_load_idx %arg8[%shift_right_arithmetic3A_384, %and3A_387, %add3A_291] : memref<125x8x32xf32, #tpu.memory_space<vmem>>[vector<16xi32>, vector<16xi32>, vector<16xi32>], vector<16xf32>,
        %sub3A_389 = arith.subf %gather3A_381, %gather3A_388 : vector<16xf32>
        %abs3A_390 = math.absf %sub3A_389 : vector<16xf32>
        %neg3A_391 = arith.constant 0.000000e+00 : f32
        %neg3A_392 = vector.broadcast %neg3A_391 : f32 to vector<16xf32>
        %neg3A_393 = arith.subf %neg3A_392, %abs3A_390 : vector<16xf32>
        %exp3A_394 = math.exp %neg3A_393 : vector<16xf32>
        %min3A_395 = arith.constant 0.000000e+00 : f32
        %min3A_396 = vector.broadcast %min3A_395 : f32 to vector<16xf32>
        %min3A_397 = arith.minimumf %sub3A_389, %min3A_396 : vector<16xf32>
        %mul3A_398 = arith.mulf %exp3A_394, %exp3A_394 : vector<16xf32>
        %mul3A_399 = arith.mulf %mul3A_398, %mul3A_398 : vector<16xf32>
        %mul3A_400 = arith.constant 0.999010443 : f32
        %mul3A_401 = vector.broadcast %mul3A_400 : f32 to vector<16xf32>
        %mul3A_402 = arith.mulf %mul3A_401, %exp3A_394 : vector<16xf32>
        %add3A_403 = arith.constant 2.21170303E-5 : f32
        %add3A_404 = vector.broadcast %add3A_403 : f32 to vector<16xf32>
        %add3A_405 = arith.addf %add3A_404, %mul3A_402 : vector<16xf32>
        %mul3A_406 = arith.constant 0.283304334 : f32
        %mul3A_407 = vector.broadcast %mul3A_406 : f32 to vector<16xf32>
        %mul3A_408 = arith.mulf %mul3A_407, %exp3A_394 : vector<16xf32>
        %add3A_409 = arith.constant -0.489156842 : f32
        %add3A_410 = vector.broadcast %add3A_409 : f32 to vector<16xf32>
        %add3A_411 = arith.addf %add3A_410, %mul3A_408 : vector<16xf32>
        %mul3A_412 = arith.constant 0.0301026255 : f32
        %mul3A_413 = vector.broadcast %mul3A_412 : f32 to vector<16xf32>
        %mul3A_414 = arith.mulf %mul3A_413, %exp3A_394 : vector<16xf32>
        %add3A_415 = arith.constant -0.130119413 : f32
        %add3A_416 = vector.broadcast %add3A_415 : f32 to vector<16xf32>
        %add3A_417 = arith.addf %add3A_416, %mul3A_414 : vector<16xf32>
        %mul3A_418 = arith.mulf %mul3A_398, %add3A_411 : vector<16xf32>
        %add3A_419 = arith.addf %add3A_405, %mul3A_418 : vector<16xf32>
        %mul3A_420 = arith.mulf %mul3A_399, %add3A_417 : vector<16xf32>
        %add3A_421 = arith.addf %add3A_419, %mul3A_420 : vector<16xf32>
        %sub3A_422 = arith.subf %min3A_397, %add3A_421 : vector<16xf32>
        %mul3A_423 = arith.mulf %sub3A_422, %get3A_374 : vector<16xf32>
        %add3A_424 = arith.addf %add3A_358, %mul3A_423 : vector<16xf32>
        %add3A_425 = arith.addf %add3A_359, %get3A_374 : vector<16xf32>
        %get3A_426 = arith.constant 2 : i32
        %get3A_427 = arith.index_cast %scan3A_298 : i32 to index
        %get3A_428 = arith.index_cast %get3A_426 : i32 to index
        %get3A_429 = arith.constant 16 : index
        %get3A_430 = tpu.vector_load %arg10[%get3A_427, %get3A_428, %get3A_429] {strides = array<i32>} : memref<25x8x32xi32, #tpu.memory_space<vmem>>, vector<16xi32>,
        %get3A_431 = arith.constant 2 : i32
        %get3A_432 = arith.index_cast %scan3A_298 : i32 to index
        %get3A_433 = arith.index_cast %get3A_431 : i32 to index
        %get3A_434 = arith.constant 16 : index
        %get3A_435 = tpu.vector_load %arg12[%get3A_432, %get3A_433, %get3A_434] {strides = array<i32>} : memref<25x8x32xi32, #tpu.memory_space<vmem>>, vector<16xi32>,
        %get3A_436 = arith.constant 2 : i32
        %get3A_437 = arith.index_cast %scan3A_298 : i32 to index
        %get3A_438 = arith.index_cast %get3A_436 : i32 to index
        %get3A_439 = arith.constant 16 : index
        %get3A_440 = tpu.vector_load %arg14[%get3A_437, %get3A_438, %get3A_439] {strides = array<i32>} : memref<25x8x32xf32, #tpu.memory_space<vmem>>, vector<16xf32>,
        %shift_right_arithmetic3A_441 = arith.constant 3 : i32
        %shift_right_arithmetic3A_442 = vector.broadcast %shift_right_arithmetic3A_441 : i32 to vector<16xi32>
        %shift_right_arithmetic3A_443 = arith.shrsi %get3A_430, %shift_right_arithmetic3A_442 : vector<16xi32>
        %and3A_444 = arith.constant 7 : i32
        %and3A_445 = vector.broadcast %and3A_444 : i32 to vector<16xi32>
        %and3A_446 = arith.andi %get3A_430, %and3A_445 : vector<16xi32>
        %gather3A_447 = tpu.vector_load_idx %arg8[%shift_right_arithmetic3A_443, %and3A_446, %add3A_291] : memref<125x8x32xf32, #tpu.memory_space<vmem>>[vector<16xi32>, vector<16xi32>, vector<16xi32>], vector<16xf32>,
        %shift_right_arithmetic3A_448 = arith.constant 3 : i32
        %shift_right_arithmetic3A_449 = vector.broadcast %shift_right_arithmetic3A_448 : i32 to vector<16xi32>
        %shift_right_arithmetic3A_450 = arith.shrsi %get3A_435, %shift_right_arithmetic3A_449 : vector<16xi32>
        %and3A_451 = arith.constant 7 : i32
        %and3A_452 = vector.broadcast %and3A_451 : i32 to vector<16xi32>
        %and3A_453 = arith.andi %get3A_435, %and3A_452 : vector<16xi32>
        %gather3A_454 = tpu.vector_load_idx %arg8[%shift_right_arithmetic3A_450, %and3A_453, %add3A_291] : memref<125x8x32xf32, #tpu.memory_space<vmem>>[vector<16xi32>, vector<16xi32>, vector<16xi32>], vector<16xf32>,
        %sub3A_455 = arith.subf %gather3A_447, %gather3A_454 : vector<16xf32>
        %abs3A_456 = math.absf %sub3A_455 : vector<16xf32>
        %neg3A_457 = arith.constant 0.000000e+00 : f32
        %neg3A_458 = vector.broadcast %neg3A_457 : f32 to vector<16xf32>
        %neg3A_459 = arith.subf %neg3A_458, %abs3A_456 : vector<16xf32>
        %exp3A_460 = math.exp %neg3A_459 : vector<16xf32>
        %min3A_461 = arith.constant 0.000000e+00 : f32
        %min3A_462 = vector.broadcast %min3A_461 : f32 to vector<16xf32>
        %min3A_463 = arith.minimumf %sub3A_455, %min3A_462 : vector<16xf32>
        %mul3A_464 = arith.mulf %exp3A_460, %exp3A_460 : vector<16xf32>
        %mul3A_465 = arith.mulf %mul3A_464, %mul3A_464 : vector<16xf32>
        %mul3A_466 = arith.constant 0.999010443 : f32
        %mul3A_467 = vector.broadcast %mul3A_466 : f32 to vector<16xf32>
        %mul3A_468 = arith.mulf %mul3A_467, %exp3A_460 : vector<16xf32>
        %add3A_469 = arith.constant 2.21170303E-5 : f32
        %add3A_470 = vector.broadcast %add3A_469 : f32 to vector<16xf32>
        %add3A_471 = arith.addf %add3A_470, %mul3A_468 : vector<16xf32>
        %mul3A_472 = arith.constant 0.283304334 : f32
        %mul3A_473 = vector.broadcast %mul3A_472 : f32 to vector<16xf32>
        %mul3A_474 = arith.mulf %mul3A_473, %exp3A_460 : vector<16xf32>
        %add3A_475 = arith.constant -0.489156842 : f32
        %add3A_476 = vector.broadcast %add3A_475 : f32 to vector<16xf32>
        %add3A_477 = arith.addf %add3A_476, %mul3A_474 : vector<16xf32>
        %mul3A_478 = arith.constant 0.0301026255 : f32
        %mul3A_479 = vector.broadcast %mul3A_478 : f32 to vector<16xf32>
        %mul3A_480 = arith.mulf %mul3A_479, %exp3A_460 : vector<16xf32>
        %add3A_481 = arith.constant -0.130119413 : f32
        %add3A_482 = vector.broadcast %add3A_481 : f32 to vector<16xf32>
        %add3A_483 = arith.addf %add3A_482, %mul3A_480 : vector<16xf32>
        %mul3A_484 = arith.mulf %mul3A_464, %add3A_477 : vector<16xf32>
        %add3A_485 = arith.addf %add3A_471, %mul3A_484 : vector<16xf32>
        %mul3A_486 = arith.mulf %mul3A_465, %add3A_483 : vector<16xf32>
        %add3A_487 = arith.addf %add3A_485, %mul3A_486 : vector<16xf32>
        %sub3A_488 = arith.subf %min3A_463, %add3A_487 : vector<16xf32>
        %mul3A_489 = arith.mulf %sub3A_488, %get3A_440 : vector<16xf32>
        %add3A_490 = arith.addf %add3A_424, %mul3A_489 : vector<16xf32>
        %add3A_491 = arith.addf %add3A_425, %get3A_440 : vector<16xf32>
        %get3A_492 = arith.constant 3 : i32
        %get3A_493 = arith.index_cast %scan3A_298 : i32 to index
        %get3A_494 = arith.index_cast %get3A_492 : i32 to index
        %get3A_495 = arith.constant 16 : index
        %get3A_496 = tpu.vector_load %arg10[%get3A_493, %get3A_494, %get3A_495] {strides = array<i32>} : memref<25x8x32xi32, #tpu.memory_space<vmem>>, vector<16xi32>,
        %get3A_497 = arith.constant 3 : i32
        %get3A_498 = arith.index_cast %scan3A_298 : i32 to index
        %get3A_499 = arith.index_cast %get3A_497 : i32 to index
        %get3A_500 = arith.constant 16 : index
        %get3A_501 = tpu.vector_load %arg12[%get3A_498, %get3A_499, %get3A_500] {strides = array<i32>} : memref<25x8x32xi32, #tpu.memory_space<vmem>>, vector<16xi32>,
        %get3A_502 = arith.constant 3 : i32
        %get3A_503 = arith.index_cast %scan3A_298 : i32 to index
        %get3A_504 = arith.index_cast %get3A_502 : i32 to index
        %get3A_505 = arith.constant 16 : index
        %get3A_506 = tpu.vector_load %arg14[%get3A_503, %get3A_504, %get3A_505] {strides = array<i32>} : memref<25x8x32xf32, #tpu.memory_space<vmem>>, vector<16xf32>,
        %shift_right_arithmetic3A_507 = arith.constant 3 : i32
        %shift_right_arithmetic3A_508 = vector.broadcast %shift_right_arithmetic3A_507 : i32 to vector<16xi32>
        %shift_right_arithmetic3A_509 = arith.shrsi %get3A_496, %shift_right_arithmetic3A_508 : vector<16xi32>
        %and3A_510 = arith.constant 7 : i32
        %and3A_511 = vector.broadcast %and3A_510 : i32 to vector<16xi32>
        %and3A_512 = arith.andi %get3A_496, %and3A_511 : vector<16xi32>
        %gather3A_513 = tpu.vector_load_idx %arg8[%shift_right_arithmetic3A_509, %and3A_512, %add3A_291] : memref<125x8x32xf32, #tpu.memory_space<vmem>>[vector<16xi32>, vector<16xi32>, vector<16xi32>], vector<16xf32>,
        %shift_right_arithmetic3A_514 = arith.constant 3 : i32
        %shift_right_arithmetic3A_515 = vector.broadcast %shift_right_arithmetic3A_514 : i32 to vector<16xi32>
        %shift_right_arithmetic3A_516 = arith.shrsi %get3A_501, %shift_right_arithmetic3A_515 : vector<16xi32>
        %and3A_517 = arith.constant 7 : i32
        %and3A_518 = vector.broadcast %and3A_517 : i32 to vector<16xi32>
        %and3A_519 = arith.andi %get3A_501, %and3A_518 : vector<16xi32>
        %gather3A_520 = tpu.vector_load_idx %arg8[%shift_right_arithmetic3A_516, %and3A_519, %add3A_291] : memref<125x8x32xf32, #tpu.memory_space<vmem>>[vector<16xi32>, vector<16xi32>, vector<16xi32>], vector<16xf32>,
        %sub3A_521 = arith.subf %gather3A_513, %gather3A_520 : vector<16xf32>
        %abs3A_522 = math.absf %sub3A_521 : vector<16xf32>
        %neg3A_523 = arith.constant 0.000000e+00 : f32
        %neg3A_524 = vector.broadcast %neg3A_523 : f32 to vector<16xf32>
        %neg3A_525 = arith.subf %neg3A_524, %abs3A_522 : vector<16xf32>
        %exp3A_526 = math.exp %neg3A_525 : vector<16xf32>
        %min3A_527 = arith.constant 0.000000e+00 : f32
        %min3A_528 = vector.broadcast %min3A_527 : f32 to vector<16xf32>
        %min3A_529 = arith.minimumf %sub3A_521, %min3A_528 : vector<16xf32>
        %mul3A_530 = arith.mulf %exp3A_526, %exp3A_526 : vector<16xf32>
        %mul3A_531 = arith.mulf %mul3A_530, %mul3A_530 : vector<16xf32>
        %mul3A_532 = arith.constant 0.999010443 : f32
        %mul3A_533 = vector.broadcast %mul3A_532 : f32 to vector<16xf32>
        %mul3A_534 = arith.mulf %mul3A_533, %exp3A_526 : vector<16xf32>
        %add3A_535 = arith.constant 2.21170303E-5 : f32
        %add3A_536 = vector.broadcast %add3A_535 : f32 to vector<16xf32>
        %add3A_537 = arith.addf %add3A_536, %mul3A_534 : vector<16xf32>
        %mul3A_538 = arith.constant 0.283304334 : f32
        %mul3A_539 = vector.broadcast %mul3A_538 : f32 to vector<16xf32>
        %mul3A_540 = arith.mulf %mul3A_539, %exp3A_526 : vector<16xf32>
        %add3A_541 = arith.constant -0.489156842 : f32
        %add3A_542 = vector.broadcast %add3A_541 : f32 to vector<16xf32>
        %add3A_543 = arith.addf %add3A_542, %mul3A_540 : vector<16xf32>
        %mul3A_544 = arith.constant 0.0301026255 : f32
        %mul3A_545 = vector.broadcast %mul3A_544 : f32 to vector<16xf32>
        %mul3A_546 = arith.mulf %mul3A_545, %exp3A_526 : vector<16xf32>
        %add3A_547 = arith.constant -0.130119413 : f32
        %add3A_548 = vector.broadcast %add3A_547 : f32 to vector<16xf32>
        %add3A_549 = arith.addf %add3A_548, %mul3A_546 : vector<16xf32>
        %mul3A_550 = arith.mulf %mul3A_530, %add3A_543 : vector<16xf32>
        %add3A_551 = arith.addf %add3A_537, %mul3A_550 : vector<16xf32>
        %mul3A_552 = arith.mulf %mul3A_531, %add3A_549 : vector<16xf32>
        %add3A_553 = arith.addf %add3A_551, %mul3A_552 : vector<16xf32>
        %sub3A_554 = arith.subf %min3A_529, %add3A_553 : vector<16xf32>
        %mul3A_555 = arith.mulf %sub3A_554, %get3A_506 : vector<16xf32>
        %add3A_556 = arith.addf %add3A_490, %mul3A_555 : vector<16xf32>
        %add3A_557 = arith.addf %add3A_491, %get3A_506 : vector<16xf32>
        %get3A_558 = arith.constant 4 : i32
        %get3A_559 = arith.index_cast %scan3A_298 : i32 to index
        %get3A_560 = arith.index_cast %get3A_558 : i32 to index
        %get3A_561 = arith.constant 16 : index
        %get3A_562 = tpu.vector_load %arg10[%get3A_559, %get3A_560, %get3A_561] {strides = array<i32>} : memref<25x8x32xi32, #tpu.memory_space<vmem>>, vector<16xi32>,
        %get3A_563 = arith.constant 4 : i32
        %get3A_564 = arith.index_cast %scan3A_298 : i32 to index
        %get3A_565 = arith.index_cast %get3A_563 : i32 to index
        %get3A_566 = arith.constant 16 : index
        %get3A_567 = tpu.vector_load %arg12[%get3A_564, %get3A_565, %get3A_566] {strides = array<i32>} : memref<25x8x32xi32, #tpu.memory_space<vmem>>, vector<16xi32>,
        %get3A_568 = arith.constant 4 : i32
        %get3A_569 = arith.index_cast %scan3A_298 : i32 to index
        %get3A_570 = arith.index_cast %get3A_568 : i32 to index
        %get3A_571 = arith.constant 16 : index
        %get3A_572 = tpu.vector_load %arg14[%get3A_569, %get3A_570, %get3A_571] {strides = array<i32>} : memref<25x8x32xf32, #tpu.memory_space<vmem>>, vector<16xf32>,
        %shift_right_arithmetic3A_573 = arith.constant 3 : i32
        %shift_right_arithmetic3A_574 = vector.broadcast %shift_right_arithmetic3A_573 : i32 to vector<16xi32>
        %shift_right_arithmetic3A_575 = arith.shrsi %get3A_562, %shift_right_arithmetic3A_574 : vector<16xi32>
        %and3A_576 = arith.constant 7 : i32
        %and3A_577 = vector.broadcast %and3A_576 : i32 to vector<16xi32>
        %and3A_578 = arith.andi %get3A_562, %and3A_577 : vector<16xi32>
        %gather3A_579 = tpu.vector_load_idx %arg8[%shift_right_arithmetic3A_575, %and3A_578, %add3A_291] : memref<125x8x32xf32, #tpu.memory_space<vmem>>[vector<16xi32>, vector<16xi32>, vector<16xi32>], vector<16xf32>,
        %shift_right_arithmetic3A_580 = arith.constant 3 : i32
        %shift_right_arithmetic3A_581 = vector.broadcast %shift_right_arithmetic3A_580 : i32 to vector<16xi32>
        %shift_right_arithmetic3A_582 = arith.shrsi %get3A_567, %shift_right_arithmetic3A_581 : vector<16xi32>
        %and3A_583 = arith.constant 7 : i32
        %and3A_584 = vector.broadcast %and3A_583 : i32 to vector<16xi32>
        %and3A_585 = arith.andi %get3A_567, %and3A_584 : vector<16xi32>
        %gather3A_586 = tpu.vector_load_idx %arg8[%shift_right_arithmetic3A_582, %and3A_585, %add3A_291] : memref<125x8x32xf32, #tpu.memory_space<vmem>>[vector<16xi32>, vector<16xi32>, vector<16xi32>], vector<16xf32>,
        %sub3A_587 = arith.subf %gather3A_579, %gather3A_586 : vector<16xf32>
        %abs3A_588 = math.absf %sub3A_587 : vector<16xf32>
        %neg3A_589 = arith.constant 0.000000e+00 : f32
        %neg3A_590 = vector.broadcast %neg3A_589 : f32 to vector<16xf32>
        %neg3A_591 = arith.subf %neg3A_590, %abs3A_588 : vector<16xf32>
        %exp3A_592 = math.exp %neg3A_591 : vector<16xf32>
        %min3A_593 = arith.constant 0.000000e+00 : f32
        %min3A_594 = vector.broadcast %min3A_593 : f32 to vector<16xf32>
        %min3A_595 = arith.minimumf %sub3A_587, %min3A_594 : vector<16xf32>
        %mul3A_596 = arith.mulf %exp3A_592, %exp3A_592 : vector<16xf32>
        %mul3A_597 = arith.mulf %mul3A_596, %mul3A_596 : vector<16xf32>
        %mul3A_598 = arith.constant 0.999010443 : f32
        %mul3A_599 = vector.broadcast %mul3A_598 : f32 to vector<16xf32>
        %mul3A_600 = arith.mulf %mul3A_599, %exp3A_592 : vector<16xf32>
        %add3A_601 = arith.constant 2.21170303E-5 : f32
        %add3A_602 = vector.broadcast %add3A_601 : f32 to vector<16xf32>
        %add3A_603 = arith.addf %add3A_602, %mul3A_600 : vector<16xf32>
        %mul3A_604 = arith.constant 0.283304334 : f32
        %mul3A_605 = vector.broadcast %mul3A_604 : f32 to vector<16xf32>
        %mul3A_606 = arith.mulf %mul3A_605, %exp3A_592 : vector<16xf32>
        %add3A_607 = arith.constant -0.489156842 : f32
        %add3A_608 = vector.broadcast %add3A_607 : f32 to vector<16xf32>
        %add3A_609 = arith.addf %add3A_608, %mul3A_606 : vector<16xf32>
        %mul3A_610 = arith.constant 0.0301026255 : f32
        %mul3A_611 = vector.broadcast %mul3A_610 : f32 to vector<16xf32>
        %mul3A_612 = arith.mulf %mul3A_611, %exp3A_592 : vector<16xf32>
        %add3A_613 = arith.constant -0.130119413 : f32
        %add3A_614 = vector.broadcast %add3A_613 : f32 to vector<16xf32>
        %add3A_615 = arith.addf %add3A_614, %mul3A_612 : vector<16xf32>
        %mul3A_616 = arith.mulf %mul3A_596, %add3A_609 : vector<16xf32>
        %add3A_617 = arith.addf %add3A_603, %mul3A_616 : vector<16xf32>
        %mul3A_618 = arith.mulf %mul3A_597, %add3A_615 : vector<16xf32>
        %add3A_619 = arith.addf %add3A_617, %mul3A_618 : vector<16xf32>
        %sub3A_620 = arith.subf %min3A_595, %add3A_619 : vector<16xf32>
        %mul3A_621 = arith.mulf %sub3A_620, %get3A_572 : vector<16xf32>
        %add3A_622 = arith.addf %add3A_556, %mul3A_621 : vector<16xf32>
        %add3A_623 = arith.addf %add3A_557, %get3A_572 : vector<16xf32>
        %get3A_624 = arith.constant 5 : i32
        %get3A_625 = arith.index_cast %scan3A_298 : i32 to index
        %get3A_626 = arith.index_cast %get3A_624 : i32 to index
        %get3A_627 = arith.constant 16 : index
        %get3A_628 = tpu.vector_load %arg10[%get3A_625, %get3A_626, %get3A_627] {strides = array<i32>} : memref<25x8x32xi32, #tpu.memory_space<vmem>>, vector<16xi32>,
        %get3A_629 = arith.constant 5 : i32
        %get3A_630 = arith.index_cast %scan3A_298 : i32 to index
        %get3A_631 = arith.index_cast %get3A_629 : i32 to index
        %get3A_632 = arith.constant 16 : index
        %get3A_633 = tpu.vector_load %arg12[%get3A_630, %get3A_631, %get3A_632] {strides = array<i32>} : memref<25x8x32xi32, #tpu.memory_space<vmem>>, vector<16xi32>,
        %get3A_634 = arith.constant 5 : i32
        %get3A_635 = arith.index_cast %scan3A_298 : i32 to index
        %get3A_636 = arith.index_cast %get3A_634 : i32 to index
        %get3A_637 = arith.constant 16 : index
        %get3A_638 = tpu.vector_load %arg14[%get3A_635, %get3A_636, %get3A_637] {strides = array<i32>} : memref<25x8x32xf32, #tpu.memory_space<vmem>>, vector<16xf32>,
        %shift_right_arithmetic3A_639 = arith.constant 3 : i32
        %shift_right_arithmetic3A_640 = vector.broadcast %shift_right_arithmetic3A_639 : i32 to vector<16xi32>
        %shift_right_arithmetic3A_641 = arith.shrsi %get3A_628, %shift_right_arithmetic3A_640 : vector<16xi32>
        %and3A_642 = arith.constant 7 : i32
        %and3A_643 = vector.broadcast %and3A_642 : i32 to vector<16xi32>
        %and3A_644 = arith.andi %get3A_628, %and3A_643 : vector<16xi32>
        %gather3A_645 = tpu.vector_load_idx %arg8[%shift_right_arithmetic3A_641, %and3A_644, %add3A_291] : memref<125x8x32xf32, #tpu.memory_space<vmem>>[vector<16xi32>, vector<16xi32>, vector<16xi32>], vector<16xf32>,
        %shift_right_arithmetic3A_646 = arith.constant 3 : i32
        %shift_right_arithmetic3A_647 = vector.broadcast %shift_right_arithmetic3A_646 : i32 to vector<16xi32>
        %shift_right_arithmetic3A_648 = arith.shrsi %get3A_633, %shift_right_arithmetic3A_647 : vector<16xi32>
        %and3A_649 = arith.constant 7 : i32
        %and3A_650 = vector.broadcast %and3A_649 : i32 to vector<16xi32>
        %and3A_651 = arith.andi %get3A_633, %and3A_650 : vector<16xi32>
        %gather3A_652 = tpu.vector_load_idx %arg8[%shift_right_arithmetic3A_648, %and3A_651, %add3A_291] : memref<125x8x32xf32, #tpu.memory_space<vmem>>[vector<16xi32>, vector<16xi32>, vector<16xi32>], vector<16xf32>,
        %sub3A_653 = arith.subf %gather3A_645, %gather3A_652 : vector<16xf32>
        %abs3A_654 = math.absf %sub3A_653 : vector<16xf32>
        %neg3A_655 = arith.constant 0.000000e+00 : f32
        %neg3A_656 = vector.broadcast %neg3A_655 : f32 to vector<16xf32>
        %neg3A_657 = arith.subf %neg3A_656, %abs3A_654 : vector<16xf32>
        %exp3A_658 = math.exp %neg3A_657 : vector<16xf32>
        %min3A_659 = arith.constant 0.000000e+00 : f32
        %min3A_660 = vector.broadcast %min3A_659 : f32 to vector<16xf32>
        %min3A_661 = arith.minimumf %sub3A_653, %min3A_660 : vector<16xf32>
        %mul3A_662 = arith.mulf %exp3A_658, %exp3A_658 : vector<16xf32>
        %mul3A_663 = arith.mulf %mul3A_662, %mul3A_662 : vector<16xf32>
        %mul3A_664 = arith.constant 0.999010443 : f32
        %mul3A_665 = vector.broadcast %mul3A_664 : f32 to vector<16xf32>
        %mul3A_666 = arith.mulf %mul3A_665, %exp3A_658 : vector<16xf32>
        %add3A_667 = arith.constant 2.21170303E-5 : f32
        %add3A_668 = vector.broadcast %add3A_667 : f32 to vector<16xf32>
        %add3A_669 = arith.addf %add3A_668, %mul3A_666 : vector<16xf32>
        %mul3A_670 = arith.constant 0.283304334 : f32
        %mul3A_671 = vector.broadcast %mul3A_670 : f32 to vector<16xf32>
        %mul3A_672 = arith.mulf %mul3A_671, %exp3A_658 : vector<16xf32>
        %add3A_673 = arith.constant -0.489156842 : f32
        %add3A_674 = vector.broadcast %add3A_673 : f32 to vector<16xf32>
        %add3A_675 = arith.addf %add3A_674, %mul3A_672 : vector<16xf32>
        %mul3A_676 = arith.constant 0.0301026255 : f32
        %mul3A_677 = vector.broadcast %mul3A_676 : f32 to vector<16xf32>
        %mul3A_678 = arith.mulf %mul3A_677, %exp3A_658 : vector<16xf32>
        %add3A_679 = arith.constant -0.130119413 : f32
        %add3A_680 = vector.broadcast %add3A_679 : f32 to vector<16xf32>
        %add3A_681 = arith.addf %add3A_680, %mul3A_678 : vector<16xf32>
        %mul3A_682 = arith.mulf %mul3A_662, %add3A_675 : vector<16xf32>
        %add3A_683 = arith.addf %add3A_669, %mul3A_682 : vector<16xf32>
        %mul3A_684 = arith.mulf %mul3A_663, %add3A_681 : vector<16xf32>
        %add3A_685 = arith.addf %add3A_683, %mul3A_684 : vector<16xf32>
        %sub3A_686 = arith.subf %min3A_661, %add3A_685 : vector<16xf32>
        %mul3A_687 = arith.mulf %sub3A_686, %get3A_638 : vector<16xf32>
        %add3A_688 = arith.addf %add3A_622, %mul3A_687 : vector<16xf32>
        %add3A_689 = arith.addf %add3A_623, %get3A_638 : vector<16xf32>
        %get3A_690 = arith.constant 6 : i32
        %get3A_691 = arith.index_cast %scan3A_298 : i32 to index
        %get3A_692 = arith.index_cast %get3A_690 : i32 to index
        %get3A_693 = arith.constant 16 : index
        %get3A_694 = tpu.vector_load %arg10[%get3A_691, %get3A_692, %get3A_693] {strides = array<i32>} : memref<25x8x32xi32, #tpu.memory_space<vmem>>, vector<16xi32>,
        %get3A_695 = arith.constant 6 : i32
        %get3A_696 = arith.index_cast %scan3A_298 : i32 to index
        %get3A_697 = arith.index_cast %get3A_695 : i32 to index
        %get3A_698 = arith.constant 16 : index
        %get3A_699 = tpu.vector_load %arg12[%get3A_696, %get3A_697, %get3A_698] {strides = array<i32>} : memref<25x8x32xi32, #tpu.memory_space<vmem>>, vector<16xi32>,
        %get3A_700 = arith.constant 6 : i32
        %get3A_701 = arith.index_cast %scan3A_298 : i32 to index
        %get3A_702 = arith.index_cast %get3A_700 : i32 to index
        %get3A_703 = arith.constant 16 : index
        %get3A_704 = tpu.vector_load %arg14[%get3A_701, %get3A_702, %get3A_703] {strides = array<i32>} : memref<25x8x32xf32, #tpu.memory_space<vmem>>, vector<16xf32>,
        %shift_right_arithmetic3A_705 = arith.constant 3 : i32
        %shift_right_arithmetic3A_706 = vector.broadcast %shift_right_arithmetic3A_705 : i32 to vector<16xi32>
        %shift_right_arithmetic3A_707 = arith.shrsi %get3A_694, %shift_right_arithmetic3A_706 : vector<16xi32>
        %and3A_708 = arith.constant 7 : i32
        %and3A_709 = vector.broadcast %and3A_708 : i32 to vector<16xi32>
        %and3A_710 = arith.andi %get3A_694, %and3A_709 : vector<16xi32>
        %gather3A_711 = tpu.vector_load_idx %arg8[%shift_right_arithmetic3A_707, %and3A_710, %add3A_291] : memref<125x8x32xf32, #tpu.memory_space<vmem>>[vector<16xi32>, vector<16xi32>, vector<16xi32>], vector<16xf32>,
        %shift_right_arithmetic3A_712 = arith.constant 3 : i32
        %shift_right_arithmetic3A_713 = vector.broadcast %shift_right_arithmetic3A_712 : i32 to vector<16xi32>
        %shift_right_arithmetic3A_714 = arith.shrsi %get3A_699, %shift_right_arithmetic3A_713 : vector<16xi32>
        %and3A_715 = arith.constant 7 : i32
        %and3A_716 = vector.broadcast %and3A_715 : i32 to vector<16xi32>
        %and3A_717 = arith.andi %get3A_699, %and3A_716 : vector<16xi32>
        %gather3A_718 = tpu.vector_load_idx %arg8[%shift_right_arithmetic3A_714, %and3A_717, %add3A_291] : memref<125x8x32xf32, #tpu.memory_space<vmem>>[vector<16xi32>, vector<16xi32>, vector<16xi32>], vector<16xf32>,
        %sub3A_719 = arith.subf %gather3A_711, %gather3A_718 : vector<16xf32>
        %abs3A_720 = math.absf %sub3A_719 : vector<16xf32>
        %neg3A_721 = arith.constant 0.000000e+00 : f32
        %neg3A_722 = vector.broadcast %neg3A_721 : f32 to vector<16xf32>
        %neg3A_723 = arith.subf %neg3A_722, %abs3A_720 : vector<16xf32>
        %exp3A_724 = math.exp %neg3A_723 : vector<16xf32>
        %min3A_725 = arith.constant 0.000000e+00 : f32
        %min3A_726 = vector.broadcast %min3A_725 : f32 to vector<16xf32>
        %min3A_727 = arith.minimumf %sub3A_719, %min3A_726 : vector<16xf32>
        %mul3A_728 = arith.mulf %exp3A_724, %exp3A_724 : vector<16xf32>
        %mul3A_729 = arith.mulf %mul3A_728, %mul3A_728 : vector<16xf32>
        %mul3A_730 = arith.constant 0.999010443 : f32
        %mul3A_731 = vector.broadcast %mul3A_730 : f32 to vector<16xf32>
        %mul3A_732 = arith.mulf %mul3A_731, %exp3A_724 : vector<16xf32>
        %add3A_733 = arith.constant 2.21170303E-5 : f32
        %add3A_734 = vector.broadcast %add3A_733 : f32 to vector<16xf32>
        %add3A_735 = arith.addf %add3A_734, %mul3A_732 : vector<16xf32>
        %mul3A_736 = arith.constant 0.283304334 : f32
        %mul3A_737 = vector.broadcast %mul3A_736 : f32 to vector<16xf32>
        %mul3A_738 = arith.mulf %mul3A_737, %exp3A_724 : vector<16xf32>
        %add3A_739 = arith.constant -0.489156842 : f32
        %add3A_740 = vector.broadcast %add3A_739 : f32 to vector<16xf32>
        %add3A_741 = arith.addf %add3A_740, %mul3A_738 : vector<16xf32>
        %mul3A_742 = arith.constant 0.0301026255 : f32
        %mul3A_743 = vector.broadcast %mul3A_742 : f32 to vector<16xf32>
        %mul3A_744 = arith.mulf %mul3A_743, %exp3A_724 : vector<16xf32>
        %add3A_745 = arith.constant -0.130119413 : f32
        %add3A_746 = vector.broadcast %add3A_745 : f32 to vector<16xf32>
        %add3A_747 = arith.addf %add3A_746, %mul3A_744 : vector<16xf32>
        %mul3A_748 = arith.mulf %mul3A_728, %add3A_741 : vector<16xf32>
        %add3A_749 = arith.addf %add3A_735, %mul3A_748 : vector<16xf32>
        %mul3A_750 = arith.mulf %mul3A_729, %add3A_747 : vector<16xf32>
        %add3A_751 = arith.addf %add3A_749, %mul3A_750 : vector<16xf32>
        %sub3A_752 = arith.subf %min3A_727, %add3A_751 : vector<16xf32>
        %mul3A_753 = arith.mulf %sub3A_752, %get3A_704 : vector<16xf32>
        %add3A_754 = arith.addf %add3A_688, %mul3A_753 : vector<16xf32>
        %add3A_755 = arith.addf %add3A_689, %get3A_704 : vector<16xf32>
        %get3A_756 = arith.constant 7 : i32
        %get3A_757 = arith.index_cast %scan3A_298 : i32 to index
        %get3A_758 = arith.index_cast %get3A_756 : i32 to index
        %get3A_759 = arith.constant 16 : index
        %get3A_760 = tpu.vector_load %arg10[%get3A_757, %get3A_758, %get3A_759] {strides = array<i32>} : memref<25x8x32xi32, #tpu.memory_space<vmem>>, vector<16xi32>,
        %get3A_761 = arith.constant 7 : i32
        %get3A_762 = arith.index_cast %scan3A_298 : i32 to index
        %get3A_763 = arith.index_cast %get3A_761 : i32 to index
        %get3A_764 = arith.constant 16 : index
        %get3A_765 = tpu.vector_load %arg12[%get3A_762, %get3A_763, %get3A_764] {strides = array<i32>} : memref<25x8x32xi32, #tpu.memory_space<vmem>>, vector<16xi32>,
        %get3A_766 = arith.constant 7 : i32
        %get3A_767 = arith.index_cast %scan3A_298 : i32 to index
        %get3A_768 = arith.index_cast %get3A_766 : i32 to index
        %get3A_769 = arith.constant 16 : index
        %get3A_770 = tpu.vector_load %arg14[%get3A_767, %get3A_768, %get3A_769] {strides = array<i32>} : memref<25x8x32xf32, #tpu.memory_space<vmem>>, vector<16xf32>,
        %shift_right_arithmetic3A_771 = arith.constant 3 : i32
        %shift_right_arithmetic3A_772 = vector.broadcast %shift_right_arithmetic3A_771 : i32 to vector<16xi32>
        %shift_right_arithmetic3A_773 = arith.shrsi %get3A_760, %shift_right_arithmetic3A_772 : vector<16xi32>
        %and3A_774 = arith.constant 7 : i32
        %and3A_775 = vector.broadcast %and3A_774 : i32 to vector<16xi32>
        %and3A_776 = arith.andi %get3A_760, %and3A_775 : vector<16xi32>
        %gather3A_777 = tpu.vector_load_idx %arg8[%shift_right_arithmetic3A_773, %and3A_776, %add3A_291] : memref<125x8x32xf32, #tpu.memory_space<vmem>>[vector<16xi32>, vector<16xi32>, vector<16xi32>], vector<16xf32>,
        %shift_right_arithmetic3A_778 = arith.constant 3 : i32
        %shift_right_arithmetic3A_779 = vector.broadcast %shift_right_arithmetic3A_778 : i32 to vector<16xi32>
        %shift_right_arithmetic3A_780 = arith.shrsi %get3A_765, %shift_right_arithmetic3A_779 : vector<16xi32>
        %and3A_781 = arith.constant 7 : i32
        %and3A_782 = vector.broadcast %and3A_781 : i32 to vector<16xi32>
        %and3A_783 = arith.andi %get3A_765, %and3A_782 : vector<16xi32>
        %gather3A_784 = tpu.vector_load_idx %arg8[%shift_right_arithmetic3A_780, %and3A_783, %add3A_291] : memref<125x8x32xf32, #tpu.memory_space<vmem>>[vector<16xi32>, vector<16xi32>, vector<16xi32>], vector<16xf32>,
        %sub3A_785 = arith.subf %gather3A_777, %gather3A_784 : vector<16xf32>
        %abs3A_786 = math.absf %sub3A_785 : vector<16xf32>
        %neg3A_787 = arith.constant 0.000000e+00 : f32
        %neg3A_788 = vector.broadcast %neg3A_787 : f32 to vector<16xf32>
        %neg3A_789 = arith.subf %neg3A_788, %abs3A_786 : vector<16xf32>
        %exp3A_790 = math.exp %neg3A_789 : vector<16xf32>
        %min3A_791 = arith.constant 0.000000e+00 : f32
        %min3A_792 = vector.broadcast %min3A_791 : f32 to vector<16xf32>
        %min3A_793 = arith.minimumf %sub3A_785, %min3A_792 : vector<16xf32>
        %mul3A_794 = arith.mulf %exp3A_790, %exp3A_790 : vector<16xf32>
        %mul3A_795 = arith.mulf %mul3A_794, %mul3A_794 : vector<16xf32>
        %mul3A_796 = arith.constant 0.999010443 : f32
        %mul3A_797 = vector.broadcast %mul3A_796 : f32 to vector<16xf32>
        %mul3A_798 = arith.mulf %mul3A_797, %exp3A_790 : vector<16xf32>
        %add3A_799 = arith.constant 2.21170303E-5 : f32
        %add3A_800 = vector.broadcast %add3A_799 : f32 to vector<16xf32>
        %add3A_801 = arith.addf %add3A_800, %mul3A_798 : vector<16xf32>
        %mul3A_802 = arith.constant 0.283304334 : f32
        %mul3A_803 = vector.broadcast %mul3A_802 : f32 to vector<16xf32>
        %mul3A_804 = arith.mulf %mul3A_803, %exp3A_790 : vector<16xf32>
        %add3A_805 = arith.constant -0.489156842 : f32
        %add3A_806 = vector.broadcast %add3A_805 : f32 to vector<16xf32>
        %add3A_807 = arith.addf %add3A_806, %mul3A_804 : vector<16xf32>
        %mul3A_808 = arith.constant 0.0301026255 : f32
        %mul3A_809 = vector.broadcast %mul3A_808 : f32 to vector<16xf32>
        %mul3A_810 = arith.mulf %mul3A_809, %exp3A_790 : vector<16xf32>
        %add3A_811 = arith.constant -0.130119413 : f32
        %add3A_812 = vector.broadcast %add3A_811 : f32 to vector<16xf32>
        %add3A_813 = arith.addf %add3A_812, %mul3A_810 : vector<16xf32>
        %mul3A_814 = arith.mulf %mul3A_794, %add3A_807 : vector<16xf32>
        %add3A_815 = arith.addf %add3A_801, %mul3A_814 : vector<16xf32>
        %mul3A_816 = arith.mulf %mul3A_795, %add3A_813 : vector<16xf32>
        %add3A_817 = arith.addf %add3A_815, %mul3A_816 : vector<16xf32>
        %sub3A_818 = arith.subf %min3A_793, %add3A_817 : vector<16xf32>
        %mul3A_819 = arith.mulf %sub3A_818, %get3A_770 : vector<16xf32>
        %add3A_820 = arith.addf %add3A_754, %mul3A_819 : vector<16xf32>
        %add3A_821 = arith.addf %add3A_755, %get3A_770 : vector<16xf32>
        scf.yield %add3A_820, %add3A_821 : vector<16xf32>, vector<16xf32>
      }
      %scan3A_297 = arith.constant 25 : i32
      scf.yield %scan3A_296#0, %scan3A_296#1 : vector<16xf32>, vector<16xf32>
    }
    %scan3A_76 = arith.constant 8 : i32
    %swap3A = arith.constant 0 : index
    %swap3A_77 = tpu.vector_load %arg15[%swap3A] {strides = array<i32>} : memref<32xf32, #tpu.memory_space<vmem>>, vector<16xf32>,
    tpu.vector_store %arg15[%swap3A], %scan3A_75#0 {strides = array<i32>} : memref<32xf32, #tpu.memory_space<vmem>>, vector<16xf32>,
    %swap3A_78 = arith.constant 16 : index
    %swap3A_79 = tpu.vector_load %arg15[%swap3A_78] {strides = array<i32>} : memref<32xf32, #tpu.memory_space<vmem>>, vector<16xf32>,
    tpu.vector_store %arg15[%swap3A_78], %scan3A_75#1 {strides = array<i32>} : memref<32xf32, #tpu.memory_space<vmem>>, vector<16xf32>,
    %mul3A_80 = arith.constant 2 : i32
    %mul3A_81 = arith.muli %add3A, %mul3A_80 : i32
    %mul3A_82 = arith.constant 16 : i32
    %mul3A_83 = arith.muli %mul3A_81, %mul3A_82 : i32
    "tpu.region"() ({
      %run_scoped3A = tpu.sem_alloc : memref<!tpu.dma_semaphore, #tpu.memory_space<semaphore_mem>>
      %dma_start3A_84 = tpu.memref_slice %arg6[%mul3A_83] : memref<1024xf32, #tpu.memory_space<hbm>> -> memref<32xf32, #tpu.memory_space<hbm>>
      %dma_start3A_85 = tpu.memref_slice %arg6[%mul3A_83] : memref<1024xf32, #tpu.memory_space<hbm>> -> memref<32xf32, #tpu.memory_space<hbm>>
      tpu.enqueue_dma source(%arg15 : memref<32xf32, #tpu.memory_space<vmem>>) target(%dma_start3A_85 : memref<32xf32, #tpu.memory_space<hbm>>) target_semaphore(%run_scoped3A : memref<!tpu.dma_semaphore, #tpu.memory_space<semaphore_mem>>)
      %dma_wait3A = tpu.memref_slice %arg6[%mul3A_83] : memref<1024xf32, #tpu.memory_space<hbm>> -> memref<32xf32, #tpu.memory_space<hbm>>
      %dma_wait3A_86 = tpu.memref_slice %arg6[%mul3A_83] : memref<1024xf32, #tpu.memory_space<hbm>> -> memref<32xf32, #tpu.memory_space<hbm>>
      tpu.wait_dma2 semaphore(%run_scoped3A : memref<!tpu.dma_semaphore, #tpu.memory_space<semaphore_mem>>) src(%arg15 : memref<32xf32, #tpu.memory_space<vmem>>) dst(%dma_wait3A_86 : memref<32xf32, #tpu.memory_space<hbm>>)
      tpu.yield
    }) : () -> ()
    return
  }
}

module attributes {stable_mosaic.version = 14 : i64} {
  func.func @_tc_kld_body(%arg0: i32, %arg1: memref<1024x512xf32, #tpu.memory_space<vmem>>, %arg2: memref<1024x512xf32, #tpu.memory_space<vmem>>, %arg3: memref<1x1xf32, #tpu.memory_space<smem>>, %arg4: memref<1xf32, #tpu.memory_space<smem>>) attributes {dimension_semantics = [#tpu.dimension_semantics<arbitrary>], iteration_bounds = array<i64: 16>, scalar_prefetch = 0 : i64, scratch_operands = 1 : i64, tpu.core_type = #tpu.core_type<tc>, window_params = [{transform_indices = @transform_0, window_bounds = array<i64: 1024, 512>}, {transform_indices = @transform_1, window_bounds = array<i64: 1024, 512>}, {transform_indices = @transform_2, window_bounds = array<i64: 1, 1>}]} {
    %eq3A = arith.constant 0 : i32
    %eq3A_0 = arith.cmpi eq, %arg0, %eq3A : i32
    %convert_element_type3A = arith.extui %eq3A_0 : i1 to i32
    %cond3A = arith.constant 0 : i32
    %cond3A_1 = arith.cmpi ne, %convert_element_type3A, %cond3A : i32
    scf.if %cond3A_1 {
      %swap3A_23 = arith.constant 0.000000e+00 : f32
      %swap3A_24 = arith.constant 0 : index
      %swap3A_25 = memref.load %arg4[%swap3A_24] : memref<1xf32, #tpu.memory_space<smem>>
      memref.store %swap3A_23, %arg4[%swap3A_24] : memref<1xf32, #tpu.memory_space<smem>>
    } else {
    }
    %get3A = arith.constant 0 : index
    %get3A_2 = arith.constant 0 : index
    %get3A_3 = vector.load %arg2[%get3A, %get3A_2] : memref<1024x512xf32, #tpu.memory_space<vmem>>, vector<1024x512xf32>
    %get3A_4 = arith.constant 0 : index
    %get3A_5 = memref.load %arg4[%get3A_4] : memref<1xf32, #tpu.memory_space<smem>>
    %add3A = arith.constant 1.000000e+00 : f32
    %add3A_6 = vector.broadcast %add3A : f32 to vector<1024x512xf32>
    %add3A_7 = arith.addf %add3A_6, %get3A_3 : vector<1024x512xf32>
    %get3A_8 = arith.constant 0 : index
    %get3A_9 = arith.constant 0 : index
    %get3A_10 = vector.load %arg1[%get3A_8, %get3A_9] : memref<1024x512xf32, #tpu.memory_space<vmem>>, vector<1024x512xf32>
    %square3A = arith.mulf %get3A_10, %get3A_10 : vector<1024x512xf32>
    %sub3A = arith.subf %add3A_7, %square3A : vector<1024x512xf32>
    %exp3A = math.exp %get3A_3 : vector<1024x512xf32>
    %sub3A_11 = arith.subf %sub3A, %exp3A : vector<1024x512xf32>
    %reduce_sum3A = vector.shape_cast %sub3A_11 : vector<1024x512xf32> to vector<1x1024x512xf32>
    %reduce_sum3A_12 = arith.constant dense<0.000000e+00> : vector<1xf32>
    %reduce_sum3A_13 = vector.multi_reduction <add>, %reduce_sum3A, %reduce_sum3A_12 [1, 2] : vector<1x1024x512xf32> to vector<1xf32>
    %reduce_sum3A_14 = vector.shape_cast %reduce_sum3A_13 : vector<1xf32> to vector<1x1x1xf32>
    %reduce_sum3A_15 = vector.extract %reduce_sum3A_14[0, 0, 0] : f32 from vector<1x1x1xf32>
    %add3A_16 = arith.addf %get3A_5, %reduce_sum3A_15 : f32
    %swap3A = arith.constant 0 : index
    %swap3A_17 = memref.load %arg4[%swap3A] : memref<1xf32, #tpu.memory_space<smem>>
    memref.store %add3A_16, %arg4[%swap3A] : memref<1xf32, #tpu.memory_space<smem>>
    %eq3A_18 = arith.constant 15 : i32
    %eq3A_19 = arith.cmpi eq, %arg0, %eq3A_18 : i32
    %convert_element_type3A_20 = arith.extui %eq3A_19 : i1 to i32
    %cond3A_21 = arith.constant 0 : i32
    %cond3A_22 = arith.cmpi ne, %convert_element_type3A_20, %cond3A_21 : i32
    scf.if %cond3A_22 {
      %get3A_23 = arith.constant 0 : index
      %get3A_24 = memref.load %arg4[%get3A_23] : memref<1xf32, #tpu.memory_space<smem>>
      %swap3A_25 = arith.constant 0 : index
      %swap3A_26 = arith.constant 0 : index
      %swap3A_27 = memref.load %arg3[%swap3A_25, %swap3A_26] : memref<1x1xf32, #tpu.memory_space<smem>>
      memref.store %get3A_24, %arg3[%swap3A_25, %swap3A_26] : memref<1x1xf32, #tpu.memory_space<smem>>
    } else {
    }
    return
  }
  func.func @transform_0(%arg0: i32) -> (i32, i32) {
    %c0_i32 = arith.constant 0 : i32
    %c0_i32_0 = arith.constant 0 : i32
    return %arg0, %c0_i32 : i32, i32
  }
  func.func @transform_1(%arg0: i32) -> (i32, i32) {
    %c0_i32 = arith.constant 0 : i32
    %c0_i32_0 = arith.constant 0 : i32
    return %arg0, %c0_i32 : i32, i32
  }
  func.func @transform_2(%arg0: i32) -> (i32, i32) {
    %c0_i32 = arith.constant 0 : i32
    %c0_i32_0 = arith.constant 0 : i32
    %c0_i32_1 = arith.constant 0 : i32
    return %c0_i32, %c0_i32_0 : i32, i32
  }
}

module attributes {stable_mosaic.version = 14 : i64} {
  func.func @_tc_combine_body(%arg0: memref<1x1xf32, #tpu.memory_space<smem>>, %arg1: memref<1x1xf32, #tpu.memory_space<smem>>, %arg2: memref<8x128xf32, #tpu.memory_space<vmem>>, %arg3: memref<1x1xf32, #tpu.memory_space<smem>>) attributes {dimension_semantics = [], scalar_prefetch = 0 : i64, scratch_operands = 0 : i64, tpu.core_type = #tpu.core_type<tc>} {
    %get3A = arith.constant 0 : index
    %get3A_0 = arith.constant 0 : index
    %get3A_1 = vector.load %arg2[%get3A, %get3A_0] : memref<8x128xf32, #tpu.memory_space<vmem>>, vector<8x128xf32>
    %iota3A = tpu.iota {dimensions = array<i32: 1>} : vector<8x128xi32>
    %jit3A = arith.constant 32 : i32
    %eq3A = arith.constant 0 : i32
    %eq3A_2 = arith.cmpi eq, %jit3A, %eq3A : i32
    %jit3A_3 = arith.constant 1 : i32
    %select_n3A = arith.select %eq3A_2, %jit3A_3, %jit3A : i32
    %rem3A = vector.broadcast %select_n3A : i32 to vector<8x128xi32>
    %rem3A_4 = arith.remsi %iota3A, %rem3A : vector<8x128xi32>
    %ne3A = arith.constant 0 : i32
    %ne3A_5 = vector.broadcast %ne3A : i32 to vector<8x128xi32>
    %ne3A_6 = arith.cmpi ne, %rem3A_4, %ne3A_5 : vector<8x128xi32>
    %lt3A = arith.constant 0 : i32
    %lt3A_7 = vector.broadcast %lt3A : i32 to vector<8x128xi32>
    %lt3A_8 = arith.cmpi slt, %rem3A_4, %lt3A_7 : vector<8x128xi32>
    %lt3A_9 = arith.constant 0 : i32
    %lt3A_10 = arith.cmpi slt, %select_n3A, %lt3A_9 : i32
    %ne3A_11 = vector.broadcast %lt3A_10 : i1 to vector<8x128xi1>
    %ne3A_12 = vector.broadcast %ne3A_11 : vector<8x128xi1> to vector<8x128xi1>
    %ne3A_13 = arith.xori %lt3A_8, %ne3A_12 : vector<8x128xi1>
    %and3A = arith.andi %ne3A_13, %ne3A_6 : vector<8x128xi1>
    %add3A = vector.broadcast %select_n3A : i32 to vector<8x128xi32>
    %add3A_14 = arith.addi %rem3A_4, %add3A : vector<8x128xi32>
    %select_n3A_15 = arith.select %and3A, %add3A_14, %rem3A_4 : vector<8x128xi1>, vector<8x128xi32>
    %lt3A_16 = arith.constant 16 : i32
    %lt3A_17 = vector.broadcast %lt3A_16 : i32 to vector<8x128xi32>
    %lt3A_18 = arith.cmpi slt, %select_n3A_15, %lt3A_17 : vector<8x128xi32>
    %jit3A_19 = arith.constant 0.000000e+00 : f32
    %broadcast_in_dim3A = vector.broadcast %jit3A_19 : f32 to vector<8x128xf32>
    %select_n3A_20 = arith.select %lt3A_18, %get3A_1, %broadcast_in_dim3A : vector<8x128xi1>, vector<8x128xf32>
    %reduce_sum3A = vector.shape_cast %select_n3A_20 : vector<8x128xf32> to vector<1x8x128xf32>
    %reduce_sum3A_21 = arith.constant dense<0.000000e+00> : vector<1xf32>
    %reduce_sum3A_22 = vector.multi_reduction <add>, %reduce_sum3A, %reduce_sum3A_21 [1, 2] : vector<1x8x128xf32> to vector<1xf32>
    %reduce_sum3A_23 = vector.shape_cast %reduce_sum3A_22 : vector<1xf32> to vector<1x1x1xf32>
    %reduce_sum3A_24 = vector.extract %reduce_sum3A_23[0, 0, 0] : f32 from vector<1x1x1xf32>
    %jit3A_25 = arith.constant 0.000000e+00 : f32
    %broadcast_in_dim3A_26 = vector.broadcast %jit3A_25 : f32 to vector<8x128xf32>
    %select_n3A_27 = arith.select %lt3A_18, %broadcast_in_dim3A_26, %get3A_1 : vector<8x128xi1>, vector<8x128xf32>
    %reduce_sum3A_28 = vector.shape_cast %select_n3A_27 : vector<8x128xf32> to vector<1x8x128xf32>
    %reduce_sum3A_29 = arith.constant dense<0.000000e+00> : vector<1xf32>
    %reduce_sum3A_30 = vector.multi_reduction <add>, %reduce_sum3A_28, %reduce_sum3A_29 [1, 2] : vector<1x8x128xf32> to vector<1xf32>
    %reduce_sum3A_31 = vector.shape_cast %reduce_sum3A_30 : vector<1xf32> to vector<1x1x1xf32>
    %reduce_sum3A_32 = vector.extract %reduce_sum3A_31[0, 0, 0] : f32 from vector<1x1x1xf32>
    %neg3A = arith.constant 0.000000e+00 : f32
    %neg3A_33 = arith.subf %neg3A, %reduce_sum3A_24 : f32
    %div3A = arith.divf %neg3A_33, %reduce_sum3A_32 : f32
    %get3A_34 = arith.constant 0 : index
    %get3A_35 = arith.constant 0 : index
    %get3A_36 = memref.load %arg1[%get3A_34, %get3A_35] : memref<1x1xf32, #tpu.memory_space<smem>>
    %mul3A = arith.constant -5.000000e-01 : f32
    %mul3A_37 = arith.mulf %mul3A, %get3A_36 : f32
    %div3A_38 = arith.constant 1.638400e+04 : f32
    %div3A_39 = arith.divf %mul3A_37, %div3A_38 : f32
    %get3A_40 = arith.constant 0 : index
    %get3A_41 = arith.constant 0 : index
    %get3A_42 = memref.load %arg0[%get3A_40, %get3A_41] : memref<1x1xf32, #tpu.memory_space<smem>>
    %mul3A_43 = arith.mulf %get3A_42, %div3A_39 : f32
    %add3A_44 = arith.addf %div3A, %mul3A_43 : f32
    %swap3A = arith.constant 0 : index
    %swap3A_45 = arith.constant 0 : index
    %swap3A_46 = memref.load %arg3[%swap3A, %swap3A_45] : memref<1x1xf32, #tpu.memory_space<smem>>
    memref.store %add3A_44, %arg3[%swap3A, %swap3A_45] : memref<1x1xf32, #tpu.memory_space<smem>>
    return
  }
}

</mosaic_0001>

<sc_bundles>
// kernel: kernel.5.cloned.1.call-start
scs
__scs_entry_jumppad:
0x0: {  	(pc) =	sbr.rel $0x88, $3  }
0x1: {  	(tag) =	ssettag $0x0;
	lr =	simm.s32 $0x1  }
0x2: {  	[smem:$0x3F9A] =	sst lr;
	_ =	strace $0xD0000000  }
0x3: {  	_ = 	snop  }
0x4: {  	_ = 	snop  }
0x5: {  	_ = 	snop  }
0x6: {  	_ = 	snop  }
0x7: {  	_ = 	snop  }
__scs_overlays_trampoline_lowered:
0x8: {  	[smem:$0x3FA9] =	sst s0  }
0x9: {  	[smem:$0x3FAA] =	sst s1  }
0xa: {  	[smem:$0x3FAB] =	sst s2  }
0xb: {  	[smem:$0x3FAC] =	sst s3  }
0xc: {  	[smem:$0x3FAD] =	sst s4  }
0xd: {  	[smem:$0x3FAE] =	sst s5  }
0xe: {  	[smem:$0x3FAF] =	sst s6  }
0xf: {  	[smem:$0x3FB0] =	sst s7  }
0x10: {  	[smem:$0x3FB1] =	sst s8  }
0x11: {  	[smem:$0x3FB2] =	sst s9;
	s0 =	simm.s32 @!p0 $0x0  }
0x12: {  	s1 =	sld [smem:$0x3F98];
	s0 =	simm.s32 @p0 $0x1  }
0x13: {  	[smem:$0x3FB3] =	sst s0;
	s0 =	simm.s32 @!p1 $0x0  }
0x14: {  	s2 =	sld [smem:$0x3F97];
	s0 =	simm.s32 @p1 $0x1  }
0x15: {  	[smem:$0x3FB4] =	sst s0;
	s0 =	simm.s32 @!p2 $0x0  }
0x16: {  	s3 =	sld [smem:$0x3FDB];
	s0 =	simm.s32 @p2 $0x1  }
0x17: {  	s4 =	simm.s32 $0x1BF5;
	[smem:$0x3FB6] =	sst s0  }
0x18: {  	s0 =	sld [smem:$0x3F99];
	_ =	swait.ge [sflag:s4], $0x0  }
0x19: {  	s7 =	sld [smem:$0x3F9A]  }
0x1a: {  	s8 =	sadd.s32 $0xFFFFE003, lr  }
0x1b: {  	s9 =	sadd.s32 $0xFFFFFEF7, lr;
	s5 =	simm.s32 $0xFFFFFFFF;
	p2 =	slt.u32 s8, $0xFFFFF086  }
0x1c: {  	p1 =	slt.u32 s9, $0xF7A;
	s5 =	simm.s32 @!p2 $0x0  }
0x1d: {  	s5 =	simm.s32 @p1 $0x1;
	p0 =	seq.s32 s7, s2  }
0x1e: {  	s7 =	smul.u32 @!p0 $0xF7A, s2;
	p2 =	seq.s32 @!p0 s5, $0x0  }
0x1f: {  	s9 =	smul.u32 $0xF7A, s1;
	s8 =	simm.s32 @!p0 $0x1BF5;
	p2 =	por !p2, p0  }
0x20: {  	[sflag:s8] =	ssyncset.s32 @!p0 $0xFFFFF086;
	s6 =	sadd.s32 @!p0 s3, s7;
	s7 =	simm.s32 @!p0 $0x108  }
0x21: {  	s3 =	sadd.s32 s3, s9;
	s6 =	sadd.s32 @!p0 $0x88, s6;
	s7 =	simm.s32 @p2 $0x1082  }
0x22: {  	[simem:s7], [sflag:s8] =	dma.local @!p0 [hbm:s6], $0xF7A  }
0x23: {  	s9 =	sor.u32 $0xD0000000, s2;
	s6 =	simm.s32 $0x108;
	_ =	swait.ge @!p0 [sflag:s8], $0x0  }
0x24: {  	s3 =	sadd.s32 $0x88, s3;
	s6 =	simm.s32 @!p1 $0x1082;
	[sflag:s4] =	ssyncset.s32 $0xFFFFF086  }
0x25: {  	[simem:s6], [sflag:s4] =	dma.local [hbm:s3], $0xF7A  }
0x26: {  	[smem:$0x3F9A] =	sst s1;
	(tag) =	ssettag s2;
	_ =	strace s9  }
0x27: {  	s1 =	sld [smem:$0x3FAA]  }
0x28: {  	s2 =	sld [smem:$0x3FAB]  }
0x29: {  	s4 =	sld [smem:$0x3FAD]  }
0x2a: {  	p0 =	seq.s32 s5, $0x0;
	s5 =	sld [smem:$0x3FAE]  }
0x2b: {  	s6 =	sld [smem:$0x3FAF]  }
0x2c: {  	s7 =	sld [smem:$0x3FB0]  }
0x2d: {  	s3 =	simm.s32 $0x108;
	s8 =	sld [smem:$0x3FB1]  }
0x2e: {  	s3 =	simm.s32 @!p0 $0x1082;
	s9 =	sld [smem:$0x3FB2]  }
0x2f: {  	lr =	sadd.s32 s0, s3;
	s0 =	sld [smem:$0x3FA9]  }
0x30: {  	s3 =	sld [smem:$0x3FAC]  }
0x31: {  	[smem:$0x3FB5] =	sst s10  }
0x32: {  	s10 =	sld [smem:$0x3FB3];
	_ =	sdelay $0x3  }
0x33: {  	p0 =	seq.s32 s10, $0x1;
	s10 =	sld [smem:$0x3FB5];
	_ =	sdelay $0x3  }
0x34: {  	[smem:$0x3FB5] =	sst s10  }
0x35: {  	s10 =	sld [smem:$0x3FB4];
	_ =	sdelay $0x3  }
0x36: {  	p1 =	seq.s32 s10, $0x1;
	s10 =	sld [smem:$0x3FB5];
	_ =	sdelay $0x3  }
0x37: {  	[smem:$0x3FB5] =	sst s10  }
0x38: {  	s10 =	sld [smem:$0x3FB6]  }
0x39: {  	_ = 	snop;
	(pc) =	sbr.ind lr, $3  }
0x3a: {  	_ = 	snop  }
0x3b: {  	_ = 	snop  }
0x3c: {  	p2 =	seq.s32 s10, $0x1;
	s10 =	sld [smem:$0x3FB5]  }
0x3d: {  	_ =	shalt  }
0x3e: {  	_ =	shalt  }
0x3f: {  	_ =	shalt  }
0x40: {  	_ =	shalt  }
0x41: {  	_ =	shalt  }
0x42: {  	_ =	shalt  }
0x43: {  	_ =	shalt  }
0x44: {  	_ =	shalt  }
0x45: {  	_ =	shalt  }
0x46: {  	_ =	shalt  }
0x47: {  	_ =	shalt  }
0x48: {  	_ =	shalt  }
0x49: {  	_ =	shalt  }
0x4a: {  	_ =	shalt  }
0x4b: {  	_ =	shalt  }
0x4c: {  	_ =	shalt  }
0x4d: {  	_ =	shalt  }
0x4e: {  	_ =	shalt  }
0x4f: {  	_ =	shalt  }
0x50: {  	_ =	shalt  }
0x51: {  	_ =	shalt  }
0x52: {  	_ =	shalt  }
0x53: {  	_ =	shalt  }
0x54: {  	_ =	shalt  }
0x55: {  	_ =	shalt  }
0x56: {  	_ =	shalt  }
0x57: {  	_ =	shalt  }
0x58: {  	_ =	shalt  }
0x59: {  	_ =	shalt  }
0x5a: {  	_ =	shalt  }
0x5b: {  	_ =	shalt  }
0x5c: {  	_ =	shalt  }
0x5d: {  	_ =	shalt  }
0x5e: {  	_ =	shalt  }
0x5f: {  	_ =	shalt  }
0x60: {  	_ =	shalt  }
0x61: {  	_ =	shalt  }
0x62: {  	_ =	shalt  }
0x63: {  	_ =	shalt  }
0x64: {  	_ =	shalt  }
0x65: {  	_ =	shalt  }
0x66: {  	_ =	shalt  }
0x67: {  	_ =	shalt  }
0x68: {  	_ =	shalt  }
0x69: {  	_ =	shalt  }
0x6a: {  	_ =	shalt  }
0x6b: {  	_ =	shalt  }
0x6c: {  	_ =	shalt  }
0x6d: {  	_ =	shalt  }
0x6e: {  	_ =	shalt  }
0x6f: {  	_ =	shalt  }
0x70: {  	_ =	shalt  }
0x71: {  	_ =	shalt  }
0x72: {  	_ =	shalt  }
0x73: {  	_ =	shalt  }
0x74: {  	_ =	shalt  }
0x75: {  	_ =	shalt  }
0x76: {  	_ =	shalt  }
0x77: {  	_ =	shalt  }
0x78: {  	_ =	shalt  }
0x79: {  	_ =	shalt  }
0x7a: {  	_ =	shalt  }
0x7b: {  	_ =	shalt  }
0x7c: {  	_ =	shalt  }
0x7d: {  	_ =	shalt  }
0x7e: {  	_ =	shalt  }
0x7f: {  	_ =	shalt  }
0x80: {  	_ =	shalt  }
0x81: {  	_ =	shalt  }
0x82: {  	_ =	shalt  }
0x83: {  	_ =	shalt  }
0x84: {  	_ =	shalt  }
0x85: {  	_ =	shalt  }
0x86: {  	_ =	shalt  }
0x87: {  	_ =	shalt  }
.Lfunc_end0:
.L_simem_size_0:
called_computation_lowered:
.L_overlay_start_0:
0x88: {  	s2 =	sld [smem:$0x3FD9]  }
0x89: {  	s3 =	sld [smem:$0x3FFE];
	_ =	sdelay $0x1  }
0x8a: {  	s1 =	srdreg.scid  }
0x8b: {  	s0 =	sand.u32 $0x1, s1  }
0x8c: {  	s17 =	sshll.u32 s0, $0xA;
	s2 =	sadd.s32 s3, s2  }
0x8d: {  	s2 =	sadd.s32 s2, s17  }
0x8e: {  	[smem:$0x3FC1] =	sst s2  }
0x8f: {  	_ = 	snop  }
0x90: {  	s2 =	sld [smem:$0x3FC9]  }
0x91: {  	s18 =	sld [smem:$0x3FC5]  }
0x92: {  	s4 =	sld [smem:$0x3FC4]  }
0x93: {  	s5 =	sld [smem:$0x3FC3];
	(tm) =	ssettm $0x1  }
0x94: {  	s6 =	sld [smem:$0x3FFB];
	_ =	sdelay $0x3  }
0x95: {  	_ =	strace s6  }
0x96: {  	s6 =	sld [smem:$0x3FFC];
	_ =	sdelay $0x3  }
0x97: {  	_ =	strace s6  }
0x98: {  	s6 =	sld [smem:$0x3FFD];
	_ =	sdelay $0x3  }
0x99: {  	_ =	strace s6  }
0x9a: {  	_ =	strace $0x8FFFFFFF  }
0x9b: {  	s19 =	sld [smem:$0x3FDB];
	_ =	sdelay $0x1  }
0x9c: {  	s7 =	simm.s32 $_scs_section_size  }
0x9d: {  	s8 =	simm.s32 $_size__tile_overlayer_lowered;
	s9 =	simm.s32 $_tile_overlayer_lowered  }
0x9e: {  	s22 =	simm.s32 $0x1BFF;
	s21 =	sshll.u32 s9, $0x1;
	s6 =	sadd.s32 s7, s19  }
0x9f: {  	s10 =	simm.s32 $0x0;
	s20 =	sshll.u32 s8, $0x1;
	s8 =	sadd.s32 s21, s6  }
0xa0: {  	[timem:s10], [sflag:s22] =	dma.local [hbm:s8], s20  }
0xa1: {  	_ =	swait.ge [sflag:s22], s20  }
0xa2: {  	s7 =	ssub.s32 $0x0, s20;
	[sflag:s22] =	ssyncset.done $0x0  }
0xa3: {  	[sflag:s22] =	ssyncadd.s32 s7;
	_ =	sdelay $0x1  }
0xa4: {  	s23 =	simm.s32 $0x1B8B  }
0xa5: {  	_ =	swait.ge [sflag:s23], $0x1  }
0xa6: {  	[sflag:s23] =	ssyncset.done $0x0  }
0xa7: {  	s25 =	simm.s32 $0x1B8E;
	s24 =	sld [smem:$0x3FFE];
	[sflag:s23] =	ssyncadd.s32 $0xFFFFFFFF  }
0xa8: {  	s26 =	simm.s32 $execute0_lowered;
	[smem:$0x3FD2] =	sst s25  }
0xa9: {  	s8 =	sshll.u32 s26, $0x1;
	_ =	strace $0x80000046;
	[dreg:$0x1] =	wrdreg $0xFFFFFFFF  }
0xaa: {  	s28 =	simm.s32 $_size_execute0_lowered;
	s6 =	sadd.s32 s6, s8;
	[dreg:$0x0] =	wrdreg $0x0  }
0xab: {  	s8 =	sshll.u32 s28, $0x1;
	[dreg:$0x2] =	wrdreg s6  }
0xac: {  	[dreg:$0x3] =	wrdreg s8  }
0xad: {  	[dreg:$0x4] =	wrdreg $0xC0  }
0xae: {  	_ =	task [dreg:s10], $0x5FFFF  }
0xaf: {  	[dreg:$0x1] =	wrdreg $0xFFFFFFFF  }
0xb0: {  	[dreg:$0x0] =	wrdreg $0x60  }
0xb1: {  	[dreg:$0x2] =	wrdreg s2  }
0xb2: {  	[dreg:$0x3] =	wrdreg s18  }
0xb3: {  	[dreg:$0x4] =	wrdreg s4  }
0xb4: {  	[dreg:$0x5] =	wrdreg s5  }
0xb5: {  	[dreg:$0x6] =	wrdreg s24  }
0xb6: {  	[dreg:$0x7] =	wrdreg $0x9  }
0xb7: {  	_ =	task.clear_ibuf [dreg:s10], $0x8FFFF;
	_ =	strace $0x90000046  }
0xb8: {  	s29 =	simm.s32 $0x9;
	_ =	strace $0x80000048  }
0xb9: {  	_ =	swait.ge [sflag:s29], $0x1  }
0xba: {  	[sflag:s29] =	ssyncadd.s32 $0xFFFFFFFF  }
0xbb: {  	_ =	strace $0x90000048  }
0xbc: {  	_ =	sfence  }
0xbd: {  	s30 =	sld [smem:$0x0];
	_ =	sdelay $0x2  }
0xbe: {  	s31 =	sshll.u32 s1, $0xD;
	s1 =	sshrl.u32 s1, $0x2  }
0xbf: {  	s3 =	sand.u32 $0x4000, s31;
	s1 =	sadd.s32 s1, s30  }
0xc0: {  	s0 =	sor.u32 s3, s0;
	s1 =	sshll.u32 s1, $0x11  }
0xc1: {  	s0 =	sor.u32 s1, s0  }
0xc2: {  	s0 =	sadd.s32 $0x8F2B, s0  }
0xc3: {  	[sflag:s0] =	ssyncadd.remote.s32 $0x1  }
0xc4: {  	_ =	sfence.sel $0xFFFF  }
0xc5: {  	[dreg:$0x0] =	wrdreg $0xFFFFFFFF;
	(pc) =	sbr.abs _section_cstart, $3  }
0xc6: {  	[dreg:$0x1] =	wrdreg $0xFFFFFFFF  }
0xc7: {  	_ =	task.clear_ibuf [dreg:s10], $0x2FFFF;
	_ =	strace $0x9FFFFFFF  }
0xc8: {  	(tm) =	ssettm $0x7FFFFFFF  }
0xc9: {  	_ =	shalt  }
tec
execute0_lowered:
.L_overlay_start_1:
0x0: {  	(tag) =	ssettag $0x1  }
0x1: {  	s1 =	rddreg [dreg:$0x0]  }
0x2: {  	s2 =	rddreg [dreg:$0x1]  }
0x3: {  	s3 =	rddreg [dreg:$0x2]  }
0x4: {  	s4 =	rddreg [dreg:$0x3]  }
0x5: {  	s8 =	rddreg [dreg:$0x4]  }
0x6: {  	s0 =	rddreg [dreg:$0x5]  }
0x7: {  	s6 =	simm.s32 $0x0;
	s7 =	srdreg.scid;
	s5 =	stileid.u32  }
0x8: {  	s15 =	simm.s32 $0x80;
	s16 =	simm.s32 $0x1;
	s17 =	simm.s32 $0x7D00  }
0x9: {  	s18 =	simm.s32 $0x19000;
	s19 =	simm.s32 $0x2;
	s20 =	simm.s32 $0x0  }
0xa: {  	[smem:$0x7FF] =	sst s6;
	s7 =	sand.u32 $0x1, s7;
	s9 =	sshll.u32 s5, $0x1  }
0xb: {  	_ =	strace $0x80000047;
	s9 =	sor.u32 s7, s9;
	s10 =	ssub.s32 $0x2, s7  }
0xc: {  	s7 =	sshll.u32 s9, $0x2;
	s11 =	sshrl.u32 s10, $0x1;
	s12 =	sshll.u32 s9, $0x9  }
0xd: {  	s13 =	sadd.s32 s7, s8;
	s14 =	ssub.s32 s10, s11;
	s8 =	sadd.s32 s1, s12  }
0xe: {  	v0 =	vlaneseq.u32;
	s9 =	sadd.s32 s2, s12;
	s10 =	sadd.s32 s3, s12;
	s11 =	sadd.s32 s4, s12  }
0xf: {  	v1 =	vor.u32 $0x10, v0;
	s12 =	sadd.s32 $0x600, s13;
	s13 =	smax.u32 s14, $0x1;
	s14 =	simm.s32 $0x20  }
.LBB2_1:
0x10: {  	s21 =	simm.s32 $0x400  }
0x11: {  	s24 =	simm.s32 $0x0;
	s22 =	sadd.s32 $0x4000, s8;
	s23 =	smov.u32 s8  }
.LBB2_2:
0x12: {  	[tilespmem:s24], [sflag:$0x1] =	stream.strided.gather [hbm4b:s23+s14], $0x100, s15, s14, $0x38;
	[tilespmem:$0x19020] =	vst v63  }
0x13: {  	s24 =	smov.u32 s21;
	s23 =	smov.u32 s22;
	p0 =	sne.s32 s21, $0x1F000  }
.Ltmp0:
0x14: {  	s21 =	sadd.s32 $0x400, s21;
	(pc) =	sbr.rel @p0 .LBB2_2-.Ltmp0, $2  }
0x15: {  	_ =	sdelay $0x2  }
0x16: {  	s22 =	sadd.s32 $0x4000, s22;
	s24 =	sshra.s32 s24, $0x2  }
0x17: {  	[tilespmem:s24], [sflag:$0x1] =	stream.strided.gather [hbm4b:s23+s14], $0x100, s15, s14, $0x38;
	[tilespmem:$0x19020] =	vst v63  }
0x18: {  	s21 =	simm.s32 $0xFA00  }
0x19: {  	[tilespmem:s21], [sflag:$0x1] =	stream.strided.gather [hbm4b:s9+s14], $0x100, s15, s14, $0x38;
	[tilespmem:$0x19020] =	vst v63  }
0x1a: {  	s22 =	smov.u32 s9;
	s21 =	simm.s32 $0x400  }
.LBB2_4:
0x1b: {  	p0 =	sne.s32 s21, $0x6000  }
.Ltmp1:
0x1c: {  	_ = 	snop;
	(pc) =	sbr.rel @p0 .LBB2_4-.Ltmp1, $4  }
0x1d: {  	_ = 	snop  }
0x1e: {  	s23 =	sshra.s32 s21, $0x2;
	s21 =	sadd.s32 $0x400, s21  }
0x1f: {  	s22 =	sadd.s32 $0x4000, s22;
	s23 =	sadd.s32 $0xFA00, s23  }
0x20: {  	[tilespmem:s23], [sflag:$0x1] =	stream.strided.gather [hbm4b:s22+s14], $0x100, s15, s14, $0x38;
	[tilespmem:$0x19020] =	vst v63  }
0x21: {  	s21 =	simm.s32 $0x12C00  }
0x22: {  	[tilespmem:s21], [sflag:$0x1] =	stream.strided.gather [hbm4b:s10+s14], $0x100, s15, s14, $0x38;
	[tilespmem:$0x19020] =	vst v63  }
0x23: {  	s22 =	smov.u32 s10;
	s21 =	simm.s32 $0x400  }
.LBB2_6:
0x24: {  	p0 =	sne.s32 s21, $0x6000  }
.Ltmp2:
0x25: {  	_ = 	snop;
	(pc) =	sbr.rel @p0 .LBB2_6-.Ltmp2, $4  }
0x26: {  	_ = 	snop  }
0x27: {  	s23 =	sshra.s32 s21, $0x2;
	s21 =	sadd.s32 $0x400, s21  }
0x28: {  	s22 =	sadd.s32 $0x4000, s22;
	s23 =	sadd.s32 $0x12C00, s23  }
0x29: {  	[tilespmem:s23], [sflag:$0x1] =	stream.strided.gather [hbm4b:s22+s14], $0x100, s15, s14, $0x38;
	[tilespmem:$0x19020] =	vst v63  }
0x2a: {  	s21 =	simm.s32 $0x0;
	s22 =	simm.s32 $0x0;
	s23 =	smov.u32 s11  }
.LBB2_8:
0x2b: {  	p0 =	sne.s32 s22, $0x6000  }
.Ltmp3:
0x2c: {  	_ = 	snop;
	(pc) =	sbr.rel @p0 .LBB2_8-.Ltmp3, $4  }
0x2d: {  	s24 =	sshra.s32 s22, $0x2  }
0x2e: {  	s24 =	sadd.s32 $0x15E00, s24  }
0x2f: {  	[tilespmem:s24], [sflag:$0x1] =	stream.strided.gather [hbm4b:s23+s14], $0x100, s15, s14, $0x38;
	[tilespmem:$0x19020] =	vst v63  }
0x30: {  	s22 =	sadd.s32 $0x400, s22;
	s23 =	sadd.s32 $0x4000, s23  }
0x31: {  	v2 =	vimm.f32 $0.0e+00;
	v3 =	vimm.f32 $0.0e+00  }
.LBB2_10:
0x32: {  	s22 =	sshrl.u32 s21, $0x1  }
0x33: {  	s23 =	sshll.u32 s21, $0x3;
	s22 =	sadd.s32 s7, s22  }
0x34: {  	s23 =	sand.u32 $0x8, s23;
	s22 =	sshll.u32 s22, $0x7  }
0x35: {  	s22 =	sor.u32 s22, s23  }
0x36: {  	s22 =	sor.u32 $0x4, s22  }
0x37: {  	s24 =	simm.s32 $0x7D00;
	s23 =	sadd.s32 s1, s22  }
0x38: {  	[tilespmem:s24], [sflag:$0x1] =	stream.strided.gather [hbm4b:s23+s14], $0x100, s15, s14, $0x38;
	[tilespmem:$0x19020] =	vst v63  }
0x39: {  	s24 =	simm.s32 $0x400  }
.LBB2_11:
0x3a: {  	p0 =	sne.s32 s24, $0x1F000  }
.Ltmp4:
0x3b: {  	_ = 	snop;
	(pc) =	sbr.rel @p0 .LBB2_11-.Ltmp4, $4  }
0x3c: {  	_ = 	snop  }
0x3d: {  	s25 =	sshra.s32 s24, $0x2;
	s24 =	sadd.s32 $0x400, s24  }
0x3e: {  	s23 =	sadd.s32 $0x4000, s23;
	s25 =	sadd.s32 $0x7D00, s25  }
0x3f: {  	[tilespmem:s25], [sflag:$0x1] =	stream.strided.gather [hbm4b:s23+s14], $0x100, s15, s14, $0x38;
	[tilespmem:$0x19020] =	vst v63  }
0x40: {  	s23 =	sadd.s32 s2, s22;
	s24 =	simm.s32 $0x11300  }
0x41: {  	[tilespmem:s24], [sflag:$0x1] =	stream.strided.gather [hbm4b:s23+s14], $0x100, s15, s14, $0x38;
	[tilespmem:$0x19020] =	vst v63  }
0x42: {  	s24 =	simm.s32 $0x400  }
.LBB2_13:
0x43: {  	p0 =	sne.s32 s24, $0x6000  }
.Ltmp5:
0x44: {  	_ = 	snop;
	(pc) =	sbr.rel @p0 .LBB2_13-.Ltmp5, $4  }
0x45: {  	_ = 	snop  }
0x46: {  	s25 =	sshra.s32 s24, $0x2;
	s24 =	sadd.s32 $0x400, s24  }
0x47: {  	s23 =	sadd.s32 $0x4000, s23;
	s25 =	sadd.s32 $0x11300, s25  }
0x48: {  	[tilespmem:s25], [sflag:$0x1] =	stream.strided.gather [hbm4b:s23+s14], $0x100, s15, s14, $0x38;
	[tilespmem:$0x19020] =	vst v63  }
0x49: {  	s23 =	sadd.s32 s3, s22;
	s24 =	simm.s32 $0x14500  }
0x4a: {  	[tilespmem:s24], [sflag:$0x1] =	stream.strided.gather [hbm4b:s23+s14], $0x100, s15, s14, $0x38;
	[tilespmem:$0x19020] =	vst v63  }
0x4b: {  	s24 =	simm.s32 $0x400  }
.LBB2_15:
0x4c: {  	p0 =	sne.s32 s24, $0x6000  }
.Ltmp6:
0x4d: {  	_ = 	snop;
	(pc) =	sbr.rel @p0 .LBB2_15-.Ltmp6, $4  }
0x4e: {  	_ = 	snop  }
0x4f: {  	s25 =	sshra.s32 s24, $0x2;
	s24 =	sadd.s32 $0x400, s24  }
0x50: {  	s23 =	sadd.s32 $0x4000, s23;
	s25 =	sadd.s32 $0x14500, s25  }
0x51: {  	[tilespmem:s25], [sflag:$0x1] =	stream.strided.gather [hbm4b:s23+s14], $0x100, s15, s14, $0x38;
	[tilespmem:$0x19020] =	vst v63  }
0x52: {  	s22 =	sadd.s32 s4, s22;
	s23 =	simm.s32 $0x17700  }
0x53: {  	[tilespmem:s23], [sflag:$0x1] =	stream.strided.gather [hbm4b:s22+s14], $0x100, s15, s14, $0x38;
	[tilespmem:$0x19020] =	vst v63  }
0x54: {  	s23 =	simm.s32 $0x400  }
.LBB2_17:
0x55: {  	p0 =	sne.s32 s23, $0x6000  }
.Ltmp7:
0x56: {  	_ = 	snop;
	(pc) =	sbr.rel @p0 .LBB2_17-.Ltmp7, $4  }
0x57: {  	_ = 	snop  }
0x58: {  	s24 =	sshra.s32 s23, $0x2;
	s23 =	sadd.s32 $0x400, s23  }
0x59: {  	s22 =	sadd.s32 $0x4000, s22;
	s24 =	sadd.s32 $0x17700, s24  }
0x5a: {  	[tilespmem:s24], [sflag:$0x1] =	stream.strided.gather [hbm4b:s22+s14], $0x100, s15, s14, $0x38;
	[tilespmem:$0x19020] =	vst v63  }
0x5b: {  	_ =	swait.ge [sflag:s16], $0x7D00  }
0x5c: {  	[sflag:s16] =	ssyncset.done $0x0  }
0x5d: {  	[sflag:s16] =	ssyncadd.s32 $0xFFFF8300  }
0x5e: {  	_ =	swait.ge [sflag:s16], $0x1900  }
0x5f: {  	[sflag:s16] =	ssyncset.done $0x0  }
0x60: {  	[sflag:s16] =	ssyncadd.s32 $0xFFFFE700  }
0x61: {  	_ =	swait.ge [sflag:s16], $0x1900  }
0x62: {  	[sflag:s16] =	ssyncset.done $0x0  }
0x63: {  	[sflag:s16] =	ssyncadd.s32 $0xFFFFE700  }
0x64: {  	_ =	swait.ge [sflag:s16], $0x1900  }
0x65: {  	[sflag:s16] =	ssyncset.done $0x0  }
0x66: {  	s22 =	simm.s32 $0x0;
	[sflag:s16] =	ssyncadd.s32 $0xFFFFE700  }
0x67: {  	v4 =	vld [tilespmem:s22+$0xFAE0]  }
0x68: {  	v5 =	vld [tilespmem:s22+$0x12CE0]  }
0x69: {  	v6 =	vld [tilespmem:s22+$0xFAC0]  }
0x6a: {  	v7 =	vld [tilespmem:s22+$0x12CC0]  }
0x6b: {  	v8 =	vld [tilespmem:s22+$0xFAA0]  }
0x6c: {  	v9 =	vld [tilespmem:s22+$0x12CA0]  }
0x6d: {  	v10 =	vld [tilespmem:s22+$0xFA80]  }
0x6e: {  	v11 =	vld [tilespmem:s22+$0x12C80]  }
0x6f: {  	v12 =	vld [tilespmem:s22+$0xFA60]  }
0x70: {  	v13 =	vld [tilespmem:s22+$0x12C60]  }
0x71: {  	v14 =	vld [tilespmem:s22+$0xFA40];
	v4 =	vshll.u32 v4, $0x5  }
0x72: {  	v15 =	vld [tilespmem:s22+$0x12C40];
	v5 =	vshll.u32 v5, $0x5;
	v4 =	vor.u32 v0, v4  }
0x73: {  	v16 =	vld [tilespmem:s22+$0xFA20];
	v6 =	vshll.u32 v6, $0x5;
	v5 =	vor.u32 v0, v5  }
0x74: {  	v17 =	vld [tilespmem:s22+$0x12C20];
	v7 =	vshll.u32 v7, $0x5;
	v6 =	vor.u32 v0, v6  }
0x75: {  	v18 =	vld [tilespmem:s22+$0xFA00];
	v8 =	vshll.u32 v8, $0x5;
	v7 =	vor.u32 v0, v7  }
0x76: {  	s24 =	simm.s32 $0x0;
	v19 =	vld [tilespmem:s22+$0x12C00];
	v9 =	vshll.u32 v9, $0x5;
	v8 =	vor.u32 v0, v8  }
0x77: {  	v10 =	vshll.u32 v10, $0x5;
	v9 =	vor.u32 v0, v9;
	v4 =	vld.idx.msk [tilespmem:v4+s24+$0x0], $0xffff  }
0x78: {  	v11 =	vshll.u32 v11, $0x5;
	v10 =	vor.u32 v0, v10;
	v5 =	vld.idx.msk [tilespmem:v5+s24+$0x0], $0xffff  }
0x79: {  	v12 =	vshll.u32 v12, $0x5;
	v11 =	vor.u32 v0, v11;
	v20 =	vld.idx.msk [tilespmem:v6+s24+$0x0], $0xffff  }
0x7a: {  	v6 =	vor.u32 v0, v12;
	v12 =	vshll.u32 v13, $0x5;
	v7 =	vld.idx.msk [tilespmem:v7+s24+$0x0], $0xffff  }
0x7b: {  	v13 =	vshll.u32 v14, $0x5;
	v8 =	vld.idx.msk [tilespmem:v8+s24+$0x0], $0xffff;
	v12 =	vor.u32 v0, v12  }
0x7c: {  	v14 =	vshll.u32 v15, $0x5;
	v15 =	vld.idx.msk [tilespmem:v9+s24+$0x0], $0xffff;
	v13 =	vor.u32 v0, v13  }
0x7d: {  	v10 =	vld.idx.msk [tilespmem:v10+s24+$0x0], $0xffff;
	v9 =	vor.u32 v0, v14;
	v14 =	vshll.u32 v16, $0x5  }
0x7e: {  	v11 =	vld.idx.msk [tilespmem:v11+s24+$0x0], $0xffff;
	v16 =	vshll.u32 v17, $0x5;
	v14 =	vor.u32 v0, v14  }
0x7f: {  	v16 =	vor.u32 v0, v16;
	v21 =	vld.idx.msk [tilespmem:v6+s24+$0x0], $0xffff;
	v6 =	vshll.u32 v18, $0x5  }
0x80: {  	v12 =	vld.idx.msk [tilespmem:v12+s24+$0x0], $0xffff;
	v22 =	vor.u32 v0, v6;
	v6 =	vshll.u32 v19, $0x5  }
0x81: {  	v19 =	vld.idx.msk [tilespmem:v13+s24+$0x0], $0xffff;
	v23 =	vor.u32 v0, v6  }
0x82: {  	v24 =	vld.idx.msk [tilespmem:v9+s24+$0x0], $0xffff  }
0x83: {  	v4 =	vsub.f32 v4, v5;
	v6 =	vld.idx.msk [tilespmem:v14+s24+$0x0], $0xffff  }
0x84: {  	v18 =	vsub.f32 v20, v7;
	v7 =	vld.idx.msk [tilespmem:v16+s24+$0x0], $0xffff  }
0x85: {  	v17 =	vsub.f32 v8, v15;
	v8 =	vand.u32 $0x7FFFFFFF, v4;
	v5 =	vld.idx.msk [tilespmem:v22+s24+$0x0], $0xffff  }
0x86: {  	v13 =	vsub.f32 $0.0e+00, v8;
	v8 =	vld.idx.msk [tilespmem:v23+s24+$0x0], $0xffff;
	_ =	sdelay $0x1  }
0x87: {  	v9 =	vsub.f32 v10, v11;
	v11 =	vsub.f32 v21, v12;
	v12 =	vand.u32 $0x7FFFFFFF, v18  }
0x88: {  	s25 =	simm.s32 $0x400;
	s23 =	simm.s32 $0x0;
	v10 =	vsub.f32 v19, v24;
	v12 =	vsub.f32 $0.0e+00, v12  }
.LBB2_19:
0x89: {  	s26 =	sshra.s32 s25, $0x2;
	p0 =	sne.s32 s25, $0x6000;
	v19 =	vsub.f32 v6, v7;
	v6 =	vand.u32 $0x7FFFFFFF, v17;
	v7 =	vmul.f32 $1.442695020e+00, v13  }
0x8a: {  	v20 =	vsub.f32 v5, v8;
	v13 =	vld [tilespmem:s26+$0xFAE0];
	v5 =	vsub.f32 $0.0e+00, v6;
	v6 =	vmul.f32 $1.442695020e+00, v12  }
0x8b: {  	v14 =	vand.u32 $0x7FFFFFFF, v9;
	v12 =	vand.u32 $0x7FFFFFFF, v11;
	v8 =	vld [tilespmem:s26+$0x12CE0];
	(erf) = vpow2.f32 v7  }
0x8c: {  	v14 =	vsub.f32 $0.0e+00, v14;
	v7 =	vld [tilespmem:s26+$0xFAC0];
	v5 =	vmul.f32 $1.442695020e+00, v5;
	(erf) = vpow2.f32 v6  }
0x8d: {  	v16 =	vand.u32 $0x7FFFFFFF, v10;
	v15 =	vand.u32 $0x7FFFFFFF, v19;
	v12 =	vsub.f32 $0.0e+00, v12;
	v6 =	vld [tilespmem:s26+$0x12CC0]  }
0x8e: {  	v16 =	vsub.f32 $0.0e+00, v16;
	v14 =	vmul.f32 $1.442695020e+00, v14;
	v21 =	vld [tilespmem:s26+$0xFAA0];
	(erf) = vpow2.f32 v5  }
0x8f: {  	v22 =	vand.u32 $0x7FFFFFFF, v20;
	v15 =	vsub.f32 $0.0e+00, v15;
	v12 =	vmul.f32 $1.442695020e+00, v12;
	v5 =	vld [tilespmem:s26+$0x12CA0]  }
0x90: {  	v22 =	vsub.f32 $0.0e+00, v22;
	v16 =	vmul.f32 $1.442695020e+00, v16;
	v23 =	vld [tilespmem:s26+$0xFA80];
	(erf) = vpow2.f32 v14  }
0x91: {  	v26 =	vmul.f32 $1.442695020e+00, v15;
	v13 =	vshll.u32 v13, $0x5;
	v14 =	vld [tilespmem:s26+$0x12C80];
	(erf) = vpow2.f32 v12  }
0x92: {  	v24 =	vshll.u32 v8, $0x5;
	v8 =	vmul.f32 $1.442695020e+00, v22;
	v12 =	vld [tilespmem:s26+$0xFA60];
	(erf) = vpow2.f32 v16  }
0x93: {  	v22 =	vshll.u32 v7, $0x5;
	v25 =	vshll.u32 v6, $0x5;
	(erf) = vpow2.f32 v26  }
0x94: {  	v21 =	vshll.u32 v21, $0x5;
	v6 =	vshll.u32 v5, $0x5;
	(erf) = vpow2.f32 v8;
	v15 =	vpop (erf)  }
0x95: {  	v8 =	vshll.u32 v23, $0x5;
	v23 =	vmul.f32 v15, v15;
	v26 =	vmul.f32 $9.990104430e-01, v15;
	v27 =	vpop (erf)  }
0x96: {  	v29 =	vmul.f32 $3.010262550e-02, v15;
	v5 =	vshll.u32 v14, $0x5;
	v28 =	vmul.f32 v27, v27  }
0x97: {  	v30 =	vmul.f32 $9.990104430e-01, v27;
	v31 =	vmul.f32 $3.010262550e-02, v27;
	v7 =	vshll.u32 v12, $0x5;
	v32 =	vpop (erf)  }
0x98: {  	v34 =	vmul.f32 $2.833043340e-01, v15;
	v14 =	vor.u32 v0, v13;
	v33 =	vmul.f32 v32, v32  }
0x99: {  	v16 =	vor.u32 v0, v24;
	v24 =	vmul.f32 $9.990104430e-01, v32;
	v35 =	vmul.f32 $3.010262550e-02, v32;
	v36 =	vpop (erf)  }
0x9a: {  	v13 =	vor.u32 v0, v22;
	v27 =	vmul.f32 $2.833043340e-01, v27;
	v22 =	vmul.f32 v36, v36;
	v37 =	vpop (erf)  }
0x9b: {  	v15 =	vor.u32 v0, v25;
	v25 =	vmul.f32 $9.990104430e-01, v36;
	v38 =	vmul.f32 $3.010262550e-02, v36;
	v39 =	vpop (erf)  }
0x9c: {  	v12 =	vor.u32 v0, v21;
	v32 =	vmul.f32 $2.833043340e-01, v32;
	v21 =	vmul.f32 v37, v37;
	v40 =	vpop (erf)  }
0x9d: {  	v18 =	vmin.f32 v18, $0.0e+00;
	v41 =	vmul.f32 $9.990104430e-01, v37;
	v42 =	vmul.f32 $3.010262550e-02, v37;
	v43 =	vpop (erf)  }
0x9e: {  	v17 =	vmin.f32 v17, $0.0e+00;
	v36 =	vmul.f32 $2.833043340e-01, v36;
	v44 =	vmul.f32 v39, v39  }
0x9f: {  	v9 =	vmin.f32 v9, $0.0e+00;
	v45 =	vmul.f32 $9.990104430e-01, v39;
	v46 =	vmul.f32 $3.010262550e-02, v39  }
0xa0: {  	v11 =	vmin.f32 v11, $0.0e+00;
	v37 =	vmul.f32 $2.833043340e-01, v37;
	v47 =	vmul.f32 v40, v40  }
0xa1: {  	v10 =	vmin.f32 v10, $0.0e+00;
	v48 =	vmul.f32 $9.990104430e-01, v40;
	v49 =	vmul.f32 $3.010262550e-02, v40  }
0xa2: {  	v19 =	vmin.f32 v19, $0.0e+00;
	v39 =	vmul.f32 $2.833043340e-01, v39;
	v50 =	vmul.f32 v43, v43  }
0xa3: {  	v20 =	vmin.f32 v20, $0.0e+00;
	v51 =	vmul.f32 $9.990104430e-01, v43;
	v52 =	vmul.f32 $3.010262550e-02, v43  }
0xa4: {  	v26 =	vadd.f32 $2.211703030e-05, v26;
	v29 =	vadd.f32 $-1.301194130e-01, v29;
	v40 =	vmul.f32 $2.833043340e-01, v40  }
0xa5: {  	v30 =	vadd.f32 $2.211703030e-05, v30;
	v31 =	vadd.f32 $-1.301194130e-01, v31;
	v43 =	vmul.f32 $2.833043340e-01, v43  }
0xa6: {  	v53 =	vmul.f32 v23, v23;
	v34 =	vadd.f32 $-4.891568420e-01, v34;
	v24 =	vadd.f32 $2.211703030e-05, v24  }
0xa7: {  	v54 =	vmul.f32 v28, v28;
	v27 =	vadd.f32 $-4.891568420e-01, v27;
	v35 =	vadd.f32 $-1.301194130e-01, v35  }
0xa8: {  	v55 =	vmul.f32 v33, v33;
	v25 =	vadd.f32 $2.211703030e-05, v25;
	v38 =	vadd.f32 $-1.301194130e-01, v38  }
0xa9: {  	v32 =	vadd.f32 $-4.891568420e-01, v32;
	v56 =	vmul.f32 v22, v22;
	v41 =	vadd.f32 $2.211703030e-05, v41  }
0xaa: {  	v36 =	vadd.f32 $-4.891568420e-01, v36;
	v57 =	vmul.f32 v21, v21;
	v42 =	vadd.f32 $-1.301194130e-01, v42  }
0xab: {  	v58 =	vmul.f32 v44, v44;
	v45 =	vadd.f32 $2.211703030e-05, v45;
	v46 =	vadd.f32 $-1.301194130e-01, v46  }
0xac: {  	v37 =	vadd.f32 $-4.891568420e-01, v37;
	v59 =	vmul.f32 v47, v47;
	v48 =	vadd.f32 $2.211703030e-05, v48  }
0xad: {  	v49 =	vadd.f32 $-1.301194130e-01, v49;
	v60 =	vmul.f32 v50, v50;
	v43 =	vadd.f32 $-4.891568420e-01, v43  }
0xae: {  	v23 =	vmul.f32 v34, v23;
	v51 =	vadd.f32 $2.211703030e-05, v51;
	v52 =	vadd.f32 $-1.301194130e-01, v52  }
0xaf: {  	v27 =	vmul.f32 v27, v28;
	v40 =	vadd.f32 $-4.891568420e-01, v40;
	v34 =	vmul.f32 v43, v50  }
0xb0: {  	v32 =	vmul.f32 v32, v33;
	v28 =	vadd.f32 $-4.891568420e-01, v39;
	v39 =	vmul.f32 v46, v58  }
0xb1: {  	v40 =	vmul.f32 v40, v47;
	v33 =	vadd.f32 v34, v51;
	v34 =	vmul.f32 v52, v60  }
0xb2: {  	v23 =	vadd.f32 v23, v26;
	v27 =	vadd.f32 v27, v30;
	v28 =	vmul.f32 v28, v44;
	v43 =	vld [tilespmem:s23+$0x15E00]  }
0xb3: {  	v30 =	vadd.f32 v40, v48;
	v26 =	vadd.f32 v33, v34;
	v33 =	vmul.f32 v49, v59  }
0xb4: {  	v24 =	vadd.f32 v32, v24;
	v21 =	vmul.f32 v37, v21;
	v28 =	vadd.f32 v28, v45;
	v34 =	vld [tilespmem:s23+$0x15E20]  }
0xb5: {  	v22 =	vmul.f32 v36, v22;
	v20 =	vsub.f32 v20, v26;
	v26 =	vadd.f32 v30, v33;
	v30 =	vld [tilespmem:s23+$0x15EE0]  }
0xb6: {  	v21 =	vadd.f32 v21, v41;
	v28 =	vadd.f32 v28, v39;
	v33 =	vmul.f32 v42, v57;
	v32 =	vld [tilespmem:s23+$0x15E40]  }
0xb7: {  	v22 =	vadd.f32 v22, v25;
	v19 =	vsub.f32 v19, v26;
	v20 =	vmul.f32 v20, v43;
	v25 =	vld [tilespmem:s23+$0x15EC0]  }
0xb8: {  	v10 =	vsub.f32 v10, v28;
	v28 =	vmul.f32 v38, v56;
	v21 =	vadd.f32 v21, v33;
	v26 =	vld [tilespmem:s23+$0x15E60]  }
0xb9: {  	v2 =	vadd.f32 v43, v2;
	v3 =	vadd.f32 v20, v3;
	v19 =	vmul.f32 v19, v34;
	v20 =	vld [tilespmem:s23+$0x15EA0]  }
0xba: {  	v22 =	vadd.f32 v22, v28;
	v28 =	vmul.f32 v35, v55;
	v11 =	vsub.f32 v11, v21;
	v21 =	vld [tilespmem:s23+$0x15E80];
	s23 =	smov.u32 s26  }
0xbb: {  	v2 =	vadd.f32 v34, v2;
	v33 =	vld [tilespmem:s23+$0x12C60];
	v3 =	vadd.f32 v19, v3;
	v10 =	vmul.f32 v10, v32  }
0xbc: {  	v9 =	vsub.f32 v9, v22;
	v22 =	vadd.f32 v24, v28;
	v24 =	vmul.f32 v31, v54;
	v19 =	vld [tilespmem:s23+$0xFA40]  }
0xbd: {  	v2 =	vadd.f32 v32, v2;
	v28 =	vld [tilespmem:s23+$0x12C40];
	v3 =	vadd.f32 v10, v3;
	v10 =	vmul.f32 v11, v26  }
0xbe: {  	v17 =	vsub.f32 v17, v22;
	v22 =	vadd.f32 v27, v24;
	v24 =	vmul.f32 v29, v53;
	v11 =	vld [tilespmem:s23+$0xFA20]  }
0xbf: {  	v2 =	vadd.f32 v26, v2;
	v27 =	vld [tilespmem:s23+$0x12C20];
	v3 =	vadd.f32 v10, v3;
	v9 =	vmul.f32 v9, v21  }
0xc0: {  	v4 =	vmin.f32 v4, $0.0e+00;
	v18 =	vsub.f32 v18, v22;
	v22 =	vadd.f32 v23, v24;
	v10 =	vld [tilespmem:s23+$0xFA00]  }
0xc1: {  	v2 =	vadd.f32 v21, v2;
	v23 =	vld [tilespmem:s23+$0x12C00];
	v3 =	vadd.f32 v9, v3;
	v9 =	vmul.f32 v17, v20  }
0xc2: {  	v6 =	vor.u32 v0, v6;
	v8 =	vor.u32 v0, v8;
	v4 =	vsub.f32 v4, v22;
	v14 =	vld.idx.msk [tilespmem:v14+s24+$0x0], $0xffff  }
0xc3: {  	v2 =	vadd.f32 v20, v2;
	v16 =	vld.idx.msk [tilespmem:v16+s24+$0x0], $0xffff;
	v3 =	vadd.f32 v9, v3;
	v9 =	vmul.f32 v18, v25  }
0xc4: {  	v5 =	vor.u32 v0, v5;
	v7 =	vor.u32 v0, v7;
	v17 =	vshll.u32 v33, $0x5;
	v13 =	vld.idx.msk [tilespmem:v13+s24+$0x0], $0xffff  }
0xc5: {  	v4 =	vmul.f32 v4, v30;
	v2 =	vadd.f32 v25, v2;
	v15 =	vld.idx.msk [tilespmem:v15+s24+$0x0], $0xffff;
	v3 =	vadd.f32 v9, v3  }
0xc6: {  	v17 =	vor.u32 v0, v17;
	v18 =	vshll.u32 v28, $0x5;
	v9 =	vshll.u32 v19, $0x5;
	v12 =	vld.idx.msk [tilespmem:v12+s24+$0x0], $0xffff  }
0xc7: {  	v2 =	vadd.f32 v30, v2;
	v9 =	vor.u32 v0, v9;
	v19 =	vld.idx.msk [tilespmem:v6+s24+$0x0], $0xffff;
	v3 =	vadd.f32 v4, v3  }
0xc8: {  	v4 =	vshll.u32 v11, $0x5;
	v6 =	vor.u32 v0, v18;
	v11 =	vld.idx.msk [tilespmem:v8+s24+$0x0], $0xffff  }
0xc9: {  	v4 =	vor.u32 v0, v4;
	v8 =	vshll.u32 v27, $0x5;
	v20 =	vld.idx.msk [tilespmem:v5+s24+$0x0], $0xffff  }
0xca: {  	v5 =	vshll.u32 v10, $0x5;
	v8 =	vor.u32 v0, v8;
	v10 =	vld.idx.msk [tilespmem:v7+s24+$0x0], $0xffff  }
0xcb: {  	v5 =	vor.u32 v0, v5;
	v7 =	vshll.u32 v23, $0x5;
	v21 =	vld.idx.msk [tilespmem:v17+s24+$0x0], $0xffff  }
0xcc: {  	v17 =	vor.u32 v0, v7;
	v22 =	vld.idx.msk [tilespmem:v9+s24+$0x0], $0xffff  }
0xcd: {  	v23 =	vld.idx.msk [tilespmem:v6+s24+$0x0], $0xffff  }
0xce: {  	v6 =	vld.idx.msk [tilespmem:v4+s24+$0x0], $0xffff  }
0xcf: {  	v7 =	vld.idx.msk [tilespmem:v8+s24+$0x0], $0xffff  }
0xd0: {  	v5 =	vld.idx.msk [tilespmem:v5+s24+$0x0], $0xffff  }
.Ltmp8:
0xd1: {  	v4 =	vsub.f32 v14, v16;
	v8 =	vld.idx.msk [tilespmem:v17+s24+$0x0], $0xffff;
	(pc) =	sbr.rel @p0 .LBB2_19-.Ltmp8, $4  }
0xd2: {  	v18 =	vsub.f32 v13, v15  }
0xd3: {  	v9 =	vsub.f32 v11, v20;
	v17 =	vsub.f32 v12, v19;
	v12 =	vand.u32 $0x7FFFFFFF, v4  }
0xd4: {  	v14 =	vand.u32 $0x7FFFFFFF, v18;
	v11 =	vsub.f32 v10, v21;
	v13 =	vsub.f32 $0.0e+00, v12  }
0xd5: {  	s25 =	sadd.s32 $0x400, s25;
	v10 =	vsub.f32 v22, v23;
	v12 =	vsub.f32 $0.0e+00, v14  }
0xd6: {  	v14 =	vand.u32 $0x7FFFFFFF, v17;
	v13 =	vmul.f32 $1.442695020e+00, v13  }
0xd7: {  	v6 =	vsub.f32 v6, v7;
	v7 =	vand.u32 $0x7FFFFFFF, v9;
	v8 =	vsub.f32 v5, v8  }
0xd8: {  	v5 =	vand.u32 $0x7FFFFFFF, v11;
	v17 =	vmin.f32 v17, $0.0e+00;
	v14 =	vsub.f32 $0.0e+00, v14  }
0xd9: {  	v12 =	vmul.f32 $1.442695020e+00, v12;
	v7 =	vsub.f32 $0.0e+00, v7;
	(erf) = vpow2.f32 v13  }
0xda: {  	v9 =	vmin.f32 v9, $0.0e+00;
	v49 =	vld [tilespmem:s23+$0x15E00];
	v5 =	vsub.f32 $0.0e+00, v5;
	v13 =	vmul.f32 $1.442695020e+00, v14  }
0xdb: {  	(erf) = vpow2.f32 v12;
	v12 =	vand.u32 $0x7FFFFFFF, v10;
	v7 =	vmul.f32 $1.442695020e+00, v7  }
0xdc: {  	v51 =	vld [tilespmem:s23+$0x15E20];
	v12 =	vsub.f32 $0.0e+00, v12;
	(erf) = vpow2.f32 v13;
	v13 =	vand.u32 $0x7FFFFFFF, v6  }
0xdd: {  	v14 =	vand.u32 $0x7FFFFFFF, v8;
	v5 =	vmul.f32 $1.442695020e+00, v5;
	v13 =	vsub.f32 $0.0e+00, v13  }
0xde: {  	v57 =	vld [tilespmem:s23+$0x15E40];
	(erf) = vpow2.f32 v7;
	v7 =	vsub.f32 $0.0e+00, v14;
	v12 =	vmul.f32 $1.442695020e+00, v12  }
0xdf: {  	v2 =	vadd.f32 v49, v2;
	(erf) = vpow2.f32 v5;
	v13 =	vmul.f32 $1.442695020e+00, v13  }
0xe0: {  	v11 =	vmin.f32 v11, $0.0e+00;
	v58 =	vld [tilespmem:s23+$0x15E60];
	v5 =	vmul.f32 $1.442695020e+00, v7;
	(erf) = vpow2.f32 v12  }
0xe1: {  	v4 =	vmin.f32 v4, $0.0e+00;
	v2 =	vadd.f32 v51, v2;
	(erf) = vpow2.f32 v13  }
0xe2: {  	v62 =	vld [tilespmem:s23+$0x15E80];
	v42 =	vmin.f32 v6, $0.0e+00;
	v10 =	vmin.f32 v10, $0.0e+00;
	v12 =	vpop (erf);
	(erf) = vpow2.f32 v5  }
0xe3: {  	v2 =	vadd.f32 v57, v2;
	v7 =	vmul.f32 v12, v12;
	v13 =	vmul.f32 $9.990104430e-01, v12  }
0xe4: {  	v8 =	vmin.f32 v8, $0.0e+00;
	v5 =	vpop (erf);
	v15 =	vmul.f32 $3.010262550e-02, v12;
	v12 =	vmul.f32 $2.833043340e-01, v12  }
0xe5: {  	v2 =	vadd.f32 v58, v2;
	v14 =	vmul.f32 v5, v5;
	v16 =	vmul.f32 $9.990104430e-01, v5  }
0xe6: {  	v20 =	vmul.f32 $3.010262550e-02, v5;
	v26 =	vmul.f32 $2.833043340e-01, v5;
	v5 =	vmin.f32 v18, $0.0e+00;
	v19 =	vpop (erf)  }
0xe7: {  	v2 =	vadd.f32 v62, v2;
	v21 =	vmul.f32 v19, v19;
	v22 =	vmul.f32 $9.990104430e-01, v19  }
0xe8: {  	v13 =	vadd.f32 $2.211703030e-05, v13;
	v23 =	vpop (erf);
	v24 =	vmul.f32 $3.010262550e-02, v19;
	v19 =	vmul.f32 $2.833043340e-01, v19  }
0xe9: {  	v12 =	vadd.f32 $-4.891568420e-01, v12;
	v25 =	vmul.f32 v23, v23;
	v28 =	vmul.f32 $9.990104430e-01, v23  }
0xea: {  	v15 =	vadd.f32 $-1.301194130e-01, v15;
	v29 =	vmul.f32 $3.010262550e-02, v23;
	v23 =	vmul.f32 $2.833043340e-01, v23  }
0xeb: {  	v16 =	vadd.f32 $2.211703030e-05, v16;
	v27 =	vpop (erf);
	v12 =	vmul.f32 v12, v7;
	v7 =	vmul.f32 v7, v7  }
0xec: {  	v26 =	vadd.f32 $-4.891568420e-01, v26;
	v30 =	vmul.f32 v27, v27;
	v32 =	vmul.f32 $9.990104430e-01, v27  }
0xed: {  	v20 =	vadd.f32 $-1.301194130e-01, v20;
	v33 =	vmul.f32 $3.010262550e-02, v27;
	v27 =	vmul.f32 $2.833043340e-01, v27  }
0xee: {  	v31 =	vpop (erf);
	v22 =	vadd.f32 $2.211703030e-05, v22;
	v44 =	vmul.f32 v21, v21;
	v26 =	vmul.f32 v26, v14  }
0xef: {  	v24 =	vadd.f32 $-1.301194130e-01, v24;
	v14 =	vmul.f32 v14, v14;
	v18 =	vmul.f32 v31, v31  }
0xf0: {  	v19 =	vadd.f32 $-4.891568420e-01, v19;
	v35 =	vmul.f32 $9.990104430e-01, v31;
	v36 =	vmul.f32 $3.010262550e-02, v31  }
0xf1: {  	v31 =	vmul.f32 $2.833043340e-01, v31;
	v28 =	vadd.f32 $2.211703030e-05, v28;
	v29 =	vadd.f32 $-1.301194130e-01, v29  }
0xf2: {  	v45 =	vmul.f32 v25, v25;
	v23 =	vadd.f32 $-4.891568420e-01, v23;
	v12 =	vadd.f32 v12, v13  }
0xf3: {  	v7 =	vmul.f32 v15, v7;
	v32 =	vadd.f32 $2.211703030e-05, v32;
	v46 =	vmul.f32 v30, v30  }
0xf4: {  	v34 =	vpop (erf);
	v33 =	vadd.f32 $-1.301194130e-01, v33;
	v19 =	vmul.f32 v19, v21;
	v24 =	vmul.f32 v24, v44  }
0xf5: {  	v27 =	vadd.f32 $-4.891568420e-01, v27;
	v37 =	vmul.f32 v34, v34;
	v39 =	vmul.f32 $9.990104430e-01, v34  }
0xf6: {  	v16 =	vadd.f32 v26, v16;
	v40 =	vmul.f32 $3.010262550e-02, v34;
	v34 =	vmul.f32 $2.833043340e-01, v34  }
0xf7: {  	v38 =	vpop (erf);
	v47 =	vmul.f32 v18, v18;
	v35 =	vadd.f32 $2.211703030e-05, v35;
	v36 =	vadd.f32 $-1.301194130e-01, v36  }
0xf8: {  	v31 =	vadd.f32 $-4.891568420e-01, v31;
	v23 =	vmul.f32 v23, v25;
	v41 =	vmul.f32 v38, v38  }
0xf9: {  	v7 =	vadd.f32 v12, v7;
	v6 =	vmul.f32 $9.990104430e-01, v38;
	v43 =	vmul.f32 $3.010262550e-02, v38  }
0xfa: {  	v63 =	vld [tilespmem:s22+$0xFAF0];
	v38 =	vmul.f32 $2.833043340e-01, v38;
	v27 =	vmul.f32 v27, v30;
	v19 =	vadd.f32 v19, v22  }
0xfb: {  	v53 =	vld [tilespmem:s22+$0xFA50];
	v48 =	vmul.f32 v37, v37;
	v39 =	vadd.f32 $2.211703030e-05, v39;
	v40 =	vadd.f32 $-1.301194130e-01, v40  }
0xfc: {  	v54 =	vld [tilespmem:s22+$0x12C50];
	v34 =	vadd.f32 $-4.891568420e-01, v34;
	v36 =	vmul.f32 v36, v47;
	v38 =	vadd.f32 $-4.891568420e-01, v38  }
0xfd: {  	v55 =	vld [tilespmem:s22+$0xFA30];
	v18 =	vmul.f32 v31, v18;
	v23 =	vadd.f32 v23, v28;
	v50 =	vmul.f32 v41, v41  }
0xfe: {  	v56 =	vld [tilespmem:s22+$0x12C30];
	v52 =	vadd.f32 $2.211703030e-05, v6;
	v43 =	vadd.f32 $-1.301194130e-01, v43;
	v38 =	vmul.f32 v38, v41  }
0xff: {  	v13 =	vld [tilespmem:s23+$0x15EA0];
	v34 =	vmul.f32 v34, v37;
	v61 =	vmul.f32 v40, v48;
	v18 =	vadd.f32 v18, v35  }
0x100: {  	v40 =	vmul.f32 v33, v46;
	v46 =	vld [tilespmem:s22+$0x12CD0];
	v43 =	vmul.f32 v43, v50;
	v38 =	vadd.f32 v38, v52  }
0x101: {  	v21 =	vld [tilespmem:s23+$0x15EC0];
	v14 =	vmul.f32 v20, v14;
	v60 =	vadd.f32 v34, v39;
	v18 =	vadd.f32 v18, v36  }
0x102: {  	v20 =	vshll.u32 v63, $0x5;
	v27 =	vadd.f32 v27, v32;
	v39 =	vld [tilespmem:s22+$0x12CF0];
	v59 =	vadd.f32 v38, v43  }
0x103: {  	v20 =	vor.u32 v1, v20;
	v6 =	vld [tilespmem:s23+$0x15EE0];
	v35 =	vadd.f32 v60, v61;
	v10 =	vsub.f32 v10, v18  }
0x104: {  	v47 =	vmul.f32 v29, v45;
	v48 =	vld [tilespmem:s22+$0xFAB0];
	v18 =	vadd.f32 v27, v40;
	v8 =	vsub.f32 v8, v59  }
0x105: {  	v19 =	vadd.f32 v19, v24;
	v52 =	vld [tilespmem:s22+$0xFA90];
	v15 =	vshll.u32 v46, $0x5;
	v26 =	vsub.f32 v42, v35  }
0x106: {  	v43 =	vld [tilespmem:s22+$0xFAD0];
	v11 =	vsub.f32 v11, v18;
	v18 =	vadd.f32 v23, v47;
	v8 =	vmul.f32 v8, v49  }
0x107: {  	v50 =	vld [tilespmem:s22+$0x12CB0];
	v17 =	vsub.f32 v17, v19;
	v15 =	vor.u32 v1, v15;
	v19 =	vshll.u32 v39, $0x5  }
0x108: {  	v9 =	vsub.f32 v9, v18;
	v18 =	vld [tilespmem:s22+$0xFA70];
	v3 =	vadd.f32 v8, v3;
	v8 =	vmul.f32 v26, v51  }
0x109: {  	v14 =	vadd.f32 v16, v14;
	v20 =	vld.idx.msk [tilespmem:v20+s6+$0x0], $0xffff;
	v11 =	vmul.f32 v11, v58;
	v19 =	vor.u32 v1, v19  }
0x10a: {  	v58 =	vld [tilespmem:s22+$0x12C10];
	v23 =	vshll.u32 v52, $0x5;
	v3 =	vadd.f32 v8, v3;
	v8 =	vmul.f32 v10, v57  }
0x10b: {  	v5 =	vsub.f32 v5, v14;
	v14 =	vor.u32 v1, v23;
	v16 =	vshll.u32 v43, $0x5;
	v10 =	vld [tilespmem:s22+$0x12C90]  }
0x10c: {  	v16 =	vor.u32 v1, v16;
	v26 =	vshll.u32 v50, $0x5;
	v3 =	vadd.f32 v8, v3;
	v8 =	vld [tilespmem:s22+$0x12C70]  }
0x10d: {  	v4 =	vsub.f32 v4, v7;
	v15 =	vld.idx.msk [tilespmem:v15+s6+$0x0], $0xffff;
	v26 =	vor.u32 v1, v26;
	v18 =	vshll.u32 v18, $0x5  }
0x10e: {  	v9 =	vmul.f32 v9, v62;
	v57 =	vld [tilespmem:s22+$0xFA10];
	v12 =	vor.u32 v1, v18;
	v18 =	vshll.u32 v54, $0x5  }
0x10f: {  	v19 =	vld.idx.msk [tilespmem:v19+s6+$0x0], $0xffff;
	v7 =	vor.u32 v1, v18;
	v3 =	vadd.f32 v11, v3;
	v11 =	vshll.u32 v48, $0x5  }
0x110: {  	v17 =	vmul.f32 v17, v13;
	v14 =	vld.idx.msk [tilespmem:v14+s6+$0x0], $0xffff;
	v11 =	vor.u32 v1, v11;
	v10 =	vshll.u32 v10, $0x5  }
0x111: {  	v16 =	vld.idx.msk [tilespmem:v16+s6+$0x0], $0xffff;
	v10 =	vor.u32 v1, v10;
	v3 =	vadd.f32 v9, v3;
	v8 =	vshll.u32 v8, $0x5  }
0x112: {  	v5 =	vmul.f32 v5, v21;
	v59 =	vld.idx.msk [tilespmem:v26+s6+$0x0], $0xffff;
	v9 =	vshll.u32 v53, $0x5;
	v8 =	vor.u32 v1, v8  }
0x113: {  	v12 =	vld.idx.msk [tilespmem:v12+s6+$0x0], $0xffff;
	v9 =	vor.u32 v1, v9;
	v3 =	vadd.f32 v17, v3;
	v17 =	vshll.u32 v55, $0x5  }
0x114: {  	v2 =	vadd.f32 v13, v2;
	v63 =	vld.idx.msk [tilespmem:v7+s6+$0x0], $0xffff;
	v13 =	vor.u32 v1, v17;
	v17 =	vshll.u32 v56, $0x5  }
0x115: {  	v11 =	vld.idx.msk [tilespmem:v11+s6+$0x0], $0xffff;
	v3 =	vadd.f32 v5, v3;
	v5 =	vshll.u32 v57, $0x5;
	v17 =	vor.u32 v1, v17  }
0x116: {  	v10 =	vld.idx.msk [tilespmem:v10+s6+$0x0], $0xffff;
	v60 =	vor.u32 v1, v5;
	v5 =	vshll.u32 v58, $0x5  }
0x117: {  	v62 =	vor.u32 v1, v5;
	v8 =	vld.idx.msk [tilespmem:v8+s6+$0x0], $0xffff  }
0x118: {  	v4 =	vmul.f32 v4, v6;
	v61 =	vld.idx.msk [tilespmem:v9+s6+$0x0], $0xffff  }
0x119: {  	v9 =	vadd.f32 v21, v2;
	v5 =	vld.idx.msk [tilespmem:v13+s6+$0x0], $0xffff  }
0x11a: {  	v18 =	vsub.f32 v16, v15;
	v3 =	vadd.f32 v4, v3;
	v7 =	vld.idx.msk [tilespmem:v17+s6+$0x0], $0xffff  }
0x11b: {  	v2 =	vsub.f32 v20, v19;
	v4 =	vadd.f32 v6, v9;
	v6 =	vld.idx.msk [tilespmem:v60+s6+$0x0], $0xffff  }
0x11c: {  	v17 =	vsub.f32 v11, v59;
	v11 =	vsub.f32 v12, v8;
	v8 =	vld.idx.msk [tilespmem:v62+s6+$0x0], $0xffff  }
0x11d: {  	v9 =	vsub.f32 v14, v10;
	v10 =	vand.u32 $0x7FFFFFFF, v2  }
0x11e: {  	v13 =	vsub.f32 $0.0e+00, v10;
	v12 =	vand.u32 $0x7FFFFFFF, v18  }
0x11f: {  	s23 =	simm.s32 $0x400;
	v10 =	vsub.f32 v61, v63;
	v12 =	vsub.f32 $0.0e+00, v12  }
.LBB2_21:
0x120: {  	s24 =	sshra.s32 s23, $0x2;
	p0 =	sne.s32 s23, $0x6000;
	v19 =	vsub.f32 v5, v7;
	v5 =	vand.u32 $0x7FFFFFFF, v17;
	v7 =	vmul.f32 $1.442695020e+00, v13  }
0x121: {  	v20 =	vsub.f32 v6, v8;
	v13 =	vld [tilespmem:s24+$0xFAF0];
	v5 =	vsub.f32 $0.0e+00, v5;
	v6 =	vmul.f32 $1.442695020e+00, v12  }
0x122: {  	v14 =	vand.u32 $0x7FFFFFFF, v9;
	v12 =	vand.u32 $0x7FFFFFFF, v11;
	v8 =	vld [tilespmem:s24+$0x12CF0];
	(erf) = vpow2.f32 v7  }
0x123: {  	v14 =	vsub.f32 $0.0e+00, v14;
	v7 =	vld [tilespmem:s24+$0xFAD0];
	v5 =	vmul.f32 $1.442695020e+00, v5;
	(erf) = vpow2.f32 v6  }
0x124: {  	v16 =	vand.u32 $0x7FFFFFFF, v10;
	v15 =	vand.u32 $0x7FFFFFFF, v19;
	v12 =	vsub.f32 $0.0e+00, v12;
	v6 =	vld [tilespmem:s24+$0x12CD0]  }
0x125: {  	v16 =	vsub.f32 $0.0e+00, v16;
	v14 =	vmul.f32 $1.442695020e+00, v14;
	v21 =	vld [tilespmem:s24+$0xFAB0];
	(erf) = vpow2.f32 v5  }
0x126: {  	v22 =	vand.u32 $0x7FFFFFFF, v20;
	v15 =	vsub.f32 $0.0e+00, v15;
	v12 =	vmul.f32 $1.442695020e+00, v12;
	v5 =	vld [tilespmem:s24+$0x12CB0]  }
0x127: {  	v22 =	vsub.f32 $0.0e+00, v22;
	v16 =	vmul.f32 $1.442695020e+00, v16;
	v23 =	vld [tilespmem:s24+$0xFA90];
	(erf) = vpow2.f32 v14  }
0x128: {  	v26 =	vmul.f32 $1.442695020e+00, v15;
	v13 =	vshll.u32 v13, $0x5;
	v14 =	vld [tilespmem:s24+$0x12C90];
	(erf) = vpow2.f32 v12  }
0x129: {  	v24 =	vshll.u32 v8, $0x5;
	v8 =	vmul.f32 $1.442695020e+00, v22;
	v12 =	vld [tilespmem:s24+$0xFA70];
	(erf) = vpow2.f32 v16  }
0x12a: {  	v22 =	vshll.u32 v7, $0x5;
	v25 =	vshll.u32 v6, $0x5;
	(erf) = vpow2.f32 v26  }
0x12b: {  	v21 =	vshll.u32 v21, $0x5;
	v6 =	vshll.u32 v5, $0x5;
	(erf) = vpow2.f32 v8;
	v15 =	vpop (erf)  }
0x12c: {  	v8 =	vshll.u32 v23, $0x5;
	v23 =	vmul.f32 v15, v15;
	v26 =	vmul.f32 $9.990104430e-01, v15;
	v27 =	vpop (erf)  }
0x12d: {  	v29 =	vmul.f32 $3.010262550e-02, v15;
	v5 =	vshll.u32 v14, $0x5;
	v28 =	vmul.f32 v27, v27  }
0x12e: {  	v30 =	vmul.f32 $9.990104430e-01, v27;
	v31 =	vmul.f32 $3.010262550e-02, v27;
	v7 =	vshll.u32 v12, $0x5;
	v32 =	vpop (erf)  }
0x12f: {  	v34 =	vmul.f32 $2.833043340e-01, v15;
	v14 =	vor.u32 v1, v13;
	v33 =	vmul.f32 v32, v32  }
0x130: {  	v16 =	vor.u32 v1, v24;
	v24 =	vmul.f32 $9.990104430e-01, v32;
	v35 =	vmul.f32 $3.010262550e-02, v32;
	v36 =	vpop (erf)  }
0x131: {  	v13 =	vor.u32 v1, v22;
	v27 =	vmul.f32 $2.833043340e-01, v27;
	v22 =	vmul.f32 v36, v36;
	v37 =	vpop (erf)  }
0x132: {  	v15 =	vor.u32 v1, v25;
	v25 =	vmul.f32 $9.990104430e-01, v36;
	v38 =	vmul.f32 $3.010262550e-02, v36;
	v39 =	vpop (erf)  }
0x133: {  	v12 =	vor.u32 v1, v21;
	v32 =	vmul.f32 $2.833043340e-01, v32;
	v21 =	vmul.f32 v37, v37;
	v40 =	vpop (erf)  }
0x134: {  	v18 =	vmin.f32 v18, $0.0e+00;
	v41 =	vmul.f32 $9.990104430e-01, v37;
	v42 =	vmul.f32 $3.010262550e-02, v37;
	v43 =	vpop (erf)  }
0x135: {  	v17 =	vmin.f32 v17, $0.0e+00;
	v36 =	vmul.f32 $2.833043340e-01, v36;
	v44 =	vmul.f32 v39, v39  }
0x136: {  	v9 =	vmin.f32 v9, $0.0e+00;
	v45 =	vmul.f32 $9.990104430e-01, v39;
	v46 =	vmul.f32 $3.010262550e-02, v39  }
0x137: {  	v11 =	vmin.f32 v11, $0.0e+00;
	v37 =	vmul.f32 $2.833043340e-01, v37;
	v47 =	vmul.f32 v40, v40  }
0x138: {  	v10 =	vmin.f32 v10, $0.0e+00;
	v48 =	vmul.f32 $9.990104430e-01, v40;
	v49 =	vmul.f32 $3.010262550e-02, v40  }
0x139: {  	v19 =	vmin.f32 v19, $0.0e+00;
	v39 =	vmul.f32 $2.833043340e-01, v39;
	v50 =	vmul.f32 v43, v43  }
0x13a: {  	v20 =	vmin.f32 v20, $0.0e+00;
	v51 =	vmul.f32 $9.990104430e-01, v43;
	v52 =	vmul.f32 $3.010262550e-02, v43  }
0x13b: {  	v26 =	vadd.f32 $2.211703030e-05, v26;
	v29 =	vadd.f32 $-1.301194130e-01, v29;
	v40 =	vmul.f32 $2.833043340e-01, v40  }
0x13c: {  	v30 =	vadd.f32 $2.211703030e-05, v30;
	v31 =	vadd.f32 $-1.301194130e-01, v31;
	v43 =	vmul.f32 $2.833043340e-01, v43  }
0x13d: {  	v53 =	vmul.f32 v23, v23;
	v34 =	vadd.f32 $-4.891568420e-01, v34;
	v24 =	vadd.f32 $2.211703030e-05, v24  }
0x13e: {  	v54 =	vmul.f32 v28, v28;
	v27 =	vadd.f32 $-4.891568420e-01, v27;
	v35 =	vadd.f32 $-1.301194130e-01, v35  }
0x13f: {  	v55 =	vmul.f32 v33, v33;
	v25 =	vadd.f32 $2.211703030e-05, v25;
	v38 =	vadd.f32 $-1.301194130e-01, v38  }
0x140: {  	v32 =	vadd.f32 $-4.891568420e-01, v32;
	v56 =	vmul.f32 v22, v22;
	v41 =	vadd.f32 $2.211703030e-05, v41  }
0x141: {  	v36 =	vadd.f32 $-4.891568420e-01, v36;
	v57 =	vmul.f32 v21, v21;
	v42 =	vadd.f32 $-1.301194130e-01, v42  }
0x142: {  	v58 =	vmul.f32 v44, v44;
	v45 =	vadd.f32 $2.211703030e-05, v45;
	v46 =	vadd.f32 $-1.301194130e-01, v46  }
0x143: {  	v37 =	vadd.f32 $-4.891568420e-01, v37;
	v59 =	vmul.f32 v47, v47;
	v48 =	vadd.f32 $2.211703030e-05, v48  }
0x144: {  	v49 =	vadd.f32 $-1.301194130e-01, v49;
	v60 =	vmul.f32 v50, v50;
	v43 =	vadd.f32 $-4.891568420e-01, v43  }
0x145: {  	v23 =	vmul.f32 v34, v23;
	v51 =	vadd.f32 $2.211703030e-05, v51;
	v52 =	vadd.f32 $-1.301194130e-01, v52  }
0x146: {  	v27 =	vmul.f32 v27, v28;
	v40 =	vadd.f32 $-4.891568420e-01, v40;
	v34 =	vmul.f32 v43, v50  }
0x147: {  	v32 =	vmul.f32 v32, v33;
	v28 =	vadd.f32 $-4.891568420e-01, v39;
	v39 =	vmul.f32 v46, v58  }
0x148: {  	v40 =	vmul.f32 v40, v47;
	v33 =	vadd.f32 v34, v51;
	v34 =	vmul.f32 v52, v60  }
0x149: {  	v23 =	vadd.f32 v23, v26;
	v27 =	vadd.f32 v27, v30;
	v28 =	vmul.f32 v28, v44;
	v43 =	vld [tilespmem:s22+$0x15E10]  }
0x14a: {  	v30 =	vadd.f32 v40, v48;
	v26 =	vadd.f32 v33, v34;
	v33 =	vmul.f32 v49, v59  }
0x14b: {  	v24 =	vadd.f32 v32, v24;
	v21 =	vmul.f32 v37, v21;
	v28 =	vadd.f32 v28, v45;
	v34 =	vld [tilespmem:s22+$0x15E30]  }
0x14c: {  	v22 =	vmul.f32 v36, v22;
	v20 =	vsub.f32 v20, v26;
	v26 =	vadd.f32 v30, v33;
	v30 =	vld [tilespmem:s22+$0x15EF0]  }
0x14d: {  	v21 =	vadd.f32 v21, v41;
	v28 =	vadd.f32 v28, v39;
	v33 =	vmul.f32 v42, v57;
	v32 =	vld [tilespmem:s22+$0x15E50]  }
0x14e: {  	v22 =	vadd.f32 v22, v25;
	v19 =	vsub.f32 v19, v26;
	v20 =	vmul.f32 v20, v43;
	v25 =	vld [tilespmem:s22+$0x15ED0]  }
0x14f: {  	v10 =	vsub.f32 v10, v28;
	v28 =	vmul.f32 v38, v56;
	v21 =	vadd.f32 v21, v33;
	v26 =	vld [tilespmem:s22+$0x15E70]  }
0x150: {  	v4 =	vadd.f32 v43, v4;
	v3 =	vadd.f32 v20, v3;
	v19 =	vmul.f32 v19, v34;
	v20 =	vld [tilespmem:s22+$0x15EB0]  }
0x151: {  	v22 =	vadd.f32 v22, v28;
	v28 =	vmul.f32 v35, v55;
	v11 =	vsub.f32 v11, v21;
	v21 =	vld [tilespmem:s22+$0x15E90];
	s22 =	smov.u32 s24  }
0x152: {  	v4 =	vadd.f32 v34, v4;
	v33 =	vld [tilespmem:s22+$0x12C70];
	v3 =	vadd.f32 v19, v3;
	v10 =	vmul.f32 v10, v32  }
0x153: {  	v9 =	vsub.f32 v9, v22;
	v22 =	vadd.f32 v24, v28;
	v24 =	vmul.f32 v31, v54;
	v19 =	vld [tilespmem:s22+$0xFA50]  }
0x154: {  	v4 =	vadd.f32 v32, v4;
	v28 =	vld [tilespmem:s22+$0x12C50];
	v3 =	vadd.f32 v10, v3;
	v10 =	vmul.f32 v11, v26  }
0x155: {  	v17 =	vsub.f32 v17, v22;
	v22 =	vadd.f32 v27, v24;
	v24 =	vmul.f32 v29, v53;
	v11 =	vld [tilespmem:s22+$0xFA30]  }
0x156: {  	v4 =	vadd.f32 v26, v4;
	v27 =	vld [tilespmem:s22+$0x12C30];
	v3 =	vadd.f32 v10, v3;
	v9 =	vmul.f32 v9, v21  }
0x157: {  	v2 =	vmin.f32 v2, $0.0e+00;
	v18 =	vsub.f32 v18, v22;
	v22 =	vadd.f32 v23, v24;
	v10 =	vld [tilespmem:s22+$0xFA10]  }
0x158: {  	v4 =	vadd.f32 v21, v4;
	v23 =	vld [tilespmem:s22+$0x12C10];
	v3 =	vadd.f32 v9, v3;
	v9 =	vmul.f32 v17, v20  }
0x159: {  	v6 =	vor.u32 v1, v6;
	v8 =	vor.u32 v1, v8;
	v2 =	vsub.f32 v2, v22;
	v14 =	vld.idx.msk [tilespmem:v14+s6+$0x0], $0xffff  }
0x15a: {  	v4 =	vadd.f32 v20, v4;
	v16 =	vld.idx.msk [tilespmem:v16+s6+$0x0], $0xffff;
	v3 =	vadd.f32 v9, v3;
	v9 =	vmul.f32 v18, v25  }
0x15b: {  	v5 =	vor.u32 v1, v5;
	v7 =	vor.u32 v1, v7;
	v17 =	vshll.u32 v33, $0x5;
	v13 =	vld.idx.msk [tilespmem:v13+s6+$0x0], $0xffff  }
0x15c: {  	v2 =	vmul.f32 v2, v30;
	v4 =	vadd.f32 v25, v4;
	v15 =	vld.idx.msk [tilespmem:v15+s6+$0x0], $0xffff;
	v3 =	vadd.f32 v9, v3  }
0x15d: {  	v17 =	vor.u32 v1, v17;
	v18 =	vshll.u32 v28, $0x5;
	v9 =	vshll.u32 v19, $0x5;
	v12 =	vld.idx.msk [tilespmem:v12+s6+$0x0], $0xffff  }
0x15e: {  	v4 =	vadd.f32 v30, v4;
	v9 =	vor.u32 v1, v9;
	v19 =	vld.idx.msk [tilespmem:v6+s6+$0x0], $0xffff;
	v3 =	vadd.f32 v2, v3  }
0x15f: {  	v2 =	vshll.u32 v11, $0x5;
	v6 =	vor.u32 v1, v18;
	v11 =	vld.idx.msk [tilespmem:v8+s6+$0x0], $0xffff  }
0x160: {  	v2 =	vor.u32 v1, v2;
	v8 =	vshll.u32 v27, $0x5;
	v20 =	vld.idx.msk [tilespmem:v5+s6+$0x0], $0xffff  }
0x161: {  	v5 =	vshll.u32 v10, $0x5;
	v8 =	vor.u32 v1, v8;
	v10 =	vld.idx.msk [tilespmem:v7+s6+$0x0], $0xffff  }
0x162: {  	v18 =	vor.u32 v1, v5;
	v5 =	vshll.u32 v23, $0x5;
	v21 =	vld.idx.msk [tilespmem:v17+s6+$0x0], $0xffff  }
0x163: {  	v17 =	vor.u32 v1, v5;
	v22 =	vld.idx.msk [tilespmem:v9+s6+$0x0], $0xffff  }
0x164: {  	v23 =	vld.idx.msk [tilespmem:v6+s6+$0x0], $0xffff  }
0x165: {  	v5 =	vld.idx.msk [tilespmem:v2+s6+$0x0], $0xffff  }
0x166: {  	v7 =	vld.idx.msk [tilespmem:v8+s6+$0x0], $0xffff  }
0x167: {  	v6 =	vld.idx.msk [tilespmem:v18+s6+$0x0], $0xffff  }
.Ltmp9:
0x168: {  	v2 =	vsub.f32 v14, v16;
	v8 =	vld.idx.msk [tilespmem:v17+s6+$0x0], $0xffff;
	(pc) =	sbr.rel @p0 .LBB2_21-.Ltmp9, $4  }
0x169: {  	v18 =	vsub.f32 v13, v15  }
0x16a: {  	v9 =	vsub.f32 v11, v20;
	v17 =	vsub.f32 v12, v19;
	v12 =	vand.u32 $0x7FFFFFFF, v2  }
0x16b: {  	v11 =	vsub.f32 v10, v21;
	v14 =	vand.u32 $0x7FFFFFFF, v18;
	v13 =	vsub.f32 $0.0e+00, v12  }
0x16c: {  	s23 =	sadd.s32 $0x400, s23;
	v10 =	vsub.f32 v22, v23;
	v12 =	vsub.f32 $0.0e+00, v14  }
0x16d: {  	v13 =	vmul.f32 $1.442695020e+00, v13  }
0x16e: {  	v5 =	vsub.f32 v5, v7;
	v55 =	vand.u32 $0x7FFFFFFF, v17  }
0x16f: {  	v6 =	vsub.f32 v6, v8;
	v56 =	vmul.f32 $1.442695020e+00, v12;
	(erf) = vpow2.f32 v13  }
0x170: {  	v57 =	vand.u32 $0x7FFFFFFF, v11;
	v14 =	vand.u32 $0x7FFFFFFF, v9;
	v7 =	vsub.f32 $0.0e+00, v55  }
0x171: {  	v58 =	vsub.f32 $0.0e+00, v14;
	v60 =	vand.u32 $0x7FFFFFFF, v10;
	(erf) = vpow2.f32 v56  }
0x172: {  	v12 =	vsub.f32 $0.0e+00, v57;
	v59 =	vand.u32 $0x7FFFFFFF, v5;
	v7 =	vmul.f32 $1.442695020e+00, v7  }
0x173: {  	v14 =	vsub.f32 $0.0e+00, v60;
	v61 =	vand.u32 $0x7FFFFFFF, v6;
	v13 =	vmul.f32 $1.442695020e+00, v58  }
0x174: {  	v8 =	vsub.f32 $0.0e+00, v59;
	v12 =	vmul.f32 $1.442695020e+00, v12;
	(erf) = vpow2.f32 v7  }
0x175: {  	v14 =	vmul.f32 $1.442695020e+00, v14;
	v7 =	vsub.f32 $0.0e+00, v61;
	(erf) = vpow2.f32 v13  }
0x176: {  	v8 =	vmul.f32 $1.442695020e+00, v8;
	(erf) = vpow2.f32 v12  }
0x177: {  	v7 =	vmul.f32 $1.442695020e+00, v7;
	(erf) = vpow2.f32 v14  }
0x178: {  	v18 =	vmin.f32 v18, $0.0e+00;
	v17 =	vmin.f32 v17, $0.0e+00;
	(erf) = vpow2.f32 v8;
	v62 =	vpop (erf)  }
0x179: {  	v9 =	vmin.f32 v9, $0.0e+00;
	(erf) = vpow2.f32 v7;
	v63 =	vmul.f32 v62, v62  }
0x17a: {  	v57 =	vmin.f32 v11, $0.0e+00;
	v54 =	vmul.f32 $9.990104430e-01, v62;
	v55 =	vpop (erf);
	v15 =	vmul.f32 $3.010262550e-02, v62  }
0x17b: {  	v5 =	vmin.f32 v5, $0.0e+00;
	v7 =	vmul.f32 $2.833043340e-01, v62;
	v56 =	vmul.f32 v55, v55  }
0x17c: {  	v6 =	vmin.f32 v6, $0.0e+00;
	v16 =	vmul.f32 $9.990104430e-01, v55;
	v19 =	vmul.f32 $3.010262550e-02, v55  }
0x17d: {  	v58 =	vmin.f32 v10, $0.0e+00;
	v13 =	vmul.f32 $2.833043340e-01, v55;
	v20 =	vpop (erf);
	v44 =	vmul.f32 v63, v63  }
0x17e: {  	v12 =	vadd.f32 $2.211703030e-05, v54;
	v21 =	vmul.f32 v20, v20;
	v22 =	vmul.f32 $9.990104430e-01, v20  }
0x17f: {  	v15 =	vadd.f32 $-1.301194130e-01, v15;
	v23 =	vmul.f32 $3.010262550e-02, v20;
	v24 =	vpop (erf);
	v20 =	vmul.f32 $2.833043340e-01, v20  }
0x180: {  	v7 =	vadd.f32 $-4.891568420e-01, v7;
	v45 =	vmul.f32 v56, v56;
	v25 =	vmul.f32 v24, v24  }
0x181: {  	v16 =	vadd.f32 $2.211703030e-05, v16;
	v27 =	vmul.f32 $9.990104430e-01, v24;
	v28 =	vmul.f32 $3.010262550e-02, v24  }
0x182: {  	v19 =	vadd.f32 $-1.301194130e-01, v19;
	v26 =	vpop (erf);
	v24 =	vmul.f32 $2.833043340e-01, v24;
	v7 =	vmul.f32 v7, v63  }
0x183: {  	v13 =	vadd.f32 $-4.891568420e-01, v13;
	v29 =	vmul.f32 v26, v26;
	v31 =	vmul.f32 $9.990104430e-01, v26  }
0x184: {  	v32 =	vmul.f32 $3.010262550e-02, v26;
	v26 =	vmul.f32 $2.833043340e-01, v26;
	v22 =	vadd.f32 $2.211703030e-05, v22  }
0x185: {  	v30 =	vpop (erf);
	v23 =	vadd.f32 $-1.301194130e-01, v23;
	v46 =	vmul.f32 v21, v21;
	v13 =	vmul.f32 v13, v56  }
0x186: {  	v20 =	vadd.f32 $-4.891568420e-01, v20;
	v33 =	vmul.f32 v30, v30;
	v35 =	vmul.f32 $9.990104430e-01, v30  }
0x187: {  	v34 =	vpop (erf);
	v36 =	vmul.f32 $3.010262550e-02, v30;
	v30 =	vmul.f32 $2.833043340e-01, v30;
	v27 =	vadd.f32 $2.211703030e-05, v27  }
0x188: {  	v28 =	vadd.f32 $-1.301194130e-01, v28;
	v47 =	vmul.f32 v25, v25;
	v37 =	vmul.f32 v34, v34  }
0x189: {  	v24 =	vadd.f32 $-4.891568420e-01, v24;
	v39 =	vmul.f32 $9.990104430e-01, v34;
	v40 =	vmul.f32 $3.010262550e-02, v34  }
0x18a: {  	v7 =	vadd.f32 v7, v12;
	v38 =	vpop (erf);
	v34 =	vmul.f32 $2.833043340e-01, v34;
	v48 =	vmul.f32 v29, v29  }
0x18b: {  	v31 =	vadd.f32 $2.211703030e-05, v31;
	v41 =	vmul.f32 v38, v38;
	v42 =	vmul.f32 $9.990104430e-01, v38  }
0x18c: {  	v32 =	vadd.f32 $-1.301194130e-01, v32;
	v43 =	vmul.f32 $3.010262550e-02, v38;
	v38 =	vmul.f32 $2.833043340e-01, v38  }
0x18d: {  	v26 =	vadd.f32 $-4.891568420e-01, v26;
	v20 =	vmul.f32 v20, v21;
	v13 =	vadd.f32 v13, v16  }
0x18e: {  	v49 =	vmul.f32 v33, v33;
	v35 =	vadd.f32 $2.211703030e-05, v35;
	v38 =	vadd.f32 $-4.891568420e-01, v38  }
0x18f: {  	v60 =	vadd.f32 $-4.891568420e-01, v30;
	v34 =	vadd.f32 $-4.891568420e-01, v34;
	v51 =	vmul.f32 v41, v41  }
0x190: {  	v63 =	vld [tilespmem:s22+$0x15E10];
	v42 =	vadd.f32 $2.211703030e-05, v42;
	v43 =	vadd.f32 $-1.301194130e-01, v43;
	v59 =	vmul.f32 v38, v41  }
0x191: {  	v50 =	vmul.f32 v37, v37;
	v39 =	vadd.f32 $2.211703030e-05, v39;
	v40 =	vadd.f32 $-1.301194130e-01, v40  }
0x192: {  	v34 =	vmul.f32 v34, v37;
	v62 =	vmul.f32 v43, v51;
	v8 =	vadd.f32 v59, v42  }
0x193: {  	v36 =	vadd.f32 $-1.301194130e-01, v36;
	v20 =	vadd.f32 v20, v22;
	v14 =	vmul.f32 v60, v33  }
0x194: {  	v38 =	vmul.f32 v40, v50;
	v37 =	vadd.f32 v34, v39;
	v8 =	vadd.f32 v8, v62  }
0x195: {  	v26 =	vmul.f32 v26, v29;
	v4 =	vadd.f32 v63, v4;
	v14 =	vadd.f32 v14, v35;
	v39 =	vld [tilespmem:s22+$0x15E30]  }
0x196: {  	v61 =	vmul.f32 v36, v49;
	v40 =	vadd.f32 v37, v38;
	v6 =	vsub.f32 v6, v8  }
0x197: {  	v49 =	vmul.f32 v32, v48;
	v41 =	vmul.f32 v24, v25;
	v43 =	vadd.f32 v26, v31;
	v42 =	vld [tilespmem:s22+$0x15E50]  }
0x198: {  	v14 =	vadd.f32 v14, v61;
	v5 =	vsub.f32 v5, v40;
	v6 =	vmul.f32 v6, v63  }
0x199: {  	v53 =	vmul.f32 v28, v47;
	v51 =	vld [tilespmem:s22+$0x15E70];
	v50 =	vadd.f32 v41, v27;
	v52 =	vadd.f32 v43, v49  }
0x19a: {  	v10 =	vsub.f32 v58, v14;
	v5 =	vmul.f32 v5, v39;
	v3 =	vadd.f32 v6, v3  }
0x19b: {  	v55 =	vld [tilespmem:s22+$0x15E90];
	v56 =	vmul.f32 v23, v46;
	v54 =	vsub.f32 v57, v52;
	v8 =	vadd.f32 v50, v53  }
0x19c: {  	v4 =	vadd.f32 v39, v4;
	v3 =	vadd.f32 v5, v3;
	v5 =	vmul.f32 v10, v42  }
0x19d: {  	v59 =	vmul.f32 v19, v45;
	v57 =	vld [tilespmem:s22+$0x15EB0];
	v58 =	vadd.f32 v20, v56;
	v8 =	vsub.f32 v9, v8  }
0x19e: {  	v4 =	vadd.f32 v42, v4;
	v3 =	vadd.f32 v5, v3;
	v5 =	vmul.f32 v54, v51  }
0x19f: {  	v60 =	vld [tilespmem:s22+$0x15ED0];
	v61 =	vmul.f32 v15, v44;
	v13 =	vadd.f32 v13, v59;
	v9 =	vsub.f32 v17, v58  }
0x1a0: {  	v4 =	vadd.f32 v51, v4;
	v3 =	vadd.f32 v5, v3;
	v5 =	vmul.f32 v8, v55  }
0x1a1: {  	v2 =	vmin.f32 v2, $0.0e+00;
	v62 =	vld [tilespmem:s22+$0x15EF0];
	v7 =	vadd.f32 v7, v61;
	v63 =	vsub.f32 v18, v13  }
0x1a2: {  	v4 =	vadd.f32 v55, v4;
	v3 =	vadd.f32 v5, v3;
	v5 =	vmul.f32 v9, v57  }
0x1a3: {  	p0 =	seq.s32 s21, $0x7;
	v2 =	vsub.f32 v2, v7  }
.Ltmp10:
0x1a4: {  	v4 =	vadd.f32 v57, v4;
	v3 =	vadd.f32 v5, v3;
	v5 =	vmul.f32 v63, v60;
	(pc) =	sbr.rel @p0 .LBB2_31-.Ltmp10, $3  }
0x1a5: {  	_ = 	snop  }
0x1a6: {  	v2 =	vmul.f32 v2, v62;
	v4 =	vadd.f32 v60, v4;
	v3 =	vadd.f32 v5, v3;
	_ =	sdelay $0x1  }
0x1a7: {  	v2 =	vadd.f32 v2, v3;
	v3 =	vadd.f32 v62, v4  }
0x1a8: {  	s22 =	sshll.u32 s21, $0x1  }
0x1a9: {  	s22 =	sadd.s32 $0x2, s22  }
0x1aa: {  	s23 =	sshrl.u32 s22, $0x2  }
0x1ab: {  	s22 =	sshll.u32 s22, $0x2;
	s23 =	sadd.s32 s7, s23  }
0x1ac: {  	s22 =	sand.u32 $0x8, s22;
	s23 =	sshll.u32 s23, $0x7  }
0x1ad: {  	s22 =	sor.u32 s22, s23  }
0x1ae: {  	s23 =	sadd.s32 s1, s22  }
0x1af: {  	s24 =	simm.s32 $0x400;
	s26 =	simm.s32 $0x0;
	s25 =	sadd.s32 $0x4000, s23  }
.LBB2_24:
0x1b0: {  	[tilespmem:s26], [sflag:$0x1] =	stream.strided.gather [hbm4b:s23+s14], $0x100, s15, s14, $0x38;
	[tilespmem:$0x19020] =	vst v63  }
0x1b1: {  	s26 =	smov.u32 s24;
	s23 =	smov.u32 s25;
	p0 =	sne.s32 s24, $0x1F000  }
.Ltmp11:
0x1b2: {  	s24 =	sadd.s32 $0x400, s24;
	(pc) =	sbr.rel @p0 .LBB2_24-.Ltmp11, $2  }
0x1b3: {  	_ =	sdelay $0x2  }
0x1b4: {  	s25 =	sadd.s32 $0x4000, s25;
	s26 =	sshra.s32 s26, $0x2  }
0x1b5: {  	[tilespmem:s26], [sflag:$0x1] =	stream.strided.gather [hbm4b:s23+s14], $0x100, s15, s14, $0x38;
	[tilespmem:$0x19020] =	vst v63  }
0x1b6: {  	s23 =	sadd.s32 s2, s22;
	s24 =	simm.s32 $0xFA00  }
0x1b7: {  	[tilespmem:s24], [sflag:$0x1] =	stream.strided.gather [hbm4b:s23+s14], $0x100, s15, s14, $0x38;
	[tilespmem:$0x19020] =	vst v63  }
0x1b8: {  	s24 =	simm.s32 $0x400  }
.LBB2_26:
0x1b9: {  	p0 =	sne.s32 s24, $0x6000  }
.Ltmp12:
0x1ba: {  	_ = 	snop;
	(pc) =	sbr.rel @p0 .LBB2_26-.Ltmp12, $4  }
0x1bb: {  	_ = 	snop  }
0x1bc: {  	s25 =	sshra.s32 s24, $0x2;
	s24 =	sadd.s32 $0x400, s24  }
0x1bd: {  	s23 =	sadd.s32 $0x4000, s23;
	s25 =	sadd.s32 $0xFA00, s25  }
0x1be: {  	[tilespmem:s25], [sflag:$0x1] =	stream.strided.gather [hbm4b:s23+s14], $0x100, s15, s14, $0x38;
	[tilespmem:$0x19020] =	vst v63  }
0x1bf: {  	s23 =	sadd.s32 s3, s22;
	s24 =	simm.s32 $0x12C00  }
0x1c0: {  	[tilespmem:s24], [sflag:$0x1] =	stream.strided.gather [hbm4b:s23+s14], $0x100, s15, s14, $0x38;
	[tilespmem:$0x19020] =	vst v63  }
0x1c1: {  	s24 =	simm.s32 $0x400  }
.LBB2_28:
0x1c2: {  	p0 =	sne.s32 s24, $0x6000  }
.Ltmp13:
0x1c3: {  	_ = 	snop;
	(pc) =	sbr.rel @p0 .LBB2_28-.Ltmp13, $4  }
0x1c4: {  	_ = 	snop  }
0x1c5: {  	s25 =	sshra.s32 s24, $0x2;
	s24 =	sadd.s32 $0x400, s24  }
0x1c6: {  	s23 =	sadd.s32 $0x4000, s23;
	s25 =	sadd.s32 $0x12C00, s25  }
0x1c7: {  	[tilespmem:s25], [sflag:$0x1] =	stream.strided.gather [hbm4b:s23+s14], $0x100, s15, s14, $0x38;
	[tilespmem:$0x19020] =	vst v63  }
0x1c8: {  	s22 =	sadd.s32 s4, s22;
	s23 =	simm.s32 $0x15E00  }
0x1c9: {  	[tilespmem:s23], [sflag:$0x1] =	stream.strided.gather [hbm4b:s22+s14], $0x100, s15, s14, $0x38;
	[tilespmem:$0x19020] =	vst v63  }
0x1ca: {  	s23 =	simm.s32 $0x400  }
.LBB2_30:
0x1cb: {  	p0 =	sne.s32 s23, $0x6000  }
.Ltmp14:
0x1cc: {  	_ = 	snop;
	(pc) =	sbr.rel @p0 .LBB2_30-.Ltmp14, $4  }
0x1cd: {  	_ = 	snop  }
0x1ce: {  	s24 =	sshra.s32 s23, $0x2;
	s23 =	sadd.s32 $0x400, s23  }
0x1cf: {  	s22 =	sadd.s32 $0x4000, s22;
	s24 =	sadd.s32 $0x15E00, s24  }
0x1d0: {  	[tilespmem:s24], [sflag:$0x1] =	stream.strided.gather [hbm4b:s22+s14], $0x100, s15, s14, $0x38;
	[tilespmem:$0x19020] =	vst v63  }
.LBB2_31:
0x1d1: {  	_ =	swait.ge [sflag:s16], $0x7D00  }
0x1d2: {  	[sflag:s16] =	ssyncset.done $0x0  }
0x1d3: {  	[sflag:s16] =	ssyncadd.s32 $0xFFFF8300  }
0x1d4: {  	_ =	swait.ge [sflag:s16], $0x1900  }
0x1d5: {  	[sflag:s16] =	ssyncset.done $0x0  }
0x1d6: {  	[sflag:s16] =	ssyncadd.s32 $0xFFFFE700  }
0x1d7: {  	_ =	swait.ge [sflag:s16], $0x1900  }
0x1d8: {  	[sflag:s16] =	ssyncset.done $0x0  }
0x1d9: {  	[sflag:s16] =	ssyncadd.s32 $0xFFFFE700  }
0x1da: {  	_ =	swait.ge [sflag:s16], $0x1900  }
0x1db: {  	[sflag:s16] =	ssyncset.done $0x0  }
0x1dc: {  	s22 =	simm.s32 $0x0;
	[sflag:s16] =	ssyncadd.s32 $0xFFFFE700  }
0x1dd: {  	v4 =	vld [tilespmem:s22+$0x113E0]  }
0x1de: {  	v5 =	vld [tilespmem:s22+$0x145E0]  }
0x1df: {  	v6 =	vld [tilespmem:s22+$0x113C0]  }
0x1e0: {  	v7 =	vld [tilespmem:s22+$0x145C0]  }
0x1e1: {  	v8 =	vld [tilespmem:s22+$0x113A0]  }
0x1e2: {  	v9 =	vld [tilespmem:s22+$0x145A0]  }
0x1e3: {  	v10 =	vld [tilespmem:s22+$0x11380]  }
0x1e4: {  	v11 =	vld [tilespmem:s22+$0x14580]  }
0x1e5: {  	v12 =	vld [tilespmem:s22+$0x11360]  }
0x1e6: {  	v13 =	vld [tilespmem:s22+$0x14560]  }
0x1e7: {  	v14 =	vld [tilespmem:s22+$0x11340];
	v4 =	vshll.u32 v4, $0x5  }
0x1e8: {  	v15 =	vld [tilespmem:s22+$0x14540];
	v5 =	vshll.u32 v5, $0x5;
	v4 =	vor.u32 v0, v4  }
0x1e9: {  	v16 =	vld [tilespmem:s22+$0x11320];
	v6 =	vshll.u32 v6, $0x5;
	v5 =	vor.u32 v0, v5  }
0x1ea: {  	v17 =	vld [tilespmem:s22+$0x14520];
	v7 =	vshll.u32 v7, $0x5;
	v6 =	vor.u32 v0, v6  }
0x1eb: {  	v18 =	vld [tilespmem:s22+$0x11300];
	v8 =	vshll.u32 v8, $0x5;
	v7 =	vor.u32 v0, v7  }
0x1ec: {  	v19 =	vld [tilespmem:s22+$0x14500];
	v9 =	vshll.u32 v9, $0x5;
	v8 =	vor.u32 v0, v8  }
0x1ed: {  	v10 =	vshll.u32 v10, $0x5;
	v9 =	vor.u32 v0, v9;
	v4 =	vld.idx.msk [tilespmem:v4+s17+$0x0], $0xffff  }
0x1ee: {  	v11 =	vshll.u32 v11, $0x5;
	v10 =	vor.u32 v0, v10;
	v5 =	vld.idx.msk [tilespmem:v5+s17+$0x0], $0xffff  }
0x1ef: {  	v12 =	vshll.u32 v12, $0x5;
	v11 =	vor.u32 v0, v11;
	v20 =	vld.idx.msk [tilespmem:v6+s17+$0x0], $0xffff  }
0x1f0: {  	v6 =	vor.u32 v0, v12;
	v12 =	vshll.u32 v13, $0x5;
	v7 =	vld.idx.msk [tilespmem:v7+s17+$0x0], $0xffff  }
0x1f1: {  	v13 =	vshll.u32 v14, $0x5;
	v8 =	vld.idx.msk [tilespmem:v8+s17+$0x0], $0xffff;
	v12 =	vor.u32 v0, v12  }
0x1f2: {  	v14 =	vshll.u32 v15, $0x5;
	v15 =	vld.idx.msk [tilespmem:v9+s17+$0x0], $0xffff;
	v13 =	vor.u32 v0, v13  }
0x1f3: {  	v10 =	vld.idx.msk [tilespmem:v10+s17+$0x0], $0xffff;
	v9 =	vor.u32 v0, v14;
	v14 =	vshll.u32 v16, $0x5  }
0x1f4: {  	v11 =	vld.idx.msk [tilespmem:v11+s17+$0x0], $0xffff;
	v16 =	vshll.u32 v17, $0x5;
	v14 =	vor.u32 v0, v14  }
0x1f5: {  	v16 =	vor.u32 v0, v16;
	v21 =	vld.idx.msk [tilespmem:v6+s17+$0x0], $0xffff;
	v6 =	vshll.u32 v18, $0x5  }
0x1f6: {  	v12 =	vld.idx.msk [tilespmem:v12+s17+$0x0], $0xffff;
	v22 =	vor.u32 v0, v6;
	v6 =	vshll.u32 v19, $0x5  }
0x1f7: {  	v19 =	vld.idx.msk [tilespmem:v13+s17+$0x0], $0xffff;
	v23 =	vor.u32 v0, v6  }
0x1f8: {  	v24 =	vld.idx.msk [tilespmem:v9+s17+$0x0], $0xffff  }
0x1f9: {  	v4 =	vsub.f32 v4, v5;
	v6 =	vld.idx.msk [tilespmem:v14+s17+$0x0], $0xffff  }
0x1fa: {  	v18 =	vsub.f32 v20, v7;
	v7 =	vld.idx.msk [tilespmem:v16+s17+$0x0], $0xffff  }
0x1fb: {  	v17 =	vsub.f32 v8, v15;
	v8 =	vand.u32 $0x7FFFFFFF, v4;
	v5 =	vld.idx.msk [tilespmem:v22+s17+$0x0], $0xffff  }
0x1fc: {  	v13 =	vsub.f32 $0.0e+00, v8;
	v8 =	vld.idx.msk [tilespmem:v23+s17+$0x0], $0xffff;
	_ =	sdelay $0x1  }
0x1fd: {  	v9 =	vsub.f32 v10, v11;
	v11 =	vsub.f32 v21, v12;
	v12 =	vand.u32 $0x7FFFFFFF, v18  }
0x1fe: {  	s24 =	simm.s32 $0x400;
	s23 =	simm.s32 $0x0;
	v10 =	vsub.f32 v19, v24;
	v12 =	vsub.f32 $0.0e+00, v12  }
.LBB2_32:
0x1ff: {  	s25 =	sshra.s32 s24, $0x2;
	p0 =	sne.s32 s24, $0x6000;
	v19 =	vsub.f32 v6, v7;
	v6 =	vand.u32 $0x7FFFFFFF, v17;
	v7 =	vmul.f32 $1.442695020e+00, v13  }
0x200: {  	v20 =	vsub.f32 v5, v8;
	v13 =	vld [tilespmem:s25+$0x113E0];
	v5 =	vsub.f32 $0.0e+00, v6;
	v6 =	vmul.f32 $1.442695020e+00, v12  }
0x201: {  	v14 =	vand.u32 $0x7FFFFFFF, v9;
	v12 =	vand.u32 $0x7FFFFFFF, v11;
	v8 =	vld [tilespmem:s25+$0x145E0];
	(erf) = vpow2.f32 v7  }
0x202: {  	v14 =	vsub.f32 $0.0e+00, v14;
	v7 =	vld [tilespmem:s25+$0x113C0];
	v5 =	vmul.f32 $1.442695020e+00, v5;
	(erf) = vpow2.f32 v6  }
0x203: {  	v16 =	vand.u32 $0x7FFFFFFF, v10;
	v15 =	vand.u32 $0x7FFFFFFF, v19;
	v12 =	vsub.f32 $0.0e+00, v12;
	v6 =	vld [tilespmem:s25+$0x145C0]  }
0x204: {  	v16 =	vsub.f32 $0.0e+00, v16;
	v14 =	vmul.f32 $1.442695020e+00, v14;
	v21 =	vld [tilespmem:s25+$0x113A0];
	(erf) = vpow2.f32 v5  }
0x205: {  	v22 =	vand.u32 $0x7FFFFFFF, v20;
	v15 =	vsub.f32 $0.0e+00, v15;
	v12 =	vmul.f32 $1.442695020e+00, v12;
	v5 =	vld [tilespmem:s25+$0x145A0]  }
0x206: {  	v22 =	vsub.f32 $0.0e+00, v22;
	v16 =	vmul.f32 $1.442695020e+00, v16;
	v23 =	vld [tilespmem:s25+$0x11380];
	(erf) = vpow2.f32 v14  }
0x207: {  	v26 =	vmul.f32 $1.442695020e+00, v15;
	v13 =	vshll.u32 v13, $0x5;
	v14 =	vld [tilespmem:s25+$0x14580];
	(erf) = vpow2.f32 v12  }
0x208: {  	v24 =	vshll.u32 v8, $0x5;
	v8 =	vmul.f32 $1.442695020e+00, v22;
	v12 =	vld [tilespmem:s25+$0x11360];
	(erf) = vpow2.f32 v16  }
0x209: {  	v22 =	vshll.u32 v7, $0x5;
	v25 =	vshll.u32 v6, $0x5;
	(erf) = vpow2.f32 v26  }
0x20a: {  	v21 =	vshll.u32 v21, $0x5;
	v6 =	vshll.u32 v5, $0x5;
	(erf) = vpow2.f32 v8;
	v15 =	vpop (erf)  }
0x20b: {  	v8 =	vshll.u32 v23, $0x5;
	v23 =	vmul.f32 v15, v15;
	v26 =	vmul.f32 $9.990104430e-01, v15;
	v27 =	vpop (erf)  }
0x20c: {  	v29 =	vmul.f32 $3.010262550e-02, v15;
	v5 =	vshll.u32 v14, $0x5;
	v28 =	vmul.f32 v27, v27  }
0x20d: {  	v30 =	vmul.f32 $9.990104430e-01, v27;
	v31 =	vmul.f32 $3.010262550e-02, v27;
	v7 =	vshll.u32 v12, $0x5;
	v32 =	vpop (erf)  }
0x20e: {  	v34 =	vmul.f32 $2.833043340e-01, v15;
	v14 =	vor.u32 v0, v13;
	v33 =	vmul.f32 v32, v32  }
0x20f: {  	v16 =	vor.u32 v0, v24;
	v24 =	vmul.f32 $9.990104430e-01, v32;
	v35 =	vmul.f32 $3.010262550e-02, v32;
	v36 =	vpop (erf)  }
0x210: {  	v13 =	vor.u32 v0, v22;
	v27 =	vmul.f32 $2.833043340e-01, v27;
	v22 =	vmul.f32 v36, v36;
	v37 =	vpop (erf)  }
0x211: {  	v15 =	vor.u32 v0, v25;
	v25 =	vmul.f32 $9.990104430e-01, v36;
	v38 =	vmul.f32 $3.010262550e-02, v36;
	v39 =	vpop (erf)  }
0x212: {  	v12 =	vor.u32 v0, v21;
	v32 =	vmul.f32 $2.833043340e-01, v32;
	v21 =	vmul.f32 v37, v37;
	v40 =	vpop (erf)  }
0x213: {  	v18 =	vmin.f32 v18, $0.0e+00;
	v41 =	vmul.f32 $9.990104430e-01, v37;
	v42 =	vmul.f32 $3.010262550e-02, v37;
	v43 =	vpop (erf)  }
0x214: {  	v17 =	vmin.f32 v17, $0.0e+00;
	v36 =	vmul.f32 $2.833043340e-01, v36;
	v44 =	vmul.f32 v39, v39  }
0x215: {  	v9 =	vmin.f32 v9, $0.0e+00;
	v45 =	vmul.f32 $9.990104430e-01, v39;
	v46 =	vmul.f32 $3.010262550e-02, v39  }
0x216: {  	v11 =	vmin.f32 v11, $0.0e+00;
	v37 =	vmul.f32 $2.833043340e-01, v37;
	v47 =	vmul.f32 v40, v40  }
0x217: {  	v10 =	vmin.f32 v10, $0.0e+00;
	v48 =	vmul.f32 $9.990104430e-01, v40;
	v49 =	vmul.f32 $3.010262550e-02, v40  }
0x218: {  	v19 =	vmin.f32 v19, $0.0e+00;
	v39 =	vmul.f32 $2.833043340e-01, v39;
	v50 =	vmul.f32 v43, v43  }
0x219: {  	v20 =	vmin.f32 v20, $0.0e+00;
	v51 =	vmul.f32 $9.990104430e-01, v43;
	v52 =	vmul.f32 $3.010262550e-02, v43  }
0x21a: {  	v26 =	vadd.f32 $2.211703030e-05, v26;
	v29 =	vadd.f32 $-1.301194130e-01, v29;
	v40 =	vmul.f32 $2.833043340e-01, v40  }
0x21b: {  	v30 =	vadd.f32 $2.211703030e-05, v30;
	v31 =	vadd.f32 $-1.301194130e-01, v31;
	v43 =	vmul.f32 $2.833043340e-01, v43  }
0x21c: {  	v53 =	vmul.f32 v23, v23;
	v34 =	vadd.f32 $-4.891568420e-01, v34;
	v24 =	vadd.f32 $2.211703030e-05, v24  }
0x21d: {  	v54 =	vmul.f32 v28, v28;
	v27 =	vadd.f32 $-4.891568420e-01, v27;
	v35 =	vadd.f32 $-1.301194130e-01, v35  }
0x21e: {  	v55 =	vmul.f32 v33, v33;
	v25 =	vadd.f32 $2.211703030e-05, v25;
	v38 =	vadd.f32 $-1.301194130e-01, v38  }
0x21f: {  	v32 =	vadd.f32 $-4.891568420e-01, v32;
	v56 =	vmul.f32 v22, v22;
	v41 =	vadd.f32 $2.211703030e-05, v41  }
0x220: {  	v36 =	vadd.f32 $-4.891568420e-01, v36;
	v57 =	vmul.f32 v21, v21;
	v42 =	vadd.f32 $-1.301194130e-01, v42  }
0x221: {  	v58 =	vmul.f32 v44, v44;
	v45 =	vadd.f32 $2.211703030e-05, v45;
	v46 =	vadd.f32 $-1.301194130e-01, v46  }
0x222: {  	v37 =	vadd.f32 $-4.891568420e-01, v37;
	v59 =	vmul.f32 v47, v47;
	v48 =	vadd.f32 $2.211703030e-05, v48  }
0x223: {  	v49 =	vadd.f32 $-1.301194130e-01, v49;
	v60 =	vmul.f32 v50, v50;
	v43 =	vadd.f32 $-4.891568420e-01, v43  }
0x224: {  	v23 =	vmul.f32 v34, v23;
	v51 =	vadd.f32 $2.211703030e-05, v51;
	v52 =	vadd.f32 $-1.301194130e-01, v52  }
0x225: {  	v27 =	vmul.f32 v27, v28;
	v40 =	vadd.f32 $-4.891568420e-01, v40;
	v34 =	vmul.f32 v43, v50  }
0x226: {  	v32 =	vmul.f32 v32, v33;
	v28 =	vadd.f32 $-4.891568420e-01, v39;
	v39 =	vmul.f32 v46, v58  }
0x227: {  	v40 =	vmul.f32 v40, v47;
	v33 =	vadd.f32 v34, v51;
	v34 =	vmul.f32 v52, v60  }
0x228: {  	v23 =	vadd.f32 v23, v26;
	v27 =	vadd.f32 v27, v30;
	v28 =	vmul.f32 v28, v44;
	v43 =	vld [tilespmem:s23+$0x17700]  }
0x229: {  	v30 =	vadd.f32 v40, v48;
	v26 =	vadd.f32 v33, v34;
	v33 =	vmul.f32 v49, v59  }
0x22a: {  	v24 =	vadd.f32 v32, v24;
	v21 =	vmul.f32 v37, v21;
	v28 =	vadd.f32 v28, v45;
	v34 =	vld [tilespmem:s23+$0x17720]  }
0x22b: {  	v22 =	vmul.f32 v36, v22;
	v20 =	vsub.f32 v20, v26;
	v26 =	vadd.f32 v30, v33;
	v30 =	vld [tilespmem:s23+$0x177E0]  }
0x22c: {  	v21 =	vadd.f32 v21, v41;
	v28 =	vadd.f32 v28, v39;
	v33 =	vmul.f32 v42, v57;
	v32 =	vld [tilespmem:s23+$0x17740]  }
0x22d: {  	v22 =	vadd.f32 v22, v25;
	v19 =	vsub.f32 v19, v26;
	v20 =	vmul.f32 v20, v43;
	v25 =	vld [tilespmem:s23+$0x177C0]  }
0x22e: {  	v10 =	vsub.f32 v10, v28;
	v28 =	vmul.f32 v38, v56;
	v21 =	vadd.f32 v21, v33;
	v26 =	vld [tilespmem:s23+$0x17760]  }
0x22f: {  	v3 =	vadd.f32 v43, v3;
	v2 =	vadd.f32 v20, v2;
	v19 =	vmul.f32 v19, v34;
	v20 =	vld [tilespmem:s23+$0x177A0]  }
0x230: {  	v22 =	vadd.f32 v22, v28;
	v28 =	vmul.f32 v35, v55;
	v11 =	vsub.f32 v11, v21;
	v21 =	vld [tilespmem:s23+$0x17780];
	s23 =	smov.u32 s25  }
0x231: {  	v3 =	vadd.f32 v34, v3;
	v33 =	vld [tilespmem:s23+$0x14560];
	v2 =	vadd.f32 v19, v2;
	v10 =	vmul.f32 v10, v32  }
0x232: {  	v9 =	vsub.f32 v9, v22;
	v22 =	vadd.f32 v24, v28;
	v24 =	vmul.f32 v31, v54;
	v19 =	vld [tilespmem:s23+$0x11340]  }
0x233: {  	v3 =	vadd.f32 v32, v3;
	v28 =	vld [tilespmem:s23+$0x14540];
	v2 =	vadd.f32 v10, v2;
	v10 =	vmul.f32 v11, v26  }
0x234: {  	v17 =	vsub.f32 v17, v22;
	v22 =	vadd.f32 v27, v24;
	v24 =	vmul.f32 v29, v53;
	v11 =	vld [tilespmem:s23+$0x11320]  }
0x235: {  	v3 =	vadd.f32 v26, v3;
	v27 =	vld [tilespmem:s23+$0x14520];
	v2 =	vadd.f32 v10, v2;
	v9 =	vmul.f32 v9, v21  }
0x236: {  	v4 =	vmin.f32 v4, $0.0e+00;
	v18 =	vsub.f32 v18, v22;
	v22 =	vadd.f32 v23, v24;
	v10 =	vld [tilespmem:s23+$0x11300]  }
0x237: {  	v3 =	vadd.f32 v21, v3;
	v23 =	vld [tilespmem:s23+$0x14500];
	v2 =	vadd.f32 v9, v2;
	v9 =	vmul.f32 v17, v20  }
0x238: {  	v6 =	vor.u32 v0, v6;
	v8 =	vor.u32 v0, v8;
	v4 =	vsub.f32 v4, v22;
	v14 =	vld.idx.msk [tilespmem:v14+s17+$0x0], $0xffff  }
0x239: {  	v3 =	vadd.f32 v20, v3;
	v16 =	vld.idx.msk [tilespmem:v16+s17+$0x0], $0xffff;
	v2 =	vadd.f32 v9, v2;
	v9 =	vmul.f32 v18, v25  }
0x23a: {  	v5 =	vor.u32 v0, v5;
	v7 =	vor.u32 v0, v7;
	v17 =	vshll.u32 v33, $0x5;
	v13 =	vld.idx.msk [tilespmem:v13+s17+$0x0], $0xffff  }
0x23b: {  	v4 =	vmul.f32 v4, v30;
	v3 =	vadd.f32 v25, v3;
	v15 =	vld.idx.msk [tilespmem:v15+s17+$0x0], $0xffff;
	v2 =	vadd.f32 v9, v2  }
0x23c: {  	v17 =	vor.u32 v0, v17;
	v18 =	vshll.u32 v28, $0x5;
	v9 =	vshll.u32 v19, $0x5;
	v12 =	vld.idx.msk [tilespmem:v12+s17+$0x0], $0xffff  }
0x23d: {  	v3 =	vadd.f32 v30, v3;
	v9 =	vor.u32 v0, v9;
	v19 =	vld.idx.msk [tilespmem:v6+s17+$0x0], $0xffff;
	v2 =	vadd.f32 v4, v2  }
0x23e: {  	v4 =	vshll.u32 v11, $0x5;
	v6 =	vor.u32 v0, v18;
	v11 =	vld.idx.msk [tilespmem:v8+s17+$0x0], $0xffff  }
0x23f: {  	v4 =	vor.u32 v0, v4;
	v8 =	vshll.u32 v27, $0x5;
	v20 =	vld.idx.msk [tilespmem:v5+s17+$0x0], $0xffff  }
0x240: {  	v5 =	vshll.u32 v10, $0x5;
	v8 =	vor.u32 v0, v8;
	v10 =	vld.idx.msk [tilespmem:v7+s17+$0x0], $0xffff  }
0x241: {  	v5 =	vor.u32 v0, v5;
	v7 =	vshll.u32 v23, $0x5;
	v21 =	vld.idx.msk [tilespmem:v17+s17+$0x0], $0xffff  }
0x242: {  	v17 =	vor.u32 v0, v7;
	v22 =	vld.idx.msk [tilespmem:v9+s17+$0x0], $0xffff  }
0x243: {  	v23 =	vld.idx.msk [tilespmem:v6+s17+$0x0], $0xffff  }
0x244: {  	v6 =	vld.idx.msk [tilespmem:v4+s17+$0x0], $0xffff  }
0x245: {  	v7 =	vld.idx.msk [tilespmem:v8+s17+$0x0], $0xffff  }
0x246: {  	v5 =	vld.idx.msk [tilespmem:v5+s17+$0x0], $0xffff  }
.Ltmp15:
0x247: {  	v4 =	vsub.f32 v14, v16;
	v8 =	vld.idx.msk [tilespmem:v17+s17+$0x0], $0xffff;
	(pc) =	sbr.rel @p0 .LBB2_32-.Ltmp15, $4  }
0x248: {  	v18 =	vsub.f32 v13, v15  }
0x249: {  	v9 =	vsub.f32 v11, v20;
	v17 =	vsub.f32 v12, v19;
	v12 =	vand.u32 $0x7FFFFFFF, v4  }
0x24a: {  	v14 =	vand.u32 $0x7FFFFFFF, v18;
	v11 =	vsub.f32 v10, v21;
	v13 =	vsub.f32 $0.0e+00, v12  }
0x24b: {  	s24 =	sadd.s32 $0x400, s24;
	v10 =	vsub.f32 v22, v23;
	v12 =	vsub.f32 $0.0e+00, v14  }
0x24c: {  	v14 =	vand.u32 $0x7FFFFFFF, v17;
	v13 =	vmul.f32 $1.442695020e+00, v13  }
0x24d: {  	v6 =	vsub.f32 v6, v7;
	v7 =	vand.u32 $0x7FFFFFFF, v9;
	v8 =	vsub.f32 v5, v8  }
0x24e: {  	v5 =	vand.u32 $0x7FFFFFFF, v11;
	v17 =	vmin.f32 v17, $0.0e+00;
	v14 =	vsub.f32 $0.0e+00, v14  }
0x24f: {  	v12 =	vmul.f32 $1.442695020e+00, v12;
	v7 =	vsub.f32 $0.0e+00, v7;
	(erf) = vpow2.f32 v13  }
0x250: {  	v9 =	vmin.f32 v9, $0.0e+00;
	v49 =	vld [tilespmem:s23+$0x17700];
	v5 =	vsub.f32 $0.0e+00, v5;
	v13 =	vmul.f32 $1.442695020e+00, v14  }
0x251: {  	(erf) = vpow2.f32 v12;
	v12 =	vand.u32 $0x7FFFFFFF, v10;
	v7 =	vmul.f32 $1.442695020e+00, v7  }
0x252: {  	v51 =	vld [tilespmem:s23+$0x17720];
	v12 =	vsub.f32 $0.0e+00, v12;
	(erf) = vpow2.f32 v13;
	v13 =	vand.u32 $0x7FFFFFFF, v6  }
0x253: {  	v14 =	vand.u32 $0x7FFFFFFF, v8;
	v5 =	vmul.f32 $1.442695020e+00, v5;
	v13 =	vsub.f32 $0.0e+00, v13  }
0x254: {  	v57 =	vld [tilespmem:s23+$0x17740];
	(erf) = vpow2.f32 v7;
	v7 =	vsub.f32 $0.0e+00, v14;
	v12 =	vmul.f32 $1.442695020e+00, v12  }
0x255: {  	v3 =	vadd.f32 v49, v3;
	(erf) = vpow2.f32 v5;
	v13 =	vmul.f32 $1.442695020e+00, v13  }
0x256: {  	v11 =	vmin.f32 v11, $0.0e+00;
	v58 =	vld [tilespmem:s23+$0x17760];
	v5 =	vmul.f32 $1.442695020e+00, v7;
	(erf) = vpow2.f32 v12  }
0x257: {  	v4 =	vmin.f32 v4, $0.0e+00;
	v3 =	vadd.f32 v51, v3;
	(erf) = vpow2.f32 v13  }
0x258: {  	v62 =	vld [tilespmem:s23+$0x17780];
	v42 =	vmin.f32 v6, $0.0e+00;
	v10 =	vmin.f32 v10, $0.0e+00;
	v12 =	vpop (erf);
	(erf) = vpow2.f32 v5  }
0x259: {  	v3 =	vadd.f32 v57, v3;
	v7 =	vmul.f32 v12, v12;
	v13 =	vmul.f32 $9.990104430e-01, v12  }
0x25a: {  	v8 =	vmin.f32 v8, $0.0e+00;
	v5 =	vpop (erf);
	v15 =	vmul.f32 $3.010262550e-02, v12;
	v12 =	vmul.f32 $2.833043340e-01, v12  }
0x25b: {  	v3 =	vadd.f32 v58, v3;
	v14 =	vmul.f32 v5, v5;
	v16 =	vmul.f32 $9.990104430e-01, v5  }
0x25c: {  	v20 =	vmul.f32 $3.010262550e-02, v5;
	v26 =	vmul.f32 $2.833043340e-01, v5;
	v5 =	vmin.f32 v18, $0.0e+00;
	v19 =	vpop (erf)  }
0x25d: {  	v3 =	vadd.f32 v62, v3;
	v21 =	vmul.f32 v19, v19;
	v22 =	vmul.f32 $9.990104430e-01, v19  }
0x25e: {  	v13 =	vadd.f32 $2.211703030e-05, v13;
	v23 =	vpop (erf);
	v24 =	vmul.f32 $3.010262550e-02, v19;
	v19 =	vmul.f32 $2.833043340e-01, v19  }
0x25f: {  	v12 =	vadd.f32 $-4.891568420e-01, v12;
	v25 =	vmul.f32 v23, v23;
	v28 =	vmul.f32 $9.990104430e-01, v23  }
0x260: {  	v15 =	vadd.f32 $-1.301194130e-01, v15;
	v29 =	vmul.f32 $3.010262550e-02, v23;
	v23 =	vmul.f32 $2.833043340e-01, v23  }
0x261: {  	v16 =	vadd.f32 $2.211703030e-05, v16;
	v27 =	vpop (erf);
	v12 =	vmul.f32 v12, v7;
	v7 =	vmul.f32 v7, v7  }
0x262: {  	v26 =	vadd.f32 $-4.891568420e-01, v26;
	v30 =	vmul.f32 v27, v27;
	v32 =	vmul.f32 $9.990104430e-01, v27  }
0x263: {  	v20 =	vadd.f32 $-1.301194130e-01, v20;
	v33 =	vmul.f32 $3.010262550e-02, v27;
	v27 =	vmul.f32 $2.833043340e-01, v27  }
0x264: {  	v31 =	vpop (erf);
	v22 =	vadd.f32 $2.211703030e-05, v22;
	v44 =	vmul.f32 v21, v21;
	v26 =	vmul.f32 v26, v14  }
0x265: {  	v24 =	vadd.f32 $-1.301194130e-01, v24;
	v14 =	vmul.f32 v14, v14;
	v18 =	vmul.f32 v31, v31  }
0x266: {  	v19 =	vadd.f32 $-4.891568420e-01, v19;
	v35 =	vmul.f32 $9.990104430e-01, v31;
	v36 =	vmul.f32 $3.010262550e-02, v31  }
0x267: {  	v31 =	vmul.f32 $2.833043340e-01, v31;
	v28 =	vadd.f32 $2.211703030e-05, v28;
	v29 =	vadd.f32 $-1.301194130e-01, v29  }
0x268: {  	v45 =	vmul.f32 v25, v25;
	v23 =	vadd.f32 $-4.891568420e-01, v23;
	v12 =	vadd.f32 v12, v13  }
0x269: {  	v7 =	vmul.f32 v15, v7;
	v32 =	vadd.f32 $2.211703030e-05, v32;
	v46 =	vmul.f32 v30, v30  }
0x26a: {  	v34 =	vpop (erf);
	v33 =	vadd.f32 $-1.301194130e-01, v33;
	v19 =	vmul.f32 v19, v21;
	v24 =	vmul.f32 v24, v44  }
0x26b: {  	v27 =	vadd.f32 $-4.891568420e-01, v27;
	v37 =	vmul.f32 v34, v34;
	v39 =	vmul.f32 $9.990104430e-01, v34  }
0x26c: {  	v16 =	vadd.f32 v26, v16;
	v40 =	vmul.f32 $3.010262550e-02, v34;
	v34 =	vmul.f32 $2.833043340e-01, v34  }
0x26d: {  	v38 =	vpop (erf);
	v47 =	vmul.f32 v18, v18;
	v35 =	vadd.f32 $2.211703030e-05, v35;
	v36 =	vadd.f32 $-1.301194130e-01, v36  }
0x26e: {  	v31 =	vadd.f32 $-4.891568420e-01, v31;
	v23 =	vmul.f32 v23, v25;
	v41 =	vmul.f32 v38, v38  }
0x26f: {  	v7 =	vadd.f32 v12, v7;
	v6 =	vmul.f32 $9.990104430e-01, v38;
	v43 =	vmul.f32 $3.010262550e-02, v38  }
0x270: {  	v63 =	vld [tilespmem:s22+$0x113F0];
	v38 =	vmul.f32 $2.833043340e-01, v38;
	v27 =	vmul.f32 v27, v30;
	v19 =	vadd.f32 v19, v22  }
0x271: {  	v53 =	vld [tilespmem:s22+$0x11350];
	v48 =	vmul.f32 v37, v37;
	v39 =	vadd.f32 $2.211703030e-05, v39;
	v40 =	vadd.f32 $-1.301194130e-01, v40  }
0x272: {  	v54 =	vld [tilespmem:s22+$0x14550];
	v34 =	vadd.f32 $-4.891568420e-01, v34;
	v36 =	vmul.f32 v36, v47;
	v38 =	vadd.f32 $-4.891568420e-01, v38  }
0x273: {  	v55 =	vld [tilespmem:s22+$0x11330];
	v18 =	vmul.f32 v31, v18;
	v23 =	vadd.f32 v23, v28;
	v50 =	vmul.f32 v41, v41  }
0x274: {  	v56 =	vld [tilespmem:s22+$0x14530];
	v52 =	vadd.f32 $2.211703030e-05, v6;
	v43 =	vadd.f32 $-1.301194130e-01, v43;
	v38 =	vmul.f32 v38, v41  }
0x275: {  	v13 =	vld [tilespmem:s23+$0x177A0];
	v34 =	vmul.f32 v34, v37;
	v61 =	vmul.f32 v40, v48;
	v18 =	vadd.f32 v18, v35  }
0x276: {  	v40 =	vmul.f32 v33, v46;
	v46 =	vld [tilespmem:s22+$0x145D0];
	v43 =	vmul.f32 v43, v50;
	v38 =	vadd.f32 v38, v52  }
0x277: {  	v21 =	vld [tilespmem:s23+$0x177C0];
	v14 =	vmul.f32 v20, v14;
	v60 =	vadd.f32 v34, v39;
	v18 =	vadd.f32 v18, v36  }
0x278: {  	v20 =	vshll.u32 v63, $0x5;
	v27 =	vadd.f32 v27, v32;
	v39 =	vld [tilespmem:s22+$0x145F0];
	v59 =	vadd.f32 v38, v43  }
0x279: {  	v20 =	vor.u32 v1, v20;
	v6 =	vld [tilespmem:s23+$0x177E0];
	v35 =	vadd.f32 v60, v61;
	v10 =	vsub.f32 v10, v18  }
0x27a: {  	v47 =	vmul.f32 v29, v45;
	v48 =	vld [tilespmem:s22+$0x113B0];
	v18 =	vadd.f32 v27, v40;
	v8 =	vsub.f32 v8, v59  }
0x27b: {  	v19 =	vadd.f32 v19, v24;
	v52 =	vld [tilespmem:s22+$0x11390];
	v15 =	vshll.u32 v46, $0x5;
	v26 =	vsub.f32 v42, v35  }
0x27c: {  	v43 =	vld [tilespmem:s22+$0x113D0];
	v11 =	vsub.f32 v11, v18;
	v18 =	vadd.f32 v23, v47;
	v8 =	vmul.f32 v8, v49  }
0x27d: {  	v50 =	vld [tilespmem:s22+$0x145B0];
	v17 =	vsub.f32 v17, v19;
	v15 =	vor.u32 v1, v15;
	v19 =	vshll.u32 v39, $0x5  }
0x27e: {  	v9 =	vsub.f32 v9, v18;
	v18 =	vld [tilespmem:s22+$0x11370];
	v2 =	vadd.f32 v8, v2;
	v8 =	vmul.f32 v26, v51  }
0x27f: {  	v14 =	vadd.f32 v16, v14;
	v20 =	vld.idx.msk [tilespmem:v20+s17+$0x0], $0xffff;
	v11 =	vmul.f32 v11, v58;
	v19 =	vor.u32 v1, v19  }
0x280: {  	v58 =	vld [tilespmem:s22+$0x14510];
	v23 =	vshll.u32 v52, $0x5;
	v2 =	vadd.f32 v8, v2;
	v8 =	vmul.f32 v10, v57  }
0x281: {  	v5 =	vsub.f32 v5, v14;
	v14 =	vor.u32 v1, v23;
	v16 =	vshll.u32 v43, $0x5;
	v10 =	vld [tilespmem:s22+$0x14590]  }
0x282: {  	v16 =	vor.u32 v1, v16;
	v26 =	vshll.u32 v50, $0x5;
	v2 =	vadd.f32 v8, v2;
	v8 =	vld [tilespmem:s22+$0x14570]  }
0x283: {  	v4 =	vsub.f32 v4, v7;
	v15 =	vld.idx.msk [tilespmem:v15+s17+$0x0], $0xffff;
	v26 =	vor.u32 v1, v26;
	v18 =	vshll.u32 v18, $0x5  }
0x284: {  	v9 =	vmul.f32 v9, v62;
	v57 =	vld [tilespmem:s22+$0x11310];
	v12 =	vor.u32 v1, v18;
	v18 =	vshll.u32 v54, $0x5  }
0x285: {  	v19 =	vld.idx.msk [tilespmem:v19+s17+$0x0], $0xffff;
	v7 =	vor.u32 v1, v18;
	v2 =	vadd.f32 v11, v2;
	v11 =	vshll.u32 v48, $0x5  }
0x286: {  	v17 =	vmul.f32 v17, v13;
	v14 =	vld.idx.msk [tilespmem:v14+s17+$0x0], $0xffff;
	v11 =	vor.u32 v1, v11;
	v10 =	vshll.u32 v10, $0x5  }
0x287: {  	v16 =	vld.idx.msk [tilespmem:v16+s17+$0x0], $0xffff;
	v10 =	vor.u32 v1, v10;
	v2 =	vadd.f32 v9, v2;
	v8 =	vshll.u32 v8, $0x5  }
0x288: {  	v5 =	vmul.f32 v5, v21;
	v59 =	vld.idx.msk [tilespmem:v26+s17+$0x0], $0xffff;
	v9 =	vshll.u32 v53, $0x5;
	v8 =	vor.u32 v1, v8  }
0x289: {  	v12 =	vld.idx.msk [tilespmem:v12+s17+$0x0], $0xffff;
	v9 =	vor.u32 v1, v9;
	v2 =	vadd.f32 v17, v2;
	v17 =	vshll.u32 v55, $0x5  }
0x28a: {  	v3 =	vadd.f32 v13, v3;
	v63 =	vld.idx.msk [tilespmem:v7+s17+$0x0], $0xffff;
	v13 =	vor.u32 v1, v17;
	v17 =	vshll.u32 v56, $0x5  }
0x28b: {  	v11 =	vld.idx.msk [tilespmem:v11+s17+$0x0], $0xffff;
	v2 =	vadd.f32 v5, v2;
	v5 =	vshll.u32 v57, $0x5;
	v17 =	vor.u32 v1, v17  }
0x28c: {  	v10 =	vld.idx.msk [tilespmem:v10+s17+$0x0], $0xffff;
	v60 =	vor.u32 v1, v5;
	v5 =	vshll.u32 v58, $0x5  }
0x28d: {  	v62 =	vor.u32 v1, v5;
	v8 =	vld.idx.msk [tilespmem:v8+s17+$0x0], $0xffff  }
0x28e: {  	v4 =	vmul.f32 v4, v6;
	v61 =	vld.idx.msk [tilespmem:v9+s17+$0x0], $0xffff  }
0x28f: {  	v9 =	vadd.f32 v21, v3;
	v5 =	vld.idx.msk [tilespmem:v13+s17+$0x0], $0xffff  }
0x290: {  	v18 =	vsub.f32 v16, v15;
	v3 =	vadd.f32 v4, v2;
	v7 =	vld.idx.msk [tilespmem:v17+s17+$0x0], $0xffff  }
0x291: {  	v2 =	vsub.f32 v20, v19;
	v4 =	vadd.f32 v6, v9;
	v6 =	vld.idx.msk [tilespmem:v60+s17+$0x0], $0xffff  }
0x292: {  	v17 =	vsub.f32 v11, v59;
	v11 =	vsub.f32 v12, v8;
	v8 =	vld.idx.msk [tilespmem:v62+s17+$0x0], $0xffff  }
0x293: {  	v9 =	vsub.f32 v14, v10;
	v10 =	vand.u32 $0x7FFFFFFF, v2  }
0x294: {  	v13 =	vsub.f32 $0.0e+00, v10;
	v12 =	vand.u32 $0x7FFFFFFF, v18  }
0x295: {  	s23 =	simm.s32 $0x400;
	v10 =	vsub.f32 v61, v63;
	v12 =	vsub.f32 $0.0e+00, v12  }
.LBB2_34:
0x296: {  	s24 =	sshra.s32 s23, $0x2;
	p0 =	sne.s32 s23, $0x6000;
	v19 =	vsub.f32 v5, v7;
	v5 =	vand.u32 $0x7FFFFFFF, v17;
	v7 =	vmul.f32 $1.442695020e+00, v13  }
0x297: {  	v20 =	vsub.f32 v6, v8;
	v13 =	vld [tilespmem:s24+$0x113F0];
	v5 =	vsub.f32 $0.0e+00, v5;
	v6 =	vmul.f32 $1.442695020e+00, v12  }
0x298: {  	v14 =	vand.u32 $0x7FFFFFFF, v9;
	v12 =	vand.u32 $0x7FFFFFFF, v11;
	v8 =	vld [tilespmem:s24+$0x145F0];
	(erf) = vpow2.f32 v7  }
0x299: {  	v14 =	vsub.f32 $0.0e+00, v14;
	v7 =	vld [tilespmem:s24+$0x113D0];
	v5 =	vmul.f32 $1.442695020e+00, v5;
	(erf) = vpow2.f32 v6  }
0x29a: {  	v16 =	vand.u32 $0x7FFFFFFF, v10;
	v15 =	vand.u32 $0x7FFFFFFF, v19;
	v12 =	vsub.f32 $0.0e+00, v12;
	v6 =	vld [tilespmem:s24+$0x145D0]  }
0x29b: {  	v16 =	vsub.f32 $0.0e+00, v16;
	v14 =	vmul.f32 $1.442695020e+00, v14;
	v21 =	vld [tilespmem:s24+$0x113B0];
	(erf) = vpow2.f32 v5  }
0x29c: {  	v22 =	vand.u32 $0x7FFFFFFF, v20;
	v15 =	vsub.f32 $0.0e+00, v15;
	v12 =	vmul.f32 $1.442695020e+00, v12;
	v5 =	vld [tilespmem:s24+$0x145B0]  }
0x29d: {  	v22 =	vsub.f32 $0.0e+00, v22;
	v16 =	vmul.f32 $1.442695020e+00, v16;
	v23 =	vld [tilespmem:s24+$0x11390];
	(erf) = vpow2.f32 v14  }
0x29e: {  	v26 =	vmul.f32 $1.442695020e+00, v15;
	v13 =	vshll.u32 v13, $0x5;
	v14 =	vld [tilespmem:s24+$0x14590];
	(erf) = vpow2.f32 v12  }
0x29f: {  	v24 =	vshll.u32 v8, $0x5;
	v8 =	vmul.f32 $1.442695020e+00, v22;
	v12 =	vld [tilespmem:s24+$0x11370];
	(erf) = vpow2.f32 v16  }
0x2a0: {  	v22 =	vshll.u32 v7, $0x5;
	v25 =	vshll.u32 v6, $0x5;
	(erf) = vpow2.f32 v26  }
0x2a1: {  	v21 =	vshll.u32 v21, $0x5;
	v6 =	vshll.u32 v5, $0x5;
	(erf) = vpow2.f32 v8;
	v15 =	vpop (erf)  }
0x2a2: {  	v8 =	vshll.u32 v23, $0x5;
	v23 =	vmul.f32 v15, v15;
	v26 =	vmul.f32 $9.990104430e-01, v15;
	v27 =	vpop (erf)  }
0x2a3: {  	v29 =	vmul.f32 $3.010262550e-02, v15;
	v5 =	vshll.u32 v14, $0x5;
	v28 =	vmul.f32 v27, v27  }
0x2a4: {  	v30 =	vmul.f32 $9.990104430e-01, v27;
	v31 =	vmul.f32 $3.010262550e-02, v27;
	v7 =	vshll.u32 v12, $0x5;
	v32 =	vpop (erf)  }
0x2a5: {  	v34 =	vmul.f32 $2.833043340e-01, v15;
	v14 =	vor.u32 v1, v13;
	v33 =	vmul.f32 v32, v32  }
0x2a6: {  	v16 =	vor.u32 v1, v24;
	v24 =	vmul.f32 $9.990104430e-01, v32;
	v35 =	vmul.f32 $3.010262550e-02, v32;
	v36 =	vpop (erf)  }
0x2a7: {  	v13 =	vor.u32 v1, v22;
	v27 =	vmul.f32 $2.833043340e-01, v27;
	v22 =	vmul.f32 v36, v36;
	v37 =	vpop (erf)  }
0x2a8: {  	v15 =	vor.u32 v1, v25;
	v25 =	vmul.f32 $9.990104430e-01, v36;
	v38 =	vmul.f32 $3.010262550e-02, v36;
	v39 =	vpop (erf)  }
0x2a9: {  	v12 =	vor.u32 v1, v21;
	v32 =	vmul.f32 $2.833043340e-01, v32;
	v21 =	vmul.f32 v37, v37;
	v40 =	vpop (erf)  }
0x2aa: {  	v18 =	vmin.f32 v18, $0.0e+00;
	v41 =	vmul.f32 $9.990104430e-01, v37;
	v42 =	vmul.f32 $3.010262550e-02, v37;
	v43 =	vpop (erf)  }
0x2ab: {  	v17 =	vmin.f32 v17, $0.0e+00;
	v36 =	vmul.f32 $2.833043340e-01, v36;
	v44 =	vmul.f32 v39, v39  }
0x2ac: {  	v9 =	vmin.f32 v9, $0.0e+00;
	v45 =	vmul.f32 $9.990104430e-01, v39;
	v46 =	vmul.f32 $3.010262550e-02, v39  }
0x2ad: {  	v11 =	vmin.f32 v11, $0.0e+00;
	v37 =	vmul.f32 $2.833043340e-01, v37;
	v47 =	vmul.f32 v40, v40  }
0x2ae: {  	v10 =	vmin.f32 v10, $0.0e+00;
	v48 =	vmul.f32 $9.990104430e-01, v40;
	v49 =	vmul.f32 $3.010262550e-02, v40  }
0x2af: {  	v19 =	vmin.f32 v19, $0.0e+00;
	v39 =	vmul.f32 $2.833043340e-01, v39;
	v50 =	vmul.f32 v43, v43  }
0x2b0: {  	v20 =	vmin.f32 v20, $0.0e+00;
	v51 =	vmul.f32 $9.990104430e-01, v43;
	v52 =	vmul.f32 $3.010262550e-02, v43  }
0x2b1: {  	v26 =	vadd.f32 $2.211703030e-05, v26;
	v29 =	vadd.f32 $-1.301194130e-01, v29;
	v40 =	vmul.f32 $2.833043340e-01, v40  }
0x2b2: {  	v30 =	vadd.f32 $2.211703030e-05, v30;
	v31 =	vadd.f32 $-1.301194130e-01, v31;
	v43 =	vmul.f32 $2.833043340e-01, v43  }
0x2b3: {  	v53 =	vmul.f32 v23, v23;
	v34 =	vadd.f32 $-4.891568420e-01, v34;
	v24 =	vadd.f32 $2.211703030e-05, v24  }
0x2b4: {  	v54 =	vmul.f32 v28, v28;
	v27 =	vadd.f32 $-4.891568420e-01, v27;
	v35 =	vadd.f32 $-1.301194130e-01, v35  }
0x2b5: {  	v55 =	vmul.f32 v33, v33;
	v25 =	vadd.f32 $2.211703030e-05, v25;
	v38 =	vadd.f32 $-1.301194130e-01, v38  }
0x2b6: {  	v32 =	vadd.f32 $-4.891568420e-01, v32;
	v56 =	vmul.f32 v22, v22;
	v41 =	vadd.f32 $2.211703030e-05, v41  }
0x2b7: {  	v36 =	vadd.f32 $-4.891568420e-01, v36;
	v57 =	vmul.f32 v21, v21;
	v42 =	vadd.f32 $-1.301194130e-01, v42  }
0x2b8: {  	v58 =	vmul.f32 v44, v44;
	v45 =	vadd.f32 $2.211703030e-05, v45;
	v46 =	vadd.f32 $-1.301194130e-01, v46  }
0x2b9: {  	v37 =	vadd.f32 $-4.891568420e-01, v37;
	v59 =	vmul.f32 v47, v47;
	v48 =	vadd.f32 $2.211703030e-05, v48  }
0x2ba: {  	v49 =	vadd.f32 $-1.301194130e-01, v49;
	v60 =	vmul.f32 v50, v50;
	v43 =	vadd.f32 $-4.891568420e-01, v43  }
0x2bb: {  	v23 =	vmul.f32 v34, v23;
	v51 =	vadd.f32 $2.211703030e-05, v51;
	v52 =	vadd.f32 $-1.301194130e-01, v52  }
0x2bc: {  	v27 =	vmul.f32 v27, v28;
	v40 =	vadd.f32 $-4.891568420e-01, v40;
	v34 =	vmul.f32 v43, v50  }
0x2bd: {  	v32 =	vmul.f32 v32, v33;
	v28 =	vadd.f32 $-4.891568420e-01, v39;
	v39 =	vmul.f32 v46, v58  }
0x2be: {  	v40 =	vmul.f32 v40, v47;
	v33 =	vadd.f32 v34, v51;
	v34 =	vmul.f32 v52, v60  }
0x2bf: {  	v23 =	vadd.f32 v23, v26;
	v27 =	vadd.f32 v27, v30;
	v28 =	vmul.f32 v28, v44;
	v43 =	vld [tilespmem:s22+$0x17710]  }
0x2c0: {  	v30 =	vadd.f32 v40, v48;
	v26 =	vadd.f32 v33, v34;
	v33 =	vmul.f32 v49, v59  }
0x2c1: {  	v24 =	vadd.f32 v32, v24;
	v21 =	vmul.f32 v37, v21;
	v28 =	vadd.f32 v28, v45;
	v34 =	vld [tilespmem:s22+$0x17730]  }
0x2c2: {  	v22 =	vmul.f32 v36, v22;
	v20 =	vsub.f32 v20, v26;
	v26 =	vadd.f32 v30, v33;
	v30 =	vld [tilespmem:s22+$0x177F0]  }
0x2c3: {  	v21 =	vadd.f32 v21, v41;
	v28 =	vadd.f32 v28, v39;
	v33 =	vmul.f32 v42, v57;
	v32 =	vld [tilespmem:s22+$0x17750]  }
0x2c4: {  	v22 =	vadd.f32 v22, v25;
	v19 =	vsub.f32 v19, v26;
	v20 =	vmul.f32 v20, v43;
	v25 =	vld [tilespmem:s22+$0x177D0]  }
0x2c5: {  	v10 =	vsub.f32 v10, v28;
	v28 =	vmul.f32 v38, v56;
	v21 =	vadd.f32 v21, v33;
	v26 =	vld [tilespmem:s22+$0x17770]  }
0x2c6: {  	v4 =	vadd.f32 v43, v4;
	v3 =	vadd.f32 v20, v3;
	v19 =	vmul.f32 v19, v34;
	v20 =	vld [tilespmem:s22+$0x177B0]  }
0x2c7: {  	v22 =	vadd.f32 v22, v28;
	v28 =	vmul.f32 v35, v55;
	v11 =	vsub.f32 v11, v21;
	v21 =	vld [tilespmem:s22+$0x17790];
	s22 =	smov.u32 s24  }
0x2c8: {  	v4 =	vadd.f32 v34, v4;
	v33 =	vld [tilespmem:s22+$0x14570];
	v3 =	vadd.f32 v19, v3;
	v10 =	vmul.f32 v10, v32  }
0x2c9: {  	v9 =	vsub.f32 v9, v22;
	v22 =	vadd.f32 v24, v28;
	v24 =	vmul.f32 v31, v54;
	v19 =	vld [tilespmem:s22+$0x11350]  }
0x2ca: {  	v4 =	vadd.f32 v32, v4;
	v28 =	vld [tilespmem:s22+$0x14550];
	v3 =	vadd.f32 v10, v3;
	v10 =	vmul.f32 v11, v26  }
0x2cb: {  	v17 =	vsub.f32 v17, v22;
	v22 =	vadd.f32 v27, v24;
	v24 =	vmul.f32 v29, v53;
	v11 =	vld [tilespmem:s22+$0x11330]  }
0x2cc: {  	v4 =	vadd.f32 v26, v4;
	v27 =	vld [tilespmem:s22+$0x14530];
	v3 =	vadd.f32 v10, v3;
	v9 =	vmul.f32 v9, v21  }
0x2cd: {  	v2 =	vmin.f32 v2, $0.0e+00;
	v18 =	vsub.f32 v18, v22;
	v22 =	vadd.f32 v23, v24;
	v10 =	vld [tilespmem:s22+$0x11310]  }
0x2ce: {  	v4 =	vadd.f32 v21, v4;
	v23 =	vld [tilespmem:s22+$0x14510];
	v3 =	vadd.f32 v9, v3;
	v9 =	vmul.f32 v17, v20  }
0x2cf: {  	v6 =	vor.u32 v1, v6;
	v8 =	vor.u32 v1, v8;
	v2 =	vsub.f32 v2, v22;
	v14 =	vld.idx.msk [tilespmem:v14+s17+$0x0], $0xffff  }
0x2d0: {  	v4 =	vadd.f32 v20, v4;
	v16 =	vld.idx.msk [tilespmem:v16+s17+$0x0], $0xffff;
	v3 =	vadd.f32 v9, v3;
	v9 =	vmul.f32 v18, v25  }
0x2d1: {  	v5 =	vor.u32 v1, v5;
	v7 =	vor.u32 v1, v7;
	v17 =	vshll.u32 v33, $0x5;
	v13 =	vld.idx.msk [tilespmem:v13+s17+$0x0], $0xffff  }
0x2d2: {  	v2 =	vmul.f32 v2, v30;
	v4 =	vadd.f32 v25, v4;
	v15 =	vld.idx.msk [tilespmem:v15+s17+$0x0], $0xffff;
	v3 =	vadd.f32 v9, v3  }
0x2d3: {  	v17 =	vor.u32 v1, v17;
	v18 =	vshll.u32 v28, $0x5;
	v9 =	vshll.u32 v19, $0x5;
	v12 =	vld.idx.msk [tilespmem:v12+s17+$0x0], $0xffff  }
0x2d4: {  	v4 =	vadd.f32 v30, v4;
	v9 =	vor.u32 v1, v9;
	v19 =	vld.idx.msk [tilespmem:v6+s17+$0x0], $0xffff;
	v3 =	vadd.f32 v2, v3  }
0x2d5: {  	v2 =	vshll.u32 v11, $0x5;
	v6 =	vor.u32 v1, v18;
	v11 =	vld.idx.msk [tilespmem:v8+s17+$0x0], $0xffff  }
0x2d6: {  	v2 =	vor.u32 v1, v2;
	v8 =	vshll.u32 v27, $0x5;
	v20 =	vld.idx.msk [tilespmem:v5+s17+$0x0], $0xffff  }
0x2d7: {  	v5 =	vshll.u32 v10, $0x5;
	v8 =	vor.u32 v1, v8;
	v10 =	vld.idx.msk [tilespmem:v7+s17+$0x0], $0xffff  }
0x2d8: {  	v18 =	vor.u32 v1, v5;
	v5 =	vshll.u32 v23, $0x5;
	v21 =	vld.idx.msk [tilespmem:v17+s17+$0x0], $0xffff  }
0x2d9: {  	v17 =	vor.u32 v1, v5;
	v22 =	vld.idx.msk [tilespmem:v9+s17+$0x0], $0xffff  }
0x2da: {  	v23 =	vld.idx.msk [tilespmem:v6+s17+$0x0], $0xffff  }
0x2db: {  	v5 =	vld.idx.msk [tilespmem:v2+s17+$0x0], $0xffff  }
0x2dc: {  	v7 =	vld.idx.msk [tilespmem:v8+s17+$0x0], $0xffff  }
0x2dd: {  	v6 =	vld.idx.msk [tilespmem:v18+s17+$0x0], $0xffff  }
.Ltmp16:
0x2de: {  	v2 =	vsub.f32 v14, v16;
	v8 =	vld.idx.msk [tilespmem:v17+s17+$0x0], $0xffff;
	(pc) =	sbr.rel @p0 .LBB2_34-.Ltmp16, $4  }
0x2df: {  	v18 =	vsub.f32 v13, v15  }
0x2e0: {  	v9 =	vsub.f32 v11, v20;
	v17 =	vsub.f32 v12, v19;
	v12 =	vand.u32 $0x7FFFFFFF, v2  }
0x2e1: {  	v11 =	vsub.f32 v10, v21;
	v14 =	vand.u32 $0x7FFFFFFF, v18;
	v13 =	vsub.f32 $0.0e+00, v12  }
0x2e2: {  	s23 =	sadd.s32 $0x400, s23;
	v10 =	vsub.f32 v22, v23;
	v12 =	vsub.f32 $0.0e+00, v14  }
0x2e3: {  	v13 =	vmul.f32 $1.442695020e+00, v13  }
0x2e4: {  	v5 =	vsub.f32 v5, v7;
	v55 =	vand.u32 $0x7FFFFFFF, v17  }
0x2e5: {  	v6 =	vsub.f32 v6, v8;
	v56 =	vmul.f32 $1.442695020e+00, v12;
	(erf) = vpow2.f32 v13  }
0x2e6: {  	v57 =	vand.u32 $0x7FFFFFFF, v11;
	v14 =	vand.u32 $0x7FFFFFFF, v9;
	v7 =	vsub.f32 $0.0e+00, v55  }
0x2e7: {  	v58 =	vsub.f32 $0.0e+00, v14;
	v60 =	vand.u32 $0x7FFFFFFF, v10;
	(erf) = vpow2.f32 v56  }
0x2e8: {  	v12 =	vsub.f32 $0.0e+00, v57;
	v59 =	vand.u32 $0x7FFFFFFF, v5;
	v7 =	vmul.f32 $1.442695020e+00, v7  }
0x2e9: {  	v14 =	vsub.f32 $0.0e+00, v60;
	v61 =	vand.u32 $0x7FFFFFFF, v6;
	v13 =	vmul.f32 $1.442695020e+00, v58  }
0x2ea: {  	v8 =	vsub.f32 $0.0e+00, v59;
	v12 =	vmul.f32 $1.442695020e+00, v12;
	(erf) = vpow2.f32 v7  }
0x2eb: {  	v14 =	vmul.f32 $1.442695020e+00, v14;
	v7 =	vsub.f32 $0.0e+00, v61;
	(erf) = vpow2.f32 v13  }
0x2ec: {  	v8 =	vmul.f32 $1.442695020e+00, v8;
	(erf) = vpow2.f32 v12  }
0x2ed: {  	v7 =	vmul.f32 $1.442695020e+00, v7;
	(erf) = vpow2.f32 v14  }
0x2ee: {  	v18 =	vmin.f32 v18, $0.0e+00;
	v17 =	vmin.f32 v17, $0.0e+00;
	(erf) = vpow2.f32 v8;
	v62 =	vpop (erf)  }
0x2ef: {  	v9 =	vmin.f32 v9, $0.0e+00;
	(erf) = vpow2.f32 v7;
	v63 =	vmul.f32 v62, v62  }
0x2f0: {  	v57 =	vmin.f32 v11, $0.0e+00;
	v54 =	vmul.f32 $9.990104430e-01, v62;
	v55 =	vpop (erf);
	v15 =	vmul.f32 $3.010262550e-02, v62  }
0x2f1: {  	v5 =	vmin.f32 v5, $0.0e+00;
	v7 =	vmul.f32 $2.833043340e-01, v62;
	v56 =	vmul.f32 v55, v55  }
0x2f2: {  	v6 =	vmin.f32 v6, $0.0e+00;
	v16 =	vmul.f32 $9.990104430e-01, v55;
	v19 =	vmul.f32 $3.010262550e-02, v55  }
0x2f3: {  	v58 =	vmin.f32 v10, $0.0e+00;
	v13 =	vmul.f32 $2.833043340e-01, v55;
	v20 =	vpop (erf);
	v44 =	vmul.f32 v63, v63  }
0x2f4: {  	v12 =	vadd.f32 $2.211703030e-05, v54;
	v21 =	vmul.f32 v20, v20;
	v22 =	vmul.f32 $9.990104430e-01, v20  }
0x2f5: {  	v15 =	vadd.f32 $-1.301194130e-01, v15;
	v23 =	vmul.f32 $3.010262550e-02, v20;
	v24 =	vpop (erf);
	v20 =	vmul.f32 $2.833043340e-01, v20  }
0x2f6: {  	v7 =	vadd.f32 $-4.891568420e-01, v7;
	v45 =	vmul.f32 v56, v56;
	v25 =	vmul.f32 v24, v24  }
0x2f7: {  	v16 =	vadd.f32 $2.211703030e-05, v16;
	v27 =	vmul.f32 $9.990104430e-01, v24;
	v28 =	vmul.f32 $3.010262550e-02, v24  }
0x2f8: {  	v19 =	vadd.f32 $-1.301194130e-01, v19;
	v26 =	vpop (erf);
	v24 =	vmul.f32 $2.833043340e-01, v24;
	v7 =	vmul.f32 v7, v63  }
0x2f9: {  	v13 =	vadd.f32 $-4.891568420e-01, v13;
	v29 =	vmul.f32 v26, v26;
	v31 =	vmul.f32 $9.990104430e-01, v26  }
0x2fa: {  	v32 =	vmul.f32 $3.010262550e-02, v26;
	v26 =	vmul.f32 $2.833043340e-01, v26;
	v22 =	vadd.f32 $2.211703030e-05, v22  }
0x2fb: {  	v30 =	vpop (erf);
	v23 =	vadd.f32 $-1.301194130e-01, v23;
	v46 =	vmul.f32 v21, v21;
	v13 =	vmul.f32 v13, v56  }
0x2fc: {  	v20 =	vadd.f32 $-4.891568420e-01, v20;
	v33 =	vmul.f32 v30, v30;
	v35 =	vmul.f32 $9.990104430e-01, v30  }
0x2fd: {  	v34 =	vpop (erf);
	v36 =	vmul.f32 $3.010262550e-02, v30;
	v30 =	vmul.f32 $2.833043340e-01, v30;
	v27 =	vadd.f32 $2.211703030e-05, v27  }
0x2fe: {  	v28 =	vadd.f32 $-1.301194130e-01, v28;
	v47 =	vmul.f32 v25, v25;
	v37 =	vmul.f32 v34, v34  }
0x2ff: {  	v24 =	vadd.f32 $-4.891568420e-01, v24;
	v39 =	vmul.f32 $9.990104430e-01, v34;
	v40 =	vmul.f32 $3.010262550e-02, v34  }
0x300: {  	v7 =	vadd.f32 v7, v12;
	v38 =	vpop (erf);
	v34 =	vmul.f32 $2.833043340e-01, v34;
	v48 =	vmul.f32 v29, v29  }
0x301: {  	v31 =	vadd.f32 $2.211703030e-05, v31;
	v41 =	vmul.f32 v38, v38;
	v42 =	vmul.f32 $9.990104430e-01, v38  }
0x302: {  	v32 =	vadd.f32 $-1.301194130e-01, v32;
	v43 =	vmul.f32 $3.010262550e-02, v38;
	v38 =	vmul.f32 $2.833043340e-01, v38  }
0x303: {  	v26 =	vadd.f32 $-4.891568420e-01, v26;
	v20 =	vmul.f32 v20, v21;
	v13 =	vadd.f32 v13, v16  }
0x304: {  	v49 =	vmul.f32 v33, v33;
	v35 =	vadd.f32 $2.211703030e-05, v35;
	v38 =	vadd.f32 $-4.891568420e-01, v38  }
0x305: {  	v60 =	vadd.f32 $-4.891568420e-01, v30;
	v34 =	vadd.f32 $-4.891568420e-01, v34;
	v51 =	vmul.f32 v41, v41  }
0x306: {  	v63 =	vld [tilespmem:s22+$0x17710];
	v42 =	vadd.f32 $2.211703030e-05, v42;
	v43 =	vadd.f32 $-1.301194130e-01, v43;
	v59 =	vmul.f32 v38, v41  }
0x307: {  	v50 =	vmul.f32 v37, v37;
	v39 =	vadd.f32 $2.211703030e-05, v39;
	v40 =	vadd.f32 $-1.301194130e-01, v40  }
0x308: {  	v34 =	vmul.f32 v34, v37;
	v62 =	vmul.f32 v43, v51;
	v8 =	vadd.f32 v59, v42  }
0x309: {  	v36 =	vadd.f32 $-1.301194130e-01, v36;
	v20 =	vadd.f32 v20, v22;
	v14 =	vmul.f32 v60, v33  }
0x30a: {  	v38 =	vmul.f32 v40, v50;
	v37 =	vadd.f32 v34, v39;
	v8 =	vadd.f32 v8, v62  }
0x30b: {  	v26 =	vmul.f32 v26, v29;
	v4 =	vadd.f32 v63, v4;
	v14 =	vadd.f32 v14, v35;
	v39 =	vld [tilespmem:s22+$0x17730]  }
0x30c: {  	v61 =	vmul.f32 v36, v49;
	v40 =	vadd.f32 v37, v38;
	v6 =	vsub.f32 v6, v8  }
0x30d: {  	v49 =	vmul.f32 v32, v48;
	v41 =	vmul.f32 v24, v25;
	v43 =	vadd.f32 v26, v31;
	v42 =	vld [tilespmem:s22+$0x17750]  }
0x30e: {  	v14 =	vadd.f32 v14, v61;
	v5 =	vsub.f32 v5, v40;
	v6 =	vmul.f32 v6, v63  }
0x30f: {  	v53 =	vmul.f32 v28, v47;
	v51 =	vld [tilespmem:s22+$0x17770];
	v50 =	vadd.f32 v41, v27;
	v52 =	vadd.f32 v43, v49  }
0x310: {  	v10 =	vsub.f32 v58, v14;
	v5 =	vmul.f32 v5, v39;
	v3 =	vadd.f32 v6, v3  }
0x311: {  	v55 =	vld [tilespmem:s22+$0x17790];
	v56 =	vmul.f32 v23, v46;
	v54 =	vsub.f32 v57, v52;
	v8 =	vadd.f32 v50, v53  }
0x312: {  	v4 =	vadd.f32 v39, v4;
	v3 =	vadd.f32 v5, v3;
	v5 =	vmul.f32 v10, v42  }
0x313: {  	v59 =	vmul.f32 v19, v45;
	v57 =	vld [tilespmem:s22+$0x177B0];
	v58 =	vadd.f32 v20, v56;
	v8 =	vsub.f32 v9, v8  }
0x314: {  	v4 =	vadd.f32 v42, v4;
	v3 =	vadd.f32 v5, v3;
	v5 =	vmul.f32 v54, v51  }
0x315: {  	v60 =	vld [tilespmem:s22+$0x177D0];
	v61 =	vmul.f32 v15, v44;
	v13 =	vadd.f32 v13, v59;
	v9 =	vsub.f32 v17, v58  }
0x316: {  	v4 =	vadd.f32 v51, v4;
	v3 =	vadd.f32 v5, v3;
	v5 =	vmul.f32 v8, v55  }
0x317: {  	v2 =	vmin.f32 v2, $0.0e+00;
	v62 =	vld [tilespmem:s22+$0x177F0];
	v7 =	vadd.f32 v7, v61;
	v63 =	vsub.f32 v18, v13  }
0x318: {  	s21 =	sadd.s32 $0x1, s21;
	v4 =	vadd.f32 v55, v4;
	v3 =	vadd.f32 v5, v3;
	v5 =	vmul.f32 v9, v57  }
0x319: {  	p0 =	sne.s32 s21, $0x8;
	v2 =	vsub.f32 v2, v7  }
.Ltmp17:
0x31a: {  	v4 =	vadd.f32 v57, v4;
	v3 =	vadd.f32 v5, v3;
	v5 =	vmul.f32 v63, v60;
	(pc) =	sbr.rel @p0 .LBB2_10-.Ltmp17, $3  }
0x31b: {  	_ = 	snop  }
0x31c: {  	v2 =	vmul.f32 v2, v62;
	v4 =	vadd.f32 v60, v4;
	v3 =	vadd.f32 v5, v3;
	_ =	sdelay $0x1  }
0x31d: {  	v3 =	vadd.f32 v2, v3;
	v2 =	vadd.f32 v62, v4  }
0x31e: {  	s20 =	sadd.s32 $0x1, s20  }
0x31f: {  	[tilespmem:$0x19000] =	vst v3;
	p0 =	sne.s32 s20, s13  }
.Ltmp18:
0x320: {  	[tilespmem:$0x19010] =	vst v2;
	(pc) =	sbr.rel @p0 .LBB2_1-.Ltmp18, $4  }
0x321: {  	[hbm4b:s12+s6] =	stream.linear.scatter [tilespmem:s18], [sflag:$0x2], $0x20, $0x38;
	[tilespmem:$0x19020] =	vst v63  }
0x322: {  	_ =	swait.ge [sflag:s19], $0x20  }
0x323: {  	[sflag:s19] =	ssyncset.done $0x0  }
0x324: {  	[sflag:s19] =	ssyncadd.s32 $0xFFFFFFE0  }
0x325: {  	_ =	sfence.sel $0x180000  }
0x326: {  	[bflag:$0x0] =	sbarrier.arrive $0xFFFF  }
0x327: {  	p0 =	sne.s32 s5, $0x0;
	_ =	strace $0x90000047  }
0x328: {  	s0 =	sadd.s32 @!p0 $0x100000, s0;
	[bflag:$0x2] =	sbarrier.arrive $0xFFFF  }
0x329: {  	[sflag:s0] =	ssyncadd.tile.s32 @!p0 $0x1;
	_ =	shalt  }
.Lfunc_end2:
_tile_overlayer_lowered:
.L_overlay_start_2:
0x32a: {  	(tag) =	ssettag $0x2  }
0x32b: {  	s0 =	rddreg [dreg:$0x0];
	s2 =	stileid.u32  }
0x32c: {  	s1 =	rddreg [dreg:$0x1];
	p0 =	sne.s32 s2, $0x0  }
0x32d: {  	s3 =	rddreg [dreg:$0x2];
	[bflag:$0x3] =	sbarrier.arrive $0xFFFF;
	s2 =	simm.s32 @!p0 $0x1C02  }
0x32e: {  	[timem:s3], [sflag:s2] =	dma.local @!p0 [hbm:s0], s1  }
0x32f: {  	s0 =	simm.s32 @!p0 $0x2  }
0x330: {  	_ =	swait.ge @!p0 [sflag:s0], s1  }
0x331: {  	s1 =	ssub.s32 @!p0 $0x0, s1;
	[sflag:s0] =	ssyncset.done @!p0 $0x0  }
0x332: {  	[sflag:s0] =	ssyncadd.s32 @!p0 s1  }
0x333: {  	[bflag:$0x3] =	sbarrier.arrive $0xFFFF  }
0x334: {  	_ =	shalt  }

</sc_bundles>
